<compile_context>
chip_gen: v7x
topology: tpu7x:2x2x1
jax: 0.10.2.dev20260603
libtpu: 0.0.44.dev20260713+nightly
codegen_flags: <defaults>
</compile_context>

<pallas_src>
import jax
import jax.numpy as jnp
from jax import lax
from jax.experimental import pallas as pl
from jax.experimental.pallas import tpu as pltpu
from jax.experimental.pallas import tpu_sc as plsc

M, D, B = 100000, 128, 16384
NC, NS, L = 2, 16, 16
NW = NC * NS
RPW = B // NW
CH = 64
NCH = RPW // CH
NBUF = 2
CW = B // NCH
CWV = CW // L


def _body(mem_hbm, widx_hbm, wval_hbm, ridx_hbm, out_hbm,
          table_v, widx2_v, ridx_v, cpos_v, csrc_v, rbuf,
          sg0, sg1, sg2, so0, so1, so2, sw0, sw1, se_g, se_g2, se_s, se_s2):
  wid = lax.axis_index("s") * NC + lax.axis_index("c")
  rbase = wid * RPW
  iota = lax.iota(jnp.int32, L)
  sgs = (sg0, sg1, sg2)
  sos = (so0, so1, so2)
  sws = (sw0, sw1)

  pltpu.sync_copy(ridx_hbm.at[pl.ds(rbase, RPW)], ridx_v)
  g_desc = {}
  o_desc = {}
  w_desc = {}
  for k in range(NBUF):
    g_desc[k] = pltpu.async_copy(
        mem_hbm.at[ridx_v.at[pl.ds(k * CH, CH)]], rbuf.at[k], sgs[k])
  w_desc[0] = pltpu.async_copy(widx_hbm.at[pl.ds(0, CW)], widx2_v.at[0], sws[0])

  @plsc.parallel_loop(0, RPW // L, unroll=4)
  def _(i):
    rv = ridx_v[pl.ds(i * L, L)]
    plsc.store_scatter(table_v, [rv], jnp.zeros_like(iota))

  for k in range(NCH):
    slot = k % NBUF
    par = k % 2
    g_desc[k].wait()
    o_desc[k] = pltpu.async_copy(
        rbuf.at[slot], out_hbm.at[pl.ds(rbase + k * CH, CH)], sos[slot])

    w_desc[k].wait()
    if k + 1 < NCH:
      w_desc[k + 1] = pltpu.async_copy(
          widx_hbm.at[pl.ds((k + 1) * CW, CW)], widx2_v.at[(k + 1) % 2],
          sws[(k + 1) % 2])

    @plsc.parallel_loop(0, CWV, unroll=4)
    def _(i, k=k, par=par):
      idxv = widx2_v[par, pl.ds(i * L, L)]
      jv = (1 + k * CW) + i * L + iota
      plsc.store_scatter(table_v, [idxv], jv)

    def chk_body(i, a, k=k, par=par):
      idxv = widx2_v[par, pl.ds(i * L, L)]
      jv = (1 + k * CW) + i * L + iota
      g = plsc.load_gather(table_v, [idxv])
      return a | (g < jv)

    def fix_body(i, _, k=k, par=par):
      idxv = widx2_v[par, pl.ds(i * L, L)]
      _, lastm = plsc.scan_count(idxv)
      jv = (1 + k * CW) + i * L + iota
      g = plsc.load_gather(table_v, [idxv])
      plsc.store_scatter(table_v, [idxv], jv, mask=lastm & (g < jv))
      return 0

    acc = lax.fori_loop(0, CWV, chk_body, iota < 0, unroll=8)

    @pl.when(jnp.any(acc))
    def _(fix_body=fix_body):
      lax.fori_loop(0, CWV, fix_body, 0)

    nk = k + NBUF
    if nk < NCH:
      o_desc[k].wait()
      g_desc[nk] = pltpu.async_copy(
          mem_hbm.at[ridx_v.at[pl.ds(nk * CH, CH)]], rbuf.at[slot], sgs[slot])
  def d_body(i, nv):
    rv = ridx_v[pl.ds(i * L, L)]
    tv = plsc.load_gather(table_v, [rv])
    hit = tv > 0
    pos = rbase + i * L + iota
    plsc.store_compressed(cpos_v.at[pl.ds(nv, L)], pos, mask=hit)
    plsc.store_compressed(csrc_v.at[pl.ds(nv, L)], tv - 1, mask=hit)
    return nv + jnp.sum(hit.astype(jnp.int32))

  nv = lax.fori_loop(0, RPW // L, d_body, 0)

  for k in range(NCH - NBUF, NCH):
    o_desc[k].wait()

  safe = jnp.maximum(nv - 1, 0)
  fill_p = jnp.full((L,), cpos_v[pl.ds(safe, L)][0], jnp.int32)
  fill_s = jnp.full((L,), csrc_v[pl.ds(safe, L)][0], jnp.int32)
  cpos_v[pl.ds(nv, L)] = fill_p
  csrc_v[pl.ds(nv, L)] = fill_s
  cpos_v[pl.ds(nv + L, L)] = fill_p
  csrc_v[pl.ds(nv + L, L)] = fill_s

  nE = (nv + L - 1) // L
  eslot0 = rbuf.at[0, pl.ds(0, L)]
  eslot1 = rbuf.at[0, pl.ds(L, L)]

  def e_pair(m, _):
    k0 = 2 * m
    k1 = k0 + 1
    sv0 = csrc_v[pl.ds(k0 * L, L)]
    pv0 = cpos_v[pl.ds(k0 * L, L)]
    g0 = pltpu.async_copy(wval_hbm.at[sv0], eslot0, se_g)
    run1 = k1 < nE

    @pl.when(run1)
    def _():
      sv1 = csrc_v[pl.ds(k1 * L, L)]
      pltpu.async_copy(wval_hbm.at[sv1], eslot1, se_g2)

    g0.wait()
    s0 = pltpu.async_copy(eslot0, out_hbm.at[pv0], se_s)

    @pl.when(run1)
    def _():
      sv1 = csrc_v[pl.ds(k1 * L, L)]
      pv1 = cpos_v[pl.ds(k1 * L, L)]
      pltpu.make_async_copy(wval_hbm.at[sv1], eslot1, se_g2).wait()
      pltpu.async_copy(eslot1, out_hbm.at[pv1], se_s2).wait()

    s0.wait()
    return 0

  lax.fori_loop(0, (nE + 1) // 2, e_pair, 0)


_mrw = pl.kernel(
    _body,
    out_type=jax.ShapeDtypeStruct((B, D), jnp.float32),
    mesh=plsc.VectorSubcoreMesh(core_axis_name="c", subcore_axis_name="s",
                                num_cores=NC, num_subcores=NS),
    compiler_params=pltpu.CompilerParams(needs_layout_passes=False),
    scratch_types=[
        pltpu.VMEM((M,), jnp.int32),
        pltpu.VMEM((2, CW), jnp.int32),
        pltpu.VMEM((RPW,), jnp.int32),
        pltpu.VMEM((RPW + 2 * L,), jnp.int32),
        pltpu.VMEM((RPW + 2 * L,), jnp.int32),
        pltpu.VMEM((NBUF, CH, D), jnp.float32),
        pltpu.SemaphoreType.DMA,
        pltpu.SemaphoreType.DMA,
        pltpu.SemaphoreType.DMA,
        pltpu.SemaphoreType.DMA,
        pltpu.SemaphoreType.DMA,
        pltpu.SemaphoreType.DMA,
        pltpu.SemaphoreType.DMA,
        pltpu.SemaphoreType.DMA,
        pltpu.SemaphoreType.DMA,
        pltpu.SemaphoreType.DMA,
        pltpu.SemaphoreType.DMA,
        pltpu.SemaphoreType.DMA,
    ],
)


def kernel(mem, write_idx, write_val, read_idx):
  return _mrw(mem, write_idx, write_val, read_idx)

# --- scband reference (transcript-rebuilt; emitter-appended) ---
"""Pipeline reference for scband-memory-read-writer-6253472383707 (READ-ONLY COPY).

The authoritative reference and input builder live on the scoring server;
editing this copy changes nothing except your own understanding.
"""

import jax, jax.numpy as jnp
import numpy as np

M, D, B = 100000, 128, 16384

def setup_inputs(seed: int = 0) -> dict:
    key = jax.random.key(seed)
    k1, k2, k3, k4 = jax.random.split(key, 4)
    mem = jax.random.normal(k1, (M, D), dtype=jnp.float32)
    write_idx = jax.random.randint(k2, (B,), 0, M, dtype=jnp.int32)
    write_val = jax.random.normal(k3, (B, D), dtype=jnp.float32)
    read_idx = jax.random.randint(k4, (B,), 0, M, dtype=jnp.int32)
    return {"mem": mem, "write_idx": write_idx, "write_val": write_val, "read_idx": read_idx}

def reference(mem, write_idx, write_val, read_idx):
    # write transaction: scatter-overwrite new tracklet states into memory slots
    new_mem = mem.at[write_idx].set(write_val)
    # read transaction: gather tracklet states for the requested frame
    out = jnp.take(new_mem, read_idx, axis=0)
    return out

if __name__ == "__main__":
    import jax
    _d = setup_inputs()
    print(jax.jit(kernel)(*tuple(_d.values())))

</pallas_src>

<mosaic_0001>
#map = affine_map<(d0, d1) -> (0, 0)>
#map1 = affine_map<(d0, d1) -> (0)>
module attributes {stable_mosaic.version = 14 : i64} {
  func.func @_body(%arg0: i32, %arg1: i32, %arg2: memref<100000x128xf32, #tpu.memory_space<hbm>>, %arg3: memref<16384xi32, #tpu.memory_space<hbm>>, %arg4: memref<16384x128xf32, #tpu.memory_space<hbm>>, %arg5: memref<16384xi32, #tpu.memory_space<hbm>>, %arg6: memref<16384x128xf32, #tpu.memory_space<hbm>>, %arg7: memref<100000xi32, #tpu.memory_space<vmem>>, %arg8: memref<2x2048xi32, #tpu.memory_space<vmem>>, %arg9: memref<512xi32, #tpu.memory_space<vmem>>, %arg10: memref<544xi32, #tpu.memory_space<vmem>>, %arg11: memref<544xi32, #tpu.memory_space<vmem>>, %arg12: memref<2x64x128xf32, #tpu.memory_space<vmem>>, %arg13: memref<!tpu.dma_semaphore, #tpu.memory_space<semaphore_mem>>, %arg14: memref<!tpu.dma_semaphore, #tpu.memory_space<semaphore_mem>>, %arg15: memref<!tpu.dma_semaphore, #tpu.memory_space<semaphore_mem>>, %arg16: memref<!tpu.dma_semaphore, #tpu.memory_space<semaphore_mem>>, %arg17: memref<!tpu.dma_semaphore, #tpu.memory_space<semaphore_mem>>, %arg18: memref<!tpu.dma_semaphore, #tpu.memory_space<semaphore_mem>>, %arg19: memref<!tpu.dma_semaphore, #tpu.memory_space<semaphore_mem>>, %arg20: memref<!tpu.dma_semaphore, #tpu.memory_space<semaphore_mem>>, %arg21: memref<!tpu.dma_semaphore, #tpu.memory_space<semaphore_mem>>, %arg22: memref<!tpu.dma_semaphore, #tpu.memory_space<semaphore_mem>>, %arg23: memref<!tpu.dma_semaphore, #tpu.memory_space<semaphore_mem>>, %arg24: memref<!tpu.dma_semaphore, #tpu.memory_space<semaphore_mem>>) attributes {dimension_semantics = [#tpu.dimension_semantics<core_parallel>, #tpu.dimension_semantics<subcore_parallel>], iteration_bounds = array<i64: 2, 16>, scalar_prefetch = 0 : i64, scratch_operands = 18 : i64, tpu.core_type = #tpu.core_type<sc_vector_subcore>, window_params = [{transform_indices = #map}, {transform_indices = #map1}, {transform_indices = #map}, {transform_indices = #map1}, {transform_indices = #map}]} {
    %mul3A = arith.constant 2 : i32
    %mul3A_0 = arith.muli %arg1, %mul3A : i32
    %add3A = arith.addi %mul3A_0, %arg0 : i32
    %mul3A_1 = arith.constant 512 : i32
    %mul3A_2 = arith.muli %add3A, %mul3A_1 : i32
    %iota3A = tpu.iota {dimensions = array<i32: 0>} : vector<16xi32>
    "tpu.region"() ({
      %run_scoped3A = tpu.sem_alloc : memref<!tpu.dma_semaphore, #tpu.memory_space<semaphore_mem>>
      %dma_start3A_852 = tpu.memref_slice %arg5[%mul3A_2] : memref<16384xi32, #tpu.memory_space<hbm>> -> memref<512xi32, #tpu.memory_space<hbm>>
      %dma_start3A_853 = tpu.memref_slice %arg5[%mul3A_2] : memref<16384xi32, #tpu.memory_space<hbm>> -> memref<512xi32, #tpu.memory_space<hbm>>
      tpu.enqueue_dma source(%dma_start3A_853 : memref<512xi32, #tpu.memory_space<hbm>>) target(%arg9 : memref<512xi32, #tpu.memory_space<vmem>>) target_semaphore(%run_scoped3A : memref<!tpu.dma_semaphore, #tpu.memory_space<semaphore_mem>>)
      %dma_wait3A_854 = tpu.memref_slice %arg5[%mul3A_2] : memref<16384xi32, #tpu.memory_space<hbm>> -> memref<512xi32, #tpu.memory_space<hbm>>
      %dma_wait3A_855 = tpu.memref_slice %arg5[%mul3A_2] : memref<16384xi32, #tpu.memory_space<hbm>> -> memref<512xi32, #tpu.memory_space<hbm>>
      tpu.wait_dma2 semaphore(%run_scoped3A : memref<!tpu.dma_semaphore, #tpu.memory_space<semaphore_mem>>) src(%dma_wait3A_855 : memref<512xi32, #tpu.memory_space<hbm>>) dst(%arg9 : memref<512xi32, #tpu.memory_space<vmem>>)
      tpu.yield
    }) : () -> ()
    %dma_start3A = arith.constant 0 : i32
    %dma_start3A_3 = arith.constant 0 : i32
    %dma_start3A_4 = arith.constant 0 : i32
    %dma_start3A_5 = tpu.memref_slice %arg12[%dma_start3A, %dma_start3A_3, %dma_start3A_4] : memref<2x64x128xf32, #tpu.memory_space<vmem>> -> memref<1x64x128xf32, #tpu.memory_space<vmem>>
    %dma_start3A_6 = tpu.memref_squeeze %dma_start3A_5 : memref<1x64x128xf32, #tpu.memory_space<vmem>> -> memref<64x128xf32, #tpu.memory_space<vmem>>
    %dma_start3A_7 = arith.constant 0 : i32
    %dma_start3A_8 = tpu.memref_slice %arg9[%dma_start3A_7] : memref<512xi32, #tpu.memory_space<vmem>> -> memref<64xi32, #tpu.memory_space<vmem>>
    %dma_start3A_9 = arith.constant 0 : i32
    %dma_start3A_10 = arith.constant 0 : i32
    %dma_start3A_11 = tpu.memref_slice %arg2[%dma_start3A_9, %dma_start3A_10] : memref<100000x128xf32, #tpu.memory_space<hbm>> -> memref<100000x128xf32, #tpu.memory_space<hbm>>
    tpu.enqueue_indirect_dma source(%dma_start3A_11 : memref<100000x128xf32, #tpu.memory_space<hbm>>) target(%dma_start3A_6 : memref<64x128xf32, #tpu.memory_space<vmem>>) offsets(%dma_start3A_8 : memref<64xi32, #tpu.memory_space<vmem>>) semaphore(%arg13 : memref<!tpu.dma_semaphore, #tpu.memory_space<semaphore_mem>>)
    %dma_start3A_12 = arith.constant 1 : i32
    %dma_start3A_13 = arith.constant 0 : i32
    %dma_start3A_14 = arith.constant 0 : i32
    %dma_start3A_15 = tpu.memref_slice %arg12[%dma_start3A_12, %dma_start3A_13, %dma_start3A_14] : memref<2x64x128xf32, #tpu.memory_space<vmem>> -> memref<1x64x128xf32, #tpu.memory_space<vmem>>
    %dma_start3A_16 = tpu.memref_squeeze %dma_start3A_15 : memref<1x64x128xf32, #tpu.memory_space<vmem>> -> memref<64x128xf32, #tpu.memory_space<vmem>>
    %dma_start3A_17 = arith.constant 64 : i32
    %dma_start3A_18 = tpu.memref_slice %arg9[%dma_start3A_17] : memref<512xi32, #tpu.memory_space<vmem>> -> memref<64xi32, #tpu.memory_space<vmem>>
    %dma_start3A_19 = arith.constant 0 : i32
    %dma_start3A_20 = arith.constant 0 : i32
    %dma_start3A_21 = tpu.memref_slice %arg2[%dma_start3A_19, %dma_start3A_20] : memref<100000x128xf32, #tpu.memory_space<hbm>> -> memref<100000x128xf32, #tpu.memory_space<hbm>>
    tpu.enqueue_indirect_dma source(%dma_start3A_21 : memref<100000x128xf32, #tpu.memory_space<hbm>>) target(%dma_start3A_16 : memref<64x128xf32, #tpu.memory_space<vmem>>) offsets(%dma_start3A_18 : memref<64xi32, #tpu.memory_space<vmem>>) semaphore(%arg14 : memref<!tpu.dma_semaphore, #tpu.memory_space<semaphore_mem>>)
    %dma_start3A_22 = arith.constant 0 : i32
    %dma_start3A_23 = arith.constant 0 : i32
    %dma_start3A_24 = tpu.memref_slice %arg8[%dma_start3A_22, %dma_start3A_23] : memref<2x2048xi32, #tpu.memory_space<vmem>> -> memref<1x2048xi32, #tpu.memory_space<vmem>>
    %dma_start3A_25 = tpu.memref_squeeze %dma_start3A_24 : memref<1x2048xi32, #tpu.memory_space<vmem>> -> memref<2048xi32, #tpu.memory_space<vmem>>
    %dma_start3A_26 = arith.constant 0 : i32
    %dma_start3A_27 = tpu.memref_slice %arg3[%dma_start3A_26] : memref<16384xi32, #tpu.memory_space<hbm>> -> memref<2048xi32, #tpu.memory_space<hbm>>
    %dma_start3A_28 = arith.constant 0 : i32
    %dma_start3A_29 = tpu.memref_slice %arg8[%dma_start3A_22, %dma_start3A_28] : memref<2x2048xi32, #tpu.memory_space<vmem>> -> memref<1x2048xi32, #tpu.memory_space<vmem>>
    %dma_start3A_30 = tpu.memref_squeeze %dma_start3A_29 : memref<1x2048xi32, #tpu.memory_space<vmem>> -> memref<2048xi32, #tpu.memory_space<vmem>>
    %dma_start3A_31 = arith.constant 0 : i32
    %dma_start3A_32 = tpu.memref_slice %arg3[%dma_start3A_31] : memref<16384xi32, #tpu.memory_space<hbm>> -> memref<2048xi32, #tpu.memory_space<hbm>>
    tpu.enqueue_dma source(%dma_start3A_32 : memref<2048xi32, #tpu.memory_space<hbm>>) target(%dma_start3A_30 : memref<2048xi32, #tpu.memory_space<vmem>>) target_semaphore(%arg19 : memref<!tpu.dma_semaphore, #tpu.memory_space<semaphore_mem>>)
    %parallel_loop3A = arith.constant 0 : i32
    %parallel_loop3A_33 = arith.constant 32 : i32
    %parallel_loop3A_34 = arith.constant 1 : i32
    scf.for %parallel_loop3A_852 = %parallel_loop3A to %parallel_loop3A_33 step %parallel_loop3A_34  : i32 {
      %parallel_loop3A_853 = arith.constant 16 : i32
      %parallel_loop3A_854 = arith.muli %parallel_loop3A_852, %parallel_loop3A_853 : i32
      %parallel_loop3A_855 = arith.index_cast %parallel_loop3A_854 : i32 to index
      %parallel_loop3A_856 = tpu.vector_load %arg9[%parallel_loop3A_855] {strides = array<i32>} : memref<512xi32, #tpu.memory_space<vmem>>, vector<16xi32>,
      %parallel_loop3A_857 = arith.constant 0 : i32
      %parallel_loop3A_858 = vector.broadcast %parallel_loop3A_857 : i32 to vector<16xi32>
      tpu.vector_store_idx %arg7[%parallel_loop3A_856], %parallel_loop3A_858 : memref<100000xi32, #tpu.memory_space<vmem>>[vector<16xi32>], vector<16xi32>,
    } {sc.loop_unroll_factor = 4 : i64, sc.parallel_access}
    %dma_wait3A = arith.constant 0 : i32
    %dma_wait3A_35 = arith.constant 0 : i32
    %dma_wait3A_36 = arith.constant 0 : i32
    %dma_wait3A_37 = tpu.memref_slice %arg12[%dma_wait3A, %dma_wait3A_35, %dma_wait3A_36] : memref<2x64x128xf32, #tpu.memory_space<vmem>> -> memref<1x64x128xf32, #tpu.memory_space<vmem>>
    %dma_wait3A_38 = tpu.memref_squeeze %dma_wait3A_37 : memref<1x64x128xf32, #tpu.memory_space<vmem>> -> memref<64x128xf32, #tpu.memory_space<vmem>>
    %dma_wait3A_39 = arith.constant 0 : i32
    %dma_wait3A_40 = tpu.memref_slice %arg9[%dma_wait3A_39] : memref<512xi32, #tpu.memory_space<vmem>> -> memref<64xi32, #tpu.memory_space<vmem>>
    %dma_wait3A_41 = arith.constant 0 : i32
    %dma_wait3A_42 = arith.constant 0 : i32
    %dma_wait3A_43 = tpu.memref_slice %arg2[%dma_wait3A_41, %dma_wait3A_42] : memref<100000x128xf32, #tpu.memory_space<hbm>> -> memref<100000x128xf32, #tpu.memory_space<hbm>>
    tpu.wait_indirect_dma semaphore(%arg13 : memref<!tpu.dma_semaphore, #tpu.memory_space<semaphore_mem>>) src(%dma_wait3A_43 : memref<100000x128xf32, #tpu.memory_space<hbm>>) dst(%dma_wait3A_38 : memref<64x128xf32, #tpu.memory_space<vmem>>)
    %add3A_44 = arith.constant 0 : i32
    %add3A_45 = arith.addi %mul3A_2, %add3A_44 : i32
    %dma_start3A_46 = arith.constant 0 : i32
    %dma_start3A_47 = arith.constant 0 : i32
    %dma_start3A_48 = arith.constant 0 : i32
    %dma_start3A_49 = tpu.memref_slice %arg12[%dma_start3A_46, %dma_start3A_47, %dma_start3A_48] : memref<2x64x128xf32, #tpu.memory_space<vmem>> -> memref<1x64x128xf32, #tpu.memory_space<vmem>>
    %dma_start3A_50 = tpu.memref_squeeze %dma_start3A_49 : memref<1x64x128xf32, #tpu.memory_space<vmem>> -> memref<64x128xf32, #tpu.memory_space<vmem>>
    %dma_start3A_51 = arith.constant 0 : i32
    %dma_start3A_52 = tpu.memref_slice %arg6[%add3A_45, %dma_start3A_51] : memref<16384x128xf32, #tpu.memory_space<hbm>> -> memref<64x128xf32, #tpu.memory_space<hbm>>
    %dma_start3A_53 = arith.constant 0 : i32
    %dma_start3A_54 = tpu.memref_slice %arg6[%add3A_45, %dma_start3A_53] : memref<16384x128xf32, #tpu.memory_space<hbm>> -> memref<64x128xf32, #tpu.memory_space<hbm>>
    %dma_start3A_55 = arith.constant 0 : i32
    %dma_start3A_56 = arith.constant 0 : i32
    %dma_start3A_57 = tpu.memref_slice %arg12[%dma_start3A_46, %dma_start3A_55, %dma_start3A_56] : memref<2x64x128xf32, #tpu.memory_space<vmem>> -> memref<1x64x128xf32, #tpu.memory_space<vmem>>
    %dma_start3A_58 = tpu.memref_squeeze %dma_start3A_57 : memref<1x64x128xf32, #tpu.memory_space<vmem>> -> memref<64x128xf32, #tpu.memory_space<vmem>>
    tpu.enqueue_dma source(%dma_start3A_58 : memref<64x128xf32, #tpu.memory_space<vmem>>) target(%dma_start3A_54 : memref<64x128xf32, #tpu.memory_space<hbm>>) target_semaphore(%arg16 : memref<!tpu.dma_semaphore, #tpu.memory_space<semaphore_mem>>)
    %dma_wait3A_59 = arith.constant 0 : i32
    %dma_wait3A_60 = arith.constant 0 : i32
    %dma_wait3A_61 = tpu.memref_slice %arg8[%dma_wait3A_59, %dma_wait3A_60] : memref<2x2048xi32, #tpu.memory_space<vmem>> -> memref<1x2048xi32, #tpu.memory_space<vmem>>
    %dma_wait3A_62 = tpu.memref_squeeze %dma_wait3A_61 : memref<1x2048xi32, #tpu.memory_space<vmem>> -> memref<2048xi32, #tpu.memory_space<vmem>>
    %dma_wait3A_63 = arith.constant 0 : i32
    %dma_wait3A_64 = tpu.memref_slice %arg3[%dma_wait3A_63] : memref<16384xi32, #tpu.memory_space<hbm>> -> memref<2048xi32, #tpu.memory_space<hbm>>
    %dma_wait3A_65 = arith.constant 0 : i32
    %dma_wait3A_66 = tpu.memref_slice %arg8[%dma_wait3A_59, %dma_wait3A_65] : memref<2x2048xi32, #tpu.memory_space<vmem>> -> memref<1x2048xi32, #tpu.memory_space<vmem>>
    %dma_wait3A_67 = tpu.memref_squeeze %dma_wait3A_66 : memref<1x2048xi32, #tpu.memory_space<vmem>> -> memref<2048xi32, #tpu.memory_space<vmem>>
    %dma_wait3A_68 = arith.constant 0 : i32
    %dma_wait3A_69 = tpu.memref_slice %arg3[%dma_wait3A_68] : memref<16384xi32, #tpu.memory_space<hbm>> -> memref<2048xi32, #tpu.memory_space<hbm>>
    tpu.wait_dma2 semaphore(%arg19 : memref<!tpu.dma_semaphore, #tpu.memory_space<semaphore_mem>>) src(%dma_wait3A_69 : memref<2048xi32, #tpu.memory_space<hbm>>) dst(%dma_wait3A_67 : memref<2048xi32, #tpu.memory_space<vmem>>)
    %dma_start3A_70 = arith.constant 1 : i32
    %dma_start3A_71 = arith.constant 0 : i32
    %dma_start3A_72 = tpu.memref_slice %arg8[%dma_start3A_70, %dma_start3A_71] : memref<2x2048xi32, #tpu.memory_space<vmem>> -> memref<1x2048xi32, #tpu.memory_space<vmem>>
    %dma_start3A_73 = tpu.memref_squeeze %dma_start3A_72 : memref<1x2048xi32, #tpu.memory_space<vmem>> -> memref<2048xi32, #tpu.memory_space<vmem>>
    %dma_start3A_74 = arith.constant 2048 : i32
    %dma_start3A_75 = tpu.memref_slice %arg3[%dma_start3A_74] : memref<16384xi32, #tpu.memory_space<hbm>> -> memref<2048xi32, #tpu.memory_space<hbm>>
    %dma_start3A_76 = arith.constant 0 : i32
    %dma_start3A_77 = tpu.memref_slice %arg8[%dma_start3A_70, %dma_start3A_76] : memref<2x2048xi32, #tpu.memory_space<vmem>> -> memref<1x2048xi32, #tpu.memory_space<vmem>>
    %dma_start3A_78 = tpu.memref_squeeze %dma_start3A_77 : memref<1x2048xi32, #tpu.memory_space<vmem>> -> memref<2048xi32, #tpu.memory_space<vmem>>
    %dma_start3A_79 = arith.constant 2048 : i32
    %dma_start3A_80 = tpu.memref_slice %arg3[%dma_start3A_79] : memref<16384xi32, #tpu.memory_space<hbm>> -> memref<2048xi32, #tpu.memory_space<hbm>>
    tpu.enqueue_dma source(%dma_start3A_80 : memref<2048xi32, #tpu.memory_space<hbm>>) target(%dma_start3A_78 : memref<2048xi32, #tpu.memory_space<vmem>>) target_semaphore(%arg20 : memref<!tpu.dma_semaphore, #tpu.memory_space<semaphore_mem>>)
    %parallel_loop3A_81 = arith.constant 0 : i32
    %parallel_loop3A_82 = arith.constant 128 : i32
    %parallel_loop3A_83 = arith.constant 1 : i32
    scf.for %parallel_loop3A_852 = %parallel_loop3A_81 to %parallel_loop3A_82 step %parallel_loop3A_83  : i32 {
      %parallel_loop3A_853 = arith.constant 16 : i32
      %parallel_loop3A_854 = arith.muli %parallel_loop3A_852, %parallel_loop3A_853 : i32
      %parallel_loop3A_855 = arith.constant 0 : i32
      %parallel_loop3A_856 = arith.index_cast %parallel_loop3A_855 : i32 to index
      %parallel_loop3A_857 = arith.index_cast %parallel_loop3A_854 : i32 to index
      %parallel_loop3A_858 = tpu.vector_load %arg8[%parallel_loop3A_856, %parallel_loop3A_857] {strides = array<i32>} : memref<2x2048xi32, #tpu.memory_space<vmem>>, vector<16xi32>,
      %parallel_loop3A_859 = arith.constant 16 : i32
      %parallel_loop3A_860 = arith.muli %parallel_loop3A_852, %parallel_loop3A_859 : i32
      %parallel_loop3A_861 = arith.constant 1 : i32
      %parallel_loop3A_862 = arith.addi %parallel_loop3A_861, %parallel_loop3A_860 : i32
      %parallel_loop3A_863 = vector.broadcast %parallel_loop3A_862 : i32 to vector<16xi32>
      %parallel_loop3A_864 = arith.addi %parallel_loop3A_863, %iota3A : vector<16xi32>
      tpu.vector_store_idx %arg7[%parallel_loop3A_858], %parallel_loop3A_864 : memref<100000xi32, #tpu.memory_space<vmem>>[vector<16xi32>], vector<16xi32>,
    } {sc.loop_unroll_factor = 4 : i64, sc.parallel_access}
    %lt3A = arith.constant 0 : i32
    %lt3A_84 = vector.broadcast %lt3A : i32 to vector<16xi32>
    %lt3A_85 = arith.cmpi slt, %iota3A, %lt3A_84 : vector<16xi32>
    %scan3A = arith.constant 0 : i32
    %scan3A_86 = arith.constant 128 : i32
    %scan3A_87 = arith.addi %scan3A, %scan3A_86 : i32
    %scan3A_88 = arith.constant 8 : i32
    %scan3A_89 = scf.for %scan3A_852 = %scan3A to %scan3A_87 step %scan3A_88 iter_args(%scan3A_853 = %lt3A_85) -> (vector<16xi1>)  : i32 {
      %mul3A_854 = arith.constant 16 : i32
      %mul3A_855 = arith.muli %scan3A_852, %mul3A_854 : i32
      %get3A_856 = arith.constant 0 : i32
      %get3A_857 = arith.index_cast %get3A_856 : i32 to index
      %get3A_858 = arith.index_cast %mul3A_855 : i32 to index
      %get3A_859 = tpu.vector_load %arg8[%get3A_857, %get3A_858] {strides = array<i32>} : memref<2x2048xi32, #tpu.memory_space<vmem>>, vector<16xi32>,
      %mul3A_860 = arith.constant 16 : i32
      %mul3A_861 = arith.muli %scan3A_852, %mul3A_860 : i32
      %add3A_862 = arith.constant 1 : i32
      %add3A_863 = arith.addi %add3A_862, %mul3A_861 : i32
      %add3A_864 = vector.broadcast %add3A_863 : i32 to vector<16xi32>
      %add3A_865 = arith.addi %add3A_864, %iota3A : vector<16xi32>
      %gather3A = tpu.vector_load_idx %arg7[%get3A_859] : memref<100000xi32, #tpu.memory_space<vmem>>[vector<16xi32>], vector<16xi32>,
      %lt3A_866 = arith.cmpi slt, %gather3A, %add3A_865 : vector<16xi32>
      %or3A = arith.ori %scan3A_853, %lt3A_866 : vector<16xi1>
      %scan3A_867 = arith.constant 1 : i32
      %scan3A_868 = arith.addi %scan3A_852, %scan3A_867 : i32
      %mul3A_869 = arith.constant 16 : i32
      %mul3A_870 = arith.muli %scan3A_868, %mul3A_869 : i32
      %get3A_871 = arith.constant 0 : i32
      %get3A_872 = arith.index_cast %get3A_871 : i32 to index
      %get3A_873 = arith.index_cast %mul3A_870 : i32 to index
      %get3A_874 = tpu.vector_load %arg8[%get3A_872, %get3A_873] {strides = array<i32>} : memref<2x2048xi32, #tpu.memory_space<vmem>>, vector<16xi32>,
      %mul3A_875 = arith.constant 16 : i32
      %mul3A_876 = arith.muli %scan3A_868, %mul3A_875 : i32
      %add3A_877 = arith.constant 1 : i32
      %add3A_878 = arith.addi %add3A_877, %mul3A_876 : i32
      %add3A_879 = vector.broadcast %add3A_878 : i32 to vector<16xi32>
      %add3A_880 = arith.addi %add3A_879, %iota3A : vector<16xi32>
      %gather3A_881 = tpu.vector_load_idx %arg7[%get3A_874] : memref<100000xi32, #tpu.memory_space<vmem>>[vector<16xi32>], vector<16xi32>,
      %lt3A_882 = arith.cmpi slt, %gather3A_881, %add3A_880 : vector<16xi32>
      %or3A_883 = arith.ori %or3A, %lt3A_882 : vector<16xi1>
      %scan3A_884 = arith.constant 2 : i32
      %scan3A_885 = arith.addi %scan3A_852, %scan3A_884 : i32
      %mul3A_886 = arith.constant 16 : i32
      %mul3A_887 = arith.muli %scan3A_885, %mul3A_886 : i32
      %get3A_888 = arith.constant 0 : i32
      %get3A_889 = arith.index_cast %get3A_888 : i32 to index
      %get3A_890 = arith.index_cast %mul3A_887 : i32 to index
      %get3A_891 = tpu.vector_load %arg8[%get3A_889, %get3A_890] {strides = array<i32>} : memref<2x2048xi32, #tpu.memory_space<vmem>>, vector<16xi32>,
      %mul3A_892 = arith.constant 16 : i32
      %mul3A_893 = arith.muli %scan3A_885, %mul3A_892 : i32
      %add3A_894 = arith.constant 1 : i32
      %add3A_895 = arith.addi %add3A_894, %mul3A_893 : i32
      %add3A_896 = vector.broadcast %add3A_895 : i32 to vector<16xi32>
      %add3A_897 = arith.addi %add3A_896, %iota3A : vector<16xi32>
      %gather3A_898 = tpu.vector_load_idx %arg7[%get3A_891] : memref<100000xi32, #tpu.memory_space<vmem>>[vector<16xi32>], vector<16xi32>,
      %lt3A_899 = arith.cmpi slt, %gather3A_898, %add3A_897 : vector<16xi32>
      %or3A_900 = arith.ori %or3A_883, %lt3A_899 : vector<16xi1>
      %scan3A_901 = arith.constant 3 : i32
      %scan3A_902 = arith.addi %scan3A_852, %scan3A_901 : i32
      %mul3A_903 = arith.constant 16 : i32
      %mul3A_904 = arith.muli %scan3A_902, %mul3A_903 : i32
      %get3A_905 = arith.constant 0 : i32
      %get3A_906 = arith.index_cast %get3A_905 : i32 to index
      %get3A_907 = arith.index_cast %mul3A_904 : i32 to index
      %get3A_908 = tpu.vector_load %arg8[%get3A_906, %get3A_907] {strides = array<i32>} : memref<2x2048xi32, #tpu.memory_space<vmem>>, vector<16xi32>,
      %mul3A_909 = arith.constant 16 : i32
      %mul3A_910 = arith.muli %scan3A_902, %mul3A_909 : i32
      %add3A_911 = arith.constant 1 : i32
      %add3A_912 = arith.addi %add3A_911, %mul3A_910 : i32
      %add3A_913 = vector.broadcast %add3A_912 : i32 to vector<16xi32>
      %add3A_914 = arith.addi %add3A_913, %iota3A : vector<16xi32>
      %gather3A_915 = tpu.vector_load_idx %arg7[%get3A_908] : memref<100000xi32, #tpu.memory_space<vmem>>[vector<16xi32>], vector<16xi32>,
      %lt3A_916 = arith.cmpi slt, %gather3A_915, %add3A_914 : vector<16xi32>
      %or3A_917 = arith.ori %or3A_900, %lt3A_916 : vector<16xi1>
      %scan3A_918 = arith.constant 4 : i32
      %scan3A_919 = arith.addi %scan3A_852, %scan3A_918 : i32
      %mul3A_920 = arith.constant 16 : i32
      %mul3A_921 = arith.muli %scan3A_919, %mul3A_920 : i32
      %get3A_922 = arith.constant 0 : i32
      %get3A_923 = arith.index_cast %get3A_922 : i32 to index
      %get3A_924 = arith.index_cast %mul3A_921 : i32 to index
      %get3A_925 = tpu.vector_load %arg8[%get3A_923, %get3A_924] {strides = array<i32>} : memref<2x2048xi32, #tpu.memory_space<vmem>>, vector<16xi32>,
      %mul3A_926 = arith.constant 16 : i32
      %mul3A_927 = arith.muli %scan3A_919, %mul3A_926 : i32
      %add3A_928 = arith.constant 1 : i32
      %add3A_929 = arith.addi %add3A_928, %mul3A_927 : i32
      %add3A_930 = vector.broadcast %add3A_929 : i32 to vector<16xi32>
      %add3A_931 = arith.addi %add3A_930, %iota3A : vector<16xi32>
      %gather3A_932 = tpu.vector_load_idx %arg7[%get3A_925] : memref<100000xi32, #tpu.memory_space<vmem>>[vector<16xi32>], vector<16xi32>,
      %lt3A_933 = arith.cmpi slt, %gather3A_932, %add3A_931 : vector<16xi32>
      %or3A_934 = arith.ori %or3A_917, %lt3A_933 : vector<16xi1>
      %scan3A_935 = arith.constant 5 : i32
      %scan3A_936 = arith.addi %scan3A_852, %scan3A_935 : i32
      %mul3A_937 = arith.constant 16 : i32
      %mul3A_938 = arith.muli %scan3A_936, %mul3A_937 : i32
      %get3A_939 = arith.constant 0 : i32
      %get3A_940 = arith.index_cast %get3A_939 : i32 to index
      %get3A_941 = arith.index_cast %mul3A_938 : i32 to index
      %get3A_942 = tpu.vector_load %arg8[%get3A_940, %get3A_941] {strides = array<i32>} : memref<2x2048xi32, #tpu.memory_space<vmem>>, vector<16xi32>,
      %mul3A_943 = arith.constant 16 : i32
      %mul3A_944 = arith.muli %scan3A_936, %mul3A_943 : i32
      %add3A_945 = arith.constant 1 : i32
      %add3A_946 = arith.addi %add3A_945, %mul3A_944 : i32
      %add3A_947 = vector.broadcast %add3A_946 : i32 to vector<16xi32>
      %add3A_948 = arith.addi %add3A_947, %iota3A : vector<16xi32>
      %gather3A_949 = tpu.vector_load_idx %arg7[%get3A_942] : memref<100000xi32, #tpu.memory_space<vmem>>[vector<16xi32>], vector<16xi32>,
      %lt3A_950 = arith.cmpi slt, %gather3A_949, %add3A_948 : vector<16xi32>
      %or3A_951 = arith.ori %or3A_934, %lt3A_950 : vector<16xi1>
      %scan3A_952 = arith.constant 6 : i32
      %scan3A_953 = arith.addi %scan3A_852, %scan3A_952 : i32
      %mul3A_954 = arith.constant 16 : i32
      %mul3A_955 = arith.muli %scan3A_953, %mul3A_954 : i32
      %get3A_956 = arith.constant 0 : i32
      %get3A_957 = arith.index_cast %get3A_956 : i32 to index
      %get3A_958 = arith.index_cast %mul3A_955 : i32 to index
      %get3A_959 = tpu.vector_load %arg8[%get3A_957, %get3A_958] {strides = array<i32>} : memref<2x2048xi32, #tpu.memory_space<vmem>>, vector<16xi32>,
      %mul3A_960 = arith.constant 16 : i32
      %mul3A_961 = arith.muli %scan3A_953, %mul3A_960 : i32
      %add3A_962 = arith.constant 1 : i32
      %add3A_963 = arith.addi %add3A_962, %mul3A_961 : i32
      %add3A_964 = vector.broadcast %add3A_963 : i32 to vector<16xi32>
      %add3A_965 = arith.addi %add3A_964, %iota3A : vector<16xi32>
      %gather3A_966 = tpu.vector_load_idx %arg7[%get3A_959] : memref<100000xi32, #tpu.memory_space<vmem>>[vector<16xi32>], vector<16xi32>,
      %lt3A_967 = arith.cmpi slt, %gather3A_966, %add3A_965 : vector<16xi32>
      %or3A_968 = arith.ori %or3A_951, %lt3A_967 : vector<16xi1>
      %scan3A_969 = arith.constant 7 : i32
      %scan3A_970 = arith.addi %scan3A_852, %scan3A_969 : i32
      %mul3A_971 = arith.constant 16 : i32
      %mul3A_972 = arith.muli %scan3A_970, %mul3A_971 : i32
      %get3A_973 = arith.constant 0 : i32
      %get3A_974 = arith.index_cast %get3A_973 : i32 to index
      %get3A_975 = arith.index_cast %mul3A_972 : i32 to index
      %get3A_976 = tpu.vector_load %arg8[%get3A_974, %get3A_975] {strides = array<i32>} : memref<2x2048xi32, #tpu.memory_space<vmem>>, vector<16xi32>,
      %mul3A_977 = arith.constant 16 : i32
      %mul3A_978 = arith.muli %scan3A_970, %mul3A_977 : i32
      %add3A_979 = arith.constant 1 : i32
      %add3A_980 = arith.addi %add3A_979, %mul3A_978 : i32
      %add3A_981 = vector.broadcast %add3A_980 : i32 to vector<16xi32>
      %add3A_982 = arith.addi %add3A_981, %iota3A : vector<16xi32>
      %gather3A_983 = tpu.vector_load_idx %arg7[%get3A_976] : memref<100000xi32, #tpu.memory_space<vmem>>[vector<16xi32>], vector<16xi32>,
      %lt3A_984 = arith.cmpi slt, %gather3A_983, %add3A_982 : vector<16xi32>
      %or3A_985 = arith.ori %or3A_968, %lt3A_984 : vector<16xi1>
      scf.yield %or3A_985 : vector<16xi1>
    }
    %scan3A_90 = arith.constant 128 : i32
    %reduce_or3A = arith.constant 1.000000e+00 : f32
    %reduce_or3A_91 = arith.constant 0.000000e+00 : f32
    %reduce_or3A_92 = vector.broadcast %reduce_or3A : f32 to vector<16xf32>
    %reduce_or3A_93 = vector.broadcast %reduce_or3A_91 : f32 to vector<16xf32>
    %reduce_or3A_94 = arith.select %scan3A_89, %reduce_or3A_92, %reduce_or3A_93 : vector<16xi1>, vector<16xf32>
    %reduce_or3A_95 = arith.constant true
    %reduce_or3A_96 = vector.broadcast %reduce_or3A_95 : i1 to vector<16xi1>
    %reduce_or3A_97 = tpu.scan <max>, %reduce_or3A_94 masked %reduce_or3A_96 : vector<16xf32>, vector<16xi1> -> vector<16xf32>
    %reduce_or3A_98 = vector.extract %reduce_or3A_97[15] : f32 from vector<16xf32>
    %reduce_or3A_99 = arith.constant 0.000000e+00 : f32
    %reduce_or3A_100 = arith.cmpf ogt, %reduce_or3A_98, %reduce_or3A_99 : f32
    %convert_element_type3A = arith.extui %reduce_or3A_100 : i1 to i32
    %cond3A = arith.constant 0 : i32
    %cond3A_101 = arith.cmpi ne, %convert_element_type3A, %cond3A : i32
    scf.if %cond3A_101 {
      %scan3A_852 = arith.constant 0 : i32
      %scan3A_853 = arith.constant 0 : i32
      %scan3A_854 = arith.constant 128 : i32
      %scan3A_855 = arith.addi %scan3A_853, %scan3A_854 : i32
      %scan3A_856 = arith.constant 1 : i32
      %scan3A_857 = scf.for %scan3A_859 = %scan3A_853 to %scan3A_855 step %scan3A_856 iter_args(%scan3A_860 = %scan3A_852) -> (i32)  : i32 {
        %mul3A_861 = arith.constant 16 : i32
        %mul3A_862 = arith.muli %scan3A_859, %mul3A_861 : i32
        %get3A_863 = arith.constant 0 : i32
        %get3A_864 = arith.index_cast %get3A_863 : i32 to index
        %get3A_865 = arith.index_cast %mul3A_862 : i32 to index
        %get3A_866 = tpu.vector_load %arg8[%get3A_864, %get3A_865] {strides = array<i32>} : memref<2x2048xi32, #tpu.memory_space<vmem>>, vector<16xi32>,
        %broadcast_in_dim3A_867 = arith.constant true
        %broadcast_in_dim3A_868 = vector.broadcast %broadcast_in_dim3A_867 : i1 to vector<16xi1>
        %unique3A, %unique3A_869 = tpu.scan_count mask(%broadcast_in_dim3A_868 : vector<16xi1>) value(%get3A_866 : vector<16xi32>) : vector<16xi1>, vector<16xi32>
        %mul3A_870 = arith.constant 16 : i32
        %mul3A_871 = arith.muli %scan3A_859, %mul3A_870 : i32
        %add3A_872 = arith.constant 1 : i32
        %add3A_873 = arith.addi %add3A_872, %mul3A_871 : i32
        %add3A_874 = vector.broadcast %add3A_873 : i32 to vector<16xi32>
        %add3A_875 = arith.addi %add3A_874, %iota3A : vector<16xi32>
        %gather3A = tpu.vector_load_idx %arg7[%get3A_866] : memref<100000xi32, #tpu.memory_space<vmem>>[vector<16xi32>], vector<16xi32>,
        %lt3A_876 = arith.cmpi slt, %gather3A, %add3A_875 : vector<16xi32>
        %and3A_877 = arith.andi %unique3A, %lt3A_876 : vector<16xi1>
        tpu.vector_store_idx %arg7[%get3A_866], %add3A_875 masked %and3A_877 : memref<100000xi32, #tpu.memory_space<vmem>>[vector<16xi32>], vector<16xi32>, vector<16xi1>
        %scan3A_878 = arith.constant 0 : i32
        scf.yield %scan3A_878 : i32
      }
      %scan3A_858 = arith.constant 128 : i32
    } else {
    }
    %dma_wait3A_102 = arith.constant 0 : i32
    %dma_wait3A_103 = arith.constant 0 : i32
    %dma_wait3A_104 = arith.constant 0 : i32
    %dma_wait3A_105 = tpu.memref_slice %arg12[%dma_wait3A_102, %dma_wait3A_103, %dma_wait3A_104] : memref<2x64x128xf32, #tpu.memory_space<vmem>> -> memref<1x64x128xf32, #tpu.memory_space<vmem>>
    %dma_wait3A_106 = tpu.memref_squeeze %dma_wait3A_105 : memref<1x64x128xf32, #tpu.memory_space<vmem>> -> memref<64x128xf32, #tpu.memory_space<vmem>>
    %dma_wait3A_107 = arith.constant 0 : i32
    %dma_wait3A_108 = tpu.memref_slice %arg6[%add3A_45, %dma_wait3A_107] : memref<16384x128xf32, #tpu.memory_space<hbm>> -> memref<64x128xf32, #tpu.memory_space<hbm>>
    %dma_wait3A_109 = arith.constant 0 : i32
    %dma_wait3A_110 = tpu.memref_slice %arg6[%add3A_45, %dma_wait3A_109] : memref<16384x128xf32, #tpu.memory_space<hbm>> -> memref<64x128xf32, #tpu.memory_space<hbm>>
    %dma_wait3A_111 = arith.constant 0 : i32
    %dma_wait3A_112 = arith.constant 0 : i32
    %dma_wait3A_113 = tpu.memref_slice %arg12[%dma_wait3A_102, %dma_wait3A_111, %dma_wait3A_112] : memref<2x64x128xf32, #tpu.memory_space<vmem>> -> memref<1x64x128xf32, #tpu.memory_space<vmem>>
    %dma_wait3A_114 = tpu.memref_squeeze %dma_wait3A_113 : memref<1x64x128xf32, #tpu.memory_space<vmem>> -> memref<64x128xf32, #tpu.memory_space<vmem>>
    tpu.wait_dma2 semaphore(%arg16 : memref<!tpu.dma_semaphore, #tpu.memory_space<semaphore_mem>>) src(%dma_wait3A_114 : memref<64x128xf32, #tpu.memory_space<vmem>>) dst(%dma_wait3A_110 : memref<64x128xf32, #tpu.memory_space<hbm>>)
    %dma_start3A_115 = arith.constant 0 : i32
    %dma_start3A_116 = arith.constant 0 : i32
    %dma_start3A_117 = arith.constant 0 : i32
    %dma_start3A_118 = tpu.memref_slice %arg12[%dma_start3A_115, %dma_start3A_116, %dma_start3A_117] : memref<2x64x128xf32, #tpu.memory_space<vmem>> -> memref<1x64x128xf32, #tpu.memory_space<vmem>>
    %dma_start3A_119 = tpu.memref_squeeze %dma_start3A_118 : memref<1x64x128xf32, #tpu.memory_space<vmem>> -> memref<64x128xf32, #tpu.memory_space<vmem>>
    %dma_start3A_120 = arith.constant 128 : i32
    %dma_start3A_121 = tpu.memref_slice %arg9[%dma_start3A_120] : memref<512xi32, #tpu.memory_space<vmem>> -> memref<64xi32, #tpu.memory_space<vmem>>
    %dma_start3A_122 = arith.constant 0 : i32
    %dma_start3A_123 = arith.constant 0 : i32
    %dma_start3A_124 = tpu.memref_slice %arg2[%dma_start3A_122, %dma_start3A_123] : memref<100000x128xf32, #tpu.memory_space<hbm>> -> memref<100000x128xf32, #tpu.memory_space<hbm>>
    tpu.enqueue_indirect_dma source(%dma_start3A_124 : memref<100000x128xf32, #tpu.memory_space<hbm>>) target(%dma_start3A_119 : memref<64x128xf32, #tpu.memory_space<vmem>>) offsets(%dma_start3A_121 : memref<64xi32, #tpu.memory_space<vmem>>) semaphore(%arg13 : memref<!tpu.dma_semaphore, #tpu.memory_space<semaphore_mem>>)
    %dma_wait3A_125 = arith.constant 1 : i32
    %dma_wait3A_126 = arith.constant 0 : i32
    %dma_wait3A_127 = arith.constant 0 : i32
    %dma_wait3A_128 = tpu.memref_slice %arg12[%dma_wait3A_125, %dma_wait3A_126, %dma_wait3A_127] : memref<2x64x128xf32, #tpu.memory_space<vmem>> -> memref<1x64x128xf32, #tpu.memory_space<vmem>>
    %dma_wait3A_129 = tpu.memref_squeeze %dma_wait3A_128 : memref<1x64x128xf32, #tpu.memory_space<vmem>> -> memref<64x128xf32, #tpu.memory_space<vmem>>
    %dma_wait3A_130 = arith.constant 64 : i32
    %dma_wait3A_131 = tpu.memref_slice %arg9[%dma_wait3A_130] : memref<512xi32, #tpu.memory_space<vmem>> -> memref<64xi32, #tpu.memory_space<vmem>>
    %dma_wait3A_132 = arith.constant 0 : i32
    %dma_wait3A_133 = arith.constant 0 : i32
    %dma_wait3A_134 = tpu.memref_slice %arg2[%dma_wait3A_132, %dma_wait3A_133] : memref<100000x128xf32, #tpu.memory_space<hbm>> -> memref<100000x128xf32, #tpu.memory_space<hbm>>
    tpu.wait_indirect_dma semaphore(%arg14 : memref<!tpu.dma_semaphore, #tpu.memory_space<semaphore_mem>>) src(%dma_wait3A_134 : memref<100000x128xf32, #tpu.memory_space<hbm>>) dst(%dma_wait3A_129 : memref<64x128xf32, #tpu.memory_space<vmem>>)
    %add3A_135 = arith.constant 64 : i32
    %add3A_136 = arith.addi %mul3A_2, %add3A_135 : i32
    %dma_start3A_137 = arith.constant 1 : i32
    %dma_start3A_138 = arith.constant 0 : i32
    %dma_start3A_139 = arith.constant 0 : i32
    %dma_start3A_140 = tpu.memref_slice %arg12[%dma_start3A_137, %dma_start3A_138, %dma_start3A_139] : memref<2x64x128xf32, #tpu.memory_space<vmem>> -> memref<1x64x128xf32, #tpu.memory_space<vmem>>
    %dma_start3A_141 = tpu.memref_squeeze %dma_start3A_140 : memref<1x64x128xf32, #tpu.memory_space<vmem>> -> memref<64x128xf32, #tpu.memory_space<vmem>>
    %dma_start3A_142 = arith.constant 0 : i32
    %dma_start3A_143 = tpu.memref_slice %arg6[%add3A_136, %dma_start3A_142] : memref<16384x128xf32, #tpu.memory_space<hbm>> -> memref<64x128xf32, #tpu.memory_space<hbm>>
    %dma_start3A_144 = arith.constant 0 : i32
    %dma_start3A_145 = tpu.memref_slice %arg6[%add3A_136, %dma_start3A_144] : memref<16384x128xf32, #tpu.memory_space<hbm>> -> memref<64x128xf32, #tpu.memory_space<hbm>>
    %dma_start3A_146 = arith.constant 0 : i32
    %dma_start3A_147 = arith.constant 0 : i32
    %dma_start3A_148 = tpu.memref_slice %arg12[%dma_start3A_137, %dma_start3A_146, %dma_start3A_147] : memref<2x64x128xf32, #tpu.memory_space<vmem>> -> memref<1x64x128xf32, #tpu.memory_space<vmem>>
    %dma_start3A_149 = tpu.memref_squeeze %dma_start3A_148 : memref<1x64x128xf32, #tpu.memory_space<vmem>> -> memref<64x128xf32, #tpu.memory_space<vmem>>
    tpu.enqueue_dma source(%dma_start3A_149 : memref<64x128xf32, #tpu.memory_space<vmem>>) target(%dma_start3A_145 : memref<64x128xf32, #tpu.memory_space<hbm>>) target_semaphore(%arg17 : memref<!tpu.dma_semaphore, #tpu.memory_space<semaphore_mem>>)
    %dma_wait3A_150 = arith.constant 1 : i32
    %dma_wait3A_151 = arith.constant 0 : i32
    %dma_wait3A_152 = tpu.memref_slice %arg8[%dma_wait3A_150, %dma_wait3A_151] : memref<2x2048xi32, #tpu.memory_space<vmem>> -> memref<1x2048xi32, #tpu.memory_space<vmem>>
    %dma_wait3A_153 = tpu.memref_squeeze %dma_wait3A_152 : memref<1x2048xi32, #tpu.memory_space<vmem>> -> memref<2048xi32, #tpu.memory_space<vmem>>
    %dma_wait3A_154 = arith.constant 2048 : i32
    %dma_wait3A_155 = tpu.memref_slice %arg3[%dma_wait3A_154] : memref<16384xi32, #tpu.memory_space<hbm>> -> memref<2048xi32, #tpu.memory_space<hbm>>
    %dma_wait3A_156 = arith.constant 0 : i32
    %dma_wait3A_157 = tpu.memref_slice %arg8[%dma_wait3A_150, %dma_wait3A_156] : memref<2x2048xi32, #tpu.memory_space<vmem>> -> memref<1x2048xi32, #tpu.memory_space<vmem>>
    %dma_wait3A_158 = tpu.memref_squeeze %dma_wait3A_157 : memref<1x2048xi32, #tpu.memory_space<vmem>> -> memref<2048xi32, #tpu.memory_space<vmem>>
    %dma_wait3A_159 = arith.constant 2048 : i32
    %dma_wait3A_160 = tpu.memref_slice %arg3[%dma_wait3A_159] : memref<16384xi32, #tpu.memory_space<hbm>> -> memref<2048xi32, #tpu.memory_space<hbm>>
    tpu.wait_dma2 semaphore(%arg20 : memref<!tpu.dma_semaphore, #tpu.memory_space<semaphore_mem>>) src(%dma_wait3A_160 : memref<2048xi32, #tpu.memory_space<hbm>>) dst(%dma_wait3A_158 : memref<2048xi32, #tpu.memory_space<vmem>>)
    %dma_start3A_161 = arith.constant 0 : i32
    %dma_start3A_162 = arith.constant 0 : i32
    %dma_start3A_163 = tpu.memref_slice %arg8[%dma_start3A_161, %dma_start3A_162] : memref<2x2048xi32, #tpu.memory_space<vmem>> -> memref<1x2048xi32, #tpu.memory_space<vmem>>
    %dma_start3A_164 = tpu.memref_squeeze %dma_start3A_163 : memref<1x2048xi32, #tpu.memory_space<vmem>> -> memref<2048xi32, #tpu.memory_space<vmem>>
    %dma_start3A_165 = arith.constant 4096 : i32
    %dma_start3A_166 = tpu.memref_slice %arg3[%dma_start3A_165] : memref<16384xi32, #tpu.memory_space<hbm>> -> memref<2048xi32, #tpu.memory_space<hbm>>
    %dma_start3A_167 = arith.constant 0 : i32
    %dma_start3A_168 = tpu.memref_slice %arg8[%dma_start3A_161, %dma_start3A_167] : memref<2x2048xi32, #tpu.memory_space<vmem>> -> memref<1x2048xi32, #tpu.memory_space<vmem>>
    %dma_start3A_169 = tpu.memref_squeeze %dma_start3A_168 : memref<1x2048xi32, #tpu.memory_space<vmem>> -> memref<2048xi32, #tpu.memory_space<vmem>>
    %dma_start3A_170 = arith.constant 4096 : i32
    %dma_start3A_171 = tpu.memref_slice %arg3[%dma_start3A_170] : memref<16384xi32, #tpu.memory_space<hbm>> -> memref<2048xi32, #tpu.memory_space<hbm>>
    tpu.enqueue_dma source(%dma_start3A_171 : memref<2048xi32, #tpu.memory_space<hbm>>) target(%dma_start3A_169 : memref<2048xi32, #tpu.memory_space<vmem>>) target_semaphore(%arg19 : memref<!tpu.dma_semaphore, #tpu.memory_space<semaphore_mem>>)
    %parallel_loop3A_172 = arith.constant 0 : i32
    %parallel_loop3A_173 = arith.constant 128 : i32
    %parallel_loop3A_174 = arith.constant 1 : i32
    scf.for %parallel_loop3A_852 = %parallel_loop3A_172 to %parallel_loop3A_173 step %parallel_loop3A_174  : i32 {
      %parallel_loop3A_853 = arith.constant 16 : i32
      %parallel_loop3A_854 = arith.muli %parallel_loop3A_852, %parallel_loop3A_853 : i32
      %parallel_loop3A_855 = arith.constant 1 : i32
      %parallel_loop3A_856 = arith.index_cast %parallel_loop3A_855 : i32 to index
      %parallel_loop3A_857 = arith.index_cast %parallel_loop3A_854 : i32 to index
      %parallel_loop3A_858 = tpu.vector_load %arg8[%parallel_loop3A_856, %parallel_loop3A_857] {strides = array<i32>} : memref<2x2048xi32, #tpu.memory_space<vmem>>, vector<16xi32>,
      %parallel_loop3A_859 = arith.constant 16 : i32
      %parallel_loop3A_860 = arith.muli %parallel_loop3A_852, %parallel_loop3A_859 : i32
      %parallel_loop3A_861 = arith.constant 2049 : i32
      %parallel_loop3A_862 = arith.addi %parallel_loop3A_861, %parallel_loop3A_860 : i32
      %parallel_loop3A_863 = vector.broadcast %parallel_loop3A_862 : i32 to vector<16xi32>
      %parallel_loop3A_864 = arith.addi %parallel_loop3A_863, %iota3A : vector<16xi32>
      tpu.vector_store_idx %arg7[%parallel_loop3A_858], %parallel_loop3A_864 : memref<100000xi32, #tpu.memory_space<vmem>>[vector<16xi32>], vector<16xi32>,
    } {sc.loop_unroll_factor = 4 : i64, sc.parallel_access}
    %lt3A_175 = arith.constant 0 : i32
    %lt3A_176 = vector.broadcast %lt3A_175 : i32 to vector<16xi32>
    %lt3A_177 = arith.cmpi slt, %iota3A, %lt3A_176 : vector<16xi32>
    %scan3A_178 = arith.constant 0 : i32
    %scan3A_179 = arith.constant 128 : i32
    %scan3A_180 = arith.addi %scan3A_178, %scan3A_179 : i32
    %scan3A_181 = arith.constant 8 : i32
    %scan3A_182 = scf.for %scan3A_852 = %scan3A_178 to %scan3A_180 step %scan3A_181 iter_args(%scan3A_853 = %lt3A_177) -> (vector<16xi1>)  : i32 {
      %mul3A_854 = arith.constant 16 : i32
      %mul3A_855 = arith.muli %scan3A_852, %mul3A_854 : i32
      %get3A_856 = arith.constant 1 : i32
      %get3A_857 = arith.index_cast %get3A_856 : i32 to index
      %get3A_858 = arith.index_cast %mul3A_855 : i32 to index
      %get3A_859 = tpu.vector_load %arg8[%get3A_857, %get3A_858] {strides = array<i32>} : memref<2x2048xi32, #tpu.memory_space<vmem>>, vector<16xi32>,
      %mul3A_860 = arith.constant 16 : i32
      %mul3A_861 = arith.muli %scan3A_852, %mul3A_860 : i32
      %add3A_862 = arith.constant 2049 : i32
      %add3A_863 = arith.addi %add3A_862, %mul3A_861 : i32
      %add3A_864 = vector.broadcast %add3A_863 : i32 to vector<16xi32>
      %add3A_865 = arith.addi %add3A_864, %iota3A : vector<16xi32>
      %gather3A = tpu.vector_load_idx %arg7[%get3A_859] : memref<100000xi32, #tpu.memory_space<vmem>>[vector<16xi32>], vector<16xi32>,
      %lt3A_866 = arith.cmpi slt, %gather3A, %add3A_865 : vector<16xi32>
      %or3A = arith.ori %scan3A_853, %lt3A_866 : vector<16xi1>
      %scan3A_867 = arith.constant 1 : i32
      %scan3A_868 = arith.addi %scan3A_852, %scan3A_867 : i32
      %mul3A_869 = arith.constant 16 : i32
      %mul3A_870 = arith.muli %scan3A_868, %mul3A_869 : i32
      %get3A_871 = arith.constant 1 : i32
      %get3A_872 = arith.index_cast %get3A_871 : i32 to index
      %get3A_873 = arith.index_cast %mul3A_870 : i32 to index
      %get3A_874 = tpu.vector_load %arg8[%get3A_872, %get3A_873] {strides = array<i32>} : memref<2x2048xi32, #tpu.memory_space<vmem>>, vector<16xi32>,
      %mul3A_875 = arith.constant 16 : i32
      %mul3A_876 = arith.muli %scan3A_868, %mul3A_875 : i32
      %add3A_877 = arith.constant 2049 : i32
      %add3A_878 = arith.addi %add3A_877, %mul3A_876 : i32
      %add3A_879 = vector.broadcast %add3A_878 : i32 to vector<16xi32>
      %add3A_880 = arith.addi %add3A_879, %iota3A : vector<16xi32>
      %gather3A_881 = tpu.vector_load_idx %arg7[%get3A_874] : memref<100000xi32, #tpu.memory_space<vmem>>[vector<16xi32>], vector<16xi32>,
      %lt3A_882 = arith.cmpi slt, %gather3A_881, %add3A_880 : vector<16xi32>
      %or3A_883 = arith.ori %or3A, %lt3A_882 : vector<16xi1>
      %scan3A_884 = arith.constant 2 : i32
      %scan3A_885 = arith.addi %scan3A_852, %scan3A_884 : i32
      %mul3A_886 = arith.constant 16 : i32
      %mul3A_887 = arith.muli %scan3A_885, %mul3A_886 : i32
      %get3A_888 = arith.constant 1 : i32
      %get3A_889 = arith.index_cast %get3A_888 : i32 to index
      %get3A_890 = arith.index_cast %mul3A_887 : i32 to index
      %get3A_891 = tpu.vector_load %arg8[%get3A_889, %get3A_890] {strides = array<i32>} : memref<2x2048xi32, #tpu.memory_space<vmem>>, vector<16xi32>,
      %mul3A_892 = arith.constant 16 : i32
      %mul3A_893 = arith.muli %scan3A_885, %mul3A_892 : i32
      %add3A_894 = arith.constant 2049 : i32
      %add3A_895 = arith.addi %add3A_894, %mul3A_893 : i32
      %add3A_896 = vector.broadcast %add3A_895 : i32 to vector<16xi32>
      %add3A_897 = arith.addi %add3A_896, %iota3A : vector<16xi32>
      %gather3A_898 = tpu.vector_load_idx %arg7[%get3A_891] : memref<100000xi32, #tpu.memory_space<vmem>>[vector<16xi32>], vector<16xi32>,
      %lt3A_899 = arith.cmpi slt, %gather3A_898, %add3A_897 : vector<16xi32>
      %or3A_900 = arith.ori %or3A_883, %lt3A_899 : vector<16xi1>
      %scan3A_901 = arith.constant 3 : i32
      %scan3A_902 = arith.addi %scan3A_852, %scan3A_901 : i32
      %mul3A_903 = arith.constant 16 : i32
      %mul3A_904 = arith.muli %scan3A_902, %mul3A_903 : i32
      %get3A_905 = arith.constant 1 : i32
      %get3A_906 = arith.index_cast %get3A_905 : i32 to index
      %get3A_907 = arith.index_cast %mul3A_904 : i32 to index
      %get3A_908 = tpu.vector_load %arg8[%get3A_906, %get3A_907] {strides = array<i32>} : memref<2x2048xi32, #tpu.memory_space<vmem>>, vector<16xi32>,
      %mul3A_909 = arith.constant 16 : i32
      %mul3A_910 = arith.muli %scan3A_902, %mul3A_909 : i32
      %add3A_911 = arith.constant 2049 : i32
      %add3A_912 = arith.addi %add3A_911, %mul3A_910 : i32
      %add3A_913 = vector.broadcast %add3A_912 : i32 to vector<16xi32>
      %add3A_914 = arith.addi %add3A_913, %iota3A : vector<16xi32>
      %gather3A_915 = tpu.vector_load_idx %arg7[%get3A_908] : memref<100000xi32, #tpu.memory_space<vmem>>[vector<16xi32>], vector<16xi32>,
      %lt3A_916 = arith.cmpi slt, %gather3A_915, %add3A_914 : vector<16xi32>
      %or3A_917 = arith.ori %or3A_900, %lt3A_916 : vector<16xi1>
      %scan3A_918 = arith.constant 4 : i32
      %scan3A_919 = arith.addi %scan3A_852, %scan3A_918 : i32
      %mul3A_920 = arith.constant 16 : i32
      %mul3A_921 = arith.muli %scan3A_919, %mul3A_920 : i32
      %get3A_922 = arith.constant 1 : i32
      %get3A_923 = arith.index_cast %get3A_922 : i32 to index
      %get3A_924 = arith.index_cast %mul3A_921 : i32 to index
      %get3A_925 = tpu.vector_load %arg8[%get3A_923, %get3A_924] {strides = array<i32>} : memref<2x2048xi32, #tpu.memory_space<vmem>>, vector<16xi32>,
      %mul3A_926 = arith.constant 16 : i32
      %mul3A_927 = arith.muli %scan3A_919, %mul3A_926 : i32
      %add3A_928 = arith.constant 2049 : i32
      %add3A_929 = arith.addi %add3A_928, %mul3A_927 : i32
      %add3A_930 = vector.broadcast %add3A_929 : i32 to vector<16xi32>
      %add3A_931 = arith.addi %add3A_930, %iota3A : vector<16xi32>
      %gather3A_932 = tpu.vector_load_idx %arg7[%get3A_925] : memref<100000xi32, #tpu.memory_space<vmem>>[vector<16xi32>], vector<16xi32>,
      %lt3A_933 = arith.cmpi slt, %gather3A_932, %add3A_931 : vector<16xi32>
      %or3A_934 = arith.ori %or3A_917, %lt3A_933 : vector<16xi1>
      %scan3A_935 = arith.constant 5 : i32
      %scan3A_936 = arith.addi %scan3A_852, %scan3A_935 : i32
      %mul3A_937 = arith.constant 16 : i32
      %mul3A_938 = arith.muli %scan3A_936, %mul3A_937 : i32
      %get3A_939 = arith.constant 1 : i32
      %get3A_940 = arith.index_cast %get3A_939 : i32 to index
      %get3A_941 = arith.index_cast %mul3A_938 : i32 to index
      %get3A_942 = tpu.vector_load %arg8[%get3A_940, %get3A_941] {strides = array<i32>} : memref<2x2048xi32, #tpu.memory_space<vmem>>, vector<16xi32>,
      %mul3A_943 = arith.constant 16 : i32
      %mul3A_944 = arith.muli %scan3A_936, %mul3A_943 : i32
      %add3A_945 = arith.constant 2049 : i32
      %add3A_946 = arith.addi %add3A_945, %mul3A_944 : i32
      %add3A_947 = vector.broadcast %add3A_946 : i32 to vector<16xi32>
      %add3A_948 = arith.addi %add3A_947, %iota3A : vector<16xi32>
      %gather3A_949 = tpu.vector_load_idx %arg7[%get3A_942] : memref<100000xi32, #tpu.memory_space<vmem>>[vector<16xi32>], vector<16xi32>,
      %lt3A_950 = arith.cmpi slt, %gather3A_949, %add3A_948 : vector<16xi32>
      %or3A_951 = arith.ori %or3A_934, %lt3A_950 : vector<16xi1>
      %scan3A_952 = arith.constant 6 : i32
      %scan3A_953 = arith.addi %scan3A_852, %scan3A_952 : i32
      %mul3A_954 = arith.constant 16 : i32
      %mul3A_955 = arith.muli %scan3A_953, %mul3A_954 : i32
      %get3A_956 = arith.constant 1 : i32
      %get3A_957 = arith.index_cast %get3A_956 : i32 to index
      %get3A_958 = arith.index_cast %mul3A_955 : i32 to index
      %get3A_959 = tpu.vector_load %arg8[%get3A_957, %get3A_958] {strides = array<i32>} : memref<2x2048xi32, #tpu.memory_space<vmem>>, vector<16xi32>,
      %mul3A_960 = arith.constant 16 : i32
      %mul3A_961 = arith.muli %scan3A_953, %mul3A_960 : i32
      %add3A_962 = arith.constant 2049 : i32
      %add3A_963 = arith.addi %add3A_962, %mul3A_961 : i32
      %add3A_964 = vector.broadcast %add3A_963 : i32 to vector<16xi32>
      %add3A_965 = arith.addi %add3A_964, %iota3A : vector<16xi32>
      %gather3A_966 = tpu.vector_load_idx %arg7[%get3A_959] : memref<100000xi32, #tpu.memory_space<vmem>>[vector<16xi32>], vector<16xi32>,
      %lt3A_967 = arith.cmpi slt, %gather3A_966, %add3A_965 : vector<16xi32>
      %or3A_968 = arith.ori %or3A_951, %lt3A_967 : vector<16xi1>
      %scan3A_969 = arith.constant 7 : i32
      %scan3A_970 = arith.addi %scan3A_852, %scan3A_969 : i32
      %mul3A_971 = arith.constant 16 : i32
      %mul3A_972 = arith.muli %scan3A_970, %mul3A_971 : i32
      %get3A_973 = arith.constant 1 : i32
      %get3A_974 = arith.index_cast %get3A_973 : i32 to index
      %get3A_975 = arith.index_cast %mul3A_972 : i32 to index
      %get3A_976 = tpu.vector_load %arg8[%get3A_974, %get3A_975] {strides = array<i32>} : memref<2x2048xi32, #tpu.memory_space<vmem>>, vector<16xi32>,
      %mul3A_977 = arith.constant 16 : i32
      %mul3A_978 = arith.muli %scan3A_970, %mul3A_977 : i32
      %add3A_979 = arith.constant 2049 : i32
      %add3A_980 = arith.addi %add3A_979, %mul3A_978 : i32
      %add3A_981 = vector.broadcast %add3A_980 : i32 to vector<16xi32>
      %add3A_982 = arith.addi %add3A_981, %iota3A : vector<16xi32>
      %gather3A_983 = tpu.vector_load_idx %arg7[%get3A_976] : memref<100000xi32, #tpu.memory_space<vmem>>[vector<16xi32>], vector<16xi32>,
      %lt3A_984 = arith.cmpi slt, %gather3A_983, %add3A_982 : vector<16xi32>
      %or3A_985 = arith.ori %or3A_968, %lt3A_984 : vector<16xi1>
      scf.yield %or3A_985 : vector<16xi1>
    }
    %scan3A_183 = arith.constant 128 : i32
    %reduce_or3A_184 = arith.constant 1.000000e+00 : f32
    %reduce_or3A_185 = arith.constant 0.000000e+00 : f32
    %reduce_or3A_186 = vector.broadcast %reduce_or3A_184 : f32 to vector<16xf32>
    %reduce_or3A_187 = vector.broadcast %reduce_or3A_185 : f32 to vector<16xf32>
    %reduce_or3A_188 = arith.select %scan3A_182, %reduce_or3A_186, %reduce_or3A_187 : vector<16xi1>, vector<16xf32>
    %reduce_or3A_189 = arith.constant true
    %reduce_or3A_190 = vector.broadcast %reduce_or3A_189 : i1 to vector<16xi1>
    %reduce_or3A_191 = tpu.scan <max>, %reduce_or3A_188 masked %reduce_or3A_190 : vector<16xf32>, vector<16xi1> -> vector<16xf32>
    %reduce_or3A_192 = vector.extract %reduce_or3A_191[15] : f32 from vector<16xf32>
    %reduce_or3A_193 = arith.constant 0.000000e+00 : f32
    %reduce_or3A_194 = arith.cmpf ogt, %reduce_or3A_192, %reduce_or3A_193 : f32
    %convert_element_type3A_195 = arith.extui %reduce_or3A_194 : i1 to i32
    %cond3A_196 = arith.constant 0 : i32
    %cond3A_197 = arith.cmpi ne, %convert_element_type3A_195, %cond3A_196 : i32
    scf.if %cond3A_197 {
      %scan3A_852 = arith.constant 0 : i32
      %scan3A_853 = arith.constant 0 : i32
      %scan3A_854 = arith.constant 128 : i32
      %scan3A_855 = arith.addi %scan3A_853, %scan3A_854 : i32
      %scan3A_856 = arith.constant 1 : i32
      %scan3A_857 = scf.for %scan3A_859 = %scan3A_853 to %scan3A_855 step %scan3A_856 iter_args(%scan3A_860 = %scan3A_852) -> (i32)  : i32 {
        %mul3A_861 = arith.constant 16 : i32
        %mul3A_862 = arith.muli %scan3A_859, %mul3A_861 : i32
        %get3A_863 = arith.constant 1 : i32
        %get3A_864 = arith.index_cast %get3A_863 : i32 to index
        %get3A_865 = arith.index_cast %mul3A_862 : i32 to index
        %get3A_866 = tpu.vector_load %arg8[%get3A_864, %get3A_865] {strides = array<i32>} : memref<2x2048xi32, #tpu.memory_space<vmem>>, vector<16xi32>,
        %broadcast_in_dim3A_867 = arith.constant true
        %broadcast_in_dim3A_868 = vector.broadcast %broadcast_in_dim3A_867 : i1 to vector<16xi1>
        %unique3A, %unique3A_869 = tpu.scan_count mask(%broadcast_in_dim3A_868 : vector<16xi1>) value(%get3A_866 : vector<16xi32>) : vector<16xi1>, vector<16xi32>
        %mul3A_870 = arith.constant 16 : i32
        %mul3A_871 = arith.muli %scan3A_859, %mul3A_870 : i32
        %add3A_872 = arith.constant 2049 : i32
        %add3A_873 = arith.addi %add3A_872, %mul3A_871 : i32
        %add3A_874 = vector.broadcast %add3A_873 : i32 to vector<16xi32>
        %add3A_875 = arith.addi %add3A_874, %iota3A : vector<16xi32>
        %gather3A = tpu.vector_load_idx %arg7[%get3A_866] : memref<100000xi32, #tpu.memory_space<vmem>>[vector<16xi32>], vector<16xi32>,
        %lt3A_876 = arith.cmpi slt, %gather3A, %add3A_875 : vector<16xi32>
        %and3A_877 = arith.andi %unique3A, %lt3A_876 : vector<16xi1>
        tpu.vector_store_idx %arg7[%get3A_866], %add3A_875 masked %and3A_877 : memref<100000xi32, #tpu.memory_space<vmem>>[vector<16xi32>], vector<16xi32>, vector<16xi1>
        %scan3A_878 = arith.constant 0 : i32
        scf.yield %scan3A_878 : i32
      }
      %scan3A_858 = arith.constant 128 : i32
    } else {
    }
    %dma_wait3A_198 = arith.constant 1 : i32
    %dma_wait3A_199 = arith.constant 0 : i32
    %dma_wait3A_200 = arith.constant 0 : i32
    %dma_wait3A_201 = tpu.memref_slice %arg12[%dma_wait3A_198, %dma_wait3A_199, %dma_wait3A_200] : memref<2x64x128xf32, #tpu.memory_space<vmem>> -> memref<1x64x128xf32, #tpu.memory_space<vmem>>
    %dma_wait3A_202 = tpu.memref_squeeze %dma_wait3A_201 : memref<1x64x128xf32, #tpu.memory_space<vmem>> -> memref<64x128xf32, #tpu.memory_space<vmem>>
    %dma_wait3A_203 = arith.constant 0 : i32
    %dma_wait3A_204 = tpu.memref_slice %arg6[%add3A_136, %dma_wait3A_203] : memref<16384x128xf32, #tpu.memory_space<hbm>> -> memref<64x128xf32, #tpu.memory_space<hbm>>
    %dma_wait3A_205 = arith.constant 0 : i32
    %dma_wait3A_206 = tpu.memref_slice %arg6[%add3A_136, %dma_wait3A_205] : memref<16384x128xf32, #tpu.memory_space<hbm>> -> memref<64x128xf32, #tpu.memory_space<hbm>>
    %dma_wait3A_207 = arith.constant 0 : i32
    %dma_wait3A_208 = arith.constant 0 : i32
    %dma_wait3A_209 = tpu.memref_slice %arg12[%dma_wait3A_198, %dma_wait3A_207, %dma_wait3A_208] : memref<2x64x128xf32, #tpu.memory_space<vmem>> -> memref<1x64x128xf32, #tpu.memory_space<vmem>>
    %dma_wait3A_210 = tpu.memref_squeeze %dma_wait3A_209 : memref<1x64x128xf32, #tpu.memory_space<vmem>> -> memref<64x128xf32, #tpu.memory_space<vmem>>
    tpu.wait_dma2 semaphore(%arg17 : memref<!tpu.dma_semaphore, #tpu.memory_space<semaphore_mem>>) src(%dma_wait3A_210 : memref<64x128xf32, #tpu.memory_space<vmem>>) dst(%dma_wait3A_206 : memref<64x128xf32, #tpu.memory_space<hbm>>)
    %dma_start3A_211 = arith.constant 1 : i32
    %dma_start3A_212 = arith.constant 0 : i32
    %dma_start3A_213 = arith.constant 0 : i32
    %dma_start3A_214 = tpu.memref_slice %arg12[%dma_start3A_211, %dma_start3A_212, %dma_start3A_213] : memref<2x64x128xf32, #tpu.memory_space<vmem>> -> memref<1x64x128xf32, #tpu.memory_space<vmem>>
    %dma_start3A_215 = tpu.memref_squeeze %dma_start3A_214 : memref<1x64x128xf32, #tpu.memory_space<vmem>> -> memref<64x128xf32, #tpu.memory_space<vmem>>
    %dma_start3A_216 = arith.constant 192 : i32
    %dma_start3A_217 = tpu.memref_slice %arg9[%dma_start3A_216] : memref<512xi32, #tpu.memory_space<vmem>> -> memref<64xi32, #tpu.memory_space<vmem>>
    %dma_start3A_218 = arith.constant 0 : i32
    %dma_start3A_219 = arith.constant 0 : i32
    %dma_start3A_220 = tpu.memref_slice %arg2[%dma_start3A_218, %dma_start3A_219] : memref<100000x128xf32, #tpu.memory_space<hbm>> -> memref<100000x128xf32, #tpu.memory_space<hbm>>
    tpu.enqueue_indirect_dma source(%dma_start3A_220 : memref<100000x128xf32, #tpu.memory_space<hbm>>) target(%dma_start3A_215 : memref<64x128xf32, #tpu.memory_space<vmem>>) offsets(%dma_start3A_217 : memref<64xi32, #tpu.memory_space<vmem>>) semaphore(%arg14 : memref<!tpu.dma_semaphore, #tpu.memory_space<semaphore_mem>>)
    %dma_wait3A_221 = arith.constant 0 : i32
    %dma_wait3A_222 = arith.constant 0 : i32
    %dma_wait3A_223 = arith.constant 0 : i32
    %dma_wait3A_224 = tpu.memref_slice %arg12[%dma_wait3A_221, %dma_wait3A_222, %dma_wait3A_223] : memref<2x64x128xf32, #tpu.memory_space<vmem>> -> memref<1x64x128xf32, #tpu.memory_space<vmem>>
    %dma_wait3A_225 = tpu.memref_squeeze %dma_wait3A_224 : memref<1x64x128xf32, #tpu.memory_space<vmem>> -> memref<64x128xf32, #tpu.memory_space<vmem>>
    %dma_wait3A_226 = arith.constant 128 : i32
    %dma_wait3A_227 = tpu.memref_slice %arg9[%dma_wait3A_226] : memref<512xi32, #tpu.memory_space<vmem>> -> memref<64xi32, #tpu.memory_space<vmem>>
    %dma_wait3A_228 = arith.constant 0 : i32
    %dma_wait3A_229 = arith.constant 0 : i32
    %dma_wait3A_230 = tpu.memref_slice %arg2[%dma_wait3A_228, %dma_wait3A_229] : memref<100000x128xf32, #tpu.memory_space<hbm>> -> memref<100000x128xf32, #tpu.memory_space<hbm>>
    tpu.wait_indirect_dma semaphore(%arg13 : memref<!tpu.dma_semaphore, #tpu.memory_space<semaphore_mem>>) src(%dma_wait3A_230 : memref<100000x128xf32, #tpu.memory_space<hbm>>) dst(%dma_wait3A_225 : memref<64x128xf32, #tpu.memory_space<vmem>>)
    %add3A_231 = arith.constant 128 : i32
    %add3A_232 = arith.addi %mul3A_2, %add3A_231 : i32
    %dma_start3A_233 = arith.constant 0 : i32
    %dma_start3A_234 = arith.constant 0 : i32
    %dma_start3A_235 = arith.constant 0 : i32
    %dma_start3A_236 = tpu.memref_slice %arg12[%dma_start3A_233, %dma_start3A_234, %dma_start3A_235] : memref<2x64x128xf32, #tpu.memory_space<vmem>> -> memref<1x64x128xf32, #tpu.memory_space<vmem>>
    %dma_start3A_237 = tpu.memref_squeeze %dma_start3A_236 : memref<1x64x128xf32, #tpu.memory_space<vmem>> -> memref<64x128xf32, #tpu.memory_space<vmem>>
    %dma_start3A_238 = arith.constant 0 : i32
    %dma_start3A_239 = tpu.memref_slice %arg6[%add3A_232, %dma_start3A_238] : memref<16384x128xf32, #tpu.memory_space<hbm>> -> memref<64x128xf32, #tpu.memory_space<hbm>>
    %dma_start3A_240 = arith.constant 0 : i32
    %dma_start3A_241 = tpu.memref_slice %arg6[%add3A_232, %dma_start3A_240] : memref<16384x128xf32, #tpu.memory_space<hbm>> -> memref<64x128xf32, #tpu.memory_space<hbm>>
    %dma_start3A_242 = arith.constant 0 : i32
    %dma_start3A_243 = arith.constant 0 : i32
    %dma_start3A_244 = tpu.memref_slice %arg12[%dma_start3A_233, %dma_start3A_242, %dma_start3A_243] : memref<2x64x128xf32, #tpu.memory_space<vmem>> -> memref<1x64x128xf32, #tpu.memory_space<vmem>>
    %dma_start3A_245 = tpu.memref_squeeze %dma_start3A_244 : memref<1x64x128xf32, #tpu.memory_space<vmem>> -> memref<64x128xf32, #tpu.memory_space<vmem>>
    tpu.enqueue_dma source(%dma_start3A_245 : memref<64x128xf32, #tpu.memory_space<vmem>>) target(%dma_start3A_241 : memref<64x128xf32, #tpu.memory_space<hbm>>) target_semaphore(%arg16 : memref<!tpu.dma_semaphore, #tpu.memory_space<semaphore_mem>>)
    %dma_wait3A_246 = arith.constant 0 : i32
    %dma_wait3A_247 = arith.constant 0 : i32
    %dma_wait3A_248 = tpu.memref_slice %arg8[%dma_wait3A_246, %dma_wait3A_247] : memref<2x2048xi32, #tpu.memory_space<vmem>> -> memref<1x2048xi32, #tpu.memory_space<vmem>>
    %dma_wait3A_249 = tpu.memref_squeeze %dma_wait3A_248 : memref<1x2048xi32, #tpu.memory_space<vmem>> -> memref<2048xi32, #tpu.memory_space<vmem>>
    %dma_wait3A_250 = arith.constant 4096 : i32
    %dma_wait3A_251 = tpu.memref_slice %arg3[%dma_wait3A_250] : memref<16384xi32, #tpu.memory_space<hbm>> -> memref<2048xi32, #tpu.memory_space<hbm>>
    %dma_wait3A_252 = arith.constant 0 : i32
    %dma_wait3A_253 = tpu.memref_slice %arg8[%dma_wait3A_246, %dma_wait3A_252] : memref<2x2048xi32, #tpu.memory_space<vmem>> -> memref<1x2048xi32, #tpu.memory_space<vmem>>
    %dma_wait3A_254 = tpu.memref_squeeze %dma_wait3A_253 : memref<1x2048xi32, #tpu.memory_space<vmem>> -> memref<2048xi32, #tpu.memory_space<vmem>>
    %dma_wait3A_255 = arith.constant 4096 : i32
    %dma_wait3A_256 = tpu.memref_slice %arg3[%dma_wait3A_255] : memref<16384xi32, #tpu.memory_space<hbm>> -> memref<2048xi32, #tpu.memory_space<hbm>>
    tpu.wait_dma2 semaphore(%arg19 : memref<!tpu.dma_semaphore, #tpu.memory_space<semaphore_mem>>) src(%dma_wait3A_256 : memref<2048xi32, #tpu.memory_space<hbm>>) dst(%dma_wait3A_254 : memref<2048xi32, #tpu.memory_space<vmem>>)
    %dma_start3A_257 = arith.constant 1 : i32
    %dma_start3A_258 = arith.constant 0 : i32
    %dma_start3A_259 = tpu.memref_slice %arg8[%dma_start3A_257, %dma_start3A_258] : memref<2x2048xi32, #tpu.memory_space<vmem>> -> memref<1x2048xi32, #tpu.memory_space<vmem>>
    %dma_start3A_260 = tpu.memref_squeeze %dma_start3A_259 : memref<1x2048xi32, #tpu.memory_space<vmem>> -> memref<2048xi32, #tpu.memory_space<vmem>>
    %dma_start3A_261 = arith.constant 6144 : i32
    %dma_start3A_262 = tpu.memref_slice %arg3[%dma_start3A_261] : memref<16384xi32, #tpu.memory_space<hbm>> -> memref<2048xi32, #tpu.memory_space<hbm>>
    %dma_start3A_263 = arith.constant 0 : i32
    %dma_start3A_264 = tpu.memref_slice %arg8[%dma_start3A_257, %dma_start3A_263] : memref<2x2048xi32, #tpu.memory_space<vmem>> -> memref<1x2048xi32, #tpu.memory_space<vmem>>
    %dma_start3A_265 = tpu.memref_squeeze %dma_start3A_264 : memref<1x2048xi32, #tpu.memory_space<vmem>> -> memref<2048xi32, #tpu.memory_space<vmem>>
    %dma_start3A_266 = arith.constant 6144 : i32
    %dma_start3A_267 = tpu.memref_slice %arg3[%dma_start3A_266] : memref<16384xi32, #tpu.memory_space<hbm>> -> memref<2048xi32, #tpu.memory_space<hbm>>
    tpu.enqueue_dma source(%dma_start3A_267 : memref<2048xi32, #tpu.memory_space<hbm>>) target(%dma_start3A_265 : memref<2048xi32, #tpu.memory_space<vmem>>) target_semaphore(%arg20 : memref<!tpu.dma_semaphore, #tpu.memory_space<semaphore_mem>>)
    %parallel_loop3A_268 = arith.constant 0 : i32
    %parallel_loop3A_269 = arith.constant 128 : i32
    %parallel_loop3A_270 = arith.constant 1 : i32
    scf.for %parallel_loop3A_852 = %parallel_loop3A_268 to %parallel_loop3A_269 step %parallel_loop3A_270  : i32 {
      %parallel_loop3A_853 = arith.constant 16 : i32
      %parallel_loop3A_854 = arith.muli %parallel_loop3A_852, %parallel_loop3A_853 : i32
      %parallel_loop3A_855 = arith.constant 0 : i32
      %parallel_loop3A_856 = arith.index_cast %parallel_loop3A_855 : i32 to index
      %parallel_loop3A_857 = arith.index_cast %parallel_loop3A_854 : i32 to index
      %parallel_loop3A_858 = tpu.vector_load %arg8[%parallel_loop3A_856, %parallel_loop3A_857] {strides = array<i32>} : memref<2x2048xi32, #tpu.memory_space<vmem>>, vector<16xi32>,
      %parallel_loop3A_859 = arith.constant 16 : i32
      %parallel_loop3A_860 = arith.muli %parallel_loop3A_852, %parallel_loop3A_859 : i32
      %parallel_loop3A_861 = arith.constant 4097 : i32
      %parallel_loop3A_862 = arith.addi %parallel_loop3A_861, %parallel_loop3A_860 : i32
      %parallel_loop3A_863 = vector.broadcast %parallel_loop3A_862 : i32 to vector<16xi32>
      %parallel_loop3A_864 = arith.addi %parallel_loop3A_863, %iota3A : vector<16xi32>
      tpu.vector_store_idx %arg7[%parallel_loop3A_858], %parallel_loop3A_864 : memref<100000xi32, #tpu.memory_space<vmem>>[vector<16xi32>], vector<16xi32>,
    } {sc.loop_unroll_factor = 4 : i64, sc.parallel_access}
    %lt3A_271 = arith.constant 0 : i32
    %lt3A_272 = vector.broadcast %lt3A_271 : i32 to vector<16xi32>
    %lt3A_273 = arith.cmpi slt, %iota3A, %lt3A_272 : vector<16xi32>
    %scan3A_274 = arith.constant 0 : i32
    %scan3A_275 = arith.constant 128 : i32
    %scan3A_276 = arith.addi %scan3A_274, %scan3A_275 : i32
    %scan3A_277 = arith.constant 8 : i32
    %scan3A_278 = scf.for %scan3A_852 = %scan3A_274 to %scan3A_276 step %scan3A_277 iter_args(%scan3A_853 = %lt3A_273) -> (vector<16xi1>)  : i32 {
      %mul3A_854 = arith.constant 16 : i32
      %mul3A_855 = arith.muli %scan3A_852, %mul3A_854 : i32
      %get3A_856 = arith.constant 0 : i32
      %get3A_857 = arith.index_cast %get3A_856 : i32 to index
      %get3A_858 = arith.index_cast %mul3A_855 : i32 to index
      %get3A_859 = tpu.vector_load %arg8[%get3A_857, %get3A_858] {strides = array<i32>} : memref<2x2048xi32, #tpu.memory_space<vmem>>, vector<16xi32>,
      %mul3A_860 = arith.constant 16 : i32
      %mul3A_861 = arith.muli %scan3A_852, %mul3A_860 : i32
      %add3A_862 = arith.constant 4097 : i32
      %add3A_863 = arith.addi %add3A_862, %mul3A_861 : i32
      %add3A_864 = vector.broadcast %add3A_863 : i32 to vector<16xi32>
      %add3A_865 = arith.addi %add3A_864, %iota3A : vector<16xi32>
      %gather3A = tpu.vector_load_idx %arg7[%get3A_859] : memref<100000xi32, #tpu.memory_space<vmem>>[vector<16xi32>], vector<16xi32>,
      %lt3A_866 = arith.cmpi slt, %gather3A, %add3A_865 : vector<16xi32>
      %or3A = arith.ori %scan3A_853, %lt3A_866 : vector<16xi1>
      %scan3A_867 = arith.constant 1 : i32
      %scan3A_868 = arith.addi %scan3A_852, %scan3A_867 : i32
      %mul3A_869 = arith.constant 16 : i32
      %mul3A_870 = arith.muli %scan3A_868, %mul3A_869 : i32
      %get3A_871 = arith.constant 0 : i32
      %get3A_872 = arith.index_cast %get3A_871 : i32 to index
      %get3A_873 = arith.index_cast %mul3A_870 : i32 to index
      %get3A_874 = tpu.vector_load %arg8[%get3A_872, %get3A_873] {strides = array<i32>} : memref<2x2048xi32, #tpu.memory_space<vmem>>, vector<16xi32>,
      %mul3A_875 = arith.constant 16 : i32
      %mul3A_876 = arith.muli %scan3A_868, %mul3A_875 : i32
      %add3A_877 = arith.constant 4097 : i32
      %add3A_878 = arith.addi %add3A_877, %mul3A_876 : i32
      %add3A_879 = vector.broadcast %add3A_878 : i32 to vector<16xi32>
      %add3A_880 = arith.addi %add3A_879, %iota3A : vector<16xi32>
      %gather3A_881 = tpu.vector_load_idx %arg7[%get3A_874] : memref<100000xi32, #tpu.memory_space<vmem>>[vector<16xi32>], vector<16xi32>,
      %lt3A_882 = arith.cmpi slt, %gather3A_881, %add3A_880 : vector<16xi32>
      %or3A_883 = arith.ori %or3A, %lt3A_882 : vector<16xi1>
      %scan3A_884 = arith.constant 2 : i32
      %scan3A_885 = arith.addi %scan3A_852, %scan3A_884 : i32
      %mul3A_886 = arith.constant 16 : i32
      %mul3A_887 = arith.muli %scan3A_885, %mul3A_886 : i32
      %get3A_888 = arith.constant 0 : i32
      %get3A_889 = arith.index_cast %get3A_888 : i32 to index
      %get3A_890 = arith.index_cast %mul3A_887 : i32 to index
      %get3A_891 = tpu.vector_load %arg8[%get3A_889, %get3A_890] {strides = array<i32>} : memref<2x2048xi32, #tpu.memory_space<vmem>>, vector<16xi32>,
      %mul3A_892 = arith.constant 16 : i32
      %mul3A_893 = arith.muli %scan3A_885, %mul3A_892 : i32
      %add3A_894 = arith.constant 4097 : i32
      %add3A_895 = arith.addi %add3A_894, %mul3A_893 : i32
      %add3A_896 = vector.broadcast %add3A_895 : i32 to vector<16xi32>
      %add3A_897 = arith.addi %add3A_896, %iota3A : vector<16xi32>
      %gather3A_898 = tpu.vector_load_idx %arg7[%get3A_891] : memref<100000xi32, #tpu.memory_space<vmem>>[vector<16xi32>], vector<16xi32>,
      %lt3A_899 = arith.cmpi slt, %gather3A_898, %add3A_897 : vector<16xi32>
      %or3A_900 = arith.ori %or3A_883, %lt3A_899 : vector<16xi1>
      %scan3A_901 = arith.constant 3 : i32
      %scan3A_902 = arith.addi %scan3A_852, %scan3A_901 : i32
      %mul3A_903 = arith.constant 16 : i32
      %mul3A_904 = arith.muli %scan3A_902, %mul3A_903 : i32
      %get3A_905 = arith.constant 0 : i32
      %get3A_906 = arith.index_cast %get3A_905 : i32 to index
      %get3A_907 = arith.index_cast %mul3A_904 : i32 to index
      %get3A_908 = tpu.vector_load %arg8[%get3A_906, %get3A_907] {strides = array<i32>} : memref<2x2048xi32, #tpu.memory_space<vmem>>, vector<16xi32>,
      %mul3A_909 = arith.constant 16 : i32
      %mul3A_910 = arith.muli %scan3A_902, %mul3A_909 : i32
      %add3A_911 = arith.constant 4097 : i32
      %add3A_912 = arith.addi %add3A_911, %mul3A_910 : i32
      %add3A_913 = vector.broadcast %add3A_912 : i32 to vector<16xi32>
      %add3A_914 = arith.addi %add3A_913, %iota3A : vector<16xi32>
      %gather3A_915 = tpu.vector_load_idx %arg7[%get3A_908] : memref<100000xi32, #tpu.memory_space<vmem>>[vector<16xi32>], vector<16xi32>,
      %lt3A_916 = arith.cmpi slt, %gather3A_915, %add3A_914 : vector<16xi32>
      %or3A_917 = arith.ori %or3A_900, %lt3A_916 : vector<16xi1>
      %scan3A_918 = arith.constant 4 : i32
      %scan3A_919 = arith.addi %scan3A_852, %scan3A_918 : i32
      %mul3A_920 = arith.constant 16 : i32
      %mul3A_921 = arith.muli %scan3A_919, %mul3A_920 : i32
      %get3A_922 = arith.constant 0 : i32
      %get3A_923 = arith.index_cast %get3A_922 : i32 to index
      %get3A_924 = arith.index_cast %mul3A_921 : i32 to index
      %get3A_925 = tpu.vector_load %arg8[%get3A_923, %get3A_924] {strides = array<i32>} : memref<2x2048xi32, #tpu.memory_space<vmem>>, vector<16xi32>,
      %mul3A_926 = arith.constant 16 : i32
      %mul3A_927 = arith.muli %scan3A_919, %mul3A_926 : i32
      %add3A_928 = arith.constant 4097 : i32
      %add3A_929 = arith.addi %add3A_928, %mul3A_927 : i32
      %add3A_930 = vector.broadcast %add3A_929 : i32 to vector<16xi32>
      %add3A_931 = arith.addi %add3A_930, %iota3A : vector<16xi32>
      %gather3A_932 = tpu.vector_load_idx %arg7[%get3A_925] : memref<100000xi32, #tpu.memory_space<vmem>>[vector<16xi32>], vector<16xi32>,
      %lt3A_933 = arith.cmpi slt, %gather3A_932, %add3A_931 : vector<16xi32>
      %or3A_934 = arith.ori %or3A_917, %lt3A_933 : vector<16xi1>
      %scan3A_935 = arith.constant 5 : i32
      %scan3A_936 = arith.addi %scan3A_852, %scan3A_935 : i32
      %mul3A_937 = arith.constant 16 : i32
      %mul3A_938 = arith.muli %scan3A_936, %mul3A_937 : i32
      %get3A_939 = arith.constant 0 : i32
      %get3A_940 = arith.index_cast %get3A_939 : i32 to index
      %get3A_941 = arith.index_cast %mul3A_938 : i32 to index
      %get3A_942 = tpu.vector_load %arg8[%get3A_940, %get3A_941] {strides = array<i32>} : memref<2x2048xi32, #tpu.memory_space<vmem>>, vector<16xi32>,
      %mul3A_943 = arith.constant 16 : i32
      %mul3A_944 = arith.muli %scan3A_936, %mul3A_943 : i32
      %add3A_945 = arith.constant 4097 : i32
      %add3A_946 = arith.addi %add3A_945, %mul3A_944 : i32
      %add3A_947 = vector.broadcast %add3A_946 : i32 to vector<16xi32>
      %add3A_948 = arith.addi %add3A_947, %iota3A : vector<16xi32>
      %gather3A_949 = tpu.vector_load_idx %arg7[%get3A_942] : memref<100000xi32, #tpu.memory_space<vmem>>[vector<16xi32>], vector<16xi32>,
      %lt3A_950 = arith.cmpi slt, %gather3A_949, %add3A_948 : vector<16xi32>
      %or3A_951 = arith.ori %or3A_934, %lt3A_950 : vector<16xi1>
      %scan3A_952 = arith.constant 6 : i32
      %scan3A_953 = arith.addi %scan3A_852, %scan3A_952 : i32
      %mul3A_954 = arith.constant 16 : i32
      %mul3A_955 = arith.muli %scan3A_953, %mul3A_954 : i32
      %get3A_956 = arith.constant 0 : i32
      %get3A_957 = arith.index_cast %get3A_956 : i32 to index
      %get3A_958 = arith.index_cast %mul3A_955 : i32 to index
      %get3A_959 = tpu.vector_load %arg8[%get3A_957, %get3A_958] {strides = array<i32>} : memref<2x2048xi32, #tpu.memory_space<vmem>>, vector<16xi32>,
      %mul3A_960 = arith.constant 16 : i32
      %mul3A_961 = arith.muli %scan3A_953, %mul3A_960 : i32
      %add3A_962 = arith.constant 4097 : i32
      %add3A_963 = arith.addi %add3A_962, %mul3A_961 : i32
      %add3A_964 = vector.broadcast %add3A_963 : i32 to vector<16xi32>
      %add3A_965 = arith.addi %add3A_964, %iota3A : vector<16xi32>
      %gather3A_966 = tpu.vector_load_idx %arg7[%get3A_959] : memref<100000xi32, #tpu.memory_space<vmem>>[vector<16xi32>], vector<16xi32>,
      %lt3A_967 = arith.cmpi slt, %gather3A_966, %add3A_965 : vector<16xi32>
      %or3A_968 = arith.ori %or3A_951, %lt3A_967 : vector<16xi1>
      %scan3A_969 = arith.constant 7 : i32
      %scan3A_970 = arith.addi %scan3A_852, %scan3A_969 : i32
      %mul3A_971 = arith.constant 16 : i32
      %mul3A_972 = arith.muli %scan3A_970, %mul3A_971 : i32
      %get3A_973 = arith.constant 0 : i32
      %get3A_974 = arith.index_cast %get3A_973 : i32 to index
      %get3A_975 = arith.index_cast %mul3A_972 : i32 to index
      %get3A_976 = tpu.vector_load %arg8[%get3A_974, %get3A_975] {strides = array<i32>} : memref<2x2048xi32, #tpu.memory_space<vmem>>, vector<16xi32>,
      %mul3A_977 = arith.constant 16 : i32
      %mul3A_978 = arith.muli %scan3A_970, %mul3A_977 : i32
      %add3A_979 = arith.constant 4097 : i32
      %add3A_980 = arith.addi %add3A_979, %mul3A_978 : i32
      %add3A_981 = vector.broadcast %add3A_980 : i32 to vector<16xi32>
      %add3A_982 = arith.addi %add3A_981, %iota3A : vector<16xi32>
      %gather3A_983 = tpu.vector_load_idx %arg7[%get3A_976] : memref<100000xi32, #tpu.memory_space<vmem>>[vector<16xi32>], vector<16xi32>,
      %lt3A_984 = arith.cmpi slt, %gather3A_983, %add3A_982 : vector<16xi32>
      %or3A_985 = arith.ori %or3A_968, %lt3A_984 : vector<16xi1>
      scf.yield %or3A_985 : vector<16xi1>
    }
    %scan3A_279 = arith.constant 128 : i32
    %reduce_or3A_280 = arith.constant 1.000000e+00 : f32
    %reduce_or3A_281 = arith.constant 0.000000e+00 : f32
    %reduce_or3A_282 = vector.broadcast %reduce_or3A_280 : f32 to vector<16xf32>
    %reduce_or3A_283 = vector.broadcast %reduce_or3A_281 : f32 to vector<16xf32>
    %reduce_or3A_284 = arith.select %scan3A_278, %reduce_or3A_282, %reduce_or3A_283 : vector<16xi1>, vector<16xf32>
    %reduce_or3A_285 = arith.constant true
    %reduce_or3A_286 = vector.broadcast %reduce_or3A_285 : i1 to vector<16xi1>
    %reduce_or3A_287 = tpu.scan <max>, %reduce_or3A_284 masked %reduce_or3A_286 : vector<16xf32>, vector<16xi1> -> vector<16xf32>
    %reduce_or3A_288 = vector.extract %reduce_or3A_287[15] : f32 from vector<16xf32>
    %reduce_or3A_289 = arith.constant 0.000000e+00 : f32
    %reduce_or3A_290 = arith.cmpf ogt, %reduce_or3A_288, %reduce_or3A_289 : f32
    %convert_element_type3A_291 = arith.extui %reduce_or3A_290 : i1 to i32
    %cond3A_292 = arith.constant 0 : i32
    %cond3A_293 = arith.cmpi ne, %convert_element_type3A_291, %cond3A_292 : i32
    scf.if %cond3A_293 {
      %scan3A_852 = arith.constant 0 : i32
      %scan3A_853 = arith.constant 0 : i32
      %scan3A_854 = arith.constant 128 : i32
      %scan3A_855 = arith.addi %scan3A_853, %scan3A_854 : i32
      %scan3A_856 = arith.constant 1 : i32
      %scan3A_857 = scf.for %scan3A_859 = %scan3A_853 to %scan3A_855 step %scan3A_856 iter_args(%scan3A_860 = %scan3A_852) -> (i32)  : i32 {
        %mul3A_861 = arith.constant 16 : i32
        %mul3A_862 = arith.muli %scan3A_859, %mul3A_861 : i32
        %get3A_863 = arith.constant 0 : i32
        %get3A_864 = arith.index_cast %get3A_863 : i32 to index
        %get3A_865 = arith.index_cast %mul3A_862 : i32 to index
        %get3A_866 = tpu.vector_load %arg8[%get3A_864, %get3A_865] {strides = array<i32>} : memref<2x2048xi32, #tpu.memory_space<vmem>>, vector<16xi32>,
        %broadcast_in_dim3A_867 = arith.constant true
        %broadcast_in_dim3A_868 = vector.broadcast %broadcast_in_dim3A_867 : i1 to vector<16xi1>
        %unique3A, %unique3A_869 = tpu.scan_count mask(%broadcast_in_dim3A_868 : vector<16xi1>) value(%get3A_866 : vector<16xi32>) : vector<16xi1>, vector<16xi32>
        %mul3A_870 = arith.constant 16 : i32
        %mul3A_871 = arith.muli %scan3A_859, %mul3A_870 : i32
        %add3A_872 = arith.constant 4097 : i32
        %add3A_873 = arith.addi %add3A_872, %mul3A_871 : i32
        %add3A_874 = vector.broadcast %add3A_873 : i32 to vector<16xi32>
        %add3A_875 = arith.addi %add3A_874, %iota3A : vector<16xi32>
        %gather3A = tpu.vector_load_idx %arg7[%get3A_866] : memref<100000xi32, #tpu.memory_space<vmem>>[vector<16xi32>], vector<16xi32>,
        %lt3A_876 = arith.cmpi slt, %gather3A, %add3A_875 : vector<16xi32>
        %and3A_877 = arith.andi %unique3A, %lt3A_876 : vector<16xi1>
        tpu.vector_store_idx %arg7[%get3A_866], %add3A_875 masked %and3A_877 : memref<100000xi32, #tpu.memory_space<vmem>>[vector<16xi32>], vector<16xi32>, vector<16xi1>
        %scan3A_878 = arith.constant 0 : i32
        scf.yield %scan3A_878 : i32
      }
      %scan3A_858 = arith.constant 128 : i32
    } else {
    }
    %dma_wait3A_294 = arith.constant 0 : i32
    %dma_wait3A_295 = arith.constant 0 : i32
    %dma_wait3A_296 = arith.constant 0 : i32
    %dma_wait3A_297 = tpu.memref_slice %arg12[%dma_wait3A_294, %dma_wait3A_295, %dma_wait3A_296] : memref<2x64x128xf32, #tpu.memory_space<vmem>> -> memref<1x64x128xf32, #tpu.memory_space<vmem>>
    %dma_wait3A_298 = tpu.memref_squeeze %dma_wait3A_297 : memref<1x64x128xf32, #tpu.memory_space<vmem>> -> memref<64x128xf32, #tpu.memory_space<vmem>>
    %dma_wait3A_299 = arith.constant 0 : i32
    %dma_wait3A_300 = tpu.memref_slice %arg6[%add3A_232, %dma_wait3A_299] : memref<16384x128xf32, #tpu.memory_space<hbm>> -> memref<64x128xf32, #tpu.memory_space<hbm>>
    %dma_wait3A_301 = arith.constant 0 : i32
    %dma_wait3A_302 = tpu.memref_slice %arg6[%add3A_232, %dma_wait3A_301] : memref<16384x128xf32, #tpu.memory_space<hbm>> -> memref<64x128xf32, #tpu.memory_space<hbm>>
    %dma_wait3A_303 = arith.constant 0 : i32
    %dma_wait3A_304 = arith.constant 0 : i32
    %dma_wait3A_305 = tpu.memref_slice %arg12[%dma_wait3A_294, %dma_wait3A_303, %dma_wait3A_304] : memref<2x64x128xf32, #tpu.memory_space<vmem>> -> memref<1x64x128xf32, #tpu.memory_space<vmem>>
    %dma_wait3A_306 = tpu.memref_squeeze %dma_wait3A_305 : memref<1x64x128xf32, #tpu.memory_space<vmem>> -> memref<64x128xf32, #tpu.memory_space<vmem>>
    tpu.wait_dma2 semaphore(%arg16 : memref<!tpu.dma_semaphore, #tpu.memory_space<semaphore_mem>>) src(%dma_wait3A_306 : memref<64x128xf32, #tpu.memory_space<vmem>>) dst(%dma_wait3A_302 : memref<64x128xf32, #tpu.memory_space<hbm>>)
    %dma_start3A_307 = arith.constant 0 : i32
    %dma_start3A_308 = arith.constant 0 : i32
    %dma_start3A_309 = arith.constant 0 : i32
    %dma_start3A_310 = tpu.memref_slice %arg12[%dma_start3A_307, %dma_start3A_308, %dma_start3A_309] : memref<2x64x128xf32, #tpu.memory_space<vmem>> -> memref<1x64x128xf32, #tpu.memory_space<vmem>>
    %dma_start3A_311 = tpu.memref_squeeze %dma_start3A_310 : memref<1x64x128xf32, #tpu.memory_space<vmem>> -> memref<64x128xf32, #tpu.memory_space<vmem>>
    %dma_start3A_312 = arith.constant 256 : i32
    %dma_start3A_313 = tpu.memref_slice %arg9[%dma_start3A_312] : memref<512xi32, #tpu.memory_space<vmem>> -> memref<64xi32, #tpu.memory_space<vmem>>
    %dma_start3A_314 = arith.constant 0 : i32
    %dma_start3A_315 = arith.constant 0 : i32
    %dma_start3A_316 = tpu.memref_slice %arg2[%dma_start3A_314, %dma_start3A_315] : memref<100000x128xf32, #tpu.memory_space<hbm>> -> memref<100000x128xf32, #tpu.memory_space<hbm>>
    tpu.enqueue_indirect_dma source(%dma_start3A_316 : memref<100000x128xf32, #tpu.memory_space<hbm>>) target(%dma_start3A_311 : memref<64x128xf32, #tpu.memory_space<vmem>>) offsets(%dma_start3A_313 : memref<64xi32, #tpu.memory_space<vmem>>) semaphore(%arg13 : memref<!tpu.dma_semaphore, #tpu.memory_space<semaphore_mem>>)
    %dma_wait3A_317 = arith.constant 1 : i32
    %dma_wait3A_318 = arith.constant 0 : i32
    %dma_wait3A_319 = arith.constant 0 : i32
    %dma_wait3A_320 = tpu.memref_slice %arg12[%dma_wait3A_317, %dma_wait3A_318, %dma_wait3A_319] : memref<2x64x128xf32, #tpu.memory_space<vmem>> -> memref<1x64x128xf32, #tpu.memory_space<vmem>>
    %dma_wait3A_321 = tpu.memref_squeeze %dma_wait3A_320 : memref<1x64x128xf32, #tpu.memory_space<vmem>> -> memref<64x128xf32, #tpu.memory_space<vmem>>
    %dma_wait3A_322 = arith.constant 192 : i32
    %dma_wait3A_323 = tpu.memref_slice %arg9[%dma_wait3A_322] : memref<512xi32, #tpu.memory_space<vmem>> -> memref<64xi32, #tpu.memory_space<vmem>>
    %dma_wait3A_324 = arith.constant 0 : i32
    %dma_wait3A_325 = arith.constant 0 : i32
    %dma_wait3A_326 = tpu.memref_slice %arg2[%dma_wait3A_324, %dma_wait3A_325] : memref<100000x128xf32, #tpu.memory_space<hbm>> -> memref<100000x128xf32, #tpu.memory_space<hbm>>
    tpu.wait_indirect_dma semaphore(%arg14 : memref<!tpu.dma_semaphore, #tpu.memory_space<semaphore_mem>>) src(%dma_wait3A_326 : memref<100000x128xf32, #tpu.memory_space<hbm>>) dst(%dma_wait3A_321 : memref<64x128xf32, #tpu.memory_space<vmem>>)
    %add3A_327 = arith.constant 192 : i32
    %add3A_328 = arith.addi %mul3A_2, %add3A_327 : i32
    %dma_start3A_329 = arith.constant 1 : i32
    %dma_start3A_330 = arith.constant 0 : i32
    %dma_start3A_331 = arith.constant 0 : i32
    %dma_start3A_332 = tpu.memref_slice %arg12[%dma_start3A_329, %dma_start3A_330, %dma_start3A_331] : memref<2x64x128xf32, #tpu.memory_space<vmem>> -> memref<1x64x128xf32, #tpu.memory_space<vmem>>
    %dma_start3A_333 = tpu.memref_squeeze %dma_start3A_332 : memref<1x64x128xf32, #tpu.memory_space<vmem>> -> memref<64x128xf32, #tpu.memory_space<vmem>>
    %dma_start3A_334 = arith.constant 0 : i32
    %dma_start3A_335 = tpu.memref_slice %arg6[%add3A_328, %dma_start3A_334] : memref<16384x128xf32, #tpu.memory_space<hbm>> -> memref<64x128xf32, #tpu.memory_space<hbm>>
    %dma_start3A_336 = arith.constant 0 : i32
    %dma_start3A_337 = tpu.memref_slice %arg6[%add3A_328, %dma_start3A_336] : memref<16384x128xf32, #tpu.memory_space<hbm>> -> memref<64x128xf32, #tpu.memory_space<hbm>>
    %dma_start3A_338 = arith.constant 0 : i32
    %dma_start3A_339 = arith.constant 0 : i32
    %dma_start3A_340 = tpu.memref_slice %arg12[%dma_start3A_329, %dma_start3A_338, %dma_start3A_339] : memref<2x64x128xf32, #tpu.memory_space<vmem>> -> memref<1x64x128xf32, #tpu.memory_space<vmem>>
    %dma_start3A_341 = tpu.memref_squeeze %dma_start3A_340 : memref<1x64x128xf32, #tpu.memory_space<vmem>> -> memref<64x128xf32, #tpu.memory_space<vmem>>
    tpu.enqueue_dma source(%dma_start3A_341 : memref<64x128xf32, #tpu.memory_space<vmem>>) target(%dma_start3A_337 : memref<64x128xf32, #tpu.memory_space<hbm>>) target_semaphore(%arg17 : memref<!tpu.dma_semaphore, #tpu.memory_space<semaphore_mem>>)
    %dma_wait3A_342 = arith.constant 1 : i32
    %dma_wait3A_343 = arith.constant 0 : i32
    %dma_wait3A_344 = tpu.memref_slice %arg8[%dma_wait3A_342, %dma_wait3A_343] : memref<2x2048xi32, #tpu.memory_space<vmem>> -> memref<1x2048xi32, #tpu.memory_space<vmem>>
    %dma_wait3A_345 = tpu.memref_squeeze %dma_wait3A_344 : memref<1x2048xi32, #tpu.memory_space<vmem>> -> memref<2048xi32, #tpu.memory_space<vmem>>
    %dma_wait3A_346 = arith.constant 6144 : i32
    %dma_wait3A_347 = tpu.memref_slice %arg3[%dma_wait3A_346] : memref<16384xi32, #tpu.memory_space<hbm>> -> memref<2048xi32, #tpu.memory_space<hbm>>
    %dma_wait3A_348 = arith.constant 0 : i32
    %dma_wait3A_349 = tpu.memref_slice %arg8[%dma_wait3A_342, %dma_wait3A_348] : memref<2x2048xi32, #tpu.memory_space<vmem>> -> memref<1x2048xi32, #tpu.memory_space<vmem>>
    %dma_wait3A_350 = tpu.memref_squeeze %dma_wait3A_349 : memref<1x2048xi32, #tpu.memory_space<vmem>> -> memref<2048xi32, #tpu.memory_space<vmem>>
    %dma_wait3A_351 = arith.constant 6144 : i32
    %dma_wait3A_352 = tpu.memref_slice %arg3[%dma_wait3A_351] : memref<16384xi32, #tpu.memory_space<hbm>> -> memref<2048xi32, #tpu.memory_space<hbm>>
    tpu.wait_dma2 semaphore(%arg20 : memref<!tpu.dma_semaphore, #tpu.memory_space<semaphore_mem>>) src(%dma_wait3A_352 : memref<2048xi32, #tpu.memory_space<hbm>>) dst(%dma_wait3A_350 : memref<2048xi32, #tpu.memory_space<vmem>>)
    %dma_start3A_353 = arith.constant 0 : i32
    %dma_start3A_354 = arith.constant 0 : i32
    %dma_start3A_355 = tpu.memref_slice %arg8[%dma_start3A_353, %dma_start3A_354] : memref<2x2048xi32, #tpu.memory_space<vmem>> -> memref<1x2048xi32, #tpu.memory_space<vmem>>
    %dma_start3A_356 = tpu.memref_squeeze %dma_start3A_355 : memref<1x2048xi32, #tpu.memory_space<vmem>> -> memref<2048xi32, #tpu.memory_space<vmem>>
    %dma_start3A_357 = arith.constant 8192 : i32
    %dma_start3A_358 = tpu.memref_slice %arg3[%dma_start3A_357] : memref<16384xi32, #tpu.memory_space<hbm>> -> memref<2048xi32, #tpu.memory_space<hbm>>
    %dma_start3A_359 = arith.constant 0 : i32
    %dma_start3A_360 = tpu.memref_slice %arg8[%dma_start3A_353, %dma_start3A_359] : memref<2x2048xi32, #tpu.memory_space<vmem>> -> memref<1x2048xi32, #tpu.memory_space<vmem>>
    %dma_start3A_361 = tpu.memref_squeeze %dma_start3A_360 : memref<1x2048xi32, #tpu.memory_space<vmem>> -> memref<2048xi32, #tpu.memory_space<vmem>>
    %dma_start3A_362 = arith.constant 8192 : i32
    %dma_start3A_363 = tpu.memref_slice %arg3[%dma_start3A_362] : memref<16384xi32, #tpu.memory_space<hbm>> -> memref<2048xi32, #tpu.memory_space<hbm>>
    tpu.enqueue_dma source(%dma_start3A_363 : memref<2048xi32, #tpu.memory_space<hbm>>) target(%dma_start3A_361 : memref<2048xi32, #tpu.memory_space<vmem>>) target_semaphore(%arg19 : memref<!tpu.dma_semaphore, #tpu.memory_space<semaphore_mem>>)
    %parallel_loop3A_364 = arith.constant 0 : i32
    %parallel_loop3A_365 = arith.constant 128 : i32
    %parallel_loop3A_366 = arith.constant 1 : i32
    scf.for %parallel_loop3A_852 = %parallel_loop3A_364 to %parallel_loop3A_365 step %parallel_loop3A_366  : i32 {
      %parallel_loop3A_853 = arith.constant 16 : i32
      %parallel_loop3A_854 = arith.muli %parallel_loop3A_852, %parallel_loop3A_853 : i32
      %parallel_loop3A_855 = arith.constant 1 : i32
      %parallel_loop3A_856 = arith.index_cast %parallel_loop3A_855 : i32 to index
      %parallel_loop3A_857 = arith.index_cast %parallel_loop3A_854 : i32 to index
      %parallel_loop3A_858 = tpu.vector_load %arg8[%parallel_loop3A_856, %parallel_loop3A_857] {strides = array<i32>} : memref<2x2048xi32, #tpu.memory_space<vmem>>, vector<16xi32>,
      %parallel_loop3A_859 = arith.constant 16 : i32
      %parallel_loop3A_860 = arith.muli %parallel_loop3A_852, %parallel_loop3A_859 : i32
      %parallel_loop3A_861 = arith.constant 6145 : i32
      %parallel_loop3A_862 = arith.addi %parallel_loop3A_861, %parallel_loop3A_860 : i32
      %parallel_loop3A_863 = vector.broadcast %parallel_loop3A_862 : i32 to vector<16xi32>
      %parallel_loop3A_864 = arith.addi %parallel_loop3A_863, %iota3A : vector<16xi32>
      tpu.vector_store_idx %arg7[%parallel_loop3A_858], %parallel_loop3A_864 : memref<100000xi32, #tpu.memory_space<vmem>>[vector<16xi32>], vector<16xi32>,
    } {sc.loop_unroll_factor = 4 : i64, sc.parallel_access}
    %lt3A_367 = arith.constant 0 : i32
    %lt3A_368 = vector.broadcast %lt3A_367 : i32 to vector<16xi32>
    %lt3A_369 = arith.cmpi slt, %iota3A, %lt3A_368 : vector<16xi32>
    %scan3A_370 = arith.constant 0 : i32
    %scan3A_371 = arith.constant 128 : i32
    %scan3A_372 = arith.addi %scan3A_370, %scan3A_371 : i32
    %scan3A_373 = arith.constant 8 : i32
    %scan3A_374 = scf.for %scan3A_852 = %scan3A_370 to %scan3A_372 step %scan3A_373 iter_args(%scan3A_853 = %lt3A_369) -> (vector<16xi1>)  : i32 {
      %mul3A_854 = arith.constant 16 : i32
      %mul3A_855 = arith.muli %scan3A_852, %mul3A_854 : i32
      %get3A_856 = arith.constant 1 : i32
      %get3A_857 = arith.index_cast %get3A_856 : i32 to index
      %get3A_858 = arith.index_cast %mul3A_855 : i32 to index
      %get3A_859 = tpu.vector_load %arg8[%get3A_857, %get3A_858] {strides = array<i32>} : memref<2x2048xi32, #tpu.memory_space<vmem>>, vector<16xi32>,
      %mul3A_860 = arith.constant 16 : i32
      %mul3A_861 = arith.muli %scan3A_852, %mul3A_860 : i32
      %add3A_862 = arith.constant 6145 : i32
      %add3A_863 = arith.addi %add3A_862, %mul3A_861 : i32
      %add3A_864 = vector.broadcast %add3A_863 : i32 to vector<16xi32>
      %add3A_865 = arith.addi %add3A_864, %iota3A : vector<16xi32>
      %gather3A = tpu.vector_load_idx %arg7[%get3A_859] : memref<100000xi32, #tpu.memory_space<vmem>>[vector<16xi32>], vector<16xi32>,
      %lt3A_866 = arith.cmpi slt, %gather3A, %add3A_865 : vector<16xi32>
      %or3A = arith.ori %scan3A_853, %lt3A_866 : vector<16xi1>
      %scan3A_867 = arith.constant 1 : i32
      %scan3A_868 = arith.addi %scan3A_852, %scan3A_867 : i32
      %mul3A_869 = arith.constant 16 : i32
      %mul3A_870 = arith.muli %scan3A_868, %mul3A_869 : i32
      %get3A_871 = arith.constant 1 : i32
      %get3A_872 = arith.index_cast %get3A_871 : i32 to index
      %get3A_873 = arith.index_cast %mul3A_870 : i32 to index
      %get3A_874 = tpu.vector_load %arg8[%get3A_872, %get3A_873] {strides = array<i32>} : memref<2x2048xi32, #tpu.memory_space<vmem>>, vector<16xi32>,
      %mul3A_875 = arith.constant 16 : i32
      %mul3A_876 = arith.muli %scan3A_868, %mul3A_875 : i32
      %add3A_877 = arith.constant 6145 : i32
      %add3A_878 = arith.addi %add3A_877, %mul3A_876 : i32
      %add3A_879 = vector.broadcast %add3A_878 : i32 to vector<16xi32>
      %add3A_880 = arith.addi %add3A_879, %iota3A : vector<16xi32>
      %gather3A_881 = tpu.vector_load_idx %arg7[%get3A_874] : memref<100000xi32, #tpu.memory_space<vmem>>[vector<16xi32>], vector<16xi32>,
      %lt3A_882 = arith.cmpi slt, %gather3A_881, %add3A_880 : vector<16xi32>
      %or3A_883 = arith.ori %or3A, %lt3A_882 : vector<16xi1>
      %scan3A_884 = arith.constant 2 : i32
      %scan3A_885 = arith.addi %scan3A_852, %scan3A_884 : i32
      %mul3A_886 = arith.constant 16 : i32
      %mul3A_887 = arith.muli %scan3A_885, %mul3A_886 : i32
      %get3A_888 = arith.constant 1 : i32
      %get3A_889 = arith.index_cast %get3A_888 : i32 to index
      %get3A_890 = arith.index_cast %mul3A_887 : i32 to index
      %get3A_891 = tpu.vector_load %arg8[%get3A_889, %get3A_890] {strides = array<i32>} : memref<2x2048xi32, #tpu.memory_space<vmem>>, vector<16xi32>,
      %mul3A_892 = arith.constant 16 : i32
      %mul3A_893 = arith.muli %scan3A_885, %mul3A_892 : i32
      %add3A_894 = arith.constant 6145 : i32
      %add3A_895 = arith.addi %add3A_894, %mul3A_893 : i32
      %add3A_896 = vector.broadcast %add3A_895 : i32 to vector<16xi32>
      %add3A_897 = arith.addi %add3A_896, %iota3A : vector<16xi32>
      %gather3A_898 = tpu.vector_load_idx %arg7[%get3A_891] : memref<100000xi32, #tpu.memory_space<vmem>>[vector<16xi32>], vector<16xi32>,
      %lt3A_899 = arith.cmpi slt, %gather3A_898, %add3A_897 : vector<16xi32>
      %or3A_900 = arith.ori %or3A_883, %lt3A_899 : vector<16xi1>
      %scan3A_901 = arith.constant 3 : i32
      %scan3A_902 = arith.addi %scan3A_852, %scan3A_901 : i32
      %mul3A_903 = arith.constant 16 : i32
      %mul3A_904 = arith.muli %scan3A_902, %mul3A_903 : i32
      %get3A_905 = arith.constant 1 : i32
      %get3A_906 = arith.index_cast %get3A_905 : i32 to index
      %get3A_907 = arith.index_cast %mul3A_904 : i32 to index
      %get3A_908 = tpu.vector_load %arg8[%get3A_906, %get3A_907] {strides = array<i32>} : memref<2x2048xi32, #tpu.memory_space<vmem>>, vector<16xi32>,
      %mul3A_909 = arith.constant 16 : i32
      %mul3A_910 = arith.muli %scan3A_902, %mul3A_909 : i32
      %add3A_911 = arith.constant 6145 : i32
      %add3A_912 = arith.addi %add3A_911, %mul3A_910 : i32
      %add3A_913 = vector.broadcast %add3A_912 : i32 to vector<16xi32>
      %add3A_914 = arith.addi %add3A_913, %iota3A : vector<16xi32>
      %gather3A_915 = tpu.vector_load_idx %arg7[%get3A_908] : memref<100000xi32, #tpu.memory_space<vmem>>[vector<16xi32>], vector<16xi32>,
      %lt3A_916 = arith.cmpi slt, %gather3A_915, %add3A_914 : vector<16xi32>
      %or3A_917 = arith.ori %or3A_900, %lt3A_916 : vector<16xi1>
      %scan3A_918 = arith.constant 4 : i32
      %scan3A_919 = arith.addi %scan3A_852, %scan3A_918 : i32
      %mul3A_920 = arith.constant 16 : i32
      %mul3A_921 = arith.muli %scan3A_919, %mul3A_920 : i32
      %get3A_922 = arith.constant 1 : i32
      %get3A_923 = arith.index_cast %get3A_922 : i32 to index
      %get3A_924 = arith.index_cast %mul3A_921 : i32 to index
      %get3A_925 = tpu.vector_load %arg8[%get3A_923, %get3A_924] {strides = array<i32>} : memref<2x2048xi32, #tpu.memory_space<vmem>>, vector<16xi32>,
      %mul3A_926 = arith.constant 16 : i32
      %mul3A_927 = arith.muli %scan3A_919, %mul3A_926 : i32
      %add3A_928 = arith.constant 6145 : i32
      %add3A_929 = arith.addi %add3A_928, %mul3A_927 : i32
      %add3A_930 = vector.broadcast %add3A_929 : i32 to vector<16xi32>
      %add3A_931 = arith.addi %add3A_930, %iota3A : vector<16xi32>
      %gather3A_932 = tpu.vector_load_idx %arg7[%get3A_925] : memref<100000xi32, #tpu.memory_space<vmem>>[vector<16xi32>], vector<16xi32>,
      %lt3A_933 = arith.cmpi slt, %gather3A_932, %add3A_931 : vector<16xi32>
      %or3A_934 = arith.ori %or3A_917, %lt3A_933 : vector<16xi1>
      %scan3A_935 = arith.constant 5 : i32
      %scan3A_936 = arith.addi %scan3A_852, %scan3A_935 : i32
      %mul3A_937 = arith.constant 16 : i32
      %mul3A_938 = arith.muli %scan3A_936, %mul3A_937 : i32
      %get3A_939 = arith.constant 1 : i32
      %get3A_940 = arith.index_cast %get3A_939 : i32 to index
      %get3A_941 = arith.index_cast %mul3A_938 : i32 to index
      %get3A_942 = tpu.vector_load %arg8[%get3A_940, %get3A_941] {strides = array<i32>} : memref<2x2048xi32, #tpu.memory_space<vmem>>, vector<16xi32>,
      %mul3A_943 = arith.constant 16 : i32
      %mul3A_944 = arith.muli %scan3A_936, %mul3A_943 : i32
      %add3A_945 = arith.constant 6145 : i32
      %add3A_946 = arith.addi %add3A_945, %mul3A_944 : i32
      %add3A_947 = vector.broadcast %add3A_946 : i32 to vector<16xi32>
      %add3A_948 = arith.addi %add3A_947, %iota3A : vector<16xi32>
      %gather3A_949 = tpu.vector_load_idx %arg7[%get3A_942] : memref<100000xi32, #tpu.memory_space<vmem>>[vector<16xi32>], vector<16xi32>,
      %lt3A_950 = arith.cmpi slt, %gather3A_949, %add3A_948 : vector<16xi32>
      %or3A_951 = arith.ori %or3A_934, %lt3A_950 : vector<16xi1>
      %scan3A_952 = arith.constant 6 : i32
      %scan3A_953 = arith.addi %scan3A_852, %scan3A_952 : i32
      %mul3A_954 = arith.constant 16 : i32
      %mul3A_955 = arith.muli %scan3A_953, %mul3A_954 : i32
      %get3A_956 = arith.constant 1 : i32
      %get3A_957 = arith.index_cast %get3A_956 : i32 to index
      %get3A_958 = arith.index_cast %mul3A_955 : i32 to index
      %get3A_959 = tpu.vector_load %arg8[%get3A_957, %get3A_958] {strides = array<i32>} : memref<2x2048xi32, #tpu.memory_space<vmem>>, vector<16xi32>,
      %mul3A_960 = arith.constant 16 : i32
      %mul3A_961 = arith.muli %scan3A_953, %mul3A_960 : i32
      %add3A_962 = arith.constant 6145 : i32
      %add3A_963 = arith.addi %add3A_962, %mul3A_961 : i32
      %add3A_964 = vector.broadcast %add3A_963 : i32 to vector<16xi32>
      %add3A_965 = arith.addi %add3A_964, %iota3A : vector<16xi32>
      %gather3A_966 = tpu.vector_load_idx %arg7[%get3A_959] : memref<100000xi32, #tpu.memory_space<vmem>>[vector<16xi32>], vector<16xi32>,
      %lt3A_967 = arith.cmpi slt, %gather3A_966, %add3A_965 : vector<16xi32>
      %or3A_968 = arith.ori %or3A_951, %lt3A_967 : vector<16xi1>
      %scan3A_969 = arith.constant 7 : i32
      %scan3A_970 = arith.addi %scan3A_852, %scan3A_969 : i32
      %mul3A_971 = arith.constant 16 : i32
      %mul3A_972 = arith.muli %scan3A_970, %mul3A_971 : i32
      %get3A_973 = arith.constant 1 : i32
      %get3A_974 = arith.index_cast %get3A_973 : i32 to index
      %get3A_975 = arith.index_cast %mul3A_972 : i32 to index
      %get3A_976 = tpu.vector_load %arg8[%get3A_974, %get3A_975] {strides = array<i32>} : memref<2x2048xi32, #tpu.memory_space<vmem>>, vector<16xi32>,
      %mul3A_977 = arith.constant 16 : i32
      %mul3A_978 = arith.muli %scan3A_970, %mul3A_977 : i32
      %add3A_979 = arith.constant 6145 : i32
      %add3A_980 = arith.addi %add3A_979, %mul3A_978 : i32
      %add3A_981 = vector.broadcast %add3A_980 : i32 to vector<16xi32>
      %add3A_982 = arith.addi %add3A_981, %iota3A : vector<16xi32>
      %gather3A_983 = tpu.vector_load_idx %arg7[%get3A_976] : memref<100000xi32, #tpu.memory_space<vmem>>[vector<16xi32>], vector<16xi32>,
      %lt3A_984 = arith.cmpi slt, %gather3A_983, %add3A_982 : vector<16xi32>
      %or3A_985 = arith.ori %or3A_968, %lt3A_984 : vector<16xi1>
      scf.yield %or3A_985 : vector<16xi1>
    }
    %scan3A_375 = arith.constant 128 : i32
    %reduce_or3A_376 = arith.constant 1.000000e+00 : f32
    %reduce_or3A_377 = arith.constant 0.000000e+00 : f32
    %reduce_or3A_378 = vector.broadcast %reduce_or3A_376 : f32 to vector<16xf32>
    %reduce_or3A_379 = vector.broadcast %reduce_or3A_377 : f32 to vector<16xf32>
    %reduce_or3A_380 = arith.select %scan3A_374, %reduce_or3A_378, %reduce_or3A_379 : vector<16xi1>, vector<16xf32>
    %reduce_or3A_381 = arith.constant true
    %reduce_or3A_382 = vector.broadcast %reduce_or3A_381 : i1 to vector<16xi1>
    %reduce_or3A_383 = tpu.scan <max>, %reduce_or3A_380 masked %reduce_or3A_382 : vector<16xf32>, vector<16xi1> -> vector<16xf32>
    %reduce_or3A_384 = vector.extract %reduce_or3A_383[15] : f32 from vector<16xf32>
    %reduce_or3A_385 = arith.constant 0.000000e+00 : f32
    %reduce_or3A_386 = arith.cmpf ogt, %reduce_or3A_384, %reduce_or3A_385 : f32
    %convert_element_type3A_387 = arith.extui %reduce_or3A_386 : i1 to i32
    %cond3A_388 = arith.constant 0 : i32
    %cond3A_389 = arith.cmpi ne, %convert_element_type3A_387, %cond3A_388 : i32
    scf.if %cond3A_389 {
      %scan3A_852 = arith.constant 0 : i32
      %scan3A_853 = arith.constant 0 : i32
      %scan3A_854 = arith.constant 128 : i32
      %scan3A_855 = arith.addi %scan3A_853, %scan3A_854 : i32
      %scan3A_856 = arith.constant 1 : i32
      %scan3A_857 = scf.for %scan3A_859 = %scan3A_853 to %scan3A_855 step %scan3A_856 iter_args(%scan3A_860 = %scan3A_852) -> (i32)  : i32 {
        %mul3A_861 = arith.constant 16 : i32
        %mul3A_862 = arith.muli %scan3A_859, %mul3A_861 : i32
        %get3A_863 = arith.constant 1 : i32
        %get3A_864 = arith.index_cast %get3A_863 : i32 to index
        %get3A_865 = arith.index_cast %mul3A_862 : i32 to index
        %get3A_866 = tpu.vector_load %arg8[%get3A_864, %get3A_865] {strides = array<i32>} : memref<2x2048xi32, #tpu.memory_space<vmem>>, vector<16xi32>,
        %broadcast_in_dim3A_867 = arith.constant true
        %broadcast_in_dim3A_868 = vector.broadcast %broadcast_in_dim3A_867 : i1 to vector<16xi1>
        %unique3A, %unique3A_869 = tpu.scan_count mask(%broadcast_in_dim3A_868 : vector<16xi1>) value(%get3A_866 : vector<16xi32>) : vector<16xi1>, vector<16xi32>
        %mul3A_870 = arith.constant 16 : i32
        %mul3A_871 = arith.muli %scan3A_859, %mul3A_870 : i32
        %add3A_872 = arith.constant 6145 : i32
        %add3A_873 = arith.addi %add3A_872, %mul3A_871 : i32
        %add3A_874 = vector.broadcast %add3A_873 : i32 to vector<16xi32>
        %add3A_875 = arith.addi %add3A_874, %iota3A : vector<16xi32>
        %gather3A = tpu.vector_load_idx %arg7[%get3A_866] : memref<100000xi32, #tpu.memory_space<vmem>>[vector<16xi32>], vector<16xi32>,
        %lt3A_876 = arith.cmpi slt, %gather3A, %add3A_875 : vector<16xi32>
        %and3A_877 = arith.andi %unique3A, %lt3A_876 : vector<16xi1>
        tpu.vector_store_idx %arg7[%get3A_866], %add3A_875 masked %and3A_877 : memref<100000xi32, #tpu.memory_space<vmem>>[vector<16xi32>], vector<16xi32>, vector<16xi1>
        %scan3A_878 = arith.constant 0 : i32
        scf.yield %scan3A_878 : i32
      }
      %scan3A_858 = arith.constant 128 : i32
    } else {
    }
    %dma_wait3A_390 = arith.constant 1 : i32
    %dma_wait3A_391 = arith.constant 0 : i32
    %dma_wait3A_392 = arith.constant 0 : i32
    %dma_wait3A_393 = tpu.memref_slice %arg12[%dma_wait3A_390, %dma_wait3A_391, %dma_wait3A_392] : memref<2x64x128xf32, #tpu.memory_space<vmem>> -> memref<1x64x128xf32, #tpu.memory_space<vmem>>
    %dma_wait3A_394 = tpu.memref_squeeze %dma_wait3A_393 : memref<1x64x128xf32, #tpu.memory_space<vmem>> -> memref<64x128xf32, #tpu.memory_space<vmem>>
    %dma_wait3A_395 = arith.constant 0 : i32
    %dma_wait3A_396 = tpu.memref_slice %arg6[%add3A_328, %dma_wait3A_395] : memref<16384x128xf32, #tpu.memory_space<hbm>> -> memref<64x128xf32, #tpu.memory_space<hbm>>
    %dma_wait3A_397 = arith.constant 0 : i32
    %dma_wait3A_398 = tpu.memref_slice %arg6[%add3A_328, %dma_wait3A_397] : memref<16384x128xf32, #tpu.memory_space<hbm>> -> memref<64x128xf32, #tpu.memory_space<hbm>>
    %dma_wait3A_399 = arith.constant 0 : i32
    %dma_wait3A_400 = arith.constant 0 : i32
    %dma_wait3A_401 = tpu.memref_slice %arg12[%dma_wait3A_390, %dma_wait3A_399, %dma_wait3A_400] : memref<2x64x128xf32, #tpu.memory_space<vmem>> -> memref<1x64x128xf32, #tpu.memory_space<vmem>>
    %dma_wait3A_402 = tpu.memref_squeeze %dma_wait3A_401 : memref<1x64x128xf32, #tpu.memory_space<vmem>> -> memref<64x128xf32, #tpu.memory_space<vmem>>
    tpu.wait_dma2 semaphore(%arg17 : memref<!tpu.dma_semaphore, #tpu.memory_space<semaphore_mem>>) src(%dma_wait3A_402 : memref<64x128xf32, #tpu.memory_space<vmem>>) dst(%dma_wait3A_398 : memref<64x128xf32, #tpu.memory_space<hbm>>)
    %dma_start3A_403 = arith.constant 1 : i32
    %dma_start3A_404 = arith.constant 0 : i32
    %dma_start3A_405 = arith.constant 0 : i32
    %dma_start3A_406 = tpu.memref_slice %arg12[%dma_start3A_403, %dma_start3A_404, %dma_start3A_405] : memref<2x64x128xf32, #tpu.memory_space<vmem>> -> memref<1x64x128xf32, #tpu.memory_space<vmem>>
    %dma_start3A_407 = tpu.memref_squeeze %dma_start3A_406 : memref<1x64x128xf32, #tpu.memory_space<vmem>> -> memref<64x128xf32, #tpu.memory_space<vmem>>
    %dma_start3A_408 = arith.constant 320 : i32
    %dma_start3A_409 = tpu.memref_slice %arg9[%dma_start3A_408] : memref<512xi32, #tpu.memory_space<vmem>> -> memref<64xi32, #tpu.memory_space<vmem>>
    %dma_start3A_410 = arith.constant 0 : i32
    %dma_start3A_411 = arith.constant 0 : i32
    %dma_start3A_412 = tpu.memref_slice %arg2[%dma_start3A_410, %dma_start3A_411] : memref<100000x128xf32, #tpu.memory_space<hbm>> -> memref<100000x128xf32, #tpu.memory_space<hbm>>
    tpu.enqueue_indirect_dma source(%dma_start3A_412 : memref<100000x128xf32, #tpu.memory_space<hbm>>) target(%dma_start3A_407 : memref<64x128xf32, #tpu.memory_space<vmem>>) offsets(%dma_start3A_409 : memref<64xi32, #tpu.memory_space<vmem>>) semaphore(%arg14 : memref<!tpu.dma_semaphore, #tpu.memory_space<semaphore_mem>>)
    %dma_wait3A_413 = arith.constant 0 : i32
    %dma_wait3A_414 = arith.constant 0 : i32
    %dma_wait3A_415 = arith.constant 0 : i32
    %dma_wait3A_416 = tpu.memref_slice %arg12[%dma_wait3A_413, %dma_wait3A_414, %dma_wait3A_415] : memref<2x64x128xf32, #tpu.memory_space<vmem>> -> memref<1x64x128xf32, #tpu.memory_space<vmem>>
    %dma_wait3A_417 = tpu.memref_squeeze %dma_wait3A_416 : memref<1x64x128xf32, #tpu.memory_space<vmem>> -> memref<64x128xf32, #tpu.memory_space<vmem>>
    %dma_wait3A_418 = arith.constant 256 : i32
    %dma_wait3A_419 = tpu.memref_slice %arg9[%dma_wait3A_418] : memref<512xi32, #tpu.memory_space<vmem>> -> memref<64xi32, #tpu.memory_space<vmem>>
    %dma_wait3A_420 = arith.constant 0 : i32
    %dma_wait3A_421 = arith.constant 0 : i32
    %dma_wait3A_422 = tpu.memref_slice %arg2[%dma_wait3A_420, %dma_wait3A_421] : memref<100000x128xf32, #tpu.memory_space<hbm>> -> memref<100000x128xf32, #tpu.memory_space<hbm>>
    tpu.wait_indirect_dma semaphore(%arg13 : memref<!tpu.dma_semaphore, #tpu.memory_space<semaphore_mem>>) src(%dma_wait3A_422 : memref<100000x128xf32, #tpu.memory_space<hbm>>) dst(%dma_wait3A_417 : memref<64x128xf32, #tpu.memory_space<vmem>>)
    %add3A_423 = arith.constant 256 : i32
    %add3A_424 = arith.addi %mul3A_2, %add3A_423 : i32
    %dma_start3A_425 = arith.constant 0 : i32
    %dma_start3A_426 = arith.constant 0 : i32
    %dma_start3A_427 = arith.constant 0 : i32
    %dma_start3A_428 = tpu.memref_slice %arg12[%dma_start3A_425, %dma_start3A_426, %dma_start3A_427] : memref<2x64x128xf32, #tpu.memory_space<vmem>> -> memref<1x64x128xf32, #tpu.memory_space<vmem>>
    %dma_start3A_429 = tpu.memref_squeeze %dma_start3A_428 : memref<1x64x128xf32, #tpu.memory_space<vmem>> -> memref<64x128xf32, #tpu.memory_space<vmem>>
    %dma_start3A_430 = arith.constant 0 : i32
    %dma_start3A_431 = tpu.memref_slice %arg6[%add3A_424, %dma_start3A_430] : memref<16384x128xf32, #tpu.memory_space<hbm>> -> memref<64x128xf32, #tpu.memory_space<hbm>>
    %dma_start3A_432 = arith.constant 0 : i32
    %dma_start3A_433 = tpu.memref_slice %arg6[%add3A_424, %dma_start3A_432] : memref<16384x128xf32, #tpu.memory_space<hbm>> -> memref<64x128xf32, #tpu.memory_space<hbm>>
    %dma_start3A_434 = arith.constant 0 : i32
    %dma_start3A_435 = arith.constant 0 : i32
    %dma_start3A_436 = tpu.memref_slice %arg12[%dma_start3A_425, %dma_start3A_434, %dma_start3A_435] : memref<2x64x128xf32, #tpu.memory_space<vmem>> -> memref<1x64x128xf32, #tpu.memory_space<vmem>>
    %dma_start3A_437 = tpu.memref_squeeze %dma_start3A_436 : memref<1x64x128xf32, #tpu.memory_space<vmem>> -> memref<64x128xf32, #tpu.memory_space<vmem>>
    tpu.enqueue_dma source(%dma_start3A_437 : memref<64x128xf32, #tpu.memory_space<vmem>>) target(%dma_start3A_433 : memref<64x128xf32, #tpu.memory_space<hbm>>) target_semaphore(%arg16 : memref<!tpu.dma_semaphore, #tpu.memory_space<semaphore_mem>>)
    %dma_wait3A_438 = arith.constant 0 : i32
    %dma_wait3A_439 = arith.constant 0 : i32
    %dma_wait3A_440 = tpu.memref_slice %arg8[%dma_wait3A_438, %dma_wait3A_439] : memref<2x2048xi32, #tpu.memory_space<vmem>> -> memref<1x2048xi32, #tpu.memory_space<vmem>>
    %dma_wait3A_441 = tpu.memref_squeeze %dma_wait3A_440 : memref<1x2048xi32, #tpu.memory_space<vmem>> -> memref<2048xi32, #tpu.memory_space<vmem>>
    %dma_wait3A_442 = arith.constant 8192 : i32
    %dma_wait3A_443 = tpu.memref_slice %arg3[%dma_wait3A_442] : memref<16384xi32, #tpu.memory_space<hbm>> -> memref<2048xi32, #tpu.memory_space<hbm>>
    %dma_wait3A_444 = arith.constant 0 : i32
    %dma_wait3A_445 = tpu.memref_slice %arg8[%dma_wait3A_438, %dma_wait3A_444] : memref<2x2048xi32, #tpu.memory_space<vmem>> -> memref<1x2048xi32, #tpu.memory_space<vmem>>
    %dma_wait3A_446 = tpu.memref_squeeze %dma_wait3A_445 : memref<1x2048xi32, #tpu.memory_space<vmem>> -> memref<2048xi32, #tpu.memory_space<vmem>>
    %dma_wait3A_447 = arith.constant 8192 : i32
    %dma_wait3A_448 = tpu.memref_slice %arg3[%dma_wait3A_447] : memref<16384xi32, #tpu.memory_space<hbm>> -> memref<2048xi32, #tpu.memory_space<hbm>>
    tpu.wait_dma2 semaphore(%arg19 : memref<!tpu.dma_semaphore, #tpu.memory_space<semaphore_mem>>) src(%dma_wait3A_448 : memref<2048xi32, #tpu.memory_space<hbm>>) dst(%dma_wait3A_446 : memref<2048xi32, #tpu.memory_space<vmem>>)
    %dma_start3A_449 = arith.constant 1 : i32
    %dma_start3A_450 = arith.constant 0 : i32
    %dma_start3A_451 = tpu.memref_slice %arg8[%dma_start3A_449, %dma_start3A_450] : memref<2x2048xi32, #tpu.memory_space<vmem>> -> memref<1x2048xi32, #tpu.memory_space<vmem>>
    %dma_start3A_452 = tpu.memref_squeeze %dma_start3A_451 : memref<1x2048xi32, #tpu.memory_space<vmem>> -> memref<2048xi32, #tpu.memory_space<vmem>>
    %dma_start3A_453 = arith.constant 10240 : i32
    %dma_start3A_454 = tpu.memref_slice %arg3[%dma_start3A_453] : memref<16384xi32, #tpu.memory_space<hbm>> -> memref<2048xi32, #tpu.memory_space<hbm>>
    %dma_start3A_455 = arith.constant 0 : i32
    %dma_start3A_456 = tpu.memref_slice %arg8[%dma_start3A_449, %dma_start3A_455] : memref<2x2048xi32, #tpu.memory_space<vmem>> -> memref<1x2048xi32, #tpu.memory_space<vmem>>
    %dma_start3A_457 = tpu.memref_squeeze %dma_start3A_456 : memref<1x2048xi32, #tpu.memory_space<vmem>> -> memref<2048xi32, #tpu.memory_space<vmem>>
    %dma_start3A_458 = arith.constant 10240 : i32
    %dma_start3A_459 = tpu.memref_slice %arg3[%dma_start3A_458] : memref<16384xi32, #tpu.memory_space<hbm>> -> memref<2048xi32, #tpu.memory_space<hbm>>
    tpu.enqueue_dma source(%dma_start3A_459 : memref<2048xi32, #tpu.memory_space<hbm>>) target(%dma_start3A_457 : memref<2048xi32, #tpu.memory_space<vmem>>) target_semaphore(%arg20 : memref<!tpu.dma_semaphore, #tpu.memory_space<semaphore_mem>>)
    %parallel_loop3A_460 = arith.constant 0 : i32
    %parallel_loop3A_461 = arith.constant 128 : i32
    %parallel_loop3A_462 = arith.constant 1 : i32
    scf.for %parallel_loop3A_852 = %parallel_loop3A_460 to %parallel_loop3A_461 step %parallel_loop3A_462  : i32 {
      %parallel_loop3A_853 = arith.constant 16 : i32
      %parallel_loop3A_854 = arith.muli %parallel_loop3A_852, %parallel_loop3A_853 : i32
      %parallel_loop3A_855 = arith.constant 0 : i32
      %parallel_loop3A_856 = arith.index_cast %parallel_loop3A_855 : i32 to index
      %parallel_loop3A_857 = arith.index_cast %parallel_loop3A_854 : i32 to index
      %parallel_loop3A_858 = tpu.vector_load %arg8[%parallel_loop3A_856, %parallel_loop3A_857] {strides = array<i32>} : memref<2x2048xi32, #tpu.memory_space<vmem>>, vector<16xi32>,
      %parallel_loop3A_859 = arith.constant 16 : i32
      %parallel_loop3A_860 = arith.muli %parallel_loop3A_852, %parallel_loop3A_859 : i32
      %parallel_loop3A_861 = arith.constant 8193 : i32
      %parallel_loop3A_862 = arith.addi %parallel_loop3A_861, %parallel_loop3A_860 : i32
      %parallel_loop3A_863 = vector.broadcast %parallel_loop3A_862 : i32 to vector<16xi32>
      %parallel_loop3A_864 = arith.addi %parallel_loop3A_863, %iota3A : vector<16xi32>
      tpu.vector_store_idx %arg7[%parallel_loop3A_858], %parallel_loop3A_864 : memref<100000xi32, #tpu.memory_space<vmem>>[vector<16xi32>], vector<16xi32>,
    } {sc.loop_unroll_factor = 4 : i64, sc.parallel_access}
    %lt3A_463 = arith.constant 0 : i32
    %lt3A_464 = vector.broadcast %lt3A_463 : i32 to vector<16xi32>
    %lt3A_465 = arith.cmpi slt, %iota3A, %lt3A_464 : vector<16xi32>
    %scan3A_466 = arith.constant 0 : i32
    %scan3A_467 = arith.constant 128 : i32
    %scan3A_468 = arith.addi %scan3A_466, %scan3A_467 : i32
    %scan3A_469 = arith.constant 8 : i32
    %scan3A_470 = scf.for %scan3A_852 = %scan3A_466 to %scan3A_468 step %scan3A_469 iter_args(%scan3A_853 = %lt3A_465) -> (vector<16xi1>)  : i32 {
      %mul3A_854 = arith.constant 16 : i32
      %mul3A_855 = arith.muli %scan3A_852, %mul3A_854 : i32
      %get3A_856 = arith.constant 0 : i32
      %get3A_857 = arith.index_cast %get3A_856 : i32 to index
      %get3A_858 = arith.index_cast %mul3A_855 : i32 to index
      %get3A_859 = tpu.vector_load %arg8[%get3A_857, %get3A_858] {strides = array<i32>} : memref<2x2048xi32, #tpu.memory_space<vmem>>, vector<16xi32>,
      %mul3A_860 = arith.constant 16 : i32
      %mul3A_861 = arith.muli %scan3A_852, %mul3A_860 : i32
      %add3A_862 = arith.constant 8193 : i32
      %add3A_863 = arith.addi %add3A_862, %mul3A_861 : i32
      %add3A_864 = vector.broadcast %add3A_863 : i32 to vector<16xi32>
      %add3A_865 = arith.addi %add3A_864, %iota3A : vector<16xi32>
      %gather3A = tpu.vector_load_idx %arg7[%get3A_859] : memref<100000xi32, #tpu.memory_space<vmem>>[vector<16xi32>], vector<16xi32>,
      %lt3A_866 = arith.cmpi slt, %gather3A, %add3A_865 : vector<16xi32>
      %or3A = arith.ori %scan3A_853, %lt3A_866 : vector<16xi1>
      %scan3A_867 = arith.constant 1 : i32
      %scan3A_868 = arith.addi %scan3A_852, %scan3A_867 : i32
      %mul3A_869 = arith.constant 16 : i32
      %mul3A_870 = arith.muli %scan3A_868, %mul3A_869 : i32
      %get3A_871 = arith.constant 0 : i32
      %get3A_872 = arith.index_cast %get3A_871 : i32 to index
      %get3A_873 = arith.index_cast %mul3A_870 : i32 to index
      %get3A_874 = tpu.vector_load %arg8[%get3A_872, %get3A_873] {strides = array<i32>} : memref<2x2048xi32, #tpu.memory_space<vmem>>, vector<16xi32>,
      %mul3A_875 = arith.constant 16 : i32
      %mul3A_876 = arith.muli %scan3A_868, %mul3A_875 : i32
      %add3A_877 = arith.constant 8193 : i32
      %add3A_878 = arith.addi %add3A_877, %mul3A_876 : i32
      %add3A_879 = vector.broadcast %add3A_878 : i32 to vector<16xi32>
      %add3A_880 = arith.addi %add3A_879, %iota3A : vector<16xi32>
      %gather3A_881 = tpu.vector_load_idx %arg7[%get3A_874] : memref<100000xi32, #tpu.memory_space<vmem>>[vector<16xi32>], vector<16xi32>,
      %lt3A_882 = arith.cmpi slt, %gather3A_881, %add3A_880 : vector<16xi32>
      %or3A_883 = arith.ori %or3A, %lt3A_882 : vector<16xi1>
      %scan3A_884 = arith.constant 2 : i32
      %scan3A_885 = arith.addi %scan3A_852, %scan3A_884 : i32
      %mul3A_886 = arith.constant 16 : i32
      %mul3A_887 = arith.muli %scan3A_885, %mul3A_886 : i32
      %get3A_888 = arith.constant 0 : i32
      %get3A_889 = arith.index_cast %get3A_888 : i32 to index
      %get3A_890 = arith.index_cast %mul3A_887 : i32 to index
      %get3A_891 = tpu.vector_load %arg8[%get3A_889, %get3A_890] {strides = array<i32>} : memref<2x2048xi32, #tpu.memory_space<vmem>>, vector<16xi32>,
      %mul3A_892 = arith.constant 16 : i32
      %mul3A_893 = arith.muli %scan3A_885, %mul3A_892 : i32
      %add3A_894 = arith.constant 8193 : i32
      %add3A_895 = arith.addi %add3A_894, %mul3A_893 : i32
      %add3A_896 = vector.broadcast %add3A_895 : i32 to vector<16xi32>
      %add3A_897 = arith.addi %add3A_896, %iota3A : vector<16xi32>
      %gather3A_898 = tpu.vector_load_idx %arg7[%get3A_891] : memref<100000xi32, #tpu.memory_space<vmem>>[vector<16xi32>], vector<16xi32>,
      %lt3A_899 = arith.cmpi slt, %gather3A_898, %add3A_897 : vector<16xi32>
      %or3A_900 = arith.ori %or3A_883, %lt3A_899 : vector<16xi1>
      %scan3A_901 = arith.constant 3 : i32
      %scan3A_902 = arith.addi %scan3A_852, %scan3A_901 : i32
      %mul3A_903 = arith.constant 16 : i32
      %mul3A_904 = arith.muli %scan3A_902, %mul3A_903 : i32
      %get3A_905 = arith.constant 0 : i32
      %get3A_906 = arith.index_cast %get3A_905 : i32 to index
      %get3A_907 = arith.index_cast %mul3A_904 : i32 to index
      %get3A_908 = tpu.vector_load %arg8[%get3A_906, %get3A_907] {strides = array<i32>} : memref<2x2048xi32, #tpu.memory_space<vmem>>, vector<16xi32>,
      %mul3A_909 = arith.constant 16 : i32
      %mul3A_910 = arith.muli %scan3A_902, %mul3A_909 : i32
      %add3A_911 = arith.constant 8193 : i32
      %add3A_912 = arith.addi %add3A_911, %mul3A_910 : i32
      %add3A_913 = vector.broadcast %add3A_912 : i32 to vector<16xi32>
      %add3A_914 = arith.addi %add3A_913, %iota3A : vector<16xi32>
      %gather3A_915 = tpu.vector_load_idx %arg7[%get3A_908] : memref<100000xi32, #tpu.memory_space<vmem>>[vector<16xi32>], vector<16xi32>,
      %lt3A_916 = arith.cmpi slt, %gather3A_915, %add3A_914 : vector<16xi32>
      %or3A_917 = arith.ori %or3A_900, %lt3A_916 : vector<16xi1>
      %scan3A_918 = arith.constant 4 : i32
      %scan3A_919 = arith.addi %scan3A_852, %scan3A_918 : i32
      %mul3A_920 = arith.constant 16 : i32
      %mul3A_921 = arith.muli %scan3A_919, %mul3A_920 : i32
      %get3A_922 = arith.constant 0 : i32
      %get3A_923 = arith.index_cast %get3A_922 : i32 to index
      %get3A_924 = arith.index_cast %mul3A_921 : i32 to index
      %get3A_925 = tpu.vector_load %arg8[%get3A_923, %get3A_924] {strides = array<i32>} : memref<2x2048xi32, #tpu.memory_space<vmem>>, vector<16xi32>,
      %mul3A_926 = arith.constant 16 : i32
      %mul3A_927 = arith.muli %scan3A_919, %mul3A_926 : i32
      %add3A_928 = arith.constant 8193 : i32
      %add3A_929 = arith.addi %add3A_928, %mul3A_927 : i32
      %add3A_930 = vector.broadcast %add3A_929 : i32 to vector<16xi32>
      %add3A_931 = arith.addi %add3A_930, %iota3A : vector<16xi32>
      %gather3A_932 = tpu.vector_load_idx %arg7[%get3A_925] : memref<100000xi32, #tpu.memory_space<vmem>>[vector<16xi32>], vector<16xi32>,
      %lt3A_933 = arith.cmpi slt, %gather3A_932, %add3A_931 : vector<16xi32>
      %or3A_934 = arith.ori %or3A_917, %lt3A_933 : vector<16xi1>
      %scan3A_935 = arith.constant 5 : i32
      %scan3A_936 = arith.addi %scan3A_852, %scan3A_935 : i32
      %mul3A_937 = arith.constant 16 : i32
      %mul3A_938 = arith.muli %scan3A_936, %mul3A_937 : i32
      %get3A_939 = arith.constant 0 : i32
      %get3A_940 = arith.index_cast %get3A_939 : i32 to index
      %get3A_941 = arith.index_cast %mul3A_938 : i32 to index
      %get3A_942 = tpu.vector_load %arg8[%get3A_940, %get3A_941] {strides = array<i32>} : memref<2x2048xi32, #tpu.memory_space<vmem>>, vector<16xi32>,
      %mul3A_943 = arith.constant 16 : i32
      %mul3A_944 = arith.muli %scan3A_936, %mul3A_943 : i32
      %add3A_945 = arith.constant 8193 : i32
      %add3A_946 = arith.addi %add3A_945, %mul3A_944 : i32
      %add3A_947 = vector.broadcast %add3A_946 : i32 to vector<16xi32>
      %add3A_948 = arith.addi %add3A_947, %iota3A : vector<16xi32>
      %gather3A_949 = tpu.vector_load_idx %arg7[%get3A_942] : memref<100000xi32, #tpu.memory_space<vmem>>[vector<16xi32>], vector<16xi32>,
      %lt3A_950 = arith.cmpi slt, %gather3A_949, %add3A_948 : vector<16xi32>
      %or3A_951 = arith.ori %or3A_934, %lt3A_950 : vector<16xi1>
      %scan3A_952 = arith.constant 6 : i32
      %scan3A_953 = arith.addi %scan3A_852, %scan3A_952 : i32
      %mul3A_954 = arith.constant 16 : i32
      %mul3A_955 = arith.muli %scan3A_953, %mul3A_954 : i32
      %get3A_956 = arith.constant 0 : i32
      %get3A_957 = arith.index_cast %get3A_956 : i32 to index
      %get3A_958 = arith.index_cast %mul3A_955 : i32 to index
      %get3A_959 = tpu.vector_load %arg8[%get3A_957, %get3A_958] {strides = array<i32>} : memref<2x2048xi32, #tpu.memory_space<vmem>>, vector<16xi32>,
      %mul3A_960 = arith.constant 16 : i32
      %mul3A_961 = arith.muli %scan3A_953, %mul3A_960 : i32
      %add3A_962 = arith.constant 8193 : i32
      %add3A_963 = arith.addi %add3A_962, %mul3A_961 : i32
      %add3A_964 = vector.broadcast %add3A_963 : i32 to vector<16xi32>
      %add3A_965 = arith.addi %add3A_964, %iota3A : vector<16xi32>
      %gather3A_966 = tpu.vector_load_idx %arg7[%get3A_959] : memref<100000xi32, #tpu.memory_space<vmem>>[vector<16xi32>], vector<16xi32>,
      %lt3A_967 = arith.cmpi slt, %gather3A_966, %add3A_965 : vector<16xi32>
      %or3A_968 = arith.ori %or3A_951, %lt3A_967 : vector<16xi1>
      %scan3A_969 = arith.constant 7 : i32
      %scan3A_970 = arith.addi %scan3A_852, %scan3A_969 : i32
      %mul3A_971 = arith.constant 16 : i32
      %mul3A_972 = arith.muli %scan3A_970, %mul3A_971 : i32
      %get3A_973 = arith.constant 0 : i32
      %get3A_974 = arith.index_cast %get3A_973 : i32 to index
      %get3A_975 = arith.index_cast %mul3A_972 : i32 to index
      %get3A_976 = tpu.vector_load %arg8[%get3A_974, %get3A_975] {strides = array<i32>} : memref<2x2048xi32, #tpu.memory_space<vmem>>, vector<16xi32>,
      %mul3A_977 = arith.constant 16 : i32
      %mul3A_978 = arith.muli %scan3A_970, %mul3A_977 : i32
      %add3A_979 = arith.constant 8193 : i32
      %add3A_980 = arith.addi %add3A_979, %mul3A_978 : i32
      %add3A_981 = vector.broadcast %add3A_980 : i32 to vector<16xi32>
      %add3A_982 = arith.addi %add3A_981, %iota3A : vector<16xi32>
      %gather3A_983 = tpu.vector_load_idx %arg7[%get3A_976] : memref<100000xi32, #tpu.memory_space<vmem>>[vector<16xi32>], vector<16xi32>,
      %lt3A_984 = arith.cmpi slt, %gather3A_983, %add3A_982 : vector<16xi32>
      %or3A_985 = arith.ori %or3A_968, %lt3A_984 : vector<16xi1>
      scf.yield %or3A_985 : vector<16xi1>
    }
    %scan3A_471 = arith.constant 128 : i32
    %reduce_or3A_472 = arith.constant 1.000000e+00 : f32
    %reduce_or3A_473 = arith.constant 0.000000e+00 : f32
    %reduce_or3A_474 = vector.broadcast %reduce_or3A_472 : f32 to vector<16xf32>
    %reduce_or3A_475 = vector.broadcast %reduce_or3A_473 : f32 to vector<16xf32>
    %reduce_or3A_476 = arith.select %scan3A_470, %reduce_or3A_474, %reduce_or3A_475 : vector<16xi1>, vector<16xf32>
    %reduce_or3A_477 = arith.constant true
    %reduce_or3A_478 = vector.broadcast %reduce_or3A_477 : i1 to vector<16xi1>
    %reduce_or3A_479 = tpu.scan <max>, %reduce_or3A_476 masked %reduce_or3A_478 : vector<16xf32>, vector<16xi1> -> vector<16xf32>
    %reduce_or3A_480 = vector.extract %reduce_or3A_479[15] : f32 from vector<16xf32>
    %reduce_or3A_481 = arith.constant 0.000000e+00 : f32
    %reduce_or3A_482 = arith.cmpf ogt, %reduce_or3A_480, %reduce_or3A_481 : f32
    %convert_element_type3A_483 = arith.extui %reduce_or3A_482 : i1 to i32
    %cond3A_484 = arith.constant 0 : i32
    %cond3A_485 = arith.cmpi ne, %convert_element_type3A_483, %cond3A_484 : i32
    scf.if %cond3A_485 {
      %scan3A_852 = arith.constant 0 : i32
      %scan3A_853 = arith.constant 0 : i32
      %scan3A_854 = arith.constant 128 : i32
      %scan3A_855 = arith.addi %scan3A_853, %scan3A_854 : i32
      %scan3A_856 = arith.constant 1 : i32
      %scan3A_857 = scf.for %scan3A_859 = %scan3A_853 to %scan3A_855 step %scan3A_856 iter_args(%scan3A_860 = %scan3A_852) -> (i32)  : i32 {
        %mul3A_861 = arith.constant 16 : i32
        %mul3A_862 = arith.muli %scan3A_859, %mul3A_861 : i32
        %get3A_863 = arith.constant 0 : i32
        %get3A_864 = arith.index_cast %get3A_863 : i32 to index
        %get3A_865 = arith.index_cast %mul3A_862 : i32 to index
        %get3A_866 = tpu.vector_load %arg8[%get3A_864, %get3A_865] {strides = array<i32>} : memref<2x2048xi32, #tpu.memory_space<vmem>>, vector<16xi32>,
        %broadcast_in_dim3A_867 = arith.constant true
        %broadcast_in_dim3A_868 = vector.broadcast %broadcast_in_dim3A_867 : i1 to vector<16xi1>
        %unique3A, %unique3A_869 = tpu.scan_count mask(%broadcast_in_dim3A_868 : vector<16xi1>) value(%get3A_866 : vector<16xi32>) : vector<16xi1>, vector<16xi32>
        %mul3A_870 = arith.constant 16 : i32
        %mul3A_871 = arith.muli %scan3A_859, %mul3A_870 : i32
        %add3A_872 = arith.constant 8193 : i32
        %add3A_873 = arith.addi %add3A_872, %mul3A_871 : i32
        %add3A_874 = vector.broadcast %add3A_873 : i32 to vector<16xi32>
        %add3A_875 = arith.addi %add3A_874, %iota3A : vector<16xi32>
        %gather3A = tpu.vector_load_idx %arg7[%get3A_866] : memref<100000xi32, #tpu.memory_space<vmem>>[vector<16xi32>], vector<16xi32>,
        %lt3A_876 = arith.cmpi slt, %gather3A, %add3A_875 : vector<16xi32>
        %and3A_877 = arith.andi %unique3A, %lt3A_876 : vector<16xi1>
        tpu.vector_store_idx %arg7[%get3A_866], %add3A_875 masked %and3A_877 : memref<100000xi32, #tpu.memory_space<vmem>>[vector<16xi32>], vector<16xi32>, vector<16xi1>
        %scan3A_878 = arith.constant 0 : i32
        scf.yield %scan3A_878 : i32
      }
      %scan3A_858 = arith.constant 128 : i32
    } else {
    }
    %dma_wait3A_486 = arith.constant 0 : i32
    %dma_wait3A_487 = arith.constant 0 : i32
    %dma_wait3A_488 = arith.constant 0 : i32
    %dma_wait3A_489 = tpu.memref_slice %arg12[%dma_wait3A_486, %dma_wait3A_487, %dma_wait3A_488] : memref<2x64x128xf32, #tpu.memory_space<vmem>> -> memref<1x64x128xf32, #tpu.memory_space<vmem>>
    %dma_wait3A_490 = tpu.memref_squeeze %dma_wait3A_489 : memref<1x64x128xf32, #tpu.memory_space<vmem>> -> memref<64x128xf32, #tpu.memory_space<vmem>>
    %dma_wait3A_491 = arith.constant 0 : i32
    %dma_wait3A_492 = tpu.memref_slice %arg6[%add3A_424, %dma_wait3A_491] : memref<16384x128xf32, #tpu.memory_space<hbm>> -> memref<64x128xf32, #tpu.memory_space<hbm>>
    %dma_wait3A_493 = arith.constant 0 : i32
    %dma_wait3A_494 = tpu.memref_slice %arg6[%add3A_424, %dma_wait3A_493] : memref<16384x128xf32, #tpu.memory_space<hbm>> -> memref<64x128xf32, #tpu.memory_space<hbm>>
    %dma_wait3A_495 = arith.constant 0 : i32
    %dma_wait3A_496 = arith.constant 0 : i32
    %dma_wait3A_497 = tpu.memref_slice %arg12[%dma_wait3A_486, %dma_wait3A_495, %dma_wait3A_496] : memref<2x64x128xf32, #tpu.memory_space<vmem>> -> memref<1x64x128xf32, #tpu.memory_space<vmem>>
    %dma_wait3A_498 = tpu.memref_squeeze %dma_wait3A_497 : memref<1x64x128xf32, #tpu.memory_space<vmem>> -> memref<64x128xf32, #tpu.memory_space<vmem>>
    tpu.wait_dma2 semaphore(%arg16 : memref<!tpu.dma_semaphore, #tpu.memory_space<semaphore_mem>>) src(%dma_wait3A_498 : memref<64x128xf32, #tpu.memory_space<vmem>>) dst(%dma_wait3A_494 : memref<64x128xf32, #tpu.memory_space<hbm>>)
    %dma_start3A_499 = arith.constant 0 : i32
    %dma_start3A_500 = arith.constant 0 : i32
    %dma_start3A_501 = arith.constant 0 : i32
    %dma_start3A_502 = tpu.memref_slice %arg12[%dma_start3A_499, %dma_start3A_500, %dma_start3A_501] : memref<2x64x128xf32, #tpu.memory_space<vmem>> -> memref<1x64x128xf32, #tpu.memory_space<vmem>>
    %dma_start3A_503 = tpu.memref_squeeze %dma_start3A_502 : memref<1x64x128xf32, #tpu.memory_space<vmem>> -> memref<64x128xf32, #tpu.memory_space<vmem>>
    %dma_start3A_504 = arith.constant 384 : i32
    %dma_start3A_505 = tpu.memref_slice %arg9[%dma_start3A_504] : memref<512xi32, #tpu.memory_space<vmem>> -> memref<64xi32, #tpu.memory_space<vmem>>
    %dma_start3A_506 = arith.constant 0 : i32
    %dma_start3A_507 = arith.constant 0 : i32
    %dma_start3A_508 = tpu.memref_slice %arg2[%dma_start3A_506, %dma_start3A_507] : memref<100000x128xf32, #tpu.memory_space<hbm>> -> memref<100000x128xf32, #tpu.memory_space<hbm>>
    tpu.enqueue_indirect_dma source(%dma_start3A_508 : memref<100000x128xf32, #tpu.memory_space<hbm>>) target(%dma_start3A_503 : memref<64x128xf32, #tpu.memory_space<vmem>>) offsets(%dma_start3A_505 : memref<64xi32, #tpu.memory_space<vmem>>) semaphore(%arg13 : memref<!tpu.dma_semaphore, #tpu.memory_space<semaphore_mem>>)
    %dma_wait3A_509 = arith.constant 1 : i32
    %dma_wait3A_510 = arith.constant 0 : i32
    %dma_wait3A_511 = arith.constant 0 : i32
    %dma_wait3A_512 = tpu.memref_slice %arg12[%dma_wait3A_509, %dma_wait3A_510, %dma_wait3A_511] : memref<2x64x128xf32, #tpu.memory_space<vmem>> -> memref<1x64x128xf32, #tpu.memory_space<vmem>>
    %dma_wait3A_513 = tpu.memref_squeeze %dma_wait3A_512 : memref<1x64x128xf32, #tpu.memory_space<vmem>> -> memref<64x128xf32, #tpu.memory_space<vmem>>
    %dma_wait3A_514 = arith.constant 320 : i32
    %dma_wait3A_515 = tpu.memref_slice %arg9[%dma_wait3A_514] : memref<512xi32, #tpu.memory_space<vmem>> -> memref<64xi32, #tpu.memory_space<vmem>>
    %dma_wait3A_516 = arith.constant 0 : i32
    %dma_wait3A_517 = arith.constant 0 : i32
    %dma_wait3A_518 = tpu.memref_slice %arg2[%dma_wait3A_516, %dma_wait3A_517] : memref<100000x128xf32, #tpu.memory_space<hbm>> -> memref<100000x128xf32, #tpu.memory_space<hbm>>
    tpu.wait_indirect_dma semaphore(%arg14 : memref<!tpu.dma_semaphore, #tpu.memory_space<semaphore_mem>>) src(%dma_wait3A_518 : memref<100000x128xf32, #tpu.memory_space<hbm>>) dst(%dma_wait3A_513 : memref<64x128xf32, #tpu.memory_space<vmem>>)
    %add3A_519 = arith.constant 320 : i32
    %add3A_520 = arith.addi %mul3A_2, %add3A_519 : i32
    %dma_start3A_521 = arith.constant 1 : i32
    %dma_start3A_522 = arith.constant 0 : i32
    %dma_start3A_523 = arith.constant 0 : i32
    %dma_start3A_524 = tpu.memref_slice %arg12[%dma_start3A_521, %dma_start3A_522, %dma_start3A_523] : memref<2x64x128xf32, #tpu.memory_space<vmem>> -> memref<1x64x128xf32, #tpu.memory_space<vmem>>
    %dma_start3A_525 = tpu.memref_squeeze %dma_start3A_524 : memref<1x64x128xf32, #tpu.memory_space<vmem>> -> memref<64x128xf32, #tpu.memory_space<vmem>>
    %dma_start3A_526 = arith.constant 0 : i32
    %dma_start3A_527 = tpu.memref_slice %arg6[%add3A_520, %dma_start3A_526] : memref<16384x128xf32, #tpu.memory_space<hbm>> -> memref<64x128xf32, #tpu.memory_space<hbm>>
    %dma_start3A_528 = arith.constant 0 : i32
    %dma_start3A_529 = tpu.memref_slice %arg6[%add3A_520, %dma_start3A_528] : memref<16384x128xf32, #tpu.memory_space<hbm>> -> memref<64x128xf32, #tpu.memory_space<hbm>>
    %dma_start3A_530 = arith.constant 0 : i32
    %dma_start3A_531 = arith.constant 0 : i32
    %dma_start3A_532 = tpu.memref_slice %arg12[%dma_start3A_521, %dma_start3A_530, %dma_start3A_531] : memref<2x64x128xf32, #tpu.memory_space<vmem>> -> memref<1x64x128xf32, #tpu.memory_space<vmem>>
    %dma_start3A_533 = tpu.memref_squeeze %dma_start3A_532 : memref<1x64x128xf32, #tpu.memory_space<vmem>> -> memref<64x128xf32, #tpu.memory_space<vmem>>
    tpu.enqueue_dma source(%dma_start3A_533 : memref<64x128xf32, #tpu.memory_space<vmem>>) target(%dma_start3A_529 : memref<64x128xf32, #tpu.memory_space<hbm>>) target_semaphore(%arg17 : memref<!tpu.dma_semaphore, #tpu.memory_space<semaphore_mem>>)
    %dma_wait3A_534 = arith.constant 1 : i32
    %dma_wait3A_535 = arith.constant 0 : i32
    %dma_wait3A_536 = tpu.memref_slice %arg8[%dma_wait3A_534, %dma_wait3A_535] : memref<2x2048xi32, #tpu.memory_space<vmem>> -> memref<1x2048xi32, #tpu.memory_space<vmem>>
    %dma_wait3A_537 = tpu.memref_squeeze %dma_wait3A_536 : memref<1x2048xi32, #tpu.memory_space<vmem>> -> memref<2048xi32, #tpu.memory_space<vmem>>
    %dma_wait3A_538 = arith.constant 10240 : i32
    %dma_wait3A_539 = tpu.memref_slice %arg3[%dma_wait3A_538] : memref<16384xi32, #tpu.memory_space<hbm>> -> memref<2048xi32, #tpu.memory_space<hbm>>
    %dma_wait3A_540 = arith.constant 0 : i32
    %dma_wait3A_541 = tpu.memref_slice %arg8[%dma_wait3A_534, %dma_wait3A_540] : memref<2x2048xi32, #tpu.memory_space<vmem>> -> memref<1x2048xi32, #tpu.memory_space<vmem>>
    %dma_wait3A_542 = tpu.memref_squeeze %dma_wait3A_541 : memref<1x2048xi32, #tpu.memory_space<vmem>> -> memref<2048xi32, #tpu.memory_space<vmem>>
    %dma_wait3A_543 = arith.constant 10240 : i32
    %dma_wait3A_544 = tpu.memref_slice %arg3[%dma_wait3A_543] : memref<16384xi32, #tpu.memory_space<hbm>> -> memref<2048xi32, #tpu.memory_space<hbm>>
    tpu.wait_dma2 semaphore(%arg20 : memref<!tpu.dma_semaphore, #tpu.memory_space<semaphore_mem>>) src(%dma_wait3A_544 : memref<2048xi32, #tpu.memory_space<hbm>>) dst(%dma_wait3A_542 : memref<2048xi32, #tpu.memory_space<vmem>>)
    %dma_start3A_545 = arith.constant 0 : i32
    %dma_start3A_546 = arith.constant 0 : i32
    %dma_start3A_547 = tpu.memref_slice %arg8[%dma_start3A_545, %dma_start3A_546] : memref<2x2048xi32, #tpu.memory_space<vmem>> -> memref<1x2048xi32, #tpu.memory_space<vmem>>
    %dma_start3A_548 = tpu.memref_squeeze %dma_start3A_547 : memref<1x2048xi32, #tpu.memory_space<vmem>> -> memref<2048xi32, #tpu.memory_space<vmem>>
    %dma_start3A_549 = arith.constant 12288 : i32
    %dma_start3A_550 = tpu.memref_slice %arg3[%dma_start3A_549] : memref<16384xi32, #tpu.memory_space<hbm>> -> memref<2048xi32, #tpu.memory_space<hbm>>
    %dma_start3A_551 = arith.constant 0 : i32
    %dma_start3A_552 = tpu.memref_slice %arg8[%dma_start3A_545, %dma_start3A_551] : memref<2x2048xi32, #tpu.memory_space<vmem>> -> memref<1x2048xi32, #tpu.memory_space<vmem>>
    %dma_start3A_553 = tpu.memref_squeeze %dma_start3A_552 : memref<1x2048xi32, #tpu.memory_space<vmem>> -> memref<2048xi32, #tpu.memory_space<vmem>>
    %dma_start3A_554 = arith.constant 12288 : i32
    %dma_start3A_555 = tpu.memref_slice %arg3[%dma_start3A_554] : memref<16384xi32, #tpu.memory_space<hbm>> -> memref<2048xi32, #tpu.memory_space<hbm>>
    tpu.enqueue_dma source(%dma_start3A_555 : memref<2048xi32, #tpu.memory_space<hbm>>) target(%dma_start3A_553 : memref<2048xi32, #tpu.memory_space<vmem>>) target_semaphore(%arg19 : memref<!tpu.dma_semaphore, #tpu.memory_space<semaphore_mem>>)
    %parallel_loop3A_556 = arith.constant 0 : i32
    %parallel_loop3A_557 = arith.constant 128 : i32
    %parallel_loop3A_558 = arith.constant 1 : i32
    scf.for %parallel_loop3A_852 = %parallel_loop3A_556 to %parallel_loop3A_557 step %parallel_loop3A_558  : i32 {
      %parallel_loop3A_853 = arith.constant 16 : i32
      %parallel_loop3A_854 = arith.muli %parallel_loop3A_852, %parallel_loop3A_853 : i32
      %parallel_loop3A_855 = arith.constant 1 : i32
      %parallel_loop3A_856 = arith.index_cast %parallel_loop3A_855 : i32 to index
      %parallel_loop3A_857 = arith.index_cast %parallel_loop3A_854 : i32 to index
      %parallel_loop3A_858 = tpu.vector_load %arg8[%parallel_loop3A_856, %parallel_loop3A_857] {strides = array<i32>} : memref<2x2048xi32, #tpu.memory_space<vmem>>, vector<16xi32>,
      %parallel_loop3A_859 = arith.constant 16 : i32
      %parallel_loop3A_860 = arith.muli %parallel_loop3A_852, %parallel_loop3A_859 : i32
      %parallel_loop3A_861 = arith.constant 10241 : i32
      %parallel_loop3A_862 = arith.addi %parallel_loop3A_861, %parallel_loop3A_860 : i32
      %parallel_loop3A_863 = vector.broadcast %parallel_loop3A_862 : i32 to vector<16xi32>
      %parallel_loop3A_864 = arith.addi %parallel_loop3A_863, %iota3A : vector<16xi32>
      tpu.vector_store_idx %arg7[%parallel_loop3A_858], %parallel_loop3A_864 : memref<100000xi32, #tpu.memory_space<vmem>>[vector<16xi32>], vector<16xi32>,
    } {sc.loop_unroll_factor = 4 : i64, sc.parallel_access}
    %lt3A_559 = arith.constant 0 : i32
    %lt3A_560 = vector.broadcast %lt3A_559 : i32 to vector<16xi32>
    %lt3A_561 = arith.cmpi slt, %iota3A, %lt3A_560 : vector<16xi32>
    %scan3A_562 = arith.constant 0 : i32
    %scan3A_563 = arith.constant 128 : i32
    %scan3A_564 = arith.addi %scan3A_562, %scan3A_563 : i32
    %scan3A_565 = arith.constant 8 : i32
    %scan3A_566 = scf.for %scan3A_852 = %scan3A_562 to %scan3A_564 step %scan3A_565 iter_args(%scan3A_853 = %lt3A_561) -> (vector<16xi1>)  : i32 {
      %mul3A_854 = arith.constant 16 : i32
      %mul3A_855 = arith.muli %scan3A_852, %mul3A_854 : i32
      %get3A_856 = arith.constant 1 : i32
      %get3A_857 = arith.index_cast %get3A_856 : i32 to index
      %get3A_858 = arith.index_cast %mul3A_855 : i32 to index
      %get3A_859 = tpu.vector_load %arg8[%get3A_857, %get3A_858] {strides = array<i32>} : memref<2x2048xi32, #tpu.memory_space<vmem>>, vector<16xi32>,
      %mul3A_860 = arith.constant 16 : i32
      %mul3A_861 = arith.muli %scan3A_852, %mul3A_860 : i32
      %add3A_862 = arith.constant 10241 : i32
      %add3A_863 = arith.addi %add3A_862, %mul3A_861 : i32
      %add3A_864 = vector.broadcast %add3A_863 : i32 to vector<16xi32>
      %add3A_865 = arith.addi %add3A_864, %iota3A : vector<16xi32>
      %gather3A = tpu.vector_load_idx %arg7[%get3A_859] : memref<100000xi32, #tpu.memory_space<vmem>>[vector<16xi32>], vector<16xi32>,
      %lt3A_866 = arith.cmpi slt, %gather3A, %add3A_865 : vector<16xi32>
      %or3A = arith.ori %scan3A_853, %lt3A_866 : vector<16xi1>
      %scan3A_867 = arith.constant 1 : i32
      %scan3A_868 = arith.addi %scan3A_852, %scan3A_867 : i32
      %mul3A_869 = arith.constant 16 : i32
      %mul3A_870 = arith.muli %scan3A_868, %mul3A_869 : i32
      %get3A_871 = arith.constant 1 : i32
      %get3A_872 = arith.index_cast %get3A_871 : i32 to index
      %get3A_873 = arith.index_cast %mul3A_870 : i32 to index
      %get3A_874 = tpu.vector_load %arg8[%get3A_872, %get3A_873] {strides = array<i32>} : memref<2x2048xi32, #tpu.memory_space<vmem>>, vector<16xi32>,
      %mul3A_875 = arith.constant 16 : i32
      %mul3A_876 = arith.muli %scan3A_868, %mul3A_875 : i32
      %add3A_877 = arith.constant 10241 : i32
      %add3A_878 = arith.addi %add3A_877, %mul3A_876 : i32
      %add3A_879 = vector.broadcast %add3A_878 : i32 to vector<16xi32>
      %add3A_880 = arith.addi %add3A_879, %iota3A : vector<16xi32>
      %gather3A_881 = tpu.vector_load_idx %arg7[%get3A_874] : memref<100000xi32, #tpu.memory_space<vmem>>[vector<16xi32>], vector<16xi32>,
      %lt3A_882 = arith.cmpi slt, %gather3A_881, %add3A_880 : vector<16xi32>
      %or3A_883 = arith.ori %or3A, %lt3A_882 : vector<16xi1>
      %scan3A_884 = arith.constant 2 : i32
      %scan3A_885 = arith.addi %scan3A_852, %scan3A_884 : i32
      %mul3A_886 = arith.constant 16 : i32
      %mul3A_887 = arith.muli %scan3A_885, %mul3A_886 : i32
      %get3A_888 = arith.constant 1 : i32
      %get3A_889 = arith.index_cast %get3A_888 : i32 to index
      %get3A_890 = arith.index_cast %mul3A_887 : i32 to index
      %get3A_891 = tpu.vector_load %arg8[%get3A_889, %get3A_890] {strides = array<i32>} : memref<2x2048xi32, #tpu.memory_space<vmem>>, vector<16xi32>,
      %mul3A_892 = arith.constant 16 : i32
      %mul3A_893 = arith.muli %scan3A_885, %mul3A_892 : i32
      %add3A_894 = arith.constant 10241 : i32
      %add3A_895 = arith.addi %add3A_894, %mul3A_893 : i32
      %add3A_896 = vector.broadcast %add3A_895 : i32 to vector<16xi32>
      %add3A_897 = arith.addi %add3A_896, %iota3A : vector<16xi32>
      %gather3A_898 = tpu.vector_load_idx %arg7[%get3A_891] : memref<100000xi32, #tpu.memory_space<vmem>>[vector<16xi32>], vector<16xi32>,
      %lt3A_899 = arith.cmpi slt, %gather3A_898, %add3A_897 : vector<16xi32>
      %or3A_900 = arith.ori %or3A_883, %lt3A_899 : vector<16xi1>
      %scan3A_901 = arith.constant 3 : i32
      %scan3A_902 = arith.addi %scan3A_852, %scan3A_901 : i32
      %mul3A_903 = arith.constant 16 : i32
      %mul3A_904 = arith.muli %scan3A_902, %mul3A_903 : i32
      %get3A_905 = arith.constant 1 : i32
      %get3A_906 = arith.index_cast %get3A_905 : i32 to index
      %get3A_907 = arith.index_cast %mul3A_904 : i32 to index
      %get3A_908 = tpu.vector_load %arg8[%get3A_906, %get3A_907] {strides = array<i32>} : memref<2x2048xi32, #tpu.memory_space<vmem>>, vector<16xi32>,
      %mul3A_909 = arith.constant 16 : i32
      %mul3A_910 = arith.muli %scan3A_902, %mul3A_909 : i32
      %add3A_911 = arith.constant 10241 : i32
      %add3A_912 = arith.addi %add3A_911, %mul3A_910 : i32
      %add3A_913 = vector.broadcast %add3A_912 : i32 to vector<16xi32>
      %add3A_914 = arith.addi %add3A_913, %iota3A : vector<16xi32>
      %gather3A_915 = tpu.vector_load_idx %arg7[%get3A_908] : memref<100000xi32, #tpu.memory_space<vmem>>[vector<16xi32>], vector<16xi32>,
      %lt3A_916 = arith.cmpi slt, %gather3A_915, %add3A_914 : vector<16xi32>
      %or3A_917 = arith.ori %or3A_900, %lt3A_916 : vector<16xi1>
      %scan3A_918 = arith.constant 4 : i32
      %scan3A_919 = arith.addi %scan3A_852, %scan3A_918 : i32
      %mul3A_920 = arith.constant 16 : i32
      %mul3A_921 = arith.muli %scan3A_919, %mul3A_920 : i32
      %get3A_922 = arith.constant 1 : i32
      %get3A_923 = arith.index_cast %get3A_922 : i32 to index
      %get3A_924 = arith.index_cast %mul3A_921 : i32 to index
      %get3A_925 = tpu.vector_load %arg8[%get3A_923, %get3A_924] {strides = array<i32>} : memref<2x2048xi32, #tpu.memory_space<vmem>>, vector<16xi32>,
      %mul3A_926 = arith.constant 16 : i32
      %mul3A_927 = arith.muli %scan3A_919, %mul3A_926 : i32
      %add3A_928 = arith.constant 10241 : i32
      %add3A_929 = arith.addi %add3A_928, %mul3A_927 : i32
      %add3A_930 = vector.broadcast %add3A_929 : i32 to vector<16xi32>
      %add3A_931 = arith.addi %add3A_930, %iota3A : vector<16xi32>
      %gather3A_932 = tpu.vector_load_idx %arg7[%get3A_925] : memref<100000xi32, #tpu.memory_space<vmem>>[vector<16xi32>], vector<16xi32>,
      %lt3A_933 = arith.cmpi slt, %gather3A_932, %add3A_931 : vector<16xi32>
      %or3A_934 = arith.ori %or3A_917, %lt3A_933 : vector<16xi1>
      %scan3A_935 = arith.constant 5 : i32
      %scan3A_936 = arith.addi %scan3A_852, %scan3A_935 : i32
      %mul3A_937 = arith.constant 16 : i32
      %mul3A_938 = arith.muli %scan3A_936, %mul3A_937 : i32
      %get3A_939 = arith.constant 1 : i32
      %get3A_940 = arith.index_cast %get3A_939 : i32 to index
      %get3A_941 = arith.index_cast %mul3A_938 : i32 to index
      %get3A_942 = tpu.vector_load %arg8[%get3A_940, %get3A_941] {strides = array<i32>} : memref<2x2048xi32, #tpu.memory_space<vmem>>, vector<16xi32>,
      %mul3A_943 = arith.constant 16 : i32
      %mul3A_944 = arith.muli %scan3A_936, %mul3A_943 : i32
      %add3A_945 = arith.constant 10241 : i32
      %add3A_946 = arith.addi %add3A_945, %mul3A_944 : i32
      %add3A_947 = vector.broadcast %add3A_946 : i32 to vector<16xi32>
      %add3A_948 = arith.addi %add3A_947, %iota3A : vector<16xi32>
      %gather3A_949 = tpu.vector_load_idx %arg7[%get3A_942] : memref<100000xi32, #tpu.memory_space<vmem>>[vector<16xi32>], vector<16xi32>,
      %lt3A_950 = arith.cmpi slt, %gather3A_949, %add3A_948 : vector<16xi32>
      %or3A_951 = arith.ori %or3A_934, %lt3A_950 : vector<16xi1>
      %scan3A_952 = arith.constant 6 : i32
      %scan3A_953 = arith.addi %scan3A_852, %scan3A_952 : i32
      %mul3A_954 = arith.constant 16 : i32
      %mul3A_955 = arith.muli %scan3A_953, %mul3A_954 : i32
      %get3A_956 = arith.constant 1 : i32
      %get3A_957 = arith.index_cast %get3A_956 : i32 to index
      %get3A_958 = arith.index_cast %mul3A_955 : i32 to index
      %get3A_959 = tpu.vector_load %arg8[%get3A_957, %get3A_958] {strides = array<i32>} : memref<2x2048xi32, #tpu.memory_space<vmem>>, vector<16xi32>,
      %mul3A_960 = arith.constant 16 : i32
      %mul3A_961 = arith.muli %scan3A_953, %mul3A_960 : i32
      %add3A_962 = arith.constant 10241 : i32
      %add3A_963 = arith.addi %add3A_962, %mul3A_961 : i32
      %add3A_964 = vector.broadcast %add3A_963 : i32 to vector<16xi32>
      %add3A_965 = arith.addi %add3A_964, %iota3A : vector<16xi32>
      %gather3A_966 = tpu.vector_load_idx %arg7[%get3A_959] : memref<100000xi32, #tpu.memory_space<vmem>>[vector<16xi32>], vector<16xi32>,
      %lt3A_967 = arith.cmpi slt, %gather3A_966, %add3A_965 : vector<16xi32>
      %or3A_968 = arith.ori %or3A_951, %lt3A_967 : vector<16xi1>
      %scan3A_969 = arith.constant 7 : i32
      %scan3A_970 = arith.addi %scan3A_852, %scan3A_969 : i32
      %mul3A_971 = arith.constant 16 : i32
      %mul3A_972 = arith.muli %scan3A_970, %mul3A_971 : i32
      %get3A_973 = arith.constant 1 : i32
      %get3A_974 = arith.index_cast %get3A_973 : i32 to index
      %get3A_975 = arith.index_cast %mul3A_972 : i32 to index
      %get3A_976 = tpu.vector_load %arg8[%get3A_974, %get3A_975] {strides = array<i32>} : memref<2x2048xi32, #tpu.memory_space<vmem>>, vector<16xi32>,
      %mul3A_977 = arith.constant 16 : i32
      %mul3A_978 = arith.muli %scan3A_970, %mul3A_977 : i32
      %add3A_979 = arith.constant 10241 : i32
      %add3A_980 = arith.addi %add3A_979, %mul3A_978 : i32
      %add3A_981 = vector.broadcast %add3A_980 : i32 to vector<16xi32>
      %add3A_982 = arith.addi %add3A_981, %iota3A : vector<16xi32>
      %gather3A_983 = tpu.vector_load_idx %arg7[%get3A_976] : memref<100000xi32, #tpu.memory_space<vmem>>[vector<16xi32>], vector<16xi32>,
      %lt3A_984 = arith.cmpi slt, %gather3A_983, %add3A_982 : vector<16xi32>
      %or3A_985 = arith.ori %or3A_968, %lt3A_984 : vector<16xi1>
      scf.yield %or3A_985 : vector<16xi1>
    }
    %scan3A_567 = arith.constant 128 : i32
    %reduce_or3A_568 = arith.constant 1.000000e+00 : f32
    %reduce_or3A_569 = arith.constant 0.000000e+00 : f32
    %reduce_or3A_570 = vector.broadcast %reduce_or3A_568 : f32 to vector<16xf32>
    %reduce_or3A_571 = vector.broadcast %reduce_or3A_569 : f32 to vector<16xf32>
    %reduce_or3A_572 = arith.select %scan3A_566, %reduce_or3A_570, %reduce_or3A_571 : vector<16xi1>, vector<16xf32>
    %reduce_or3A_573 = arith.constant true
    %reduce_or3A_574 = vector.broadcast %reduce_or3A_573 : i1 to vector<16xi1>
    %reduce_or3A_575 = tpu.scan <max>, %reduce_or3A_572 masked %reduce_or3A_574 : vector<16xf32>, vector<16xi1> -> vector<16xf32>
    %reduce_or3A_576 = vector.extract %reduce_or3A_575[15] : f32 from vector<16xf32>
    %reduce_or3A_577 = arith.constant 0.000000e+00 : f32
    %reduce_or3A_578 = arith.cmpf ogt, %reduce_or3A_576, %reduce_or3A_577 : f32
    %convert_element_type3A_579 = arith.extui %reduce_or3A_578 : i1 to i32
    %cond3A_580 = arith.constant 0 : i32
    %cond3A_581 = arith.cmpi ne, %convert_element_type3A_579, %cond3A_580 : i32
    scf.if %cond3A_581 {
      %scan3A_852 = arith.constant 0 : i32
      %scan3A_853 = arith.constant 0 : i32
      %scan3A_854 = arith.constant 128 : i32
      %scan3A_855 = arith.addi %scan3A_853, %scan3A_854 : i32
      %scan3A_856 = arith.constant 1 : i32
      %scan3A_857 = scf.for %scan3A_859 = %scan3A_853 to %scan3A_855 step %scan3A_856 iter_args(%scan3A_860 = %scan3A_852) -> (i32)  : i32 {
        %mul3A_861 = arith.constant 16 : i32
        %mul3A_862 = arith.muli %scan3A_859, %mul3A_861 : i32
        %get3A_863 = arith.constant 1 : i32
        %get3A_864 = arith.index_cast %get3A_863 : i32 to index
        %get3A_865 = arith.index_cast %mul3A_862 : i32 to index
        %get3A_866 = tpu.vector_load %arg8[%get3A_864, %get3A_865] {strides = array<i32>} : memref<2x2048xi32, #tpu.memory_space<vmem>>, vector<16xi32>,
        %broadcast_in_dim3A_867 = arith.constant true
        %broadcast_in_dim3A_868 = vector.broadcast %broadcast_in_dim3A_867 : i1 to vector<16xi1>
        %unique3A, %unique3A_869 = tpu.scan_count mask(%broadcast_in_dim3A_868 : vector<16xi1>) value(%get3A_866 : vector<16xi32>) : vector<16xi1>, vector<16xi32>
        %mul3A_870 = arith.constant 16 : i32
        %mul3A_871 = arith.muli %scan3A_859, %mul3A_870 : i32
        %add3A_872 = arith.constant 10241 : i32
        %add3A_873 = arith.addi %add3A_872, %mul3A_871 : i32
        %add3A_874 = vector.broadcast %add3A_873 : i32 to vector<16xi32>
        %add3A_875 = arith.addi %add3A_874, %iota3A : vector<16xi32>
        %gather3A = tpu.vector_load_idx %arg7[%get3A_866] : memref<100000xi32, #tpu.memory_space<vmem>>[vector<16xi32>], vector<16xi32>,
        %lt3A_876 = arith.cmpi slt, %gather3A, %add3A_875 : vector<16xi32>
        %and3A_877 = arith.andi %unique3A, %lt3A_876 : vector<16xi1>
        tpu.vector_store_idx %arg7[%get3A_866], %add3A_875 masked %and3A_877 : memref<100000xi32, #tpu.memory_space<vmem>>[vector<16xi32>], vector<16xi32>, vector<16xi1>
        %scan3A_878 = arith.constant 0 : i32
        scf.yield %scan3A_878 : i32
      }
      %scan3A_858 = arith.constant 128 : i32
    } else {
    }
    %dma_wait3A_582 = arith.constant 1 : i32
    %dma_wait3A_583 = arith.constant 0 : i32
    %dma_wait3A_584 = arith.constant 0 : i32
    %dma_wait3A_585 = tpu.memref_slice %arg12[%dma_wait3A_582, %dma_wait3A_583, %dma_wait3A_584] : memref<2x64x128xf32, #tpu.memory_space<vmem>> -> memref<1x64x128xf32, #tpu.memory_space<vmem>>
    %dma_wait3A_586 = tpu.memref_squeeze %dma_wait3A_585 : memref<1x64x128xf32, #tpu.memory_space<vmem>> -> memref<64x128xf32, #tpu.memory_space<vmem>>
    %dma_wait3A_587 = arith.constant 0 : i32
    %dma_wait3A_588 = tpu.memref_slice %arg6[%add3A_520, %dma_wait3A_587] : memref<16384x128xf32, #tpu.memory_space<hbm>> -> memref<64x128xf32, #tpu.memory_space<hbm>>
    %dma_wait3A_589 = arith.constant 0 : i32
    %dma_wait3A_590 = tpu.memref_slice %arg6[%add3A_520, %dma_wait3A_589] : memref<16384x128xf32, #tpu.memory_space<hbm>> -> memref<64x128xf32, #tpu.memory_space<hbm>>
    %dma_wait3A_591 = arith.constant 0 : i32
    %dma_wait3A_592 = arith.constant 0 : i32
    %dma_wait3A_593 = tpu.memref_slice %arg12[%dma_wait3A_582, %dma_wait3A_591, %dma_wait3A_592] : memref<2x64x128xf32, #tpu.memory_space<vmem>> -> memref<1x64x128xf32, #tpu.memory_space<vmem>>
    %dma_wait3A_594 = tpu.memref_squeeze %dma_wait3A_593 : memref<1x64x128xf32, #tpu.memory_space<vmem>> -> memref<64x128xf32, #tpu.memory_space<vmem>>
    tpu.wait_dma2 semaphore(%arg17 : memref<!tpu.dma_semaphore, #tpu.memory_space<semaphore_mem>>) src(%dma_wait3A_594 : memref<64x128xf32, #tpu.memory_space<vmem>>) dst(%dma_wait3A_590 : memref<64x128xf32, #tpu.memory_space<hbm>>)
    %dma_start3A_595 = arith.constant 1 : i32
    %dma_start3A_596 = arith.constant 0 : i32
    %dma_start3A_597 = arith.constant 0 : i32
    %dma_start3A_598 = tpu.memref_slice %arg12[%dma_start3A_595, %dma_start3A_596, %dma_start3A_597] : memref<2x64x128xf32, #tpu.memory_space<vmem>> -> memref<1x64x128xf32, #tpu.memory_space<vmem>>
    %dma_start3A_599 = tpu.memref_squeeze %dma_start3A_598 : memref<1x64x128xf32, #tpu.memory_space<vmem>> -> memref<64x128xf32, #tpu.memory_space<vmem>>
    %dma_start3A_600 = arith.constant 448 : i32
    %dma_start3A_601 = tpu.memref_slice %arg9[%dma_start3A_600] : memref<512xi32, #tpu.memory_space<vmem>> -> memref<64xi32, #tpu.memory_space<vmem>>
    %dma_start3A_602 = arith.constant 0 : i32
    %dma_start3A_603 = arith.constant 0 : i32
    %dma_start3A_604 = tpu.memref_slice %arg2[%dma_start3A_602, %dma_start3A_603] : memref<100000x128xf32, #tpu.memory_space<hbm>> -> memref<100000x128xf32, #tpu.memory_space<hbm>>
    tpu.enqueue_indirect_dma source(%dma_start3A_604 : memref<100000x128xf32, #tpu.memory_space<hbm>>) target(%dma_start3A_599 : memref<64x128xf32, #tpu.memory_space<vmem>>) offsets(%dma_start3A_601 : memref<64xi32, #tpu.memory_space<vmem>>) semaphore(%arg14 : memref<!tpu.dma_semaphore, #tpu.memory_space<semaphore_mem>>)
    %dma_wait3A_605 = arith.constant 0 : i32
    %dma_wait3A_606 = arith.constant 0 : i32
    %dma_wait3A_607 = arith.constant 0 : i32
    %dma_wait3A_608 = tpu.memref_slice %arg12[%dma_wait3A_605, %dma_wait3A_606, %dma_wait3A_607] : memref<2x64x128xf32, #tpu.memory_space<vmem>> -> memref<1x64x128xf32, #tpu.memory_space<vmem>>
    %dma_wait3A_609 = tpu.memref_squeeze %dma_wait3A_608 : memref<1x64x128xf32, #tpu.memory_space<vmem>> -> memref<64x128xf32, #tpu.memory_space<vmem>>
    %dma_wait3A_610 = arith.constant 384 : i32
    %dma_wait3A_611 = tpu.memref_slice %arg9[%dma_wait3A_610] : memref<512xi32, #tpu.memory_space<vmem>> -> memref<64xi32, #tpu.memory_space<vmem>>
    %dma_wait3A_612 = arith.constant 0 : i32
    %dma_wait3A_613 = arith.constant 0 : i32
    %dma_wait3A_614 = tpu.memref_slice %arg2[%dma_wait3A_612, %dma_wait3A_613] : memref<100000x128xf32, #tpu.memory_space<hbm>> -> memref<100000x128xf32, #tpu.memory_space<hbm>>
    tpu.wait_indirect_dma semaphore(%arg13 : memref<!tpu.dma_semaphore, #tpu.memory_space<semaphore_mem>>) src(%dma_wait3A_614 : memref<100000x128xf32, #tpu.memory_space<hbm>>) dst(%dma_wait3A_609 : memref<64x128xf32, #tpu.memory_space<vmem>>)
    %add3A_615 = arith.constant 384 : i32
    %add3A_616 = arith.addi %mul3A_2, %add3A_615 : i32
    %dma_start3A_617 = arith.constant 0 : i32
    %dma_start3A_618 = arith.constant 0 : i32
    %dma_start3A_619 = arith.constant 0 : i32
    %dma_start3A_620 = tpu.memref_slice %arg12[%dma_start3A_617, %dma_start3A_618, %dma_start3A_619] : memref<2x64x128xf32, #tpu.memory_space<vmem>> -> memref<1x64x128xf32, #tpu.memory_space<vmem>>
    %dma_start3A_621 = tpu.memref_squeeze %dma_start3A_620 : memref<1x64x128xf32, #tpu.memory_space<vmem>> -> memref<64x128xf32, #tpu.memory_space<vmem>>
    %dma_start3A_622 = arith.constant 0 : i32
    %dma_start3A_623 = tpu.memref_slice %arg6[%add3A_616, %dma_start3A_622] : memref<16384x128xf32, #tpu.memory_space<hbm>> -> memref<64x128xf32, #tpu.memory_space<hbm>>
    %dma_start3A_624 = arith.constant 0 : i32
    %dma_start3A_625 = tpu.memref_slice %arg6[%add3A_616, %dma_start3A_624] : memref<16384x128xf32, #tpu.memory_space<hbm>> -> memref<64x128xf32, #tpu.memory_space<hbm>>
    %dma_start3A_626 = arith.constant 0 : i32
    %dma_start3A_627 = arith.constant 0 : i32
    %dma_start3A_628 = tpu.memref_slice %arg12[%dma_start3A_617, %dma_start3A_626, %dma_start3A_627] : memref<2x64x128xf32, #tpu.memory_space<vmem>> -> memref<1x64x128xf32, #tpu.memory_space<vmem>>
    %dma_start3A_629 = tpu.memref_squeeze %dma_start3A_628 : memref<1x64x128xf32, #tpu.memory_space<vmem>> -> memref<64x128xf32, #tpu.memory_space<vmem>>
    tpu.enqueue_dma source(%dma_start3A_629 : memref<64x128xf32, #tpu.memory_space<vmem>>) target(%dma_start3A_625 : memref<64x128xf32, #tpu.memory_space<hbm>>) target_semaphore(%arg16 : memref<!tpu.dma_semaphore, #tpu.memory_space<semaphore_mem>>)
    %dma_wait3A_630 = arith.constant 0 : i32
    %dma_wait3A_631 = arith.constant 0 : i32
    %dma_wait3A_632 = tpu.memref_slice %arg8[%dma_wait3A_630, %dma_wait3A_631] : memref<2x2048xi32, #tpu.memory_space<vmem>> -> memref<1x2048xi32, #tpu.memory_space<vmem>>
    %dma_wait3A_633 = tpu.memref_squeeze %dma_wait3A_632 : memref<1x2048xi32, #tpu.memory_space<vmem>> -> memref<2048xi32, #tpu.memory_space<vmem>>
    %dma_wait3A_634 = arith.constant 12288 : i32
    %dma_wait3A_635 = tpu.memref_slice %arg3[%dma_wait3A_634] : memref<16384xi32, #tpu.memory_space<hbm>> -> memref<2048xi32, #tpu.memory_space<hbm>>
    %dma_wait3A_636 = arith.constant 0 : i32
    %dma_wait3A_637 = tpu.memref_slice %arg8[%dma_wait3A_630, %dma_wait3A_636] : memref<2x2048xi32, #tpu.memory_space<vmem>> -> memref<1x2048xi32, #tpu.memory_space<vmem>>
    %dma_wait3A_638 = tpu.memref_squeeze %dma_wait3A_637 : memref<1x2048xi32, #tpu.memory_space<vmem>> -> memref<2048xi32, #tpu.memory_space<vmem>>
    %dma_wait3A_639 = arith.constant 12288 : i32
    %dma_wait3A_640 = tpu.memref_slice %arg3[%dma_wait3A_639] : memref<16384xi32, #tpu.memory_space<hbm>> -> memref<2048xi32, #tpu.memory_space<hbm>>
    tpu.wait_dma2 semaphore(%arg19 : memref<!tpu.dma_semaphore, #tpu.memory_space<semaphore_mem>>) src(%dma_wait3A_640 : memref<2048xi32, #tpu.memory_space<hbm>>) dst(%dma_wait3A_638 : memref<2048xi32, #tpu.memory_space<vmem>>)
    %dma_start3A_641 = arith.constant 1 : i32
    %dma_start3A_642 = arith.constant 0 : i32
    %dma_start3A_643 = tpu.memref_slice %arg8[%dma_start3A_641, %dma_start3A_642] : memref<2x2048xi32, #tpu.memory_space<vmem>> -> memref<1x2048xi32, #tpu.memory_space<vmem>>
    %dma_start3A_644 = tpu.memref_squeeze %dma_start3A_643 : memref<1x2048xi32, #tpu.memory_space<vmem>> -> memref<2048xi32, #tpu.memory_space<vmem>>
    %dma_start3A_645 = arith.constant 14336 : i32
    %dma_start3A_646 = tpu.memref_slice %arg3[%dma_start3A_645] : memref<16384xi32, #tpu.memory_space<hbm>> -> memref<2048xi32, #tpu.memory_space<hbm>>
    %dma_start3A_647 = arith.constant 0 : i32
    %dma_start3A_648 = tpu.memref_slice %arg8[%dma_start3A_641, %dma_start3A_647] : memref<2x2048xi32, #tpu.memory_space<vmem>> -> memref<1x2048xi32, #tpu.memory_space<vmem>>
    %dma_start3A_649 = tpu.memref_squeeze %dma_start3A_648 : memref<1x2048xi32, #tpu.memory_space<vmem>> -> memref<2048xi32, #tpu.memory_space<vmem>>
    %dma_start3A_650 = arith.constant 14336 : i32
    %dma_start3A_651 = tpu.memref_slice %arg3[%dma_start3A_650] : memref<16384xi32, #tpu.memory_space<hbm>> -> memref<2048xi32, #tpu.memory_space<hbm>>
    tpu.enqueue_dma source(%dma_start3A_651 : memref<2048xi32, #tpu.memory_space<hbm>>) target(%dma_start3A_649 : memref<2048xi32, #tpu.memory_space<vmem>>) target_semaphore(%arg20 : memref<!tpu.dma_semaphore, #tpu.memory_space<semaphore_mem>>)
    %parallel_loop3A_652 = arith.constant 0 : i32
    %parallel_loop3A_653 = arith.constant 128 : i32
    %parallel_loop3A_654 = arith.constant 1 : i32
    scf.for %parallel_loop3A_852 = %parallel_loop3A_652 to %parallel_loop3A_653 step %parallel_loop3A_654  : i32 {
      %parallel_loop3A_853 = arith.constant 16 : i32
      %parallel_loop3A_854 = arith.muli %parallel_loop3A_852, %parallel_loop3A_853 : i32
      %parallel_loop3A_855 = arith.constant 0 : i32
      %parallel_loop3A_856 = arith.index_cast %parallel_loop3A_855 : i32 to index
      %parallel_loop3A_857 = arith.index_cast %parallel_loop3A_854 : i32 to index
      %parallel_loop3A_858 = tpu.vector_load %arg8[%parallel_loop3A_856, %parallel_loop3A_857] {strides = array<i32>} : memref<2x2048xi32, #tpu.memory_space<vmem>>, vector<16xi32>,
      %parallel_loop3A_859 = arith.constant 16 : i32
      %parallel_loop3A_860 = arith.muli %parallel_loop3A_852, %parallel_loop3A_859 : i32
      %parallel_loop3A_861 = arith.constant 12289 : i32
      %parallel_loop3A_862 = arith.addi %parallel_loop3A_861, %parallel_loop3A_860 : i32
      %parallel_loop3A_863 = vector.broadcast %parallel_loop3A_862 : i32 to vector<16xi32>
      %parallel_loop3A_864 = arith.addi %parallel_loop3A_863, %iota3A : vector<16xi32>
      tpu.vector_store_idx %arg7[%parallel_loop3A_858], %parallel_loop3A_864 : memref<100000xi32, #tpu.memory_space<vmem>>[vector<16xi32>], vector<16xi32>,
    } {sc.loop_unroll_factor = 4 : i64, sc.parallel_access}
    %lt3A_655 = arith.constant 0 : i32
    %lt3A_656 = vector.broadcast %lt3A_655 : i32 to vector<16xi32>
    %lt3A_657 = arith.cmpi slt, %iota3A, %lt3A_656 : vector<16xi32>
    %scan3A_658 = arith.constant 0 : i32
    %scan3A_659 = arith.constant 128 : i32
    %scan3A_660 = arith.addi %scan3A_658, %scan3A_659 : i32
    %scan3A_661 = arith.constant 8 : i32
    %scan3A_662 = scf.for %scan3A_852 = %scan3A_658 to %scan3A_660 step %scan3A_661 iter_args(%scan3A_853 = %lt3A_657) -> (vector<16xi1>)  : i32 {
      %mul3A_854 = arith.constant 16 : i32
      %mul3A_855 = arith.muli %scan3A_852, %mul3A_854 : i32
      %get3A_856 = arith.constant 0 : i32
      %get3A_857 = arith.index_cast %get3A_856 : i32 to index
      %get3A_858 = arith.index_cast %mul3A_855 : i32 to index
      %get3A_859 = tpu.vector_load %arg8[%get3A_857, %get3A_858] {strides = array<i32>} : memref<2x2048xi32, #tpu.memory_space<vmem>>, vector<16xi32>,
      %mul3A_860 = arith.constant 16 : i32
      %mul3A_861 = arith.muli %scan3A_852, %mul3A_860 : i32
      %add3A_862 = arith.constant 12289 : i32
      %add3A_863 = arith.addi %add3A_862, %mul3A_861 : i32
      %add3A_864 = vector.broadcast %add3A_863 : i32 to vector<16xi32>
      %add3A_865 = arith.addi %add3A_864, %iota3A : vector<16xi32>
      %gather3A = tpu.vector_load_idx %arg7[%get3A_859] : memref<100000xi32, #tpu.memory_space<vmem>>[vector<16xi32>], vector<16xi32>,
      %lt3A_866 = arith.cmpi slt, %gather3A, %add3A_865 : vector<16xi32>
      %or3A = arith.ori %scan3A_853, %lt3A_866 : vector<16xi1>
      %scan3A_867 = arith.constant 1 : i32
      %scan3A_868 = arith.addi %scan3A_852, %scan3A_867 : i32
      %mul3A_869 = arith.constant 16 : i32
      %mul3A_870 = arith.muli %scan3A_868, %mul3A_869 : i32
      %get3A_871 = arith.constant 0 : i32
      %get3A_872 = arith.index_cast %get3A_871 : i32 to index
      %get3A_873 = arith.index_cast %mul3A_870 : i32 to index
      %get3A_874 = tpu.vector_load %arg8[%get3A_872, %get3A_873] {strides = array<i32>} : memref<2x2048xi32, #tpu.memory_space<vmem>>, vector<16xi32>,
      %mul3A_875 = arith.constant 16 : i32
      %mul3A_876 = arith.muli %scan3A_868, %mul3A_875 : i32
      %add3A_877 = arith.constant 12289 : i32
      %add3A_878 = arith.addi %add3A_877, %mul3A_876 : i32
      %add3A_879 = vector.broadcast %add3A_878 : i32 to vector<16xi32>
      %add3A_880 = arith.addi %add3A_879, %iota3A : vector<16xi32>
      %gather3A_881 = tpu.vector_load_idx %arg7[%get3A_874] : memref<100000xi32, #tpu.memory_space<vmem>>[vector<16xi32>], vector<16xi32>,
      %lt3A_882 = arith.cmpi slt, %gather3A_881, %add3A_880 : vector<16xi32>
      %or3A_883 = arith.ori %or3A, %lt3A_882 : vector<16xi1>
      %scan3A_884 = arith.constant 2 : i32
      %scan3A_885 = arith.addi %scan3A_852, %scan3A_884 : i32
      %mul3A_886 = arith.constant 16 : i32
      %mul3A_887 = arith.muli %scan3A_885, %mul3A_886 : i32
      %get3A_888 = arith.constant 0 : i32
      %get3A_889 = arith.index_cast %get3A_888 : i32 to index
      %get3A_890 = arith.index_cast %mul3A_887 : i32 to index
      %get3A_891 = tpu.vector_load %arg8[%get3A_889, %get3A_890] {strides = array<i32>} : memref<2x2048xi32, #tpu.memory_space<vmem>>, vector<16xi32>,
      %mul3A_892 = arith.constant 16 : i32
      %mul3A_893 = arith.muli %scan3A_885, %mul3A_892 : i32
      %add3A_894 = arith.constant 12289 : i32
      %add3A_895 = arith.addi %add3A_894, %mul3A_893 : i32
      %add3A_896 = vector.broadcast %add3A_895 : i32 to vector<16xi32>
      %add3A_897 = arith.addi %add3A_896, %iota3A : vector<16xi32>
      %gather3A_898 = tpu.vector_load_idx %arg7[%get3A_891] : memref<100000xi32, #tpu.memory_space<vmem>>[vector<16xi32>], vector<16xi32>,
      %lt3A_899 = arith.cmpi slt, %gather3A_898, %add3A_897 : vector<16xi32>
      %or3A_900 = arith.ori %or3A_883, %lt3A_899 : vector<16xi1>
      %scan3A_901 = arith.constant 3 : i32
      %scan3A_902 = arith.addi %scan3A_852, %scan3A_901 : i32
      %mul3A_903 = arith.constant 16 : i32
      %mul3A_904 = arith.muli %scan3A_902, %mul3A_903 : i32
      %get3A_905 = arith.constant 0 : i32
      %get3A_906 = arith.index_cast %get3A_905 : i32 to index
      %get3A_907 = arith.index_cast %mul3A_904 : i32 to index
      %get3A_908 = tpu.vector_load %arg8[%get3A_906, %get3A_907] {strides = array<i32>} : memref<2x2048xi32, #tpu.memory_space<vmem>>, vector<16xi32>,
      %mul3A_909 = arith.constant 16 : i32
      %mul3A_910 = arith.muli %scan3A_902, %mul3A_909 : i32
      %add3A_911 = arith.constant 12289 : i32
      %add3A_912 = arith.addi %add3A_911, %mul3A_910 : i32
      %add3A_913 = vector.broadcast %add3A_912 : i32 to vector<16xi32>
      %add3A_914 = arith.addi %add3A_913, %iota3A : vector<16xi32>
      %gather3A_915 = tpu.vector_load_idx %arg7[%get3A_908] : memref<100000xi32, #tpu.memory_space<vmem>>[vector<16xi32>], vector<16xi32>,
      %lt3A_916 = arith.cmpi slt, %gather3A_915, %add3A_914 : vector<16xi32>
      %or3A_917 = arith.ori %or3A_900, %lt3A_916 : vector<16xi1>
      %scan3A_918 = arith.constant 4 : i32
      %scan3A_919 = arith.addi %scan3A_852, %scan3A_918 : i32
      %mul3A_920 = arith.constant 16 : i32
      %mul3A_921 = arith.muli %scan3A_919, %mul3A_920 : i32
      %get3A_922 = arith.constant 0 : i32
      %get3A_923 = arith.index_cast %get3A_922 : i32 to index
      %get3A_924 = arith.index_cast %mul3A_921 : i32 to index
      %get3A_925 = tpu.vector_load %arg8[%get3A_923, %get3A_924] {strides = array<i32>} : memref<2x2048xi32, #tpu.memory_space<vmem>>, vector<16xi32>,
      %mul3A_926 = arith.constant 16 : i32
      %mul3A_927 = arith.muli %scan3A_919, %mul3A_926 : i32
      %add3A_928 = arith.constant 12289 : i32
      %add3A_929 = arith.addi %add3A_928, %mul3A_927 : i32
      %add3A_930 = vector.broadcast %add3A_929 : i32 to vector<16xi32>
      %add3A_931 = arith.addi %add3A_930, %iota3A : vector<16xi32>
      %gather3A_932 = tpu.vector_load_idx %arg7[%get3A_925] : memref<100000xi32, #tpu.memory_space<vmem>>[vector<16xi32>], vector<16xi32>,
      %lt3A_933 = arith.cmpi slt, %gather3A_932, %add3A_931 : vector<16xi32>
      %or3A_934 = arith.ori %or3A_917, %lt3A_933 : vector<16xi1>
      %scan3A_935 = arith.constant 5 : i32
      %scan3A_936 = arith.addi %scan3A_852, %scan3A_935 : i32
      %mul3A_937 = arith.constant 16 : i32
      %mul3A_938 = arith.muli %scan3A_936, %mul3A_937 : i32
      %get3A_939 = arith.constant 0 : i32
      %get3A_940 = arith.index_cast %get3A_939 : i32 to index
      %get3A_941 = arith.index_cast %mul3A_938 : i32 to index
      %get3A_942 = tpu.vector_load %arg8[%get3A_940, %get3A_941] {strides = array<i32>} : memref<2x2048xi32, #tpu.memory_space<vmem>>, vector<16xi32>,
      %mul3A_943 = arith.constant 16 : i32
      %mul3A_944 = arith.muli %scan3A_936, %mul3A_943 : i32
      %add3A_945 = arith.constant 12289 : i32
      %add3A_946 = arith.addi %add3A_945, %mul3A_944 : i32
      %add3A_947 = vector.broadcast %add3A_946 : i32 to vector<16xi32>
      %add3A_948 = arith.addi %add3A_947, %iota3A : vector<16xi32>
      %gather3A_949 = tpu.vector_load_idx %arg7[%get3A_942] : memref<100000xi32, #tpu.memory_space<vmem>>[vector<16xi32>], vector<16xi32>,
      %lt3A_950 = arith.cmpi slt, %gather3A_949, %add3A_948 : vector<16xi32>
      %or3A_951 = arith.ori %or3A_934, %lt3A_950 : vector<16xi1>
      %scan3A_952 = arith.constant 6 : i32
      %scan3A_953 = arith.addi %scan3A_852, %scan3A_952 : i32
      %mul3A_954 = arith.constant 16 : i32
      %mul3A_955 = arith.muli %scan3A_953, %mul3A_954 : i32
      %get3A_956 = arith.constant 0 : i32
      %get3A_957 = arith.index_cast %get3A_956 : i32 to index
      %get3A_958 = arith.index_cast %mul3A_955 : i32 to index
      %get3A_959 = tpu.vector_load %arg8[%get3A_957, %get3A_958] {strides = array<i32>} : memref<2x2048xi32, #tpu.memory_space<vmem>>, vector<16xi32>,
      %mul3A_960 = arith.constant 16 : i32
      %mul3A_961 = arith.muli %scan3A_953, %mul3A_960 : i32
      %add3A_962 = arith.constant 12289 : i32
      %add3A_963 = arith.addi %add3A_962, %mul3A_961 : i32
      %add3A_964 = vector.broadcast %add3A_963 : i32 to vector<16xi32>
      %add3A_965 = arith.addi %add3A_964, %iota3A : vector<16xi32>
      %gather3A_966 = tpu.vector_load_idx %arg7[%get3A_959] : memref<100000xi32, #tpu.memory_space<vmem>>[vector<16xi32>], vector<16xi32>,
      %lt3A_967 = arith.cmpi slt, %gather3A_966, %add3A_965 : vector<16xi32>
      %or3A_968 = arith.ori %or3A_951, %lt3A_967 : vector<16xi1>
      %scan3A_969 = arith.constant 7 : i32
      %scan3A_970 = arith.addi %scan3A_852, %scan3A_969 : i32
      %mul3A_971 = arith.constant 16 : i32
      %mul3A_972 = arith.muli %scan3A_970, %mul3A_971 : i32
      %get3A_973 = arith.constant 0 : i32
      %get3A_974 = arith.index_cast %get3A_973 : i32 to index
      %get3A_975 = arith.index_cast %mul3A_972 : i32 to index
      %get3A_976 = tpu.vector_load %arg8[%get3A_974, %get3A_975] {strides = array<i32>} : memref<2x2048xi32, #tpu.memory_space<vmem>>, vector<16xi32>,
      %mul3A_977 = arith.constant 16 : i32
      %mul3A_978 = arith.muli %scan3A_970, %mul3A_977 : i32
      %add3A_979 = arith.constant 12289 : i32
      %add3A_980 = arith.addi %add3A_979, %mul3A_978 : i32
      %add3A_981 = vector.broadcast %add3A_980 : i32 to vector<16xi32>
      %add3A_982 = arith.addi %add3A_981, %iota3A : vector<16xi32>
      %gather3A_983 = tpu.vector_load_idx %arg7[%get3A_976] : memref<100000xi32, #tpu.memory_space<vmem>>[vector<16xi32>], vector<16xi32>,
      %lt3A_984 = arith.cmpi slt, %gather3A_983, %add3A_982 : vector<16xi32>
      %or3A_985 = arith.ori %or3A_968, %lt3A_984 : vector<16xi1>
      scf.yield %or3A_985 : vector<16xi1>
    }
    %scan3A_663 = arith.constant 128 : i32
    %reduce_or3A_664 = arith.constant 1.000000e+00 : f32
    %reduce_or3A_665 = arith.constant 0.000000e+00 : f32
    %reduce_or3A_666 = vector.broadcast %reduce_or3A_664 : f32 to vector<16xf32>
    %reduce_or3A_667 = vector.broadcast %reduce_or3A_665 : f32 to vector<16xf32>
    %reduce_or3A_668 = arith.select %scan3A_662, %reduce_or3A_666, %reduce_or3A_667 : vector<16xi1>, vector<16xf32>
    %reduce_or3A_669 = arith.constant true
    %reduce_or3A_670 = vector.broadcast %reduce_or3A_669 : i1 to vector<16xi1>
    %reduce_or3A_671 = tpu.scan <max>, %reduce_or3A_668 masked %reduce_or3A_670 : vector<16xf32>, vector<16xi1> -> vector<16xf32>
    %reduce_or3A_672 = vector.extract %reduce_or3A_671[15] : f32 from vector<16xf32>
    %reduce_or3A_673 = arith.constant 0.000000e+00 : f32
    %reduce_or3A_674 = arith.cmpf ogt, %reduce_or3A_672, %reduce_or3A_673 : f32
    %convert_element_type3A_675 = arith.extui %reduce_or3A_674 : i1 to i32
    %cond3A_676 = arith.constant 0 : i32
    %cond3A_677 = arith.cmpi ne, %convert_element_type3A_675, %cond3A_676 : i32
    scf.if %cond3A_677 {
      %scan3A_852 = arith.constant 0 : i32
      %scan3A_853 = arith.constant 0 : i32
      %scan3A_854 = arith.constant 128 : i32
      %scan3A_855 = arith.addi %scan3A_853, %scan3A_854 : i32
      %scan3A_856 = arith.constant 1 : i32
      %scan3A_857 = scf.for %scan3A_859 = %scan3A_853 to %scan3A_855 step %scan3A_856 iter_args(%scan3A_860 = %scan3A_852) -> (i32)  : i32 {
        %mul3A_861 = arith.constant 16 : i32
        %mul3A_862 = arith.muli %scan3A_859, %mul3A_861 : i32
        %get3A_863 = arith.constant 0 : i32
        %get3A_864 = arith.index_cast %get3A_863 : i32 to index
        %get3A_865 = arith.index_cast %mul3A_862 : i32 to index
        %get3A_866 = tpu.vector_load %arg8[%get3A_864, %get3A_865] {strides = array<i32>} : memref<2x2048xi32, #tpu.memory_space<vmem>>, vector<16xi32>,
        %broadcast_in_dim3A_867 = arith.constant true
        %broadcast_in_dim3A_868 = vector.broadcast %broadcast_in_dim3A_867 : i1 to vector<16xi1>
        %unique3A, %unique3A_869 = tpu.scan_count mask(%broadcast_in_dim3A_868 : vector<16xi1>) value(%get3A_866 : vector<16xi32>) : vector<16xi1>, vector<16xi32>
        %mul3A_870 = arith.constant 16 : i32
        %mul3A_871 = arith.muli %scan3A_859, %mul3A_870 : i32
        %add3A_872 = arith.constant 12289 : i32
        %add3A_873 = arith.addi %add3A_872, %mul3A_871 : i32
        %add3A_874 = vector.broadcast %add3A_873 : i32 to vector<16xi32>
        %add3A_875 = arith.addi %add3A_874, %iota3A : vector<16xi32>
        %gather3A = tpu.vector_load_idx %arg7[%get3A_866] : memref<100000xi32, #tpu.memory_space<vmem>>[vector<16xi32>], vector<16xi32>,
        %lt3A_876 = arith.cmpi slt, %gather3A, %add3A_875 : vector<16xi32>
        %and3A_877 = arith.andi %unique3A, %lt3A_876 : vector<16xi1>
        tpu.vector_store_idx %arg7[%get3A_866], %add3A_875 masked %and3A_877 : memref<100000xi32, #tpu.memory_space<vmem>>[vector<16xi32>], vector<16xi32>, vector<16xi1>
        %scan3A_878 = arith.constant 0 : i32
        scf.yield %scan3A_878 : i32
      }
      %scan3A_858 = arith.constant 128 : i32
    } else {
    }
    %dma_wait3A_678 = arith.constant 1 : i32
    %dma_wait3A_679 = arith.constant 0 : i32
    %dma_wait3A_680 = arith.constant 0 : i32
    %dma_wait3A_681 = tpu.memref_slice %arg12[%dma_wait3A_678, %dma_wait3A_679, %dma_wait3A_680] : memref<2x64x128xf32, #tpu.memory_space<vmem>> -> memref<1x64x128xf32, #tpu.memory_space<vmem>>
    %dma_wait3A_682 = tpu.memref_squeeze %dma_wait3A_681 : memref<1x64x128xf32, #tpu.memory_space<vmem>> -> memref<64x128xf32, #tpu.memory_space<vmem>>
    %dma_wait3A_683 = arith.constant 448 : i32
    %dma_wait3A_684 = tpu.memref_slice %arg9[%dma_wait3A_683] : memref<512xi32, #tpu.memory_space<vmem>> -> memref<64xi32, #tpu.memory_space<vmem>>
    %dma_wait3A_685 = arith.constant 0 : i32
    %dma_wait3A_686 = arith.constant 0 : i32
    %dma_wait3A_687 = tpu.memref_slice %arg2[%dma_wait3A_685, %dma_wait3A_686] : memref<100000x128xf32, #tpu.memory_space<hbm>> -> memref<100000x128xf32, #tpu.memory_space<hbm>>
    tpu.wait_indirect_dma semaphore(%arg14 : memref<!tpu.dma_semaphore, #tpu.memory_space<semaphore_mem>>) src(%dma_wait3A_687 : memref<100000x128xf32, #tpu.memory_space<hbm>>) dst(%dma_wait3A_682 : memref<64x128xf32, #tpu.memory_space<vmem>>)
    %add3A_688 = arith.constant 448 : i32
    %add3A_689 = arith.addi %mul3A_2, %add3A_688 : i32
    %dma_start3A_690 = arith.constant 1 : i32
    %dma_start3A_691 = arith.constant 0 : i32
    %dma_start3A_692 = arith.constant 0 : i32
    %dma_start3A_693 = tpu.memref_slice %arg12[%dma_start3A_690, %dma_start3A_691, %dma_start3A_692] : memref<2x64x128xf32, #tpu.memory_space<vmem>> -> memref<1x64x128xf32, #tpu.memory_space<vmem>>
    %dma_start3A_694 = tpu.memref_squeeze %dma_start3A_693 : memref<1x64x128xf32, #tpu.memory_space<vmem>> -> memref<64x128xf32, #tpu.memory_space<vmem>>
    %dma_start3A_695 = arith.constant 0 : i32
    %dma_start3A_696 = tpu.memref_slice %arg6[%add3A_689, %dma_start3A_695] : memref<16384x128xf32, #tpu.memory_space<hbm>> -> memref<64x128xf32, #tpu.memory_space<hbm>>
    %dma_start3A_697 = arith.constant 0 : i32
    %dma_start3A_698 = tpu.memref_slice %arg6[%add3A_689, %dma_start3A_697] : memref<16384x128xf32, #tpu.memory_space<hbm>> -> memref<64x128xf32, #tpu.memory_space<hbm>>
    %dma_start3A_699 = arith.constant 0 : i32
    %dma_start3A_700 = arith.constant 0 : i32
    %dma_start3A_701 = tpu.memref_slice %arg12[%dma_start3A_690, %dma_start3A_699, %dma_start3A_700] : memref<2x64x128xf32, #tpu.memory_space<vmem>> -> memref<1x64x128xf32, #tpu.memory_space<vmem>>
    %dma_start3A_702 = tpu.memref_squeeze %dma_start3A_701 : memref<1x64x128xf32, #tpu.memory_space<vmem>> -> memref<64x128xf32, #tpu.memory_space<vmem>>
    tpu.enqueue_dma source(%dma_start3A_702 : memref<64x128xf32, #tpu.memory_space<vmem>>) target(%dma_start3A_698 : memref<64x128xf32, #tpu.memory_space<hbm>>) target_semaphore(%arg17 : memref<!tpu.dma_semaphore, #tpu.memory_space<semaphore_mem>>)
    %dma_wait3A_703 = arith.constant 1 : i32
    %dma_wait3A_704 = arith.constant 0 : i32
    %dma_wait3A_705 = tpu.memref_slice %arg8[%dma_wait3A_703, %dma_wait3A_704] : memref<2x2048xi32, #tpu.memory_space<vmem>> -> memref<1x2048xi32, #tpu.memory_space<vmem>>
    %dma_wait3A_706 = tpu.memref_squeeze %dma_wait3A_705 : memref<1x2048xi32, #tpu.memory_space<vmem>> -> memref<2048xi32, #tpu.memory_space<vmem>>
    %dma_wait3A_707 = arith.constant 14336 : i32
    %dma_wait3A_708 = tpu.memref_slice %arg3[%dma_wait3A_707] : memref<16384xi32, #tpu.memory_space<hbm>> -> memref<2048xi32, #tpu.memory_space<hbm>>
    %dma_wait3A_709 = arith.constant 0 : i32
    %dma_wait3A_710 = tpu.memref_slice %arg8[%dma_wait3A_703, %dma_wait3A_709] : memref<2x2048xi32, #tpu.memory_space<vmem>> -> memref<1x2048xi32, #tpu.memory_space<vmem>>
    %dma_wait3A_711 = tpu.memref_squeeze %dma_wait3A_710 : memref<1x2048xi32, #tpu.memory_space<vmem>> -> memref<2048xi32, #tpu.memory_space<vmem>>
    %dma_wait3A_712 = arith.constant 14336 : i32
    %dma_wait3A_713 = tpu.memref_slice %arg3[%dma_wait3A_712] : memref<16384xi32, #tpu.memory_space<hbm>> -> memref<2048xi32, #tpu.memory_space<hbm>>
    tpu.wait_dma2 semaphore(%arg20 : memref<!tpu.dma_semaphore, #tpu.memory_space<semaphore_mem>>) src(%dma_wait3A_713 : memref<2048xi32, #tpu.memory_space<hbm>>) dst(%dma_wait3A_711 : memref<2048xi32, #tpu.memory_space<vmem>>)
    %parallel_loop3A_714 = arith.constant 0 : i32
    %parallel_loop3A_715 = arith.constant 128 : i32
    %parallel_loop3A_716 = arith.constant 1 : i32
    scf.for %parallel_loop3A_852 = %parallel_loop3A_714 to %parallel_loop3A_715 step %parallel_loop3A_716  : i32 {
      %parallel_loop3A_853 = arith.constant 16 : i32
      %parallel_loop3A_854 = arith.muli %parallel_loop3A_852, %parallel_loop3A_853 : i32
      %parallel_loop3A_855 = arith.constant 1 : i32
      %parallel_loop3A_856 = arith.index_cast %parallel_loop3A_855 : i32 to index
      %parallel_loop3A_857 = arith.index_cast %parallel_loop3A_854 : i32 to index
      %parallel_loop3A_858 = tpu.vector_load %arg8[%parallel_loop3A_856, %parallel_loop3A_857] {strides = array<i32>} : memref<2x2048xi32, #tpu.memory_space<vmem>>, vector<16xi32>,
      %parallel_loop3A_859 = arith.constant 16 : i32
      %parallel_loop3A_860 = arith.muli %parallel_loop3A_852, %parallel_loop3A_859 : i32
      %parallel_loop3A_861 = arith.constant 14337 : i32
      %parallel_loop3A_862 = arith.addi %parallel_loop3A_861, %parallel_loop3A_860 : i32
      %parallel_loop3A_863 = vector.broadcast %parallel_loop3A_862 : i32 to vector<16xi32>
      %parallel_loop3A_864 = arith.addi %parallel_loop3A_863, %iota3A : vector<16xi32>
      tpu.vector_store_idx %arg7[%parallel_loop3A_858], %parallel_loop3A_864 : memref<100000xi32, #tpu.memory_space<vmem>>[vector<16xi32>], vector<16xi32>,
    } {sc.loop_unroll_factor = 4 : i64, sc.parallel_access}
    %lt3A_717 = arith.constant 0 : i32
    %lt3A_718 = vector.broadcast %lt3A_717 : i32 to vector<16xi32>
    %lt3A_719 = arith.cmpi slt, %iota3A, %lt3A_718 : vector<16xi32>
    %scan3A_720 = arith.constant 0 : i32
    %scan3A_721 = arith.constant 128 : i32
    %scan3A_722 = arith.addi %scan3A_720, %scan3A_721 : i32
    %scan3A_723 = arith.constant 8 : i32
    %scan3A_724 = scf.for %scan3A_852 = %scan3A_720 to %scan3A_722 step %scan3A_723 iter_args(%scan3A_853 = %lt3A_719) -> (vector<16xi1>)  : i32 {
      %mul3A_854 = arith.constant 16 : i32
      %mul3A_855 = arith.muli %scan3A_852, %mul3A_854 : i32
      %get3A_856 = arith.constant 1 : i32
      %get3A_857 = arith.index_cast %get3A_856 : i32 to index
      %get3A_858 = arith.index_cast %mul3A_855 : i32 to index
      %get3A_859 = tpu.vector_load %arg8[%get3A_857, %get3A_858] {strides = array<i32>} : memref<2x2048xi32, #tpu.memory_space<vmem>>, vector<16xi32>,
      %mul3A_860 = arith.constant 16 : i32
      %mul3A_861 = arith.muli %scan3A_852, %mul3A_860 : i32
      %add3A_862 = arith.constant 14337 : i32
      %add3A_863 = arith.addi %add3A_862, %mul3A_861 : i32
      %add3A_864 = vector.broadcast %add3A_863 : i32 to vector<16xi32>
      %add3A_865 = arith.addi %add3A_864, %iota3A : vector<16xi32>
      %gather3A = tpu.vector_load_idx %arg7[%get3A_859] : memref<100000xi32, #tpu.memory_space<vmem>>[vector<16xi32>], vector<16xi32>,
      %lt3A_866 = arith.cmpi slt, %gather3A, %add3A_865 : vector<16xi32>
      %or3A = arith.ori %scan3A_853, %lt3A_866 : vector<16xi1>
      %scan3A_867 = arith.constant 1 : i32
      %scan3A_868 = arith.addi %scan3A_852, %scan3A_867 : i32
      %mul3A_869 = arith.constant 16 : i32
      %mul3A_870 = arith.muli %scan3A_868, %mul3A_869 : i32
      %get3A_871 = arith.constant 1 : i32
      %get3A_872 = arith.index_cast %get3A_871 : i32 to index
      %get3A_873 = arith.index_cast %mul3A_870 : i32 to index
      %get3A_874 = tpu.vector_load %arg8[%get3A_872, %get3A_873] {strides = array<i32>} : memref<2x2048xi32, #tpu.memory_space<vmem>>, vector<16xi32>,
      %mul3A_875 = arith.constant 16 : i32
      %mul3A_876 = arith.muli %scan3A_868, %mul3A_875 : i32
      %add3A_877 = arith.constant 14337 : i32
      %add3A_878 = arith.addi %add3A_877, %mul3A_876 : i32
      %add3A_879 = vector.broadcast %add3A_878 : i32 to vector<16xi32>
      %add3A_880 = arith.addi %add3A_879, %iota3A : vector<16xi32>
      %gather3A_881 = tpu.vector_load_idx %arg7[%get3A_874] : memref<100000xi32, #tpu.memory_space<vmem>>[vector<16xi32>], vector<16xi32>,
      %lt3A_882 = arith.cmpi slt, %gather3A_881, %add3A_880 : vector<16xi32>
      %or3A_883 = arith.ori %or3A, %lt3A_882 : vector<16xi1>
      %scan3A_884 = arith.constant 2 : i32
      %scan3A_885 = arith.addi %scan3A_852, %scan3A_884 : i32
      %mul3A_886 = arith.constant 16 : i32
      %mul3A_887 = arith.muli %scan3A_885, %mul3A_886 : i32
      %get3A_888 = arith.constant 1 : i32
      %get3A_889 = arith.index_cast %get3A_888 : i32 to index
      %get3A_890 = arith.index_cast %mul3A_887 : i32 to index
      %get3A_891 = tpu.vector_load %arg8[%get3A_889, %get3A_890] {strides = array<i32>} : memref<2x2048xi32, #tpu.memory_space<vmem>>, vector<16xi32>,
      %mul3A_892 = arith.constant 16 : i32
      %mul3A_893 = arith.muli %scan3A_885, %mul3A_892 : i32
      %add3A_894 = arith.constant 14337 : i32
      %add3A_895 = arith.addi %add3A_894, %mul3A_893 : i32
      %add3A_896 = vector.broadcast %add3A_895 : i32 to vector<16xi32>
      %add3A_897 = arith.addi %add3A_896, %iota3A : vector<16xi32>
      %gather3A_898 = tpu.vector_load_idx %arg7[%get3A_891] : memref<100000xi32, #tpu.memory_space<vmem>>[vector<16xi32>], vector<16xi32>,
      %lt3A_899 = arith.cmpi slt, %gather3A_898, %add3A_897 : vector<16xi32>
      %or3A_900 = arith.ori %or3A_883, %lt3A_899 : vector<16xi1>
      %scan3A_901 = arith.constant 3 : i32
      %scan3A_902 = arith.addi %scan3A_852, %scan3A_901 : i32
      %mul3A_903 = arith.constant 16 : i32
      %mul3A_904 = arith.muli %scan3A_902, %mul3A_903 : i32
      %get3A_905 = arith.constant 1 : i32
      %get3A_906 = arith.index_cast %get3A_905 : i32 to index
      %get3A_907 = arith.index_cast %mul3A_904 : i32 to index
      %get3A_908 = tpu.vector_load %arg8[%get3A_906, %get3A_907] {strides = array<i32>} : memref<2x2048xi32, #tpu.memory_space<vmem>>, vector<16xi32>,
      %mul3A_909 = arith.constant 16 : i32
      %mul3A_910 = arith.muli %scan3A_902, %mul3A_909 : i32
      %add3A_911 = arith.constant 14337 : i32
      %add3A_912 = arith.addi %add3A_911, %mul3A_910 : i32
      %add3A_913 = vector.broadcast %add3A_912 : i32 to vector<16xi32>
      %add3A_914 = arith.addi %add3A_913, %iota3A : vector<16xi32>
      %gather3A_915 = tpu.vector_load_idx %arg7[%get3A_908] : memref<100000xi32, #tpu.memory_space<vmem>>[vector<16xi32>], vector<16xi32>,
      %lt3A_916 = arith.cmpi slt, %gather3A_915, %add3A_914 : vector<16xi32>
      %or3A_917 = arith.ori %or3A_900, %lt3A_916 : vector<16xi1>
      %scan3A_918 = arith.constant 4 : i32
      %scan3A_919 = arith.addi %scan3A_852, %scan3A_918 : i32
      %mul3A_920 = arith.constant 16 : i32
      %mul3A_921 = arith.muli %scan3A_919, %mul3A_920 : i32
      %get3A_922 = arith.constant 1 : i32
      %get3A_923 = arith.index_cast %get3A_922 : i32 to index
      %get3A_924 = arith.index_cast %mul3A_921 : i32 to index
      %get3A_925 = tpu.vector_load %arg8[%get3A_923, %get3A_924] {strides = array<i32>} : memref<2x2048xi32, #tpu.memory_space<vmem>>, vector<16xi32>,
      %mul3A_926 = arith.constant 16 : i32
      %mul3A_927 = arith.muli %scan3A_919, %mul3A_926 : i32
      %add3A_928 = arith.constant 14337 : i32
      %add3A_929 = arith.addi %add3A_928, %mul3A_927 : i32
      %add3A_930 = vector.broadcast %add3A_929 : i32 to vector<16xi32>
      %add3A_931 = arith.addi %add3A_930, %iota3A : vector<16xi32>
      %gather3A_932 = tpu.vector_load_idx %arg7[%get3A_925] : memref<100000xi32, #tpu.memory_space<vmem>>[vector<16xi32>], vector<16xi32>,
      %lt3A_933 = arith.cmpi slt, %gather3A_932, %add3A_931 : vector<16xi32>
      %or3A_934 = arith.ori %or3A_917, %lt3A_933 : vector<16xi1>
      %scan3A_935 = arith.constant 5 : i32
      %scan3A_936 = arith.addi %scan3A_852, %scan3A_935 : i32
      %mul3A_937 = arith.constant 16 : i32
      %mul3A_938 = arith.muli %scan3A_936, %mul3A_937 : i32
      %get3A_939 = arith.constant 1 : i32
      %get3A_940 = arith.index_cast %get3A_939 : i32 to index
      %get3A_941 = arith.index_cast %mul3A_938 : i32 to index
      %get3A_942 = tpu.vector_load %arg8[%get3A_940, %get3A_941] {strides = array<i32>} : memref<2x2048xi32, #tpu.memory_space<vmem>>, vector<16xi32>,
      %mul3A_943 = arith.constant 16 : i32
      %mul3A_944 = arith.muli %scan3A_936, %mul3A_943 : i32
      %add3A_945 = arith.constant 14337 : i32
      %add3A_946 = arith.addi %add3A_945, %mul3A_944 : i32
      %add3A_947 = vector.broadcast %add3A_946 : i32 to vector<16xi32>
      %add3A_948 = arith.addi %add3A_947, %iota3A : vector<16xi32>
      %gather3A_949 = tpu.vector_load_idx %arg7[%get3A_942] : memref<100000xi32, #tpu.memory_space<vmem>>[vector<16xi32>], vector<16xi32>,
      %lt3A_950 = arith.cmpi slt, %gather3A_949, %add3A_948 : vector<16xi32>
      %or3A_951 = arith.ori %or3A_934, %lt3A_950 : vector<16xi1>
      %scan3A_952 = arith.constant 6 : i32
      %scan3A_953 = arith.addi %scan3A_852, %scan3A_952 : i32
      %mul3A_954 = arith.constant 16 : i32
      %mul3A_955 = arith.muli %scan3A_953, %mul3A_954 : i32
      %get3A_956 = arith.constant 1 : i32
      %get3A_957 = arith.index_cast %get3A_956 : i32 to index
      %get3A_958 = arith.index_cast %mul3A_955 : i32 to index
      %get3A_959 = tpu.vector_load %arg8[%get3A_957, %get3A_958] {strides = array<i32>} : memref<2x2048xi32, #tpu.memory_space<vmem>>, vector<16xi32>,
      %mul3A_960 = arith.constant 16 : i32
      %mul3A_961 = arith.muli %scan3A_953, %mul3A_960 : i32
      %add3A_962 = arith.constant 14337 : i32
      %add3A_963 = arith.addi %add3A_962, %mul3A_961 : i32
      %add3A_964 = vector.broadcast %add3A_963 : i32 to vector<16xi32>
      %add3A_965 = arith.addi %add3A_964, %iota3A : vector<16xi32>
      %gather3A_966 = tpu.vector_load_idx %arg7[%get3A_959] : memref<100000xi32, #tpu.memory_space<vmem>>[vector<16xi32>], vector<16xi32>,
      %lt3A_967 = arith.cmpi slt, %gather3A_966, %add3A_965 : vector<16xi32>
      %or3A_968 = arith.ori %or3A_951, %lt3A_967 : vector<16xi1>
      %scan3A_969 = arith.constant 7 : i32
      %scan3A_970 = arith.addi %scan3A_852, %scan3A_969 : i32
      %mul3A_971 = arith.constant 16 : i32
      %mul3A_972 = arith.muli %scan3A_970, %mul3A_971 : i32
      %get3A_973 = arith.constant 1 : i32
      %get3A_974 = arith.index_cast %get3A_973 : i32 to index
      %get3A_975 = arith.index_cast %mul3A_972 : i32 to index
      %get3A_976 = tpu.vector_load %arg8[%get3A_974, %get3A_975] {strides = array<i32>} : memref<2x2048xi32, #tpu.memory_space<vmem>>, vector<16xi32>,
      %mul3A_977 = arith.constant 16 : i32
      %mul3A_978 = arith.muli %scan3A_970, %mul3A_977 : i32
      %add3A_979 = arith.constant 14337 : i32
      %add3A_980 = arith.addi %add3A_979, %mul3A_978 : i32
      %add3A_981 = vector.broadcast %add3A_980 : i32 to vector<16xi32>
      %add3A_982 = arith.addi %add3A_981, %iota3A : vector<16xi32>
      %gather3A_983 = tpu.vector_load_idx %arg7[%get3A_976] : memref<100000xi32, #tpu.memory_space<vmem>>[vector<16xi32>], vector<16xi32>,
      %lt3A_984 = arith.cmpi slt, %gather3A_983, %add3A_982 : vector<16xi32>
      %or3A_985 = arith.ori %or3A_968, %lt3A_984 : vector<16xi1>
      scf.yield %or3A_985 : vector<16xi1>
    }
    %scan3A_725 = arith.constant 128 : i32
    %reduce_or3A_726 = arith.constant 1.000000e+00 : f32
    %reduce_or3A_727 = arith.constant 0.000000e+00 : f32
    %reduce_or3A_728 = vector.broadcast %reduce_or3A_726 : f32 to vector<16xf32>
    %reduce_or3A_729 = vector.broadcast %reduce_or3A_727 : f32 to vector<16xf32>
    %reduce_or3A_730 = arith.select %scan3A_724, %reduce_or3A_728, %reduce_or3A_729 : vector<16xi1>, vector<16xf32>
    %reduce_or3A_731 = arith.constant true
    %reduce_or3A_732 = vector.broadcast %reduce_or3A_731 : i1 to vector<16xi1>
    %reduce_or3A_733 = tpu.scan <max>, %reduce_or3A_730 masked %reduce_or3A_732 : vector<16xf32>, vector<16xi1> -> vector<16xf32>
    %reduce_or3A_734 = vector.extract %reduce_or3A_733[15] : f32 from vector<16xf32>
    %reduce_or3A_735 = arith.constant 0.000000e+00 : f32
    %reduce_or3A_736 = arith.cmpf ogt, %reduce_or3A_734, %reduce_or3A_735 : f32
    %convert_element_type3A_737 = arith.extui %reduce_or3A_736 : i1 to i32
    %cond3A_738 = arith.constant 0 : i32
    %cond3A_739 = arith.cmpi ne, %convert_element_type3A_737, %cond3A_738 : i32
    scf.if %cond3A_739 {
      %scan3A_852 = arith.constant 0 : i32
      %scan3A_853 = arith.constant 0 : i32
      %scan3A_854 = arith.constant 128 : i32
      %scan3A_855 = arith.addi %scan3A_853, %scan3A_854 : i32
      %scan3A_856 = arith.constant 1 : i32
      %scan3A_857 = scf.for %scan3A_859 = %scan3A_853 to %scan3A_855 step %scan3A_856 iter_args(%scan3A_860 = %scan3A_852) -> (i32)  : i32 {
        %mul3A_861 = arith.constant 16 : i32
        %mul3A_862 = arith.muli %scan3A_859, %mul3A_861 : i32
        %get3A_863 = arith.constant 1 : i32
        %get3A_864 = arith.index_cast %get3A_863 : i32 to index
        %get3A_865 = arith.index_cast %mul3A_862 : i32 to index
        %get3A_866 = tpu.vector_load %arg8[%get3A_864, %get3A_865] {strides = array<i32>} : memref<2x2048xi32, #tpu.memory_space<vmem>>, vector<16xi32>,
        %broadcast_in_dim3A_867 = arith.constant true
        %broadcast_in_dim3A_868 = vector.broadcast %broadcast_in_dim3A_867 : i1 to vector<16xi1>
        %unique3A, %unique3A_869 = tpu.scan_count mask(%broadcast_in_dim3A_868 : vector<16xi1>) value(%get3A_866 : vector<16xi32>) : vector<16xi1>, vector<16xi32>
        %mul3A_870 = arith.constant 16 : i32
        %mul3A_871 = arith.muli %scan3A_859, %mul3A_870 : i32
        %add3A_872 = arith.constant 14337 : i32
        %add3A_873 = arith.addi %add3A_872, %mul3A_871 : i32
        %add3A_874 = vector.broadcast %add3A_873 : i32 to vector<16xi32>
        %add3A_875 = arith.addi %add3A_874, %iota3A : vector<16xi32>
        %gather3A = tpu.vector_load_idx %arg7[%get3A_866] : memref<100000xi32, #tpu.memory_space<vmem>>[vector<16xi32>], vector<16xi32>,
        %lt3A_876 = arith.cmpi slt, %gather3A, %add3A_875 : vector<16xi32>
        %and3A_877 = arith.andi %unique3A, %lt3A_876 : vector<16xi1>
        tpu.vector_store_idx %arg7[%get3A_866], %add3A_875 masked %and3A_877 : memref<100000xi32, #tpu.memory_space<vmem>>[vector<16xi32>], vector<16xi32>, vector<16xi1>
        %scan3A_878 = arith.constant 0 : i32
        scf.yield %scan3A_878 : i32
      }
      %scan3A_858 = arith.constant 128 : i32
    } else {
    }
    %scan3A_740 = arith.constant 0 : i32
    %scan3A_741 = arith.constant 0 : i32
    %scan3A_742 = arith.constant 32 : i32
    %scan3A_743 = arith.addi %scan3A_741, %scan3A_742 : i32
    %scan3A_744 = arith.constant 1 : i32
    %scan3A_745 = scf.for %scan3A_852 = %scan3A_741 to %scan3A_743 step %scan3A_744 iter_args(%scan3A_853 = %scan3A_740) -> (i32)  : i32 {
      %mul3A_854 = arith.constant 16 : i32
      %mul3A_855 = arith.muli %scan3A_852, %mul3A_854 : i32
      %get3A_856 = arith.index_cast %mul3A_855 : i32 to index
      %get3A_857 = tpu.vector_load %arg9[%get3A_856] {strides = array<i32>} : memref<512xi32, #tpu.memory_space<vmem>>, vector<16xi32>,
      %gather3A = tpu.vector_load_idx %arg7[%get3A_857] : memref<100000xi32, #tpu.memory_space<vmem>>[vector<16xi32>], vector<16xi32>,
      %gt3A = arith.constant 0 : i32
      %gt3A_858 = vector.broadcast %gt3A : i32 to vector<16xi32>
      %gt3A_859 = arith.cmpi sgt, %gather3A, %gt3A_858 : vector<16xi32>
      %mul3A_860 = arith.constant 16 : i32
      %mul3A_861 = arith.muli %scan3A_852, %mul3A_860 : i32
      %add3A_862 = arith.addi %mul3A_2, %mul3A_861 : i32
      %add3A_863 = vector.broadcast %add3A_862 : i32 to vector<16xi32>
      %add3A_864 = arith.addi %add3A_863, %iota3A : vector<16xi32>
      %swap3A_865 = arith.index_cast %scan3A_853 : i32 to index
      %swap3A_866 = tpu.vector_load %arg10[%swap3A_865] masked %gt3A_859 {strides = array<i32>} : memref<544xi32, #tpu.memory_space<vmem>>, vector<16xi32>, vector<16xi1>
      tpu.vector_store %arg10[%swap3A_865], %add3A_864 masked %gt3A_859 {strides = array<i32>} : memref<544xi32, #tpu.memory_space<vmem>>, vector<16xi32>, vector<16xi1>
      %sub3A_867 = arith.constant 1 : i32
      %sub3A_868 = vector.broadcast %sub3A_867 : i32 to vector<16xi32>
      %sub3A_869 = arith.subi %gather3A, %sub3A_868 : vector<16xi32>
      %swap3A_870 = arith.index_cast %scan3A_853 : i32 to index
      %swap3A_871 = tpu.vector_load %arg11[%swap3A_870] masked %gt3A_859 {strides = array<i32>} : memref<544xi32, #tpu.memory_space<vmem>>, vector<16xi32>, vector<16xi1>
      tpu.vector_store %arg11[%swap3A_870], %sub3A_869 masked %gt3A_859 {strides = array<i32>} : memref<544xi32, #tpu.memory_space<vmem>>, vector<16xi32>, vector<16xi1>
      %convert_element_type3A_872 = arith.extui %gt3A_859 : vector<16xi1> to vector<16xi32>
      %reduce_sum3A = arith.constant true
      %reduce_sum3A_873 = vector.broadcast %reduce_sum3A : i1 to vector<16xi1>
      %reduce_sum3A_874 = tpu.scan <sum>, %convert_element_type3A_872 masked %reduce_sum3A_873 : vector<16xi32>, vector<16xi1> -> vector<16xi32>
      %reduce_sum3A_875 = vector.extract %reduce_sum3A_874[15] : i32 from vector<16xi32>
      %add3A_876 = arith.addi %scan3A_853, %reduce_sum3A_875 : i32
      scf.yield %add3A_876 : i32
    }
    %scan3A_746 = arith.constant 32 : i32
    %dma_wait3A_747 = arith.constant 0 : i32
    %dma_wait3A_748 = arith.constant 0 : i32
    %dma_wait3A_749 = arith.constant 0 : i32
    %dma_wait3A_750 = tpu.memref_slice %arg12[%dma_wait3A_747, %dma_wait3A_748, %dma_wait3A_749] : memref<2x64x128xf32, #tpu.memory_space<vmem>> -> memref<1x64x128xf32, #tpu.memory_space<vmem>>
    %dma_wait3A_751 = tpu.memref_squeeze %dma_wait3A_750 : memref<1x64x128xf32, #tpu.memory_space<vmem>> -> memref<64x128xf32, #tpu.memory_space<vmem>>
    %dma_wait3A_752 = arith.constant 0 : i32
    %dma_wait3A_753 = tpu.memref_slice %arg6[%add3A_616, %dma_wait3A_752] : memref<16384x128xf32, #tpu.memory_space<hbm>> -> memref<64x128xf32, #tpu.memory_space<hbm>>
    %dma_wait3A_754 = arith.constant 0 : i32
    %dma_wait3A_755 = tpu.memref_slice %arg6[%add3A_616, %dma_wait3A_754] : memref<16384x128xf32, #tpu.memory_space<hbm>> -> memref<64x128xf32, #tpu.memory_space<hbm>>
    %dma_wait3A_756 = arith.constant 0 : i32
    %dma_wait3A_757 = arith.constant 0 : i32
    %dma_wait3A_758 = tpu.memref_slice %arg12[%dma_wait3A_747, %dma_wait3A_756, %dma_wait3A_757] : memref<2x64x128xf32, #tpu.memory_space<vmem>> -> memref<1x64x128xf32, #tpu.memory_space<vmem>>
    %dma_wait3A_759 = tpu.memref_squeeze %dma_wait3A_758 : memref<1x64x128xf32, #tpu.memory_space<vmem>> -> memref<64x128xf32, #tpu.memory_space<vmem>>
    tpu.wait_dma2 semaphore(%arg16 : memref<!tpu.dma_semaphore, #tpu.memory_space<semaphore_mem>>) src(%dma_wait3A_759 : memref<64x128xf32, #tpu.memory_space<vmem>>) dst(%dma_wait3A_755 : memref<64x128xf32, #tpu.memory_space<hbm>>)
    %dma_wait3A_760 = arith.constant 1 : i32
    %dma_wait3A_761 = arith.constant 0 : i32
    %dma_wait3A_762 = arith.constant 0 : i32
    %dma_wait3A_763 = tpu.memref_slice %arg12[%dma_wait3A_760, %dma_wait3A_761, %dma_wait3A_762] : memref<2x64x128xf32, #tpu.memory_space<vmem>> -> memref<1x64x128xf32, #tpu.memory_space<vmem>>
    %dma_wait3A_764 = tpu.memref_squeeze %dma_wait3A_763 : memref<1x64x128xf32, #tpu.memory_space<vmem>> -> memref<64x128xf32, #tpu.memory_space<vmem>>
    %dma_wait3A_765 = arith.constant 0 : i32
    %dma_wait3A_766 = tpu.memref_slice %arg6[%add3A_689, %dma_wait3A_765] : memref<16384x128xf32, #tpu.memory_space<hbm>> -> memref<64x128xf32, #tpu.memory_space<hbm>>
    %dma_wait3A_767 = arith.constant 0 : i32
    %dma_wait3A_768 = tpu.memref_slice %arg6[%add3A_689, %dma_wait3A_767] : memref<16384x128xf32, #tpu.memory_space<hbm>> -> memref<64x128xf32, #tpu.memory_space<hbm>>
    %dma_wait3A_769 = arith.constant 0 : i32
    %dma_wait3A_770 = arith.constant 0 : i32
    %dma_wait3A_771 = tpu.memref_slice %arg12[%dma_wait3A_760, %dma_wait3A_769, %dma_wait3A_770] : memref<2x64x128xf32, #tpu.memory_space<vmem>> -> memref<1x64x128xf32, #tpu.memory_space<vmem>>
    %dma_wait3A_772 = tpu.memref_squeeze %dma_wait3A_771 : memref<1x64x128xf32, #tpu.memory_space<vmem>> -> memref<64x128xf32, #tpu.memory_space<vmem>>
    tpu.wait_dma2 semaphore(%arg17 : memref<!tpu.dma_semaphore, #tpu.memory_space<semaphore_mem>>) src(%dma_wait3A_772 : memref<64x128xf32, #tpu.memory_space<vmem>>) dst(%dma_wait3A_768 : memref<64x128xf32, #tpu.memory_space<hbm>>)
    %sub3A = arith.constant 1 : i32
    %sub3A_773 = arith.subi %scan3A_745, %sub3A : i32
    %max3A = arith.constant 0 : i32
    %max3A_774 = arith.maxsi %sub3A_773, %max3A : i32
    %get3A = arith.index_cast %max3A_774 : i32 to index
    %get3A_775 = tpu.vector_load %arg10[%get3A] {strides = array<i32>} : memref<544xi32, #tpu.memory_space<vmem>>, vector<16xi32>,
    %slice3A = vector.extract_strided_slice %get3A_775 {offsets = [0], sizes = [1], strides = [1]} : vector<16xi32> to vector<1xi32>
    %squeeze3A = vector.extract %slice3A[0] : i32 from vector<1xi32>
    %broadcast_in_dim3A = vector.broadcast %squeeze3A : i32 to vector<16xi32>
    %get3A_776 = arith.index_cast %max3A_774 : i32 to index
    %get3A_777 = tpu.vector_load %arg11[%get3A_776] {strides = array<i32>} : memref<544xi32, #tpu.memory_space<vmem>>, vector<16xi32>,
    %slice3A_778 = vector.extract_strided_slice %get3A_777 {offsets = [0], sizes = [1], strides = [1]} : vector<16xi32> to vector<1xi32>
    %squeeze3A_779 = vector.extract %slice3A_778[0] : i32 from vector<1xi32>
    %broadcast_in_dim3A_780 = vector.broadcast %squeeze3A_779 : i32 to vector<16xi32>
    %swap3A = arith.index_cast %scan3A_745 : i32 to index
    %swap3A_781 = tpu.vector_load %arg10[%swap3A] {strides = array<i32>} : memref<544xi32, #tpu.memory_space<vmem>>, vector<16xi32>,
    tpu.vector_store %arg10[%swap3A], %broadcast_in_dim3A {strides = array<i32>} : memref<544xi32, #tpu.memory_space<vmem>>, vector<16xi32>,
    %swap3A_782 = arith.index_cast %scan3A_745 : i32 to index
    %swap3A_783 = tpu.vector_load %arg11[%swap3A_782] {strides = array<i32>} : memref<544xi32, #tpu.memory_space<vmem>>, vector<16xi32>,
    tpu.vector_store %arg11[%swap3A_782], %broadcast_in_dim3A_780 {strides = array<i32>} : memref<544xi32, #tpu.memory_space<vmem>>, vector<16xi32>,
    %add3A_784 = arith.constant 16 : i32
    %add3A_785 = arith.addi %scan3A_745, %add3A_784 : i32
    %swap3A_786 = arith.index_cast %add3A_785 : i32 to index
    %swap3A_787 = tpu.vector_load %arg10[%swap3A_786] {strides = array<i32>} : memref<544xi32, #tpu.memory_space<vmem>>, vector<16xi32>,
    tpu.vector_store %arg10[%swap3A_786], %broadcast_in_dim3A {strides = array<i32>} : memref<544xi32, #tpu.memory_space<vmem>>, vector<16xi32>,
    %add3A_788 = arith.constant 16 : i32
    %add3A_789 = arith.addi %scan3A_745, %add3A_788 : i32
    %swap3A_790 = arith.index_cast %add3A_789 : i32 to index
    %swap3A_791 = tpu.vector_load %arg11[%swap3A_790] {strides = array<i32>} : memref<544xi32, #tpu.memory_space<vmem>>, vector<16xi32>,
    tpu.vector_store %arg11[%swap3A_790], %broadcast_in_dim3A_780 {strides = array<i32>} : memref<544xi32, #tpu.memory_space<vmem>>, vector<16xi32>,
    %add3A_792 = arith.constant 16 : i32
    %add3A_793 = arith.addi %scan3A_745, %add3A_792 : i32
    %sub3A_794 = arith.constant 1 : i32
    %sub3A_795 = arith.subi %add3A_793, %sub3A_794 : i32
    %jit3A = arith.constant 16 : i32
    %div3A = arith.divsi %sub3A_795, %jit3A : i32
    %sign3A = arith.constant 0 : i32
    %sign3A_796 = arith.cmpi sgt, %sub3A_795, %sign3A : i32
    %sign3A_797 = arith.extui %sign3A_796 : i1 to i32
    %sign3A_798 = arith.constant 0 : i32
    %sign3A_799 = arith.cmpi slt, %sub3A_795, %sign3A_798 : i32
    %sign3A_800 = arith.extui %sign3A_799 : i1 to i32
    %sign3A_801 = arith.subi %sign3A_797, %sign3A_800 : i32
    %sign3A_802 = arith.constant 0 : i32
    %sign3A_803 = arith.cmpi sgt, %jit3A, %sign3A_802 : i32
    %sign3A_804 = arith.extui %sign3A_803 : i1 to i32
    %sign3A_805 = arith.constant 0 : i32
    %sign3A_806 = arith.cmpi slt, %jit3A, %sign3A_805 : i32
    %sign3A_807 = arith.extui %sign3A_806 : i1 to i32
    %sign3A_808 = arith.subi %sign3A_804, %sign3A_807 : i32
    %ne3A = arith.cmpi ne, %sign3A_801, %sign3A_808 : i32
    %rem3A = arith.remsi %sub3A_795, %jit3A : i32
    %ne3A_809 = arith.constant 0 : i32
    %ne3A_810 = arith.cmpi ne, %rem3A, %ne3A_809 : i32
    %and3A = arith.andi %ne3A, %ne3A_810 : i1
    %sub3A_811 = arith.constant 1 : i32
    %sub3A_812 = arith.subi %div3A, %sub3A_811 : i32
    %select_n3A = arith.select %and3A, %sub3A_812, %div3A : i32
    %add3A_813 = arith.constant 1 : i32
    %add3A_814 = arith.addi %select_n3A, %add3A_813 : i32
    %jit3A_815 = arith.constant 2 : i32
    %div3A_816 = arith.divsi %add3A_814, %jit3A_815 : i32
    %sign3A_817 = arith.constant 0 : i32
    %sign3A_818 = arith.cmpi sgt, %add3A_814, %sign3A_817 : i32
    %sign3A_819 = arith.extui %sign3A_818 : i1 to i32
    %sign3A_820 = arith.constant 0 : i32
    %sign3A_821 = arith.cmpi slt, %add3A_814, %sign3A_820 : i32
    %sign3A_822 = arith.extui %sign3A_821 : i1 to i32
    %sign3A_823 = arith.subi %sign3A_819, %sign3A_822 : i32
    %sign3A_824 = arith.constant 0 : i32
    %sign3A_825 = arith.cmpi sgt, %jit3A_815, %sign3A_824 : i32
    %sign3A_826 = arith.extui %sign3A_825 : i1 to i32
    %sign3A_827 = arith.constant 0 : i32
    %sign3A_828 = arith.cmpi slt, %jit3A_815, %sign3A_827 : i32
    %sign3A_829 = arith.extui %sign3A_828 : i1 to i32
    %sign3A_830 = arith.subi %sign3A_826, %sign3A_829 : i32
    %ne3A_831 = arith.cmpi ne, %sign3A_823, %sign3A_830 : i32
    %rem3A_832 = arith.remsi %add3A_814, %jit3A_815 : i32
    %ne3A_833 = arith.constant 0 : i32
    %ne3A_834 = arith.cmpi ne, %rem3A_832, %ne3A_833 : i32
    %and3A_835 = arith.andi %ne3A_831, %ne3A_834 : i1
    %sub3A_836 = arith.constant 1 : i32
    %sub3A_837 = arith.subi %div3A_816, %sub3A_836 : i32
    %select_n3A_838 = arith.select %and3A_835, %sub3A_837, %div3A_816 : i32
    %while3A = arith.constant 0 : i32
    %while3A_839 = arith.constant 0 : i32
    %while3A_840 = arith.constant 0 : i32
    %while3A_841 = arith.constant 0 : i32
    %while3A_842 = arith.subi %select_n3A_838, %while3A_840 : i32
    %while3A_843 = arith.addi %while3A_840, %while3A_842 : i32
    %while3A_844 = arith.constant 1 : i32
    %while3A_845 = arith.divsi %while3A_842, %while3A_844 : i32
    %while3A_846 = arith.muli %while3A_845, %while3A_844 : i32
    %while3A_847 = arith.addi %while3A_840, %while3A_846 : i32
    %while3A_848 = arith.constant 1 : i32
    %while3A_849 = scf.for %while3A_852 = %while3A_840 to %while3A_847 step %while3A_848 iter_args(%while3A_853 = %while3A_841) -> (i32)  : i32 {
      %mul3A_854 = arith.constant 2 : i32
      %mul3A_855 = arith.muli %mul3A_854, %while3A_852 : i32
      %add3A_856 = arith.constant 1 : i32
      %add3A_857 = arith.addi %mul3A_855, %add3A_856 : i32
      %mul3A_858 = arith.constant 16 : i32
      %mul3A_859 = arith.muli %mul3A_855, %mul3A_858 : i32
      %get3A_860 = arith.index_cast %mul3A_859 : i32 to index
      %get3A_861 = tpu.vector_load %arg11[%get3A_860] {strides = array<i32>} : memref<544xi32, #tpu.memory_space<vmem>>, vector<16xi32>,
      %mul3A_862 = arith.constant 16 : i32
      %mul3A_863 = arith.muli %mul3A_855, %mul3A_862 : i32
      %get3A_864 = arith.index_cast %mul3A_863 : i32 to index
      %get3A_865 = tpu.vector_load %arg10[%get3A_864] {strides = array<i32>} : memref<544xi32, #tpu.memory_space<vmem>>, vector<16xi32>,
      %dma_start3A_866 = arith.constant 0 : i32
      %dma_start3A_867 = arith.constant 0 : i32
      %dma_start3A_868 = tpu.memref_slice %arg12[%while3A, %dma_start3A_866, %dma_start3A_867] : memref<2x64x128xf32, #tpu.memory_space<vmem>> -> memref<1x16x128xf32, #tpu.memory_space<vmem>>
      %dma_start3A_869 = tpu.memref_squeeze %dma_start3A_868 : memref<1x16x128xf32, #tpu.memory_space<vmem>> -> memref<16x128xf32, #tpu.memory_space<vmem>>
      %dma_start3A_870 = arith.constant 0 : i32
      %dma_start3A_871 = arith.constant 0 : i32
      %dma_start3A_872 = tpu.memref_slice %arg4[%dma_start3A_870, %dma_start3A_871] : memref<16384x128xf32, #tpu.memory_space<hbm>> -> memref<16384x128xf32, #tpu.memory_space<hbm>>
      tpu.enqueue_indirect_dma source(%dma_start3A_872 : memref<16384x128xf32, #tpu.memory_space<hbm>>) target(%dma_start3A_869 : memref<16x128xf32, #tpu.memory_space<vmem>>) offsets(%get3A_861 : vector<16xi32>) semaphore(%arg21 : memref<!tpu.dma_semaphore, #tpu.memory_space<semaphore_mem>>)
      %lt3A_873 = arith.cmpi slt, %add3A_857, %select_n3A : i32
      %convert_element_type3A_874 = arith.extui %lt3A_873 : i1 to i32
      %cond3A_875 = arith.constant 0 : i32
      %cond3A_876 = arith.cmpi ne, %convert_element_type3A_874, %cond3A_875 : i32
      scf.if %cond3A_876 {
        %mul3A_902 = arith.constant 16 : i32
        %mul3A_903 = arith.muli %add3A_857, %mul3A_902 : i32
        %get3A_904 = arith.index_cast %mul3A_903 : i32 to index
        %get3A_905 = tpu.vector_load %arg11[%get3A_904] {strides = array<i32>} : memref<544xi32, #tpu.memory_space<vmem>>, vector<16xi32>,
        %dma_start3A_906 = arith.constant 16 : i32
        %dma_start3A_907 = arith.constant 0 : i32
        %dma_start3A_908 = tpu.memref_slice %arg12[%while3A_839, %dma_start3A_906, %dma_start3A_907] : memref<2x64x128xf32, #tpu.memory_space<vmem>> -> memref<1x16x128xf32, #tpu.memory_space<vmem>>
        %dma_start3A_909 = tpu.memref_squeeze %dma_start3A_908 : memref<1x16x128xf32, #tpu.memory_space<vmem>> -> memref<16x128xf32, #tpu.memory_space<vmem>>
        %dma_start3A_910 = arith.constant 0 : i32
        %dma_start3A_911 = arith.constant 0 : i32
        %dma_start3A_912 = tpu.memref_slice %arg4[%dma_start3A_910, %dma_start3A_911] : memref<16384x128xf32, #tpu.memory_space<hbm>> -> memref<16384x128xf32, #tpu.memory_space<hbm>>
        tpu.enqueue_indirect_dma source(%dma_start3A_912 : memref<16384x128xf32, #tpu.memory_space<hbm>>) target(%dma_start3A_909 : memref<16x128xf32, #tpu.memory_space<vmem>>) offsets(%get3A_905 : vector<16xi32>) semaphore(%arg22 : memref<!tpu.dma_semaphore, #tpu.memory_space<semaphore_mem>>)
      } else {
      }
      %dma_wait3A_877 = arith.constant 0 : i32
      %dma_wait3A_878 = arith.constant 0 : i32
      %dma_wait3A_879 = tpu.memref_slice %arg12[%while3A, %dma_wait3A_877, %dma_wait3A_878] : memref<2x64x128xf32, #tpu.memory_space<vmem>> -> memref<1x16x128xf32, #tpu.memory_space<vmem>>
      %dma_wait3A_880 = tpu.memref_squeeze %dma_wait3A_879 : memref<1x16x128xf32, #tpu.memory_space<vmem>> -> memref<16x128xf32, #tpu.memory_space<vmem>>
      %dma_wait3A_881 = arith.constant 0 : i32
      %dma_wait3A_882 = arith.constant 0 : i32
      %dma_wait3A_883 = tpu.memref_slice %arg4[%dma_wait3A_881, %dma_wait3A_882] : memref<16384x128xf32, #tpu.memory_space<hbm>> -> memref<16384x128xf32, #tpu.memory_space<hbm>>
      tpu.wait_indirect_dma semaphore(%arg21 : memref<!tpu.dma_semaphore, #tpu.memory_space<semaphore_mem>>) src(%dma_wait3A_883 : memref<16384x128xf32, #tpu.memory_space<hbm>>) dst(%dma_wait3A_880 : memref<16x128xf32, #tpu.memory_space<vmem>>)
      %dma_start3A_884 = arith.constant 0 : i32
      %dma_start3A_885 = arith.constant 0 : i32
      %dma_start3A_886 = tpu.memref_slice %arg12[%while3A, %dma_start3A_884, %dma_start3A_885] : memref<2x64x128xf32, #tpu.memory_space<vmem>> -> memref<1x16x128xf32, #tpu.memory_space<vmem>>
      %dma_start3A_887 = tpu.memref_squeeze %dma_start3A_886 : memref<1x16x128xf32, #tpu.memory_space<vmem>> -> memref<16x128xf32, #tpu.memory_space<vmem>>
      %dma_start3A_888 = arith.constant 0 : i32
      %dma_start3A_889 = arith.constant 0 : i32
      %dma_start3A_890 = tpu.memref_slice %arg6[%dma_start3A_888, %dma_start3A_889] : memref<16384x128xf32, #tpu.memory_space<hbm>> -> memref<16384x128xf32, #tpu.memory_space<hbm>>
      tpu.enqueue_indirect_dma source(%dma_start3A_887 : memref<16x128xf32, #tpu.memory_space<vmem>>) target(%dma_start3A_890 : memref<16384x128xf32, #tpu.memory_space<hbm>>) offsets(%get3A_865 : vector<16xi32>) semaphore(%arg23 : memref<!tpu.dma_semaphore, #tpu.memory_space<semaphore_mem>>)
      %convert_element_type3A_891 = arith.extui %lt3A_873 : i1 to i32
      %cond3A_892 = arith.constant 0 : i32
      %cond3A_893 = arith.cmpi ne, %convert_element_type3A_891, %cond3A_892 : i32
      scf.if %cond3A_893 {
        %mul3A_902 = arith.constant 16 : i32
        %mul3A_903 = arith.muli %add3A_857, %mul3A_902 : i32
        %get3A_904 = arith.index_cast %mul3A_903 : i32 to index
        %get3A_905 = tpu.vector_load %arg11[%get3A_904] {strides = array<i32>} : memref<544xi32, #tpu.memory_space<vmem>>, vector<16xi32>,
        %mul3A_906 = arith.constant 16 : i32
        %mul3A_907 = arith.muli %add3A_857, %mul3A_906 : i32
        %get3A_908 = arith.index_cast %mul3A_907 : i32 to index
        %get3A_909 = tpu.vector_load %arg10[%get3A_908] {strides = array<i32>} : memref<544xi32, #tpu.memory_space<vmem>>, vector<16xi32>,
        %dma_wait3A_910 = arith.constant 16 : i32
        %dma_wait3A_911 = arith.constant 0 : i32
        %dma_wait3A_912 = tpu.memref_slice %arg12[%while3A_839, %dma_wait3A_910, %dma_wait3A_911] : memref<2x64x128xf32, #tpu.memory_space<vmem>> -> memref<1x16x128xf32, #tpu.memory_space<vmem>>
        %dma_wait3A_913 = tpu.memref_squeeze %dma_wait3A_912 : memref<1x16x128xf32, #tpu.memory_space<vmem>> -> memref<16x128xf32, #tpu.memory_space<vmem>>
        %dma_wait3A_914 = arith.constant 0 : i32
        %dma_wait3A_915 = arith.constant 0 : i32
        %dma_wait3A_916 = tpu.memref_slice %arg4[%dma_wait3A_914, %dma_wait3A_915] : memref<16384x128xf32, #tpu.memory_space<hbm>> -> memref<16384x128xf32, #tpu.memory_space<hbm>>
        tpu.wait_indirect_dma semaphore(%arg22 : memref<!tpu.dma_semaphore, #tpu.memory_space<semaphore_mem>>) src(%dma_wait3A_916 : memref<16384x128xf32, #tpu.memory_space<hbm>>) dst(%dma_wait3A_913 : memref<16x128xf32, #tpu.memory_space<vmem>>)
        %dma_start3A_917 = arith.constant 16 : i32
        %dma_start3A_918 = arith.constant 0 : i32
        %dma_start3A_919 = tpu.memref_slice %arg12[%while3A_839, %dma_start3A_917, %dma_start3A_918] : memref<2x64x128xf32, #tpu.memory_space<vmem>> -> memref<1x16x128xf32, #tpu.memory_space<vmem>>
        %dma_start3A_920 = tpu.memref_squeeze %dma_start3A_919 : memref<1x16x128xf32, #tpu.memory_space<vmem>> -> memref<16x128xf32, #tpu.memory_space<vmem>>
        %dma_start3A_921 = arith.constant 0 : i32
        %dma_start3A_922 = arith.constant 0 : i32
        %dma_start3A_923 = tpu.memref_slice %arg6[%dma_start3A_921, %dma_start3A_922] : memref<16384x128xf32, #tpu.memory_space<hbm>> -> memref<16384x128xf32, #tpu.memory_space<hbm>>
        tpu.enqueue_indirect_dma source(%dma_start3A_920 : memref<16x128xf32, #tpu.memory_space<vmem>>) target(%dma_start3A_923 : memref<16384x128xf32, #tpu.memory_space<hbm>>) offsets(%get3A_909 : vector<16xi32>) semaphore(%arg24 : memref<!tpu.dma_semaphore, #tpu.memory_space<semaphore_mem>>)
        %dma_wait3A_924 = arith.constant 16 : i32
        %dma_wait3A_925 = arith.constant 0 : i32
        %dma_wait3A_926 = tpu.memref_slice %arg12[%while3A_839, %dma_wait3A_924, %dma_wait3A_925] : memref<2x64x128xf32, #tpu.memory_space<vmem>> -> memref<1x16x128xf32, #tpu.memory_space<vmem>>
        %dma_wait3A_927 = tpu.memref_squeeze %dma_wait3A_926 : memref<1x16x128xf32, #tpu.memory_space<vmem>> -> memref<16x128xf32, #tpu.memory_space<vmem>>
        %dma_wait3A_928 = arith.constant 0 : i32
        %dma_wait3A_929 = arith.constant 0 : i32
        %dma_wait3A_930 = tpu.memref_slice %arg6[%dma_wait3A_928, %dma_wait3A_929] : memref<16384x128xf32, #tpu.memory_space<hbm>> -> memref<16384x128xf32, #tpu.memory_space<hbm>>
        tpu.wait_indirect_dma semaphore(%arg24 : memref<!tpu.dma_semaphore, #tpu.memory_space<semaphore_mem>>) src(%dma_wait3A_927 : memref<16x128xf32, #tpu.memory_space<vmem>>) dst(%dma_wait3A_930 : memref<16384x128xf32, #tpu.memory_space<hbm>>)
      } else {
      }
      %dma_wait3A_894 = arith.constant 0 : i32
      %dma_wait3A_895 = arith.constant 0 : i32
      %dma_wait3A_896 = tpu.memref_slice %arg12[%while3A, %dma_wait3A_894, %dma_wait3A_895] : memref<2x64x128xf32, #tpu.memory_space<vmem>> -> memref<1x16x128xf32, #tpu.memory_space<vmem>>
      %dma_wait3A_897 = tpu.memref_squeeze %dma_wait3A_896 : memref<1x16x128xf32, #tpu.memory_space<vmem>> -> memref<16x128xf32, #tpu.memory_space<vmem>>
      %dma_wait3A_898 = arith.constant 0 : i32
      %dma_wait3A_899 = arith.constant 0 : i32
      %dma_wait3A_900 = tpu.memref_slice %arg6[%dma_wait3A_898, %dma_wait3A_899] : memref<16384x128xf32, #tpu.memory_space<hbm>> -> memref<16384x128xf32, #tpu.memory_space<hbm>>
      tpu.wait_indirect_dma semaphore(%arg23 : memref<!tpu.dma_semaphore, #tpu.memory_space<semaphore_mem>>) src(%dma_wait3A_897 : memref<16x128xf32, #tpu.memory_space<vmem>>) dst(%dma_wait3A_900 : memref<16384x128xf32, #tpu.memory_space<hbm>>)
      %while3A_901 = arith.constant 0 : i32
      scf.yield %while3A_901 : i32
    }
    %while3A_850 = arith.constant 1 : i32
    %while3A_851 = scf.for %while3A_852 = %while3A_847 to %while3A_843 step %while3A_850 iter_args(%while3A_853 = %while3A_849) -> (i32)  : i32 {
      %mul3A_854 = arith.constant 2 : i32
      %mul3A_855 = arith.muli %mul3A_854, %while3A_852 : i32
      %add3A_856 = arith.constant 1 : i32
      %add3A_857 = arith.addi %mul3A_855, %add3A_856 : i32
      %mul3A_858 = arith.constant 16 : i32
      %mul3A_859 = arith.muli %mul3A_855, %mul3A_858 : i32
      %get3A_860 = arith.index_cast %mul3A_859 : i32 to index
      %get3A_861 = tpu.vector_load %arg11[%get3A_860] {strides = array<i32>} : memref<544xi32, #tpu.memory_space<vmem>>, vector<16xi32>,
      %mul3A_862 = arith.constant 16 : i32
      %mul3A_863 = arith.muli %mul3A_855, %mul3A_862 : i32
      %get3A_864 = arith.index_cast %mul3A_863 : i32 to index
      %get3A_865 = tpu.vector_load %arg10[%get3A_864] {strides = array<i32>} : memref<544xi32, #tpu.memory_space<vmem>>, vector<16xi32>,
      %dma_start3A_866 = arith.constant 0 : i32
      %dma_start3A_867 = arith.constant 0 : i32
      %dma_start3A_868 = tpu.memref_slice %arg12[%while3A, %dma_start3A_866, %dma_start3A_867] : memref<2x64x128xf32, #tpu.memory_space<vmem>> -> memref<1x16x128xf32, #tpu.memory_space<vmem>>
      %dma_start3A_869 = tpu.memref_squeeze %dma_start3A_868 : memref<1x16x128xf32, #tpu.memory_space<vmem>> -> memref<16x128xf32, #tpu.memory_space<vmem>>
      %dma_start3A_870 = arith.constant 0 : i32
      %dma_start3A_871 = arith.constant 0 : i32
      %dma_start3A_872 = tpu.memref_slice %arg4[%dma_start3A_870, %dma_start3A_871] : memref<16384x128xf32, #tpu.memory_space<hbm>> -> memref<16384x128xf32, #tpu.memory_space<hbm>>
      tpu.enqueue_indirect_dma source(%dma_start3A_872 : memref<16384x128xf32, #tpu.memory_space<hbm>>) target(%dma_start3A_869 : memref<16x128xf32, #tpu.memory_space<vmem>>) offsets(%get3A_861 : vector<16xi32>) semaphore(%arg21 : memref<!tpu.dma_semaphore, #tpu.memory_space<semaphore_mem>>)
      %lt3A_873 = arith.cmpi slt, %add3A_857, %select_n3A : i32
      %convert_element_type3A_874 = arith.extui %lt3A_873 : i1 to i32
      %cond3A_875 = arith.constant 0 : i32
      %cond3A_876 = arith.cmpi ne, %convert_element_type3A_874, %cond3A_875 : i32
      scf.if %cond3A_876 {
        %mul3A_902 = arith.constant 16 : i32
        %mul3A_903 = arith.muli %add3A_857, %mul3A_902 : i32
        %get3A_904 = arith.index_cast %mul3A_903 : i32 to index
        %get3A_905 = tpu.vector_load %arg11[%get3A_904] {strides = array<i32>} : memref<544xi32, #tpu.memory_space<vmem>>, vector<16xi32>,
        %dma_start3A_906 = arith.constant 16 : i32
        %dma_start3A_907 = arith.constant 0 : i32
        %dma_start3A_908 = tpu.memref_slice %arg12[%while3A_839, %dma_start3A_906, %dma_start3A_907] : memref<2x64x128xf32, #tpu.memory_space<vmem>> -> memref<1x16x128xf32, #tpu.memory_space<vmem>>
        %dma_start3A_909 = tpu.memref_squeeze %dma_start3A_908 : memref<1x16x128xf32, #tpu.memory_space<vmem>> -> memref<16x128xf32, #tpu.memory_space<vmem>>
        %dma_start3A_910 = arith.constant 0 : i32
        %dma_start3A_911 = arith.constant 0 : i32
        %dma_start3A_912 = tpu.memref_slice %arg4[%dma_start3A_910, %dma_start3A_911] : memref<16384x128xf32, #tpu.memory_space<hbm>> -> memref<16384x128xf32, #tpu.memory_space<hbm>>
        tpu.enqueue_indirect_dma source(%dma_start3A_912 : memref<16384x128xf32, #tpu.memory_space<hbm>>) target(%dma_start3A_909 : memref<16x128xf32, #tpu.memory_space<vmem>>) offsets(%get3A_905 : vector<16xi32>) semaphore(%arg22 : memref<!tpu.dma_semaphore, #tpu.memory_space<semaphore_mem>>)
      } else {
      }
      %dma_wait3A_877 = arith.constant 0 : i32
      %dma_wait3A_878 = arith.constant 0 : i32
      %dma_wait3A_879 = tpu.memref_slice %arg12[%while3A, %dma_wait3A_877, %dma_wait3A_878] : memref<2x64x128xf32, #tpu.memory_space<vmem>> -> memref<1x16x128xf32, #tpu.memory_space<vmem>>
      %dma_wait3A_880 = tpu.memref_squeeze %dma_wait3A_879 : memref<1x16x128xf32, #tpu.memory_space<vmem>> -> memref<16x128xf32, #tpu.memory_space<vmem>>
      %dma_wait3A_881 = arith.constant 0 : i32
      %dma_wait3A_882 = arith.constant 0 : i32
      %dma_wait3A_883 = tpu.memref_slice %arg4[%dma_wait3A_881, %dma_wait3A_882] : memref<16384x128xf32, #tpu.memory_space<hbm>> -> memref<16384x128xf32, #tpu.memory_space<hbm>>
      tpu.wait_indirect_dma semaphore(%arg21 : memref<!tpu.dma_semaphore, #tpu.memory_space<semaphore_mem>>) src(%dma_wait3A_883 : memref<16384x128xf32, #tpu.memory_space<hbm>>) dst(%dma_wait3A_880 : memref<16x128xf32, #tpu.memory_space<vmem>>)
      %dma_start3A_884 = arith.constant 0 : i32
      %dma_start3A_885 = arith.constant 0 : i32
      %dma_start3A_886 = tpu.memref_slice %arg12[%while3A, %dma_start3A_884, %dma_start3A_885] : memref<2x64x128xf32, #tpu.memory_space<vmem>> -> memref<1x16x128xf32, #tpu.memory_space<vmem>>
      %dma_start3A_887 = tpu.memref_squeeze %dma_start3A_886 : memref<1x16x128xf32, #tpu.memory_space<vmem>> -> memref<16x128xf32, #tpu.memory_space<vmem>>
      %dma_start3A_888 = arith.constant 0 : i32
      %dma_start3A_889 = arith.constant 0 : i32
      %dma_start3A_890 = tpu.memref_slice %arg6[%dma_start3A_888, %dma_start3A_889] : memref<16384x128xf32, #tpu.memory_space<hbm>> -> memref<16384x128xf32, #tpu.memory_space<hbm>>
      tpu.enqueue_indirect_dma source(%dma_start3A_887 : memref<16x128xf32, #tpu.memory_space<vmem>>) target(%dma_start3A_890 : memref<16384x128xf32, #tpu.memory_space<hbm>>) offsets(%get3A_865 : vector<16xi32>) semaphore(%arg23 : memref<!tpu.dma_semaphore, #tpu.memory_space<semaphore_mem>>)
      %convert_element_type3A_891 = arith.extui %lt3A_873 : i1 to i32
      %cond3A_892 = arith.constant 0 : i32
      %cond3A_893 = arith.cmpi ne, %convert_element_type3A_891, %cond3A_892 : i32
      scf.if %cond3A_893 {
        %mul3A_902 = arith.constant 16 : i32
        %mul3A_903 = arith.muli %add3A_857, %mul3A_902 : i32
        %get3A_904 = arith.index_cast %mul3A_903 : i32 to index
        %get3A_905 = tpu.vector_load %arg11[%get3A_904] {strides = array<i32>} : memref<544xi32, #tpu.memory_space<vmem>>, vector<16xi32>,
        %mul3A_906 = arith.constant 16 : i32
        %mul3A_907 = arith.muli %add3A_857, %mul3A_906 : i32
        %get3A_908 = arith.index_cast %mul3A_907 : i32 to index
        %get3A_909 = tpu.vector_load %arg10[%get3A_908] {strides = array<i32>} : memref<544xi32, #tpu.memory_space<vmem>>, vector<16xi32>,
        %dma_wait3A_910 = arith.constant 16 : i32
        %dma_wait3A_911 = arith.constant 0 : i32
        %dma_wait3A_912 = tpu.memref_slice %arg12[%while3A_839, %dma_wait3A_910, %dma_wait3A_911] : memref<2x64x128xf32, #tpu.memory_space<vmem>> -> memref<1x16x128xf32, #tpu.memory_space<vmem>>
        %dma_wait3A_913 = tpu.memref_squeeze %dma_wait3A_912 : memref<1x16x128xf32, #tpu.memory_space<vmem>> -> memref<16x128xf32, #tpu.memory_space<vmem>>
        %dma_wait3A_914 = arith.constant 0 : i32
        %dma_wait3A_915 = arith.constant 0 : i32
        %dma_wait3A_916 = tpu.memref_slice %arg4[%dma_wait3A_914, %dma_wait3A_915] : memref<16384x128xf32, #tpu.memory_space<hbm>> -> memref<16384x128xf32, #tpu.memory_space<hbm>>
        tpu.wait_indirect_dma semaphore(%arg22 : memref<!tpu.dma_semaphore, #tpu.memory_space<semaphore_mem>>) src(%dma_wait3A_916 : memref<16384x128xf32, #tpu.memory_space<hbm>>) dst(%dma_wait3A_913 : memref<16x128xf32, #tpu.memory_space<vmem>>)
        %dma_start3A_917 = arith.constant 16 : i32
        %dma_start3A_918 = arith.constant 0 : i32
        %dma_start3A_919 = tpu.memref_slice %arg12[%while3A_839, %dma_start3A_917, %dma_start3A_918] : memref<2x64x128xf32, #tpu.memory_space<vmem>> -> memref<1x16x128xf32, #tpu.memory_space<vmem>>
        %dma_start3A_920 = tpu.memref_squeeze %dma_start3A_919 : memref<1x16x128xf32, #tpu.memory_space<vmem>> -> memref<16x128xf32, #tpu.memory_space<vmem>>
        %dma_start3A_921 = arith.constant 0 : i32
        %dma_start3A_922 = arith.constant 0 : i32
        %dma_start3A_923 = tpu.memref_slice %arg6[%dma_start3A_921, %dma_start3A_922] : memref<16384x128xf32, #tpu.memory_space<hbm>> -> memref<16384x128xf32, #tpu.memory_space<hbm>>
        tpu.enqueue_indirect_dma source(%dma_start3A_920 : memref<16x128xf32, #tpu.memory_space<vmem>>) target(%dma_start3A_923 : memref<16384x128xf32, #tpu.memory_space<hbm>>) offsets(%get3A_909 : vector<16xi32>) semaphore(%arg24 : memref<!tpu.dma_semaphore, #tpu.memory_space<semaphore_mem>>)
        %dma_wait3A_924 = arith.constant 16 : i32
        %dma_wait3A_925 = arith.constant 0 : i32
        %dma_wait3A_926 = tpu.memref_slice %arg12[%while3A_839, %dma_wait3A_924, %dma_wait3A_925] : memref<2x64x128xf32, #tpu.memory_space<vmem>> -> memref<1x16x128xf32, #tpu.memory_space<vmem>>
        %dma_wait3A_927 = tpu.memref_squeeze %dma_wait3A_926 : memref<1x16x128xf32, #tpu.memory_space<vmem>> -> memref<16x128xf32, #tpu.memory_space<vmem>>
        %dma_wait3A_928 = arith.constant 0 : i32
        %dma_wait3A_929 = arith.constant 0 : i32
        %dma_wait3A_930 = tpu.memref_slice %arg6[%dma_wait3A_928, %dma_wait3A_929] : memref<16384x128xf32, #tpu.memory_space<hbm>> -> memref<16384x128xf32, #tpu.memory_space<hbm>>
        tpu.wait_indirect_dma semaphore(%arg24 : memref<!tpu.dma_semaphore, #tpu.memory_space<semaphore_mem>>) src(%dma_wait3A_927 : memref<16x128xf32, #tpu.memory_space<vmem>>) dst(%dma_wait3A_930 : memref<16384x128xf32, #tpu.memory_space<hbm>>)
      } else {
      }
      %dma_wait3A_894 = arith.constant 0 : i32
      %dma_wait3A_895 = arith.constant 0 : i32
      %dma_wait3A_896 = tpu.memref_slice %arg12[%while3A, %dma_wait3A_894, %dma_wait3A_895] : memref<2x64x128xf32, #tpu.memory_space<vmem>> -> memref<1x16x128xf32, #tpu.memory_space<vmem>>
      %dma_wait3A_897 = tpu.memref_squeeze %dma_wait3A_896 : memref<1x16x128xf32, #tpu.memory_space<vmem>> -> memref<16x128xf32, #tpu.memory_space<vmem>>
      %dma_wait3A_898 = arith.constant 0 : i32
      %dma_wait3A_899 = arith.constant 0 : i32
      %dma_wait3A_900 = tpu.memref_slice %arg6[%dma_wait3A_898, %dma_wait3A_899] : memref<16384x128xf32, #tpu.memory_space<hbm>> -> memref<16384x128xf32, #tpu.memory_space<hbm>>
      tpu.wait_indirect_dma semaphore(%arg23 : memref<!tpu.dma_semaphore, #tpu.memory_space<semaphore_mem>>) src(%dma_wait3A_897 : memref<16x128xf32, #tpu.memory_space<vmem>>) dst(%dma_wait3A_900 : memref<16384x128xf32, #tpu.memory_space<hbm>>)
      %while3A_901 = arith.constant 0 : i32
      scf.yield %while3A_901 : i32
    }
    return
  }
}

</mosaic_0001>

<sc_bundles>
// kernel: kernel.3.cloned.1.call-start
scs
__scs_entry_jumppad:
0x0: {  	(pc) =	sbr.rel $0x88, $3  }
0x1: {  	(tag) =	ssettag $0x0;
	lr =	simm.s32 $0x1  }
0x2: {  	[smem:$0x3F9D] =	sst lr;
	_ =	strace $0xD0000000  }
0x3: {  	_ = 	snop  }
0x4: {  	_ = 	snop  }
0x5: {  	_ = 	snop  }
0x6: {  	_ = 	snop  }
0x7: {  	_ = 	snop  }
__scs_overlays_trampoline_lowered:
0x8: {  	[smem:$0x3FAC] =	sst s0  }
0x9: {  	[smem:$0x3FAD] =	sst s1  }
0xa: {  	[smem:$0x3FAE] =	sst s2  }
0xb: {  	[smem:$0x3FAF] =	sst s3  }
0xc: {  	[smem:$0x3FB0] =	sst s4  }
0xd: {  	[smem:$0x3FB1] =	sst s5  }
0xe: {  	[smem:$0x3FB2] =	sst s6  }
0xf: {  	[smem:$0x3FB3] =	sst s7  }
0x10: {  	[smem:$0x3FB4] =	sst s8  }
0x11: {  	[smem:$0x3FB5] =	sst s9;
	s0 =	simm.s32 @!p0 $0x0  }
0x12: {  	s1 =	sld [smem:$0x3F9B];
	s0 =	simm.s32 @p0 $0x1  }
0x13: {  	[smem:$0x3FB6] =	sst s0;
	s0 =	simm.s32 @!p1 $0x0  }
0x14: {  	s2 =	sld [smem:$0x3F9A];
	s0 =	simm.s32 @p1 $0x1  }
0x15: {  	[smem:$0x3FB7] =	sst s0;
	s0 =	simm.s32 @!p2 $0x0  }
0x16: {  	s3 =	sld [smem:$0x3FDB];
	s0 =	simm.s32 @p2 $0x1  }
0x17: {  	s4 =	simm.s32 $0x1BF5;
	[smem:$0x3FB9] =	sst s0  }
0x18: {  	s0 =	sld [smem:$0x3F9C];
	_ =	swait.ge [sflag:s4], $0x0  }
0x19: {  	s7 =	sld [smem:$0x3F9D]  }
0x1a: {  	s8 =	sadd.s32 $0xFFFFE003, lr  }
0x1b: {  	s9 =	sadd.s32 $0xFFFFFEF7, lr;
	s5 =	simm.s32 $0xFFFFFFFF;
	p2 =	slt.u32 s8, $0xFFFFF086  }
0x1c: {  	p1 =	slt.u32 s9, $0xF7A;
	s5 =	simm.s32 @!p2 $0x0  }
0x1d: {  	s5 =	simm.s32 @p1 $0x1;
	p0 =	seq.s32 s7, s2  }
0x1e: {  	s7 =	smul.u32 @!p0 $0xF7A, s2;
	p2 =	seq.s32 @!p0 s5, $0x0  }
0x1f: {  	s9 =	smul.u32 $0xF7A, s1;
	s8 =	simm.s32 @!p0 $0x1BF5;
	p2 =	por !p2, p0  }
0x20: {  	[sflag:s8] =	ssyncset.s32 @!p0 $0xFFFFF086;
	s6 =	sadd.s32 @!p0 s3, s7;
	s7 =	simm.s32 @!p0 $0x108  }
0x21: {  	s3 =	sadd.s32 s3, s9;
	s6 =	sadd.s32 @!p0 $0x88, s6;
	s7 =	simm.s32 @p2 $0x1082  }
0x22: {  	[simem:s7], [sflag:s8] =	dma.local @!p0 [hbm:s6], $0xF7A  }
0x23: {  	s9 =	sor.u32 $0xD0000000, s2;
	s6 =	simm.s32 $0x108;
	_ =	swait.ge @!p0 [sflag:s8], $0x0  }
0x24: {  	s3 =	sadd.s32 $0x88, s3;
	s6 =	simm.s32 @!p1 $0x1082;
	[sflag:s4] =	ssyncset.s32 $0xFFFFF086  }
0x25: {  	[simem:s6], [sflag:s4] =	dma.local [hbm:s3], $0xF7A  }
0x26: {  	[smem:$0x3F9D] =	sst s1;
	(tag) =	ssettag s2;
	_ =	strace s9  }
0x27: {  	s1 =	sld [smem:$0x3FAD]  }
0x28: {  	s2 =	sld [smem:$0x3FAE]  }
0x29: {  	s4 =	sld [smem:$0x3FB0]  }
0x2a: {  	p0 =	seq.s32 s5, $0x0;
	s5 =	sld [smem:$0x3FB1]  }
0x2b: {  	s6 =	sld [smem:$0x3FB2]  }
0x2c: {  	s7 =	sld [smem:$0x3FB3]  }
0x2d: {  	s3 =	simm.s32 $0x108;
	s8 =	sld [smem:$0x3FB4]  }
0x2e: {  	s3 =	simm.s32 @!p0 $0x1082;
	s9 =	sld [smem:$0x3FB5]  }
0x2f: {  	lr =	sadd.s32 s0, s3;
	s0 =	sld [smem:$0x3FAC]  }
0x30: {  	s3 =	sld [smem:$0x3FAF]  }
0x31: {  	[smem:$0x3FB8] =	sst s10  }
0x32: {  	s10 =	sld [smem:$0x3FB6];
	_ =	sdelay $0x3  }
0x33: {  	p0 =	seq.s32 s10, $0x1;
	s10 =	sld [smem:$0x3FB8];
	_ =	sdelay $0x3  }
0x34: {  	[smem:$0x3FB8] =	sst s10  }
0x35: {  	s10 =	sld [smem:$0x3FB7];
	_ =	sdelay $0x3  }
0x36: {  	p1 =	seq.s32 s10, $0x1;
	s10 =	sld [smem:$0x3FB8];
	_ =	sdelay $0x3  }
0x37: {  	[smem:$0x3FB8] =	sst s10  }
0x38: {  	s10 =	sld [smem:$0x3FB9]  }
0x39: {  	_ = 	snop;
	(pc) =	sbr.ind lr, $3  }
0x3a: {  	_ = 	snop  }
0x3b: {  	_ = 	snop  }
0x3c: {  	p2 =	seq.s32 s10, $0x1;
	s10 =	sld [smem:$0x3FB8]  }
0x3d: {  	_ =	shalt  }
0x3e: {  	_ =	shalt  }
0x3f: {  	_ =	shalt  }
0x40: {  	_ =	shalt  }
0x41: {  	_ =	shalt  }
0x42: {  	_ =	shalt  }
0x43: {  	_ =	shalt  }
0x44: {  	_ =	shalt  }
0x45: {  	_ =	shalt  }
0x46: {  	_ =	shalt  }
0x47: {  	_ =	shalt  }
0x48: {  	_ =	shalt  }
0x49: {  	_ =	shalt  }
0x4a: {  	_ =	shalt  }
0x4b: {  	_ =	shalt  }
0x4c: {  	_ =	shalt  }
0x4d: {  	_ =	shalt  }
0x4e: {  	_ =	shalt  }
0x4f: {  	_ =	shalt  }
0x50: {  	_ =	shalt  }
0x51: {  	_ =	shalt  }
0x52: {  	_ =	shalt  }
0x53: {  	_ =	shalt  }
0x54: {  	_ =	shalt  }
0x55: {  	_ =	shalt  }
0x56: {  	_ =	shalt  }
0x57: {  	_ =	shalt  }
0x58: {  	_ =	shalt  }
0x59: {  	_ =	shalt  }
0x5a: {  	_ =	shalt  }
0x5b: {  	_ =	shalt  }
0x5c: {  	_ =	shalt  }
0x5d: {  	_ =	shalt  }
0x5e: {  	_ =	shalt  }
0x5f: {  	_ =	shalt  }
0x60: {  	_ =	shalt  }
0x61: {  	_ =	shalt  }
0x62: {  	_ =	shalt  }
0x63: {  	_ =	shalt  }
0x64: {  	_ =	shalt  }
0x65: {  	_ =	shalt  }
0x66: {  	_ =	shalt  }
0x67: {  	_ =	shalt  }
0x68: {  	_ =	shalt  }
0x69: {  	_ =	shalt  }
0x6a: {  	_ =	shalt  }
0x6b: {  	_ =	shalt  }
0x6c: {  	_ =	shalt  }
0x6d: {  	_ =	shalt  }
0x6e: {  	_ =	shalt  }
0x6f: {  	_ =	shalt  }
0x70: {  	_ =	shalt  }
0x71: {  	_ =	shalt  }
0x72: {  	_ =	shalt  }
0x73: {  	_ =	shalt  }
0x74: {  	_ =	shalt  }
0x75: {  	_ =	shalt  }
0x76: {  	_ =	shalt  }
0x77: {  	_ =	shalt  }
0x78: {  	_ =	shalt  }
0x79: {  	_ =	shalt  }
0x7a: {  	_ =	shalt  }
0x7b: {  	_ =	shalt  }
0x7c: {  	_ =	shalt  }
0x7d: {  	_ =	shalt  }
0x7e: {  	_ =	shalt  }
0x7f: {  	_ =	shalt  }
0x80: {  	_ =	shalt  }
0x81: {  	_ =	shalt  }
0x82: {  	_ =	shalt  }
0x83: {  	_ =	shalt  }
0x84: {  	_ =	shalt  }
0x85: {  	_ =	shalt  }
0x86: {  	_ =	shalt  }
0x87: {  	_ =	shalt  }
.Lfunc_end0:
.L_simem_size_0:
called_computation_lowered:
.L_overlay_start_0:
0x88: {  	s2 =	sld [smem:$0x3FD9]  }
0x89: {  	s3 =	sld [smem:$0x3FFE];
	_ =	sdelay $0x1  }
0x8a: {  	s1 =	srdreg.scid  }
0x8b: {  	s0 =	sand.u32 $0x1, s1  }
0x8c: {  	s18 =	sshll.u32 s0, $0xA;
	s2 =	sadd.s32 s3, s2  }
0x8d: {  	s2 =	sadd.s32 s2, s18  }
0x8e: {  	[smem:$0x3FC4] =	sst s2  }
0x8f: {  	_ = 	snop  }
0x90: {  	s2 =	sld [smem:$0x3FC9]  }
0x91: {  	s19 =	sld [smem:$0x3FC8]  }
0x92: {  	s4 =	sld [smem:$0x3FC7]  }
0x93: {  	s5 =	sld [smem:$0x3FC6]  }
0x94: {  	s6 =	sld [smem:$0x3FD0];
	(tm) =	ssettm $0x1  }
0x95: {  	s7 =	sld [smem:$0x3FFB];
	_ =	sdelay $0x3  }
0x96: {  	_ =	strace s7  }
0x97: {  	s7 =	sld [smem:$0x3FFC];
	_ =	sdelay $0x3  }
0x98: {  	_ =	strace s7  }
0x99: {  	s7 =	sld [smem:$0x3FFD];
	_ =	sdelay $0x3  }
0x9a: {  	_ =	strace s7  }
0x9b: {  	_ =	strace $0x8FFFFFFF  }
0x9c: {  	s20 =	sld [smem:$0x3FDB];
	_ =	sdelay $0x1  }
0x9d: {  	s8 =	simm.s32 $_scs_section_size  }
0x9e: {  	s9 =	simm.s32 $_size__tile_overlayer_lowered;
	s10 =	simm.s32 $_tile_overlayer_lowered  }
0x9f: {  	s23 =	simm.s32 $0x1BFF;
	s22 =	sshll.u32 s10, $0x1;
	s7 =	sadd.s32 s8, s20  }
0xa0: {  	s11 =	simm.s32 $0x0;
	s21 =	sshll.u32 s9, $0x1;
	s9 =	sadd.s32 s22, s7  }
0xa1: {  	[timem:s11], [sflag:s23] =	dma.local [hbm:s9], s21  }
0xa2: {  	_ =	swait.ge [sflag:s23], s21  }
0xa3: {  	s8 =	ssub.s32 $0x0, s21;
	[sflag:s23] =	ssyncset.done $0x0  }
0xa4: {  	[sflag:s23] =	ssyncadd.s32 s8;
	_ =	sdelay $0x1  }
0xa5: {  	s24 =	simm.s32 $0x1B8B  }
0xa6: {  	_ =	swait.ge [sflag:s24], $0x1  }
0xa7: {  	[sflag:s24] =	ssyncset.done $0x0  }
0xa8: {  	s25 =	simm.s32 $0x1B8E;
	[sflag:s24] =	ssyncadd.s32 $0xFFFFFFFF  }
0xa9: {  	s26 =	simm.s32 $execute0_lowered;
	[smem:$0x3FD2] =	sst s25  }
0xaa: {  	s8 =	sshll.u32 s26, $0x1;
	_ =	strace $0x80000046;
	[dreg:$0x1] =	wrdreg $0xFFFFFFFF  }
0xab: {  	s28 =	simm.s32 $_size_execute0_lowered;
	s7 =	sadd.s32 s7, s8;
	[dreg:$0x0] =	wrdreg $0x0  }
0xac: {  	s8 =	sshll.u32 s28, $0x1;
	[dreg:$0x2] =	wrdreg s7  }
0xad: {  	[dreg:$0x3] =	wrdreg s8  }
0xae: {  	[dreg:$0x4] =	wrdreg $0xC0  }
0xaf: {  	_ =	task [dreg:s11], $0x5FFFF  }
0xb0: {  	[dreg:$0x1] =	wrdreg $0xFFFFFFFF  }
0xb1: {  	[dreg:$0x0] =	wrdreg $0x60  }
0xb2: {  	[dreg:$0x2] =	wrdreg s2  }
0xb3: {  	[dreg:$0x3] =	wrdreg s19  }
0xb4: {  	[dreg:$0x4] =	wrdreg s4  }
0xb5: {  	[dreg:$0x5] =	wrdreg s5  }
0xb6: {  	[dreg:$0x6] =	wrdreg s6  }
0xb7: {  	[dreg:$0x7] =	wrdreg $0x9  }
0xb8: {  	_ =	task.clear_ibuf [dreg:s11], $0x8FFFF;
	_ =	strace $0x90000046  }
0xb9: {  	s29 =	simm.s32 $0x9;
	_ =	strace $0x80000048  }
0xba: {  	_ =	swait.ge [sflag:s29], $0x1  }
0xbb: {  	[sflag:s29] =	ssyncadd.s32 $0xFFFFFFFF  }
0xbc: {  	_ =	strace $0x90000048  }
0xbd: {  	_ =	sfence  }
0xbe: {  	s30 =	sld [smem:$0x0];
	_ =	sdelay $0x2  }
0xbf: {  	s31 =	sshll.u32 s1, $0xD;
	s1 =	sshrl.u32 s1, $0x2  }
0xc0: {  	s3 =	sand.u32 $0x4000, s31;
	s1 =	sadd.s32 s1, s30  }
0xc1: {  	s0 =	sor.u32 s3, s0;
	s1 =	sshll.u32 s1, $0x11  }
0xc2: {  	s0 =	sor.u32 s1, s0  }
0xc3: {  	s0 =	sadd.s32 $0x8F2B, s0  }
0xc4: {  	[sflag:s0] =	ssyncadd.remote.s32 $0x1  }
0xc5: {  	_ =	sfence.sel $0xFFFF  }
0xc6: {  	[dreg:$0x0] =	wrdreg $0xFFFFFFFF;
	(pc) =	sbr.abs _section_cstart, $3  }
0xc7: {  	[dreg:$0x1] =	wrdreg $0xFFFFFFFF  }
0xc8: {  	_ =	task.clear_ibuf [dreg:s11], $0x2FFFF;
	_ =	strace $0x9FFFFFFF  }
0xc9: {  	(tm) =	ssettm $0x7FFFFFFF  }
tec
execute0_lowered:
.L_overlay_start_1:
0x0: {  	(tag) =	ssettag $0x1  }
0x1: {  	s1 =	rddreg [dreg:$0x1]  }
0x2: {  	s3 =	rddreg [dreg:$0x2]  }
0x3: {  	s0 =	rddreg [dreg:$0x3]  }
0x4: {  	s4 =	rddreg [dreg:$0x4];
	s6 =	simm.s32 $0x0;
	s2 =	srdreg.scid  }
0x5: {  	s7 =	stileid.u32;
	[smem:$0x7FF] =	sst s6;
	s2 =	sand.u32 $0x1, s2  }
0x6: {  	s7 =	sshll.u32 s7, $0xA;
	s9 =	sadd.s32 $0x30, s1;
	s11 =	sadd.s32 $0x40, s1  }
0x7: {  	s13 =	sadd.s32 $0x50, s1;
	_ =	strace $0x80000047;
	[dreg:$0x13] =	wrdreg s9  }
0x8: {  	s5 =	ssub.s32 $0x2, s2;
	s2 =	sshll.u32 s2, $0x9;
	[dreg:$0x14] =	wrdreg s11  }
0x9: {  	s15 =	sadd.s32 $0x60, s1;
	[dreg:$0x15] =	wrdreg s13;
	s7 =	sor.u32 s2, s7  }
0xa: {  	[dreg:$0x16] =	wrdreg s15;
	s8 =	sshrl.u32 s5, $0x1;
	s19 =	sshrl.u32 s7, $0x3  }
0xb: {  	[dreg:$0x6] =	wrdreg s7;
	s20 =	sshll.u32 s7, $0x4;
	s7 =	sadd.s32 $0x10, s1  }
0xc: {  	s17 =	ssub.s32 s5, s8;
	s8 =	sadd.s32 $0x20, s1;
	[dreg:$0x11] =	wrdreg s7  }
0xd: {  	s0 =	sadd.s32 s0, s19;
	[dreg:$0x12] =	wrdreg s8  }
0xe: {  	s21 =	sadd.s32 s4, s20;
	[dreg:$0x7] =	wrdreg s0  }
0xf: {  	s5 =	smax.u32 s17, $0x1;
	[dreg:$0x8] =	wrdreg s21  }
0x10: {  	s17 =	sadd.s32 $0x70, s1;
	[dreg:$0x10] =	wrdreg s5  }
0x11: {  	s19 =	sadd.s32 $0x80, s1;
	[dreg:$0x17] =	wrdreg s17  }
0x12: {  	s28 =	simm.s32 $0x5;
	s23 =	sadd.s32 $0x400, s21;
	[dreg:$0x18] =	wrdreg s19  }
0x13: {  	s31 =	simm.s32 $0x3;
	s24 =	sadd.s32 $0x800, s21;
	[dreg:$0x9] =	wrdreg s23  }
0x14: {  	s10 =	sadd.s32 $0x100, s1;
	s25 =	sadd.s32 $0xC00, s21;
	[dreg:$0xa] =	wrdreg s24  }
0x15: {  	s12 =	sadd.s32 $0x200, s1;
	s26 =	sadd.s32 $0x1000, s21;
	[dreg:$0xb] =	wrdreg s25  }
0x16: {  	s14 =	sadd.s32 $0x300, s1;
	s29 =	sadd.s32 $0x1400, s21;
	[dreg:$0xc] =	wrdreg s26  }
0x17: {  	s16 =	sadd.s32 $0x400, s1;
	s30 =	sadd.s32 $0x1800, s21;
	[dreg:$0xd] =	wrdreg s29  }
0x18: {  	s18 =	sadd.s32 $0x500, s1;
	s0 =	sadd.s32 $0x1C00, s21;
	[dreg:$0xe] =	wrdreg s30  }
0x19: {  	s22 =	sadd.s32 $0x700, s1;
	s21 =	sadd.s32 $0x90, s1;
	[dreg:$0xf] =	wrdreg s0  }
0x1a: {  	s11 =	simm.s32 $0x0;
	[dreg:$0x19] =	wrdreg s21;
	s23 =	sadd.s32 $0xA0, s1  }
0x1b: {  	s2 =	simm.s32 $0x4;
	s24 =	sadd.s32 $0xB0, s1;
	[dreg:$0x1a] =	wrdreg s23  }
0x1c: {  	s20 =	sadd.s32 $0x600, s1;
	s25 =	sadd.s32 $0xC0, s1;
	[dreg:$0x1b] =	wrdreg s24  }
.Ltmp0:
0x1d: {  	s26 =	sadd.s32 $0xD0, s1;
	[dreg:$0x1c] =	wrdreg s25;
	(pc) =	sbr.rel .LBB2_1-.Ltmp0, $4  }
0x1e: {  	s8 =	simm.s32 $0x9;
	s29 =	sadd.s32 $0xE0, s1;
	[dreg:$0x1d] =	wrdreg s26  }
0x1f: {  	s5 =	simm.s32 $0x6;
	s30 =	sadd.s32 $0xF0, s1;
	[dreg:$0x1e] =	wrdreg s29  }
0x20: {  	v0 =	vimm.s32 $0x0;
	v1 =	vlaneseq.u32;
	s0 =	simm.s32 $0x2;
	[dreg:$0x1f] =	wrdreg s30;
	s24 =	simm.s32 $0x19E00  }
0x21: {  	vm0 =	vmxor vm0, vm0;
	v2 =	vimm.f32 $0.0e+00;
	vm1 =	vmmov $0xffff;
	s23 =	simm.s32 $0x1BE00;
	s26 =	simm.s32 $0x1;
	s25 =	simm.s32 $0x40  }
.LBB2_72:
0x22: {  	s11 =	sadd.s32 $0x1, s11;
	s1 =	rddreg [dreg:$0x10]  }
0x23: {  	p0 =	sne.s32 s11, s1  }
.Ltmp1:
0x24: {  	_ = 	snop;
	(pc) =	sbr.rel @!p0 .LBB2_73-.Ltmp1, $1  }
0x25: {  	_ =	sdelay $0x3  }
.LBB2_1:
0x26: {  	s1 =	rddreg [dreg:$0x7];
	s7 =	simm.s32 $0x19700;
	s29 =	simm.s32 $0xB  }
0x27: {  	[tilespmem:s7], [sflag:$0xB] =	stream.linear.gather [hbm4b:s1+s6], $0x200, $0x38;
	[tilespmem:$0x1DE00] =	vst v63  }
0x28: {  	_ =	swait.ge [sflag:s29], $0x200  }
0x29: {  	[sflag:s29] =	ssyncset.done $0x0  }
0x2a: {  	[sflag:s29] =	ssyncadd.s32 $0xFFFFFE00  }
0x2b: {  	s9 =	simm.s32 $0x40;
	s1 =	rddreg [dreg:$0x0]  }
0x2c: {  	[tilespmem:s24], [sflag:$0x1] =	stream.indirect.gather [hbm4b:s1+s9], $0x80, s7, s9, $0xb8;
	[tilespmem:$0x1DE00] =	vst v63  }
0x2d: {  	s30 =	simm.s32 $0x19740  }
0x2e: {  	[tilespmem:s23], [sflag:$0x2] =	stream.indirect.gather [hbm4b:s1+s9], $0x80, s30, s9, $0xb8;
	[tilespmem:$0x1DE00] =	vst v63  }
0x2f: {  	s13 =	simm.s32 $0x18700;
	s9 =	rddreg [dreg:$0x1]  }
0x30: {  	[tilespmem:s13], [sflag:$0x5] =	stream.linear.gather [hbm4b:s9+s6], $0x80, $0x38;
	[tilespmem:$0x1DE00] =	vst v63  }
0x31: {  	s17 =	simm.s32 $0x18800;
	s15 =	rddreg [dreg:$0x11]  }
0x32: {  	[tilespmem:s17], [sflag:$0x5] =	stream.linear.gather [hbm4b:s15+s6], $0x80, $0x38;
	[tilespmem:$0x1DE00] =	vst v63  }
0x33: {  	s21 =	simm.s32 $0x18900;
	s19 =	rddreg [dreg:$0x12]  }
0x34: {  	[tilespmem:s21], [sflag:$0x5] =	stream.linear.gather [hbm4b:s19+s6], $0x80, $0x38;
	[tilespmem:$0x1DE00] =	vst v63  }
0x35: {  	s29 =	rddreg [dreg:$0x13];
	s30 =	simm.s32 $0x18A00  }
0x36: {  	[tilespmem:s30], [sflag:$0x5] =	stream.linear.gather [hbm4b:s29+s6], $0x80, $0x38;
	[tilespmem:$0x1DE00] =	vst v63  }
0x37: {  	s9 =	rddreg [dreg:$0x14];
	s13 =	simm.s32 $0x18B00  }
0x38: {  	[tilespmem:s13], [sflag:$0x5] =	stream.linear.gather [hbm4b:s9+s6], $0x80, $0x38;
	[tilespmem:$0x1DE00] =	vst v63  }
0x39: {  	s15 =	rddreg [dreg:$0x15];
	s17 =	simm.s32 $0x18C00  }
0x3a: {  	[tilespmem:s17], [sflag:$0x5] =	stream.linear.gather [hbm4b:s15+s6], $0x80, $0x38;
	[tilespmem:$0x1DE00] =	vst v63  }
0x3b: {  	s19 =	rddreg [dreg:$0x16];
	s21 =	simm.s32 $0x18D00  }
0x3c: {  	[tilespmem:s21], [sflag:$0x5] =	stream.linear.gather [hbm4b:s19+s6], $0x80, $0x38;
	[tilespmem:$0x1DE00] =	vst v63  }
0x3d: {  	s29 =	rddreg [dreg:$0x17];
	s30 =	simm.s32 $0x18E00  }
0x3e: {  	[tilespmem:s30], [sflag:$0x5] =	stream.linear.gather [hbm4b:s29+s6], $0x80, $0x38;
	[tilespmem:$0x1DE00] =	vst v63  }
0x3f: {  	s9 =	rddreg [dreg:$0x18];
	s13 =	simm.s32 $0x18F00  }
0x40: {  	[tilespmem:s13], [sflag:$0x5] =	stream.linear.gather [hbm4b:s9+s6], $0x80, $0x38;
	[tilespmem:$0x1DE00] =	vst v63  }
0x41: {  	s15 =	rddreg [dreg:$0x19];
	s17 =	simm.s32 $0x19000  }
0x42: {  	[tilespmem:s17], [sflag:$0x5] =	stream.linear.gather [hbm4b:s15+s6], $0x80, $0x38;
	[tilespmem:$0x1DE00] =	vst v63  }
0x43: {  	s19 =	rddreg [dreg:$0x1a];
	s21 =	simm.s32 $0x19100  }
0x44: {  	[tilespmem:s21], [sflag:$0x5] =	stream.linear.gather [hbm4b:s19+s6], $0x80, $0x38;
	[tilespmem:$0x1DE00] =	vst v63  }
0x45: {  	s29 =	rddreg [dreg:$0x1b];
	s30 =	simm.s32 $0x19200  }
0x46: {  	[tilespmem:s30], [sflag:$0x5] =	stream.linear.gather [hbm4b:s29+s6], $0x80, $0x38;
	[tilespmem:$0x1DE00] =	vst v63  }
0x47: {  	s9 =	rddreg [dreg:$0x1c];
	s13 =	simm.s32 $0x19300  }
0x48: {  	[tilespmem:s13], [sflag:$0x5] =	stream.linear.gather [hbm4b:s9+s6], $0x80, $0x38;
	[tilespmem:$0x1DE00] =	vst v63  }
0x49: {  	s15 =	rddreg [dreg:$0x1d];
	s17 =	simm.s32 $0x19400  }
0x4a: {  	[tilespmem:s17], [sflag:$0x5] =	stream.linear.gather [hbm4b:s15+s6], $0x80, $0x38;
	[tilespmem:$0x1DE00] =	vst v63  }
0x4b: {  	s19 =	rddreg [dreg:$0x1e];
	s21 =	simm.s32 $0x19500  }
0x4c: {  	[tilespmem:s21], [sflag:$0x5] =	stream.linear.gather [hbm4b:s19+s6], $0x80, $0x38;
	[tilespmem:$0x1DE00] =	vst v63  }
0x4d: {  	s29 =	rddreg [dreg:$0x1f];
	s30 =	simm.s32 $0x19600;
	s13 =	simm.s32 $0x19720  }
0x4e: {  	[tilespmem:s30], [sflag:$0x5] =	stream.linear.gather [hbm4b:s29+s6], $0x80, $0x38;
	[tilespmem:$0x1DE00] =	vst v63  }
0x4f: {  	v3 =	vld [tilespmem:s13+$0x10]  }
0x50: {  	v4 =	vld [tilespmem:s13+$0xFFFFFFF0]  }
0x51: {  	v5 =	vld [tilespmem:s13+$0x0]  }
0x52: {  	v6 =	vld [tilespmem:s13+$0xFFFFFFE0];
	_ =	sdelay $0x3  }
0x53: {  	s9 =	simm.s32 $0x0;
	s13 =	simm.s32 $0x19760  }
.LBB2_2:
0x54: {  	s9 =	sadd.s32 $0x4, s9;
	[tilespmem:v3+s6+$0x0] =	vst.idx.msk $0xffff, v0;
	v3 =	vld [tilespmem:s13+$0x10]  }
0x55: {  	p0 =	slt.u32 s9, $0x1C;
	[tilespmem:v4+s6+$0x0] =	vst.idx.msk $0xffff, v0;
	v4 =	vld [tilespmem:s13+$0xFFFFFFF0]  }
0x56: {  	[tilespmem:v5+s6+$0x0] =	vst.idx.msk $0xffff, v0;
	v5 =	vld [tilespmem:s13+$0x0]  }
.Ltmp2:
0x57: {  	[tilespmem:v6+s6+$0x0] =	vst.idx.msk $0xffff, v0;
	v6 =	vld [tilespmem:s13+$0xFFFFFFE0];
	(pc) =	sbr.rel @p0 .LBB2_2-.Ltmp2, $2  }
0x58: {  	_ =	sdelay $0x2  }
0x59: {  	s13 =	sadd.s32 $0x40, s13  }
0x5a: {  	_ =	sdelay $0x3  }
0x5b: {  	[tilespmem:v3+s6+$0x0] =	vst.idx.msk $0xffff, v0  }
0x5c: {  	[tilespmem:v4+s6+$0x0] =	vst.idx.msk $0xffff, v0  }
0x5d: {  	[tilespmem:v5+s6+$0x0] =	vst.idx.msk $0xffff, v0  }
0x5e: {  	[tilespmem:v6+s6+$0x0] =	vst.idx.msk $0xffff, v0  }
0x5f: {  	_ =	swait.ge [sflag:s26], $0x2000  }
0x60: {  	[sflag:s26] =	ssyncset.done $0x0  }
0x61: {  	s15 =	simm.s32 $0x0;
	s1 =	rddreg [dreg:$0x8];
	[sflag:s26] =	ssyncadd.s32 $0xFFFFE000  }
0x62: {  	[hbm4b:s1+s15] =	stream.linear.scatter [tilespmem:s24], [sflag:$0x3], $0x2000, $0x38;
	[tilespmem:$0x1DE00] =	vst v63  }
0x63: {  	_ =	swait.ge [sflag:s28], $0x800  }
0x64: {  	[sflag:s28] =	ssyncset.done $0x0  }
0x65: {  	s30 =	simm.s32 $0x18780;
	[sflag:s28] =	ssyncadd.s32 $0xFFFFF800  }
0x66: {  	[tilespmem:s30], [sflag:$0x6] =	stream.linear.gather [hbm4b:s10+s15], $0x80, $0x38;
	[tilespmem:$0x1DE00] =	vst v63  }
0x67: {  	s9 =	sadd.s32 $0x10, s10;
	s7 =	simm.s32 $0x18880  }
0x68: {  	[tilespmem:s7], [sflag:$0x6] =	stream.linear.gather [hbm4b:s9+s15], $0x80, $0x38;
	[tilespmem:$0x1DE00] =	vst v63  }
0x69: {  	s13 =	sadd.s32 $0x20, s10;
	s17 =	simm.s32 $0x18980  }
0x6a: {  	[tilespmem:s17], [sflag:$0x6] =	stream.linear.gather [hbm4b:s13+s15], $0x80, $0x38;
	[tilespmem:$0x1DE00] =	vst v63  }
0x6b: {  	s19 =	sadd.s32 $0x30, s10;
	s21 =	simm.s32 $0x18A80  }
0x6c: {  	[tilespmem:s21], [sflag:$0x6] =	stream.linear.gather [hbm4b:s19+s15], $0x80, $0x38;
	[tilespmem:$0x1DE00] =	vst v63  }
0x6d: {  	s29 =	sadd.s32 $0x40, s10;
	s30 =	simm.s32 $0x18B80  }
0x6e: {  	[tilespmem:s30], [sflag:$0x6] =	stream.linear.gather [hbm4b:s29+s15], $0x80, $0x38;
	[tilespmem:$0x1DE00] =	vst v63  }
0x6f: {  	s1 =	sadd.s32 $0x50, s10;
	s7 =	simm.s32 $0x18C80  }
0x70: {  	[tilespmem:s7], [sflag:$0x6] =	stream.linear.gather [hbm4b:s1+s15], $0x80, $0x38;
	[tilespmem:$0x1DE00] =	vst v63  }
0x71: {  	s13 =	sadd.s32 $0x60, s10;
	s17 =	simm.s32 $0x18D80  }
0x72: {  	[tilespmem:s17], [sflag:$0x6] =	stream.linear.gather [hbm4b:s13+s15], $0x80, $0x38;
	[tilespmem:$0x1DE00] =	vst v63  }
0x73: {  	s19 =	sadd.s32 $0x70, s10;
	s21 =	simm.s32 $0x18E80  }
0x74: {  	[tilespmem:s21], [sflag:$0x6] =	stream.linear.gather [hbm4b:s19+s15], $0x80, $0x38;
	[tilespmem:$0x1DE00] =	vst v63  }
0x75: {  	s29 =	sadd.s32 $0x80, s10;
	s30 =	simm.s32 $0x18F80  }
0x76: {  	[tilespmem:s30], [sflag:$0x6] =	stream.linear.gather [hbm4b:s29+s15], $0x80, $0x38;
	[tilespmem:$0x1DE00] =	vst v63  }
0x77: {  	s1 =	sadd.s32 $0x90, s10;
	s7 =	simm.s32 $0x19080  }
0x78: {  	[tilespmem:s7], [sflag:$0x6] =	stream.linear.gather [hbm4b:s1+s15], $0x80, $0x38;
	[tilespmem:$0x1DE00] =	vst v63  }
0x79: {  	s13 =	sadd.s32 $0xA0, s10;
	s17 =	simm.s32 $0x19180  }
0x7a: {  	[tilespmem:s17], [sflag:$0x6] =	stream.linear.gather [hbm4b:s13+s15], $0x80, $0x38;
	[tilespmem:$0x1DE00] =	vst v63  }
0x7b: {  	s19 =	sadd.s32 $0xB0, s10;
	s21 =	simm.s32 $0x19280  }
0x7c: {  	[tilespmem:s21], [sflag:$0x6] =	stream.linear.gather [hbm4b:s19+s15], $0x80, $0x38;
	[tilespmem:$0x1DE00] =	vst v63  }
0x7d: {  	s29 =	sadd.s32 $0xC0, s10;
	s30 =	simm.s32 $0x19380  }
0x7e: {  	[tilespmem:s30], [sflag:$0x6] =	stream.linear.gather [hbm4b:s29+s15], $0x80, $0x38;
	[tilespmem:$0x1DE00] =	vst v63  }
0x7f: {  	s1 =	sadd.s32 $0xD0, s10;
	s7 =	simm.s32 $0x19480  }
0x80: {  	[tilespmem:s7], [sflag:$0x6] =	stream.linear.gather [hbm4b:s1+s15], $0x80, $0x38;
	[tilespmem:$0x1DE00] =	vst v63  }
0x81: {  	s13 =	sadd.s32 $0xE0, s10;
	s17 =	simm.s32 $0x19580;
	s29 =	simm.s32 $0x0  }
0x82: {  	[tilespmem:s17], [sflag:$0x6] =	stream.linear.gather [hbm4b:s13+s15], $0x80, $0x38;
	[tilespmem:$0x1DE00] =	vst v63  }
0x83: {  	s9 =	sand.u32 $0x40, s29;
	s13 =	sand.u32 $0xF00, s15  }
0x84: {  	s19 =	sadd.s32 $0xF0, s10;
	s21 =	simm.s32 $0x19680;
	s9 =	sor.u32 s9, s13  }
0x85: {  	[tilespmem:s21], [sflag:$0x6] =	stream.linear.gather [hbm4b:s19+s15], $0x80, $0x38;
	[tilespmem:$0x1DE00] =	vst v63  }
0x86: {  	s13 =	sadd.s32 $0x18700, s9;
	v7 =	vld [tilespmem:s9+$0x18700]  }
0x87: {  	v3 =	vld [tilespmem:s13+$0x30]  }
0x88: {  	v5 =	vld [tilespmem:s13+$0x10]  }
0x89: {  	s30 =	simm.s32 $0x1;
	s17 =	simm.s32 $0x11;
	s21 =	simm.s32 $0x21;
	v9 =	vld [tilespmem:s13+$0x20]  }
0x8a: {  	v4 =	vadd.s32 s30, v1;
	v6 =	vadd.s32 s17, v1;
	s17 =	simm.s32 $0x0;
	s19 =	simm.s32 $0x31;
	v8 =	vadd.s32 s21, v1;
	s9 =	simm.s32 $0x71  }
.LBB2_4:
0x8b: {  	s13 =	sadd.s32 $0xFFFFFFCF, s9;
	s17 =	sadd.s32 $0x4, s17;
	s15 =	sadd.s32 $0x80, s15;
	v10 =	vmov v7  }
0x8c: {  	s13 =	sand.u32 $0x40, s13;
	s21 =	sand.u32 $0xF00, s15;
	p0 =	slt.u32 s17, $0x7C  }
0x8d: {  	s29 =	sadd.s32 $0xFFFFFFE0, s9;
	s13 =	sor.u32 s13, s21;
	s21 =	sadd.s32 $0xFFFFFFD0, s9  }
.Ltmp3:
0x8e: {  	v13 =	vadd.s32 s19, v1;
	v12 =	vadd.s32 s29, v1;
	s30 =	sadd.s32 $0x18700, s13;
	v7 =	vld [tilespmem:s13+$0x18700];
	v11 =	vadd.s32 s21, v1;
	s13 =	sadd.s32 $0xFFFFFFF0, s9;
	(pc) =	sbr.rel @p0 .LBB2_4-.Ltmp3, $4  }
0x8f: {  	s21 =	simm.s32 $0x18740;
	v14 =	vadd.s32 s13, v1;
	[tilespmem:v3+s6+$0x0] =	vst.idx.msk $0xffff, v13;
	v3 =	vld [tilespmem:s30+$0x30];
	s13 =	simm.s32 $0x71  }
0x90: {  	s19 =	smov.u32 s9;
	[tilespmem:v5+s6+$0x0] =	vst.idx.msk $0xffff, v6;
	v5 =	vld [tilespmem:s30+$0x10];
	v6 =	vmov v12  }
0x91: {  	[tilespmem:v9+s6+$0x0] =	vst.idx.msk $0xffff, v8;
	v9 =	vld [tilespmem:s30+$0x20];
	v8 =	vmov v14  }
0x92: {  	s9 =	sadd.s32 $0x40, s9;
	[tilespmem:v10+s6+$0x0] =	vst.idx.msk $0xffff, v4;
	v4 =	vmov v11  }
0x93: {  	_ =	sdelay $0x3  }
0x94: {  	v10 =	vadd.s32 s19, v1;
	[tilespmem:v7+s6+$0x0] =	vst.idx.msk $0xffff, v4  }
0x95: {  	[tilespmem:v3+s6+$0x0] =	vst.idx.msk $0xffff, v10  }
0x96: {  	[tilespmem:v5+s6+$0x0] =	vst.idx.msk $0xffff, v6  }
0x97: {  	[tilespmem:v9+s6+$0x0] =	vst.idx.msk $0xffff, v8  }
0x98: {  	v3 =	vld [tilespmem:s21+$0xFFFFFFC0]  }
0x99: {  	v4 =	vld [tilespmem:s21+$0xFFFFFFD0]  }
0x9a: {  	v5 =	vld [tilespmem:s21+$0xFFFFFFE0]  }
0x9b: {  	v6 =	vld [tilespmem:s21+$0xFFFFFFF0]  }
0x9c: {  	v9 =	vld [tilespmem:s21+$0x0]  }
0x9d: {  	v10 =	vld [tilespmem:s21+$0x10]  }
0x9e: {  	v11 =	vld [tilespmem:s21+$0x20]  }
0x9f: {  	v12 =	vld [tilespmem:s21+$0x30]  }
0xa0: {  	v13 =	vld.idx.msk [tilespmem:v3+s6+$0x0], $0xffff  }
0xa1: {  	v14 =	vld.idx.msk [tilespmem:v4+s6+$0x0], $0xffff  }
0xa2: {  	v8 =	vld.idx.msk [tilespmem:v5+s6+$0x0], $0xffff  }
0xa3: {  	v7 =	vld.idx.msk [tilespmem:v6+s6+$0x0], $0xffff  }
0xa4: {  	v5 =	vld.idx.msk [tilespmem:v9+s6+$0x0], $0xffff  }
0xa5: {  	s9 =	simm.s32 $0x1;
	s15 =	simm.s32 $0x11;
	v3 =	vld.idx.msk [tilespmem:v10+s6+$0x0], $0xffff  }
0xa6: {  	s30 =	simm.s32 $0x21;
	vm2 =	vmmov vm0;
	v6 =	vadd.s32 s9, v1;
	v9 =	vadd.s32 s15, v1;
	v4 =	vld.idx.msk [tilespmem:v11+s6+$0x0], $0xffff  }
0xa7: {  	s17 =	simm.s32 $0x18840;
	s15 =	simm.s32 $0x0;
	s9 =	simm.s32 $0x31;
	vm3 =	vlt.s32 v13, v6;
	vm4 =	vlt.s32 v14, v9;
	v9 =	vadd.s32 s30, v1;
	v6 =	vld.idx.msk [tilespmem:v12+s6+$0x0], $0xffff  }
.LBB2_6:
0xa8: {  	v10 =	vld [tilespmem:s17+$0xFFFFFFC0];
	vm3 =	vmor vm3, vm4;
	vm4 =	vlt.s32 v8, v9;
	v8 =	vadd.s32 s9, v1;
	s9 =	sadd.s32 $0xFFFFFFD0, s13  }
0xa9: {  	s15 =	sadd.s32 $0x8, s15;
	v9 =	vld [tilespmem:s17+$0xFFFFFFD0];
	vm3 =	vmor vm3, vm4;
	vm4 =	vlt.s32 v7, v8;
	v7 =	vadd.s32 s9, v1;
	s9 =	sadd.s32 $0xFFFFFFE0, s13  }
0xaa: {  	p0 =	slt.u32 s15, $0x78;
	v8 =	vld [tilespmem:s17+$0xFFFFFFE0];
	vm3 =	vmor vm3, vm4;
	vm4 =	vlt.s32 v5, v7;
	v5 =	vadd.s32 s9, v1;
	s9 =	sadd.s32 $0xFFFFFFF0, s13  }
0xab: {  	v7 =	vld [tilespmem:s17+$0xFFFFFFF0];
	vm3 =	vmor vm3, vm4;
	vm4 =	vlt.s32 v3, v5;
	v3 =	vadd.s32 s9, v1  }
0xac: {  	v5 =	vld [tilespmem:s17+$0x0];
	vm3 =	vmor vm3, vm4;
	vm4 =	vlt.s32 v4, v3;
	v3 =	vadd.s32 s13, v1  }
0xad: {  	v4 =	vld [tilespmem:s17+$0x10];
	vm3 =	vmor vm3, vm4;
	vm4 =	vlt.s32 v6, v3  }
0xae: {  	v6 =	vld [tilespmem:s17+$0x20];
	vm3 =	vmor vm3, vm4  }
0xaf: {  	v11 =	vld [tilespmem:s17+$0x30];
	vm2 =	vmor vm2, vm3  }
0xb0: {  	v10 =	vld.idx.msk [tilespmem:v10+s6+$0x0], $0xffff  }
0xb1: {  	v9 =	vld.idx.msk [tilespmem:v9+s6+$0x0], $0xffff  }
0xb2: {  	v8 =	vld.idx.msk [tilespmem:v8+s6+$0x0], $0xffff  }
.Ltmp4:
0xb3: {  	v7 =	vld.idx.msk [tilespmem:v7+s6+$0x0], $0xffff;
	(pc) =	sbr.rel @p0 .LBB2_6-.Ltmp4, $4  }
0xb4: {  	s13 =	sadd.s32 $0x80, s13;
	v5 =	vld.idx.msk [tilespmem:v5+s6+$0x0], $0xffff  }
0xb5: {  	s9 =	sadd.s32 $0xFFFFFF90, s13;
	s19 =	sadd.s32 $0xFFFFFFA0, s13;
	v3 =	vld.idx.msk [tilespmem:v4+s6+$0x0], $0xffff  }
0xb6: {  	v12 =	vadd.s32 s9, v1;
	v13 =	vadd.s32 s19, v1;
	s9 =	sadd.s32 $0xFFFFFFB0, s13;
	v4 =	vld.idx.msk [tilespmem:v6+s6+$0x0], $0xffff  }
0xb7: {  	s17 =	sadd.s32 $0x100, s17;
	vm3 =	vlt.s32 v10, v12;
	vm4 =	vlt.s32 v9, v13;
	v9 =	vadd.s32 s9, v1;
	s9 =	sadd.s32 $0xFFFFFFC0, s13;
	v6 =	vld.idx.msk [tilespmem:v11+s6+$0x0], $0xffff  }
0xb8: {  	vm3 =	vmor vm3, vm4;
	vm10 =	vlt.s32 v8, v9;
	v61 =	vadd.s32 s9, v1;
	s19 =	sadd.s32 $0xFFFFFFD0, s13  }
0xb9: {  	s21 =	sadd.s32 $0xFFFFFFE0, s13;
	vm3 =	vmor vm3, vm10;
	vm11 =	vlt.s32 v7, v61;
	v62 =	vadd.s32 s19, v1  }
0xba: {  	s29 =	sadd.s32 $0xFFFFFFF0, s13;
	v63 =	vadd.s32 s21, v1;
	vm3 =	vmor vm3, vm11;
	vm12 =	vlt.s32 v5, v62  }
0xbb: {  	vm13 =	vlt.s32 v3, v63;
	v3 =	vadd.s32 s29, v1;
	vm3 =	vmor vm3, vm12  }
0xbc: {  	vm14 =	vlt.s32 v4, v3;
	v3 =	vadd.s32 s13, v1;
	vm3 =	vmor vm3, vm13  }
0xbd: {  	vm15 =	vlt.s32 v6, v3;
	vm3 =	vmor vm3, vm14  }
0xbe: {  	vm3 =	vmor vm3, vm15  }
0xbf: {  	vm2 =	vmor vm2, vm3  }
0xc0: {  	v3 =	vsel vm2, $0x3F800000, v2  }
0xc1: {  	(xrf0) =	vmax.scan.msk.f32 $0xffff, v3;
	_ =	sdelay $0x5  }
0xc2: {  	v3, _, _ =	vpop (xrf0)  }
0xc3: {  	(v2sf) =	vpush v3, $0xF;
	_ =	sdelay $0xe  }
0xc4: {  	s30 =	spop (v2sf)  }
0xc5: {  	p0 =	sgt.f32 s30, $0.0e+00  }
.Ltmp5:
0xc6: {  	_ = 	snop;
	(pc) =	sbr.rel @!p0 .LBB2_11-.Ltmp5, $2  }
0xc7: {  	_ =	sdelay $0x2  }
0xc8: {  	s13 =	simm.s32 $0x0  }
0xc9: {  	s9 =	sand.u32 $0x70, s13;
	s15 =	sand.u32 $0xF00, s13  }
0xca: {  	s9 =	sor.u32 s9, s15  }
0xcb: {  	v3 =	vld [tilespmem:s9+$0x18700];
	_ =	sdelay $0x4  }
0xcc: {  	(xrf1) =	vunique.msk.u32 $0xffff, v3;
	_ =	sdelay $0x8  }
0xcd: {  	v5 =	vld.idx.msk [tilespmem:v3+s6+$0x0], $0xffff;
	_ =	sdelay $0x2  }
0xce: {  	s30 =	simm.s32 $0x1  }
0xcf: {  	v4 =	vadd.s32 s30, v1  }
0xd0: {  	vm2 =	vlt.s32 v5, v4;
	_, v5, vm3 =	vpop (xrf1)  }
0xd1: {  	vm2 =	vmand vm3, vm2;
	_ =	sdelay $0x3  }
0xd2: {  	s17 =	simm.s32 $0x20;
	s15 =	simm.s32 $0x10  }
0xd3: {  	s19 =	simm.s32 $0x20;
	s21 =	sand.u32 $0xF00, s17;
	s9 =	sand.u32 $0x70, s15  }
.LBB2_9:
0xd4: {  	p0 =	sne.s32 s19, $0x7F0;
	s9 =	sor.u32 s9, s21;
	[tilespmem:v3+s6+$0x0] =	vst.idx.msk vm2, v4  }
0xd5: {  	v3 =	vld [tilespmem:s9+$0x18700];
	_ =	sdelay $0x4  }
0xd6: {  	(xrf1) =	vunique.msk.u32 $0xffff, v3;
	_ =	sdelay $0x7  }
0xd7: {  	v5 =	vld.idx.msk [tilespmem:v3+s6+$0x0], $0xffff;
	_ =	sdelay $0x3  }
0xd8: {  	s9 =	sadd.s32 $0x1, s15;
	s15 =	smov.u32 s19  }
0xd9: {  	v4 =	vadd.s32 s9, v1  }
0xda: {  	vm2 =	vlt.s32 v5, v4;
	_, v5, vm3 =	vpop (xrf1)  }
0xdb: {  	vm2 =	vmand vm3, vm2  }
.Ltmp6:
0xdc: {  	(pc) =	sbr.rel @p0 .LBB2_9-.Ltmp6, $3  }
0xdd: {  	_ =	sdelay $0x1  }
0xde: {  	s17 =	sadd.s32 $0x20, s17  }
0xdf: {  	s21 =	sand.u32 $0xF00, s17;
	s19 =	sadd.s32 $0x10, s19;
	s9 =	sand.u32 $0x70, s15  }
0xe0: {  	_ =	sdelay $0x4  }
0xe1: {  	s9 =	sor.u32 s9, s21;
	[tilespmem:v3+s6+$0x0] =	vst.idx.msk vm2, v4  }
0xe2: {  	v3 =	vld [tilespmem:s9+$0x18700];
	_ =	sdelay $0x4  }
0xe3: {  	(xrf1) =	vunique.msk.u32 $0xffff, v3;
	_ =	sdelay $0x8  }
0xe4: {  	v4 =	vld.idx.msk [tilespmem:v3+s6+$0x0], $0xffff;
	_ =	sdelay $0x2  }
0xe5: {  	s30 =	sadd.s32 $0x1, s15  }
0xe6: {  	v5 =	vadd.s32 s30, v1  }
0xe7: {  	vm2 =	vlt.s32 v4, v5;
	_, v63, vm3 =	vpop (xrf1)  }
0xe8: {  	vm2 =	vmand vm3, vm2;
	_ =	sdelay $0x5  }
0xe9: {  	[tilespmem:v3+s6+$0x0] =	vst.idx.msk vm2, v5  }
.LBB2_11:
0xea: {  	_ =	swait.ge [sflag:s31], $0x2000  }
0xeb: {  	[sflag:s31] =	ssyncset.done $0x0  }
0xec: {  	[sflag:s31] =	ssyncadd.s32 $0xFFFFE000  }
0xed: {  	s7 =	simm.s32 $0x19780;
	s1 =	rddreg [dreg:$0x0]  }
0xee: {  	[tilespmem:s24], [sflag:$0x1] =	stream.indirect.gather [hbm4b:s1+s25], $0x80, s7, s25, $0xb8;
	[tilespmem:$0x1DE00] =	vst v63  }
0xef: {  	_ =	swait.ge [sflag:s0], $0x2000  }
0xf0: {  	[sflag:s0] =	ssyncset.done $0x0  }
0xf1: {  	s7 =	rddreg [dreg:$0x9];
	[sflag:s0] =	ssyncadd.s32 $0xFFFFE000  }
0xf2: {  	[hbm4b:s7+s13] =	stream.linear.scatter [tilespmem:s23], [sflag:$0x4], $0x2000, $0x38;
	[tilespmem:$0x1DE00] =	vst v63  }
0xf3: {  	_ =	swait.ge [sflag:s5], $0x800  }
0xf4: {  	[sflag:s5] =	ssyncset.done $0x0  }
0xf5: {  	s9 =	simm.s32 $0x18700;
	[sflag:s5] =	ssyncadd.s32 $0xFFFFF800  }
0xf6: {  	[tilespmem:s9], [sflag:$0x5] =	stream.linear.gather [hbm4b:s12+s13], $0x80, $0x38;
	[tilespmem:$0x1DE00] =	vst v63  }
0xf7: {  	s15 =	simm.s32 $0x18800;
	s9 =	sadd.s32 $0x10, s12  }
0xf8: {  	[tilespmem:s15], [sflag:$0x5] =	stream.linear.gather [hbm4b:s9+s13], $0x80, $0x38;
	[tilespmem:$0x1DE00] =	vst v63  }
0xf9: {  	s17 =	sadd.s32 $0x20, s12;
	s19 =	simm.s32 $0x18900  }
0xfa: {  	[tilespmem:s19], [sflag:$0x5] =	stream.linear.gather [hbm4b:s17+s13], $0x80, $0x38;
	[tilespmem:$0x1DE00] =	vst v63  }
0xfb: {  	s21 =	sadd.s32 $0x30, s12;
	s23 =	simm.s32 $0x18A00  }
0xfc: {  	[tilespmem:s23], [sflag:$0x5] =	stream.linear.gather [hbm4b:s21+s13], $0x80, $0x38;
	[tilespmem:$0x1DE00] =	vst v63  }
0xfd: {  	s7 =	sadd.s32 $0x40, s12;
	s15 =	simm.s32 $0x18B00  }
0xfe: {  	[tilespmem:s15], [sflag:$0x5] =	stream.linear.gather [hbm4b:s7+s13], $0x80, $0x38;
	[tilespmem:$0x1DE00] =	vst v63  }
0xff: {  	s17 =	sadd.s32 $0x50, s12;
	s19 =	simm.s32 $0x18C00  }
0x100: {  	[tilespmem:s19], [sflag:$0x5] =	stream.linear.gather [hbm4b:s17+s13], $0x80, $0x38;
	[tilespmem:$0x1DE00] =	vst v63  }
0x101: {  	s21 =	sadd.s32 $0x60, s12;
	s23 =	simm.s32 $0x18D00  }
0x102: {  	[tilespmem:s23], [sflag:$0x5] =	stream.linear.gather [hbm4b:s21+s13], $0x80, $0x38;
	[tilespmem:$0x1DE00] =	vst v63  }
0x103: {  	s7 =	sadd.s32 $0x70, s12;
	s15 =	simm.s32 $0x18E00  }
0x104: {  	[tilespmem:s15], [sflag:$0x5] =	stream.linear.gather [hbm4b:s7+s13], $0x80, $0x38;
	[tilespmem:$0x1DE00] =	vst v63  }
0x105: {  	s17 =	sadd.s32 $0x80, s12;
	s19 =	simm.s32 $0x18F00  }
0x106: {  	[tilespmem:s19], [sflag:$0x5] =	stream.linear.gather [hbm4b:s17+s13], $0x80, $0x38;
	[tilespmem:$0x1DE00] =	vst v63  }
0x107: {  	s21 =	sadd.s32 $0x90, s12;
	s23 =	simm.s32 $0x19000  }
0x108: {  	[tilespmem:s23], [sflag:$0x5] =	stream.linear.gather [hbm4b:s21+s13], $0x80, $0x38;
	[tilespmem:$0x1DE00] =	vst v63  }
0x109: {  	p0 =	por $0x0, $0x0;
	s7 =	sadd.s32 $0xA0, s12;
	s15 =	simm.s32 $0x19100  }
0x10a: {  	[tilespmem:s15], [sflag:$0x5] =	stream.linear.gather [hbm4b:s7+s13], $0x80, $0x38;
	[tilespmem:$0x1DE00] =	vst v63  }
0x10b: {  	s9 =	simm.s32 $0x1;
	s17 =	sadd.s32 $0xB0, s12;
	s19 =	simm.s32 $0x19200  }
0x10c: {  	[tilespmem:s19], [sflag:$0x5] =	stream.linear.gather [hbm4b:s17+s13], $0x80, $0x38;
	[tilespmem:$0x1DE00] =	vst v63  }
0x10d: {  	s9 =	simm.s32 @!p0 $0x0;
	s21 =	sadd.s32 $0xC0, s12;
	s23 =	simm.s32 $0x19300  }
0x10e: {  	[tilespmem:s23], [sflag:$0x5] =	stream.linear.gather [hbm4b:s21+s13], $0x80, $0x38;
	[tilespmem:$0x1DE00] =	vst v63  }
0x10f: {  	s9 =	sshll.u32 s9, $0x6;
	s7 =	sadd.s32 $0xD0, s12;
	s15 =	simm.s32 $0x19400  }
0x110: {  	[tilespmem:s15], [sflag:$0x5] =	stream.linear.gather [hbm4b:s7+s13], $0x80, $0x38;
	[tilespmem:$0x1DE00] =	vst v63  }
0x111: {  	s9 =	sadd.s32 $0x0, s9;
	s17 =	sadd.s32 $0xE0, s12;
	s19 =	simm.s32 $0x19500  }
0x112: {  	[tilespmem:s19], [sflag:$0x5] =	stream.linear.gather [hbm4b:s17+s13], $0x80, $0x38;
	[tilespmem:$0x1DE00] =	vst v63  }
0x113: {  	s21 =	sadd.s32 $0xF0, s12;
	s23 =	simm.s32 $0x19600;
	s17 =	sor.u32 $0x80, s9  }
0x114: {  	[tilespmem:s23], [sflag:$0x5] =	stream.linear.gather [hbm4b:s21+s13], $0x80, $0x38;
	[tilespmem:$0x1DE00] =	vst v63  }
0x115: {  	s29 =	sor.u32 $0xA0, s9;
	v3 =	vld [tilespmem:s17+$0x18700]  }
0x116: {  	s21 =	sor.u32 $0x90, s9;
	v4 =	vld [tilespmem:s29+$0x18700]  }
0x117: {  	s30 =	sor.u32 $0xB0, s9;
	v5 =	vld [tilespmem:s21+$0x18700]  }
0x118: {  	p0 =	por !p0, !p0;
	s15 =	simm.s32 $0x4;
	s19 =	simm.s32 $0x1;
	v6 =	vld [tilespmem:s30+$0x18700]  }
0x119: {  	s7 =	simm.s32 $0x821;
	s19 =	simm.s32 @!p0 $0x0;
	s13 =	simm.s32 $0x831  }
0x11a: {  	s1 =	sshll.u32 s19, $0x6;
	s23 =	simm.s32 $0x811;
	s19 =	simm.s32 $0x831  }
0x11b: {  	s17 =	simm.s32 $0x80;
	s9 =	sadd.s32 $0x80, s1;
	s1 =	simm.s32 $0x801  }
0x11c: {  	v7 =	vadd.s32 s7, v1;
	v8 =	vadd.s32 s23, v1;
	s29 =	sor.u32 $0x80, s9;
	s21 =	sor.u32 $0x90, s9;
	v9 =	vadd.s32 s1, v1;
	s30 =	sor.u32 $0xA0, s9  }
.LBB2_12:
0x11d: {  	s15 =	sadd.s32 $0x4, s15;
	s1 =	sor.u32 $0xB0, s9;
	[tilespmem:v3+s6+$0x0] =	vst.idx.msk $0xffff, v9;
	v3 =	vld [tilespmem:s29+$0x18700];
	s13 =	sadd.s32 $0x40, s13  }
0x11e: {  	p1 =	slt.u32 s15, $0x7C;
	[tilespmem:v4+s6+$0x0] =	vst.idx.msk $0xffff, v7;
	v4 =	vld [tilespmem:s30+$0x18700];
	v7 =	vadd.s32 s19, v1;
	s19 =	smov.u32 s13  }
0x11f: {  	[tilespmem:v5+s6+$0x0] =	vst.idx.msk $0xffff, v8;
	v5 =	vld [tilespmem:s21+$0x18700]  }
.Ltmp7:
0x120: {  	p0 =	por !p0, !p0;
	[tilespmem:v6+s6+$0x0] =	vst.idx.msk $0xffff, v7;
	v6 =	vld [tilespmem:s1+$0x18700];
	s1 =	simm.s32 $0x1;
	(pc) =	sbr.rel @p1 .LBB2_12-.Ltmp7, $4  }
0x121: {  	s1 =	simm.s32 @!p0 $0x0  }
0x122: {  	s17 =	sadd.s32 $0x80, s17;
	s7 =	sadd.s32 $0xFFFFFFF0, s13;
	s1 =	sshll.u32 s1, $0x6  }
0x123: {  	s23 =	sadd.s32 $0xFFFFFFE0, s13;
	v7 =	vadd.s32 s7, v1;
	s9 =	sadd.s32 s1, s17;
	s1 =	sadd.s32 $0xFFFFFFD0, s13  }
0x124: {  	v8 =	vadd.s32 s23, v1;
	s29 =	sor.u32 $0x80, s9;
	s21 =	sor.u32 $0x90, s9;
	s30 =	sor.u32 $0xA0, s9;
	v9 =	vadd.s32 s1, v1  }
0x125: {  	v10 =	vld [tilespmem:s29+$0x18700]  }
0x126: {  	v11 =	vld [tilespmem:s30+$0x18700]  }
0x127: {  	s1 =	sor.u32 $0xB0, s9;
	v12 =	vld [tilespmem:s21+$0x18700]  }
0x128: {  	v13 =	vld [tilespmem:s1+$0x18700]  }
0x129: {  	[tilespmem:v3+s6+$0x0] =	vst.idx.msk $0xffff, v9  }
0x12a: {  	s17 =	sadd.s32 $0x40, s13;
	[tilespmem:v4+s6+$0x0] =	vst.idx.msk $0xffff, v7  }
0x12b: {  	v3 =	vadd.s32 s19, v1;
	[tilespmem:v5+s6+$0x0] =	vst.idx.msk $0xffff, v8;
	s7 =	sadd.s32 $0xFFFFFFD0, s17  }
0x12c: {  	[tilespmem:v6+s6+$0x0] =	vst.idx.msk $0xffff, v3;
	s19 =	sadd.s32 $0xFFFFFFF0, s17;
	v3 =	vadd.s32 s7, v1  }
0x12d: {  	s21 =	sadd.s32 $0xFFFFFFE0, s17;
	v4 =	vadd.s32 s19, v1;
	[tilespmem:v10+s6+$0x0] =	vst.idx.msk $0xffff, v3  }
0x12e: {  	v3 =	vadd.s32 s21, v1;
	[tilespmem:v11+s6+$0x0] =	vst.idx.msk $0xffff, v4  }
0x12f: {  	v4 =	vadd.s32 s17, v1;
	[tilespmem:v12+s6+$0x0] =	vst.idx.msk $0xffff, v3  }
0x130: {  	s23 =	simm.s32 $0x187F0;
	[tilespmem:v13+s6+$0x0] =	vst.idx.msk $0xffff, v4  }
0x131: {  	v3 =	vld [tilespmem:s23+$0xFFFFFF90]  }
0x132: {  	v4 =	vld [tilespmem:s23+$0xFFFFFFA0]  }
0x133: {  	v5 =	vld [tilespmem:s23+$0xFFFFFFB0]  }
0x134: {  	v6 =	vld [tilespmem:s23+$0xFFFFFFC0]  }
0x135: {  	v9 =	vld [tilespmem:s23+$0xFFFFFFD0]  }
0x136: {  	v10 =	vld [tilespmem:s23+$0xFFFFFFE0]  }
0x137: {  	v11 =	vld [tilespmem:s23+$0xFFFFFFF0]  }
0x138: {  	v12 =	vld [tilespmem:s23+$0x0]  }
0x139: {  	v13 =	vld.idx.msk [tilespmem:v3+s6+$0x0], $0xffff  }
0x13a: {  	v14 =	vld.idx.msk [tilespmem:v4+s6+$0x0], $0xffff  }
0x13b: {  	p0 =	por $0x1, $0x1;
	v8 =	vld.idx.msk [tilespmem:v5+s6+$0x0], $0xffff  }
.Ltmp8:
0x13c: {  	v7 =	vld.idx.msk [tilespmem:v6+s6+$0x0], $0xffff;
	(pc) =	sbr.rel @!p0 .LBB2_15-.Ltmp8, $4  }
0x13d: {  	v5 =	vld.idx.msk [tilespmem:v9+s6+$0x0], $0xffff  }
0x13e: {  	s13 =	simm.s32 $0x801;
	s29 =	simm.s32 $0x811;
	v3 =	vld.idx.msk [tilespmem:v10+s6+$0x0], $0xffff  }
0x13f: {  	s30 =	simm.s32 $0x821;
	vm2 =	vmmov vm0;
	v6 =	vadd.s32 s13, v1;
	v9 =	vadd.s32 s29, v1;
	v4 =	vld.idx.msk [tilespmem:v11+s6+$0x0], $0xffff  }
0x140: {  	s15 =	simm.s32 $0x0;
	s9 =	simm.s32 $0x831;
	s17 =	simm.s32 $0x188F0;
	vm3 =	vlt.s32 v13, v6;
	vm4 =	vlt.s32 v14, v9;
	v9 =	vadd.s32 s30, v1;
	v6 =	vld.idx.msk [tilespmem:v12+s6+$0x0], $0xffff  }
.LBB2_14:
0x141: {  	v10 =	vld [tilespmem:s17+$0xFFFFFF90];
	vm3 =	vmor vm3, vm4;
	vm4 =	vlt.s32 v8, v9;
	v8 =	vadd.s32 s9, v1;
	s1 =	sadd.s32 $0x40, s13  }
0x142: {  	s15 =	sadd.s32 $0x8, s15;
	v9 =	vld [tilespmem:s17+$0xFFFFFFA0];
	vm3 =	vmor vm3, vm4;
	vm4 =	vlt.s32 v7, v8;
	v7 =	vadd.s32 s1, v1;
	s1 =	sadd.s32 $0x50, s13  }
0x143: {  	p0 =	slt.u32 s15, $0x78;
	v8 =	vld [tilespmem:s17+$0xFFFFFFB0];
	vm3 =	vmor vm3, vm4;
	vm4 =	vlt.s32 v5, v7;
	v5 =	vadd.s32 s1, v1;
	s1 =	sadd.s32 $0x60, s13  }
0x144: {  	v7 =	vld [tilespmem:s17+$0xFFFFFFC0];
	vm3 =	vmor vm3, vm4;
	vm4 =	vlt.s32 v3, v5;
	v3 =	vadd.s32 s1, v1;
	s1 =	sadd.s32 $0x70, s13  }
0x145: {  	v5 =	vld [tilespmem:s17+$0xFFFFFFD0];
	vm3 =	vmor vm3, vm4;
	vm4 =	vlt.s32 v4, v3;
	v3 =	vadd.s32 s1, v1  }
0x146: {  	v4 =	vld [tilespmem:s17+$0xFFFFFFE0];
	vm3 =	vmor vm3, vm4;
	vm4 =	vlt.s32 v6, v3  }
0x147: {  	v6 =	vld [tilespmem:s17+$0xFFFFFFF0];
	vm3 =	vmor vm3, vm4  }
0x148: {  	v11 =	vld [tilespmem:s17+$0x0];
	vm2 =	vmor vm2, vm3  }
0x149: {  	v10 =	vld.idx.msk [tilespmem:v10+s6+$0x0], $0xffff  }
0x14a: {  	v9 =	vld.idx.msk [tilespmem:v9+s6+$0x0], $0xffff  }
0x14b: {  	v8 =	vld.idx.msk [tilespmem:v8+s6+$0x0], $0xffff  }
.Ltmp9:
0x14c: {  	v7 =	vld.idx.msk [tilespmem:v7+s6+$0x0], $0xffff;
	(pc) =	sbr.rel @p0 .LBB2_14-.Ltmp9, $4  }
0x14d: {  	s13 =	sadd.s32 $0x80, s13;
	v5 =	vld.idx.msk [tilespmem:v5+s6+$0x0], $0xffff  }
0x14e: {  	s1 =	sadd.s32 $0x10, s13;
	v3 =	vld.idx.msk [tilespmem:v4+s6+$0x0], $0xffff  }
0x14f: {  	v12 =	vadd.s32 s13, v1;
	v13 =	vadd.s32 s1, v1;
	s1 =	sadd.s32 $0x20, s13;
	v4 =	vld.idx.msk [tilespmem:v6+s6+$0x0], $0xffff  }
0x150: {  	s9 =	sadd.s32 $0x30, s13;
	s17 =	sadd.s32 $0x100, s17;
	vm3 =	vlt.s32 v10, v12;
	vm4 =	vlt.s32 v9, v13;
	v9 =	vadd.s32 s1, v1;
	v6 =	vld.idx.msk [tilespmem:v11+s6+$0x0], $0xffff  }
.LBB2_15:
0x151: {  	vm3 =	vmor vm3, vm4;
	vm10 =	vlt.s32 v8, v9;
	v61 =	vadd.s32 s9, v1;
	s1 =	sadd.s32 $0x40, s13  }
0x152: {  	s21 =	sadd.s32 $0x50, s13;
	vm3 =	vmor vm3, vm10;
	vm11 =	vlt.s32 v7, v61;
	v62 =	vadd.s32 s1, v1  }
0x153: {  	s23 =	sadd.s32 $0x60, s13;
	v63 =	vadd.s32 s21, v1;
	vm3 =	vmor vm3, vm11;
	vm12 =	vlt.s32 v5, v62  }
0x154: {  	s29 =	sadd.s32 $0x70, s13;
	vm13 =	vlt.s32 v3, v63;
	v3 =	vadd.s32 s23, v1;
	vm3 =	vmor vm3, vm12  }
0x155: {  	vm14 =	vlt.s32 v4, v3;
	v3 =	vadd.s32 s29, v1;
	vm3 =	vmor vm3, vm13  }
0x156: {  	vm15 =	vlt.s32 v6, v3;
	vm3 =	vmor vm3, vm14  }
0x157: {  	vm3 =	vmor vm3, vm15  }
0x158: {  	vm2 =	vmor vm2, vm3  }
0x159: {  	v3 =	vsel vm2, $0x3F800000, v2  }
0x15a: {  	(xrf0) =	vmax.scan.msk.f32 $0xffff, v3;
	_ =	sdelay $0x5  }
0x15b: {  	v3, _, _ =	vpop (xrf0)  }
0x15c: {  	(v2sf) =	vpush v3, $0xF;
	_ =	sdelay $0xe  }
0x15d: {  	s30 =	spop (v2sf)  }
0x15e: {  	p0 =	sgt.f32 s30, $0.0e+00  }
.Ltmp10:
0x15f: {  	_ = 	snop;
	(pc) =	sbr.rel @!p0 .LBB2_19-.Ltmp10, $2  }
0x160: {  	_ =	sdelay $0x2  }
0x161: {  	s13 =	simm.s32 $0x0;
	s23 =	simm.s32 $0x1BE00  }
0x162: {  	s1 =	sand.u32 $0x70, s13;
	s7 =	sand.u32 $0xF00, s13  }
0x163: {  	s1 =	sor.u32 s1, s7  }
0x164: {  	v3 =	vld [tilespmem:s1+$0x18780];
	_ =	sdelay $0x4  }
0x165: {  	(xrf1) =	vunique.msk.u32 $0xffff, v3;
	_ =	sdelay $0x8  }
0x166: {  	v5 =	vld.idx.msk [tilespmem:v3+s6+$0x0], $0xffff;
	_ =	sdelay $0x2  }
0x167: {  	s30 =	simm.s32 $0x801  }
0x168: {  	v4 =	vadd.s32 s30, v1  }
0x169: {  	vm2 =	vlt.s32 v5, v4;
	_, v5, vm3 =	vpop (xrf1)  }
0x16a: {  	vm2 =	vmand vm3, vm2;
	_ =	sdelay $0x3  }
0x16b: {  	s15 =	simm.s32 $0x10;
	s17 =	simm.s32 $0x20  }
0x16c: {  	s19 =	simm.s32 $0x20;
	s9 =	sand.u32 $0x70, s15;
	s21 =	sand.u32 $0xF00, s17  }
.LBB2_17:
0x16d: {  	p0 =	sne.s32 s19, $0x7F0;
	s1 =	sor.u32 s9, s21;
	[tilespmem:v3+s6+$0x0] =	vst.idx.msk vm2, v4  }
0x16e: {  	v3 =	vld [tilespmem:s1+$0x18780];
	_ =	sdelay $0x4  }
0x16f: {  	(xrf1) =	vunique.msk.u32 $0xffff, v3;
	_ =	sdelay $0x7  }
0x170: {  	v5 =	vld.idx.msk [tilespmem:v3+s6+$0x0], $0xffff;
	_ =	sdelay $0x3  }
0x171: {  	s1 =	sadd.s32 $0x801, s15;
	s15 =	smov.u32 s19  }
0x172: {  	v4 =	vadd.s32 s1, v1  }
0x173: {  	vm2 =	vlt.s32 v5, v4;
	_, v5, vm3 =	vpop (xrf1)  }
0x174: {  	vm2 =	vmand vm3, vm2  }
.Ltmp11:
0x175: {  	(pc) =	sbr.rel @p0 .LBB2_17-.Ltmp11, $3  }
0x176: {  	_ =	sdelay $0x1  }
0x177: {  	s17 =	sadd.s32 $0x20, s17  }
0x178: {  	s21 =	sand.u32 $0xF00, s17;
	s19 =	sadd.s32 $0x10, s19;
	s9 =	sand.u32 $0x70, s15  }
0x179: {  	_ =	sdelay $0x4  }
0x17a: {  	s1 =	sor.u32 s9, s21;
	[tilespmem:v3+s6+$0x0] =	vst.idx.msk vm2, v4  }
0x17b: {  	v3 =	vld [tilespmem:s1+$0x18780];
	_ =	sdelay $0x4  }
0x17c: {  	(xrf1) =	vunique.msk.u32 $0xffff, v3;
	_ =	sdelay $0x8  }
0x17d: {  	v4 =	vld.idx.msk [tilespmem:v3+s6+$0x0], $0xffff;
	_ =	sdelay $0x2  }
0x17e: {  	s30 =	sadd.s32 $0x801, s15  }
0x17f: {  	v5 =	vadd.s32 s30, v1  }
0x180: {  	vm2 =	vlt.s32 v4, v5;
	_, v63, vm3 =	vpop (xrf1)  }
0x181: {  	vm2 =	vmand vm3, vm2;
	_ =	sdelay $0x5  }
0x182: {  	[tilespmem:v3+s6+$0x0] =	vst.idx.msk vm2, v5  }
.LBB2_19:
0x183: {  	_ =	swait.ge [sflag:s2], $0x2000  }
0x184: {  	[sflag:s2] =	ssyncset.done $0x0  }
0x185: {  	[sflag:s2] =	ssyncadd.s32 $0xFFFFE000  }
0x186: {  	s7 =	simm.s32 $0x197C0;
	s1 =	rddreg [dreg:$0x0]  }
0x187: {  	[tilespmem:s23], [sflag:$0x2] =	stream.indirect.gather [hbm4b:s1+s25], $0x80, s7, s25, $0xb8;
	[tilespmem:$0x1DE00] =	vst v63  }
0x188: {  	_ =	swait.ge [sflag:s26], $0x2000  }
0x189: {  	[sflag:s26] =	ssyncset.done $0x0  }
0x18a: {  	s19 =	rddreg [dreg:$0xa];
	[sflag:s26] =	ssyncadd.s32 $0xFFFFE000  }
0x18b: {  	[hbm4b:s19+s13] =	stream.linear.scatter [tilespmem:s24], [sflag:$0x3], $0x2000, $0x38;
	[tilespmem:$0x1DE00] =	vst v63  }
0x18c: {  	_ =	swait.ge [sflag:s28], $0x800  }
0x18d: {  	[sflag:s28] =	ssyncset.done $0x0  }
0x18e: {  	s21 =	simm.s32 $0x18780;
	[sflag:s28] =	ssyncadd.s32 $0xFFFFF800  }
0x18f: {  	[tilespmem:s21], [sflag:$0x6] =	stream.linear.gather [hbm4b:s14+s13], $0x80, $0x38;
	[tilespmem:$0x1DE00] =	vst v63  }
0x190: {  	s29 =	sadd.s32 $0x10, s14;
	s30 =	simm.s32 $0x18880  }
0x191: {  	[tilespmem:s30], [sflag:$0x6] =	stream.linear.gather [hbm4b:s29+s13], $0x80, $0x38;
	[tilespmem:$0x1DE00] =	vst v63  }
0x192: {  	s9 =	simm.s32 $0x18980;
	s7 =	sadd.s32 $0x20, s14  }
0x193: {  	[tilespmem:s9], [sflag:$0x6] =	stream.linear.gather [hbm4b:s7+s13], $0x80, $0x38;
	[tilespmem:$0x1DE00] =	vst v63  }
0x194: {  	s15 =	sadd.s32 $0x30, s14;
	s17 =	simm.s32 $0x18A80  }
0x195: {  	[tilespmem:s17], [sflag:$0x6] =	stream.linear.gather [hbm4b:s15+s13], $0x80, $0x38;
	[tilespmem:$0x1DE00] =	vst v63  }
0x196: {  	s19 =	sadd.s32 $0x40, s14;
	s21 =	simm.s32 $0x18B80  }
0x197: {  	[tilespmem:s21], [sflag:$0x6] =	stream.linear.gather [hbm4b:s19+s13], $0x80, $0x38;
	[tilespmem:$0x1DE00] =	vst v63  }
0x198: {  	s29 =	sadd.s32 $0x50, s14;
	s30 =	simm.s32 $0x18C80  }
0x199: {  	[tilespmem:s30], [sflag:$0x6] =	stream.linear.gather [hbm4b:s29+s13], $0x80, $0x38;
	[tilespmem:$0x1DE00] =	vst v63  }
0x19a: {  	s7 =	sadd.s32 $0x60, s14;
	s9 =	simm.s32 $0x18D80  }
0x19b: {  	[tilespmem:s9], [sflag:$0x6] =	stream.linear.gather [hbm4b:s7+s13], $0x80, $0x38;
	[tilespmem:$0x1DE00] =	vst v63  }
0x19c: {  	s15 =	sadd.s32 $0x70, s14;
	s17 =	simm.s32 $0x18E80  }
0x19d: {  	[tilespmem:s17], [sflag:$0x6] =	stream.linear.gather [hbm4b:s15+s13], $0x80, $0x38;
	[tilespmem:$0x1DE00] =	vst v63  }
0x19e: {  	s19 =	sadd.s32 $0x80, s14;
	s21 =	simm.s32 $0x18F80  }
0x19f: {  	[tilespmem:s21], [sflag:$0x6] =	stream.linear.gather [hbm4b:s19+s13], $0x80, $0x38;
	[tilespmem:$0x1DE00] =	vst v63  }
0x1a0: {  	s29 =	sadd.s32 $0x90, s14;
	s30 =	simm.s32 $0x19080  }
0x1a1: {  	[tilespmem:s30], [sflag:$0x6] =	stream.linear.gather [hbm4b:s29+s13], $0x80, $0x38;
	[tilespmem:$0x1DE00] =	vst v63  }
0x1a2: {  	s7 =	sadd.s32 $0xA0, s14;
	s9 =	simm.s32 $0x19180  }
0x1a3: {  	[tilespmem:s9], [sflag:$0x6] =	stream.linear.gather [hbm4b:s7+s13], $0x80, $0x38;
	[tilespmem:$0x1DE00] =	vst v63  }
0x1a4: {  	s15 =	sadd.s32 $0xB0, s14;
	s17 =	simm.s32 $0x19280  }
0x1a5: {  	[tilespmem:s17], [sflag:$0x6] =	stream.linear.gather [hbm4b:s15+s13], $0x80, $0x38;
	[tilespmem:$0x1DE00] =	vst v63  }
0x1a6: {  	s19 =	sadd.s32 $0xC0, s14;
	s21 =	simm.s32 $0x19380;
	s29 =	sadd.s32 $0xD0, s14  }
0x1a7: {  	[tilespmem:s21], [sflag:$0x6] =	stream.linear.gather [hbm4b:s19+s13], $0x80, $0x38;
	[tilespmem:$0x1DE00] =	vst v63  }
0x1a8: {  	s30 =	simm.s32 $0x19480;
	s9 =	sadd.s32 $0xE0, s14;
	s21 =	simm.s32 $0x0  }
0x1a9: {  	[tilespmem:s30], [sflag:$0x6] =	stream.linear.gather [hbm4b:s29+s13], $0x80, $0x38;
	[tilespmem:$0x1DE00] =	vst v63  }
0x1aa: {  	s15 =	simm.s32 $0x19580;
	s1 =	sand.u32 $0x40, s21;
	s29 =	sand.u32 $0xF00, s13  }
0x1ab: {  	[tilespmem:s15], [sflag:$0x6] =	stream.linear.gather [hbm4b:s9+s13], $0x80, $0x38;
	[tilespmem:$0x1DE00] =	vst v63  }
0x1ac: {  	s17 =	sadd.s32 $0xF0, s14;
	s19 =	simm.s32 $0x19680;
	s1 =	sor.u32 s1, s29  }
0x1ad: {  	[tilespmem:s19], [sflag:$0x6] =	stream.linear.gather [hbm4b:s17+s13], $0x80, $0x38;
	[tilespmem:$0x1DE00] =	vst v63  }
0x1ae: {  	s7 =	sadd.s32 $0x18700, s1;
	v6 =	vld [tilespmem:s1+$0x18700]  }
0x1af: {  	v3 =	vld [tilespmem:s7+$0x30]  }
0x1b0: {  	v5 =	vld [tilespmem:s7+$0x10]  }
0x1b1: {  	s30 =	simm.s32 $0x1001;
	s9 =	simm.s32 $0x1011;
	s15 =	simm.s32 $0x1021;
	v9 =	vld [tilespmem:s7+$0x20]  }
0x1b2: {  	v4 =	vadd.s32 s30, v1;
	v7 =	vadd.s32 s9, v1;
	v8 =	vadd.s32 s15, v1;
	s9 =	simm.s32 $0x0;
	s19 =	simm.s32 $0x1031;
	s17 =	simm.s32 $0x1071  }
.LBB2_20:
0x1b3: {  	s1 =	sadd.s32 $0xFFFFEFCF, s17;
	s9 =	sadd.s32 $0x4, s9;
	s13 =	sadd.s32 $0x80, s13;
	v10 =	vmov v6  }
0x1b4: {  	s1 =	sand.u32 $0x40, s1;
	s7 =	sand.u32 $0xF00, s13;
	p0 =	slt.u32 s9, $0x7C  }
0x1b5: {  	s15 =	sadd.s32 $0xFFFFFFE0, s17;
	s1 =	sor.u32 s1, s7;
	s7 =	sadd.s32 $0xFFFFFFD0, s17  }
.Ltmp12:
0x1b6: {  	v13 =	vadd.s32 s19, v1;
	v12 =	vadd.s32 s15, v1;
	s21 =	sadd.s32 $0x18700, s1;
	v6 =	vld [tilespmem:s1+$0x18700];
	v11 =	vadd.s32 s7, v1;
	s1 =	sadd.s32 $0xFFFFFFF0, s17;
	(pc) =	sbr.rel @p0 .LBB2_20-.Ltmp12, $4  }
0x1b7: {  	s15 =	simm.s32 $0x1001;
	v14 =	vadd.s32 s1, v1;
	[tilespmem:v3+s6+$0x0] =	vst.idx.msk $0xffff, v13;
	v3 =	vld [tilespmem:s21+$0x30]  }
0x1b8: {  	s19 =	smov.u32 s17;
	[tilespmem:v5+s6+$0x0] =	vst.idx.msk $0xffff, v7;
	v5 =	vld [tilespmem:s21+$0x10];
	v7 =	vmov v12  }
0x1b9: {  	[tilespmem:v9+s6+$0x0] =	vst.idx.msk $0xffff, v8;
	v9 =	vld [tilespmem:s21+$0x20];
	v8 =	vmov v14  }
0x1ba: {  	s17 =	sadd.s32 $0x40, s17;
	[tilespmem:v10+s6+$0x0] =	vst.idx.msk $0xffff, v4;
	v4 =	vmov v11  }
0x1bb: {  	_ =	sdelay $0x3  }
0x1bc: {  	v10 =	vadd.s32 s19, v1;
	[tilespmem:v6+s6+$0x0] =	vst.idx.msk $0xffff, v4  }
0x1bd: {  	[tilespmem:v3+s6+$0x0] =	vst.idx.msk $0xffff, v10  }
0x1be: {  	[tilespmem:v5+s6+$0x0] =	vst.idx.msk $0xffff, v7  }
0x1bf: {  	s1 =	simm.s32 $0x18740;
	[tilespmem:v9+s6+$0x0] =	vst.idx.msk $0xffff, v8  }
0x1c0: {  	v3 =	vld [tilespmem:s1+$0xFFFFFFC0]  }
0x1c1: {  	v4 =	vld [tilespmem:s1+$0xFFFFFFD0]  }
0x1c2: {  	v5 =	vld [tilespmem:s1+$0xFFFFFFE0]  }
0x1c3: {  	v6 =	vld [tilespmem:s1+$0xFFFFFFF0]  }
0x1c4: {  	v9 =	vld [tilespmem:s1+$0x0]  }
0x1c5: {  	v10 =	vld [tilespmem:s1+$0x10]  }
0x1c6: {  	v11 =	vld [tilespmem:s1+$0x20]  }
0x1c7: {  	v12 =	vld [tilespmem:s1+$0x30]  }
0x1c8: {  	v13 =	vld.idx.msk [tilespmem:v3+s6+$0x0], $0xffff  }
0x1c9: {  	v14 =	vld.idx.msk [tilespmem:v4+s6+$0x0], $0xffff  }
0x1ca: {  	v8 =	vld.idx.msk [tilespmem:v5+s6+$0x0], $0xffff  }
0x1cb: {  	v7 =	vld.idx.msk [tilespmem:v6+s6+$0x0], $0xffff  }
0x1cc: {  	v6 =	vld.idx.msk [tilespmem:v9+s6+$0x0], $0xffff  }
0x1cd: {  	s29 =	simm.s32 $0x1011;
	v4 =	vld.idx.msk [tilespmem:v10+s6+$0x0], $0xffff  }
0x1ce: {  	s30 =	simm.s32 $0x1021;
	vm2 =	vmmov vm0;
	v5 =	vadd.s32 s15, v1;
	v9 =	vadd.s32 s29, v1;
	v3 =	vld.idx.msk [tilespmem:v11+s6+$0x0], $0xffff  }
0x1cf: {  	s13 =	simm.s32 $0x0;
	s9 =	simm.s32 $0x1031;
	s17 =	simm.s32 $0x18840;
	vm3 =	vlt.s32 v13, v5;
	vm4 =	vlt.s32 v14, v9;
	v9 =	vadd.s32 s30, v1;
	v5 =	vld.idx.msk [tilespmem:v12+s6+$0x0], $0xffff  }
.LBB2_22:
0x1d0: {  	v10 =	vld [tilespmem:s17+$0xFFFFFFC0];
	vm3 =	vmor vm3, vm4;
	vm4 =	vlt.s32 v8, v9;
	v8 =	vadd.s32 s9, v1;
	s1 =	sadd.s32 $0x40, s15  }
0x1d1: {  	s13 =	sadd.s32 $0x8, s13;
	v9 =	vld [tilespmem:s17+$0xFFFFFFD0];
	vm3 =	vmor vm3, vm4;
	vm4 =	vlt.s32 v7, v8;
	v7 =	vadd.s32 s1, v1;
	s1 =	sadd.s32 $0x50, s15  }
0x1d2: {  	p0 =	slt.u32 s13, $0x78;
	v8 =	vld [tilespmem:s17+$0xFFFFFFE0];
	vm3 =	vmor vm3, vm4;
	vm4 =	vlt.s32 v6, v7;
	v6 =	vadd.s32 s1, v1;
	s1 =	sadd.s32 $0x60, s15  }
0x1d3: {  	v7 =	vld [tilespmem:s17+$0xFFFFFFF0];
	vm3 =	vmor vm3, vm4;
	vm4 =	vlt.s32 v4, v6;
	v4 =	vadd.s32 s1, v1;
	s1 =	sadd.s32 $0x70, s15  }
0x1d4: {  	v6 =	vld [tilespmem:s17+$0x0];
	vm3 =	vmor vm3, vm4;
	vm4 =	vlt.s32 v3, v4;
	v3 =	vadd.s32 s1, v1  }
0x1d5: {  	v4 =	vld [tilespmem:s17+$0x10];
	vm3 =	vmor vm3, vm4;
	vm4 =	vlt.s32 v5, v3  }
0x1d6: {  	v3 =	vld [tilespmem:s17+$0x20];
	vm3 =	vmor vm3, vm4  }
0x1d7: {  	v5 =	vld [tilespmem:s17+$0x30];
	vm2 =	vmor vm2, vm3  }
0x1d8: {  	v10 =	vld.idx.msk [tilespmem:v10+s6+$0x0], $0xffff  }
0x1d9: {  	v9 =	vld.idx.msk [tilespmem:v9+s6+$0x0], $0xffff  }
0x1da: {  	v8 =	vld.idx.msk [tilespmem:v8+s6+$0x0], $0xffff  }
.Ltmp13:
0x1db: {  	v7 =	vld.idx.msk [tilespmem:v7+s6+$0x0], $0xffff;
	(pc) =	sbr.rel @p0 .LBB2_22-.Ltmp13, $4  }
0x1dc: {  	s15 =	sadd.s32 $0x80, s15;
	v6 =	vld.idx.msk [tilespmem:v6+s6+$0x0], $0xffff  }
0x1dd: {  	s1 =	sadd.s32 $0x10, s15;
	v4 =	vld.idx.msk [tilespmem:v4+s6+$0x0], $0xffff  }
0x1de: {  	v11 =	vadd.s32 s15, v1;
	v12 =	vadd.s32 s1, v1;
	s1 =	sadd.s32 $0x20, s15;
	v3 =	vld.idx.msk [tilespmem:v3+s6+$0x0], $0xffff  }
0x1df: {  	s9 =	sadd.s32 $0x30, s15;
	s17 =	sadd.s32 $0x100, s17;
	vm3 =	vlt.s32 v10, v11;
	vm4 =	vlt.s32 v9, v12;
	v9 =	vadd.s32 s1, v1;
	v5 =	vld.idx.msk [tilespmem:v5+s6+$0x0], $0xffff  }
0x1e0: {  	vm3 =	vmor vm3, vm4;
	vm10 =	vlt.s32 v8, v9;
	v60 =	vadd.s32 s9, v1;
	s1 =	sadd.s32 $0x40, s15  }
0x1e1: {  	s19 =	sadd.s32 $0x50, s15;
	vm3 =	vmor vm3, vm10;
	vm11 =	vlt.s32 v7, v60;
	v61 =	vadd.s32 s1, v1  }
0x1e2: {  	s21 =	sadd.s32 $0x60, s15;
	v62 =	vadd.s32 s19, v1;
	vm3 =	vmor vm3, vm11;
	vm12 =	vlt.s32 v6, v61  }
0x1e3: {  	s29 =	sadd.s32 $0x70, s15;
	v63 =	vadd.s32 s21, v1;
	vm13 =	vlt.s32 v4, v62;
	vm3 =	vmor vm3, vm12  }
0x1e4: {  	vm14 =	vlt.s32 v3, v63;
	v3 =	vadd.s32 s29, v1;
	vm3 =	vmor vm3, vm13  }
0x1e5: {  	vm15 =	vlt.s32 v5, v3;
	vm3 =	vmor vm3, vm14  }
0x1e6: {  	vm3 =	vmor vm3, vm15  }
0x1e7: {  	vm2 =	vmor vm2, vm3  }
0x1e8: {  	v3 =	vsel vm2, $0x3F800000, v2  }
0x1e9: {  	(xrf0) =	vmax.scan.msk.f32 $0xffff, v3;
	_ =	sdelay $0x5  }
0x1ea: {  	v3, _, _ =	vpop (xrf0)  }
0x1eb: {  	(v2sf) =	vpush v3, $0xF;
	_ =	sdelay $0xe  }
0x1ec: {  	s30 =	spop (v2sf)  }
0x1ed: {  	p0 =	sgt.f32 s30, $0.0e+00  }
.Ltmp14:
0x1ee: {  	_ = 	snop;
	(pc) =	sbr.rel @!p0 .LBB2_27-.Ltmp14, $2  }
0x1ef: {  	_ =	sdelay $0x2  }
0x1f0: {  	s13 =	simm.s32 $0x0  }
0x1f1: {  	s1 =	sand.u32 $0x70, s13;
	s7 =	sand.u32 $0xF00, s13  }
0x1f2: {  	s1 =	sor.u32 s1, s7  }
0x1f3: {  	v3 =	vld [tilespmem:s1+$0x18700];
	_ =	sdelay $0x4  }
0x1f4: {  	(xrf1) =	vunique.msk.u32 $0xffff, v3;
	_ =	sdelay $0x8  }
0x1f5: {  	v5 =	vld.idx.msk [tilespmem:v3+s6+$0x0], $0xffff;
	_ =	sdelay $0x2  }
0x1f6: {  	s30 =	simm.s32 $0x1001  }
0x1f7: {  	v4 =	vadd.s32 s30, v1  }
0x1f8: {  	vm2 =	vlt.s32 v5, v4;
	_, v5, vm3 =	vpop (xrf1)  }
0x1f9: {  	vm2 =	vmand vm3, vm2;
	_ =	sdelay $0x3  }
0x1fa: {  	s15 =	simm.s32 $0x10;
	s17 =	simm.s32 $0x20  }
0x1fb: {  	s19 =	simm.s32 $0x20;
	s9 =	sand.u32 $0x70, s15;
	s21 =	sand.u32 $0xF00, s17  }
.LBB2_25:
0x1fc: {  	p0 =	sne.s32 s19, $0x7F0;
	s1 =	sor.u32 s9, s21;
	[tilespmem:v3+s6+$0x0] =	vst.idx.msk vm2, v4  }
0x1fd: {  	v3 =	vld [tilespmem:s1+$0x18700];
	_ =	sdelay $0x4  }
0x1fe: {  	(xrf1) =	vunique.msk.u32 $0xffff, v3;
	_ =	sdelay $0x7  }
0x1ff: {  	v5 =	vld.idx.msk [tilespmem:v3+s6+$0x0], $0xffff;
	_ =	sdelay $0x3  }
0x200: {  	s1 =	sadd.s32 $0x1001, s15;
	s15 =	smov.u32 s19  }
0x201: {  	v4 =	vadd.s32 s1, v1  }
0x202: {  	vm2 =	vlt.s32 v5, v4;
	_, v5, vm3 =	vpop (xrf1)  }
0x203: {  	vm2 =	vmand vm3, vm2  }
.Ltmp15:
0x204: {  	(pc) =	sbr.rel @p0 .LBB2_25-.Ltmp15, $3  }
0x205: {  	_ =	sdelay $0x1  }
0x206: {  	s17 =	sadd.s32 $0x20, s17  }
0x207: {  	s21 =	sand.u32 $0xF00, s17;
	s19 =	sadd.s32 $0x10, s19;
	s9 =	sand.u32 $0x70, s15  }
0x208: {  	_ =	sdelay $0x4  }
0x209: {  	s1 =	sor.u32 s9, s21;
	[tilespmem:v3+s6+$0x0] =	vst.idx.msk vm2, v4  }
0x20a: {  	v3 =	vld [tilespmem:s1+$0x18700];
	_ =	sdelay $0x4  }
0x20b: {  	(xrf1) =	vunique.msk.u32 $0xffff, v3;
	_ =	sdelay $0x8  }
0x20c: {  	v4 =	vld.idx.msk [tilespmem:v3+s6+$0x0], $0xffff;
	_ =	sdelay $0x2  }
0x20d: {  	s30 =	sadd.s32 $0x1001, s15  }
0x20e: {  	v5 =	vadd.s32 s30, v1  }
0x20f: {  	vm2 =	vlt.s32 v4, v5;
	_, v63, vm3 =	vpop (xrf1)  }
0x210: {  	vm2 =	vmand vm3, vm2;
	_ =	sdelay $0x5  }
0x211: {  	[tilespmem:v3+s6+$0x0] =	vst.idx.msk vm2, v5  }
.LBB2_27:
0x212: {  	_ =	swait.ge [sflag:s31], $0x2000  }
0x213: {  	[sflag:s31] =	ssyncset.done $0x0  }
0x214: {  	[sflag:s31] =	ssyncadd.s32 $0xFFFFE000  }
0x215: {  	s7 =	simm.s32 $0x19800;
	s1 =	rddreg [dreg:$0x0]  }
0x216: {  	[tilespmem:s24], [sflag:$0x1] =	stream.indirect.gather [hbm4b:s1+s25], $0x80, s7, s25, $0xb8;
	[tilespmem:$0x1DE00] =	vst v63  }
0x217: {  	_ =	swait.ge [sflag:s0], $0x2000  }
0x218: {  	[sflag:s0] =	ssyncset.done $0x0  }
0x219: {  	s21 =	rddreg [dreg:$0xb];
	[sflag:s0] =	ssyncadd.s32 $0xFFFFE000  }
0x21a: {  	[hbm4b:s21+s13] =	stream.linear.scatter [tilespmem:s23], [sflag:$0x4], $0x2000, $0x38;
	[tilespmem:$0x1DE00] =	vst v63  }
0x21b: {  	_ =	swait.ge [sflag:s5], $0x800  }
0x21c: {  	[sflag:s5] =	ssyncset.done $0x0  }
0x21d: {  	s7 =	simm.s32 $0x18700;
	[sflag:s5] =	ssyncadd.s32 $0xFFFFF800  }
0x21e: {  	[tilespmem:s7], [sflag:$0x5] =	stream.linear.gather [hbm4b:s16+s13], $0x80, $0x38;
	[tilespmem:$0x1DE00] =	vst v63  }
0x21f: {  	s9 =	sadd.s32 $0x10, s16;
	s15 =	simm.s32 $0x18800  }
0x220: {  	[tilespmem:s15], [sflag:$0x5] =	stream.linear.gather [hbm4b:s9+s13], $0x80, $0x38;
	[tilespmem:$0x1DE00] =	vst v63  }
0x221: {  	s17 =	sadd.s32 $0x20, s16;
	s19 =	simm.s32 $0x18900  }
0x222: {  	[tilespmem:s19], [sflag:$0x5] =	stream.linear.gather [hbm4b:s17+s13], $0x80, $0x38;
	[tilespmem:$0x1DE00] =	vst v63  }
0x223: {  	s21 =	sadd.s32 $0x30, s16;
	s23 =	simm.s32 $0x18A00  }
0x224: {  	[tilespmem:s23], [sflag:$0x5] =	stream.linear.gather [hbm4b:s21+s13], $0x80, $0x38;
	[tilespmem:$0x1DE00] =	vst v63  }
0x225: {  	s9 =	sadd.s32 $0x40, s16;
	s15 =	simm.s32 $0x18B00  }
0x226: {  	[tilespmem:s15], [sflag:$0x5] =	stream.linear.gather [hbm4b:s9+s13], $0x80, $0x38;
	[tilespmem:$0x1DE00] =	vst v63  }
0x227: {  	s17 =	sadd.s32 $0x50, s16;
	s19 =	simm.s32 $0x18C00  }
0x228: {  	[tilespmem:s19], [sflag:$0x5] =	stream.linear.gather [hbm4b:s17+s13], $0x80, $0x38;
	[tilespmem:$0x1DE00] =	vst v63  }
0x229: {  	s21 =	sadd.s32 $0x60, s16;
	s23 =	simm.s32 $0x18D00  }
0x22a: {  	[tilespmem:s23], [sflag:$0x5] =	stream.linear.gather [hbm4b:s21+s13], $0x80, $0x38;
	[tilespmem:$0x1DE00] =	vst v63  }
0x22b: {  	s9 =	sadd.s32 $0x70, s16;
	s15 =	simm.s32 $0x18E00  }
0x22c: {  	[tilespmem:s15], [sflag:$0x5] =	stream.linear.gather [hbm4b:s9+s13], $0x80, $0x38;
	[tilespmem:$0x1DE00] =	vst v63  }
0x22d: {  	s17 =	sadd.s32 $0x80, s16;
	s19 =	simm.s32 $0x18F00  }
0x22e: {  	[tilespmem:s19], [sflag:$0x5] =	stream.linear.gather [hbm4b:s17+s13], $0x80, $0x38;
	[tilespmem:$0x1DE00] =	vst v63  }
0x22f: {  	s21 =	sadd.s32 $0x90, s16;
	s23 =	simm.s32 $0x19000  }
0x230: {  	[tilespmem:s23], [sflag:$0x5] =	stream.linear.gather [hbm4b:s21+s13], $0x80, $0x38;
	[tilespmem:$0x1DE00] =	vst v63  }
0x231: {  	p0 =	por $0x0, $0x0;
	s9 =	sadd.s32 $0xA0, s16;
	s15 =	simm.s32 $0x19100  }
0x232: {  	[tilespmem:s15], [sflag:$0x5] =	stream.linear.gather [hbm4b:s9+s13], $0x80, $0x38;
	[tilespmem:$0x1DE00] =	vst v63  }
0x233: {  	s1 =	simm.s32 $0x1;
	s17 =	sadd.s32 $0xB0, s16;
	s19 =	simm.s32 $0x19200  }
0x234: {  	[tilespmem:s19], [sflag:$0x5] =	stream.linear.gather [hbm4b:s17+s13], $0x80, $0x38;
	[tilespmem:$0x1DE00] =	vst v63  }
0x235: {  	s1 =	simm.s32 @!p0 $0x0;
	s21 =	sadd.s32 $0xC0, s16;
	s23 =	simm.s32 $0x19300  }
0x236: {  	[tilespmem:s23], [sflag:$0x5] =	stream.linear.gather [hbm4b:s21+s13], $0x80, $0x38;
	[tilespmem:$0x1DE00] =	vst v63  }
0x237: {  	s1 =	sshll.u32 s1, $0x6;
	s7 =	sadd.s32 $0xD0, s16;
	s9 =	simm.s32 $0x19400  }
0x238: {  	[tilespmem:s9], [sflag:$0x5] =	stream.linear.gather [hbm4b:s7+s13], $0x80, $0x38;
	[tilespmem:$0x1DE00] =	vst v63  }
0x239: {  	s1 =	sadd.s32 $0x0, s1;
	s15 =	sadd.s32 $0xE0, s16;
	s17 =	simm.s32 $0x19500  }
0x23a: {  	[tilespmem:s17], [sflag:$0x5] =	stream.linear.gather [hbm4b:s15+s13], $0x80, $0x38;
	[tilespmem:$0x1DE00] =	vst v63  }
0x23b: {  	s19 =	sadd.s32 $0xF0, s16;
	s21 =	simm.s32 $0x19600;
	s23 =	sor.u32 $0x80, s1  }
0x23c: {  	[tilespmem:s21], [sflag:$0x5] =	stream.linear.gather [hbm4b:s19+s13], $0x80, $0x38;
	[tilespmem:$0x1DE00] =	vst v63  }
0x23d: {  	s17 =	sor.u32 $0xA0, s1;
	v3 =	vld [tilespmem:s23+$0x18700]  }
0x23e: {  	p0 =	por !p0, !p0;
	s9 =	simm.s32 $0x1;
	s19 =	sor.u32 $0x90, s1;
	v4 =	vld [tilespmem:s17+$0x18700]  }
0x23f: {  	s9 =	simm.s32 @!p0 $0x0;
	s1 =	sor.u32 $0xB0, s1;
	v5 =	vld [tilespmem:s19+$0x18700]  }
0x240: {  	s9 =	sshll.u32 s9, $0x6;
	v6 =	vld [tilespmem:s1+$0x18700]  }
0x241: {  	s15 =	simm.s32 $0x4;
	s9 =	sadd.s32 $0x80, s9  }
0x242: {  	s13 =	simm.s32 $0x1831;
	s21 =	simm.s32 $0x1821;
	s29 =	sor.u32 $0x80, s9  }
0x243: {  	s30 =	sor.u32 $0xA0, s9;
	s19 =	simm.s32 $0x1801;
	s23 =	simm.s32 $0x1811  }
0x244: {  	s17 =	simm.s32 $0x80;
	v7 =	vadd.s32 s21, v1;
	s21 =	sor.u32 $0x90, s9;
	v9 =	vadd.s32 s19, v1;
	v8 =	vadd.s32 s23, v1;
	s19 =	simm.s32 $0x1831  }
.LBB2_28:
0x245: {  	s15 =	sadd.s32 $0x4, s15;
	s1 =	sor.u32 $0xB0, s9;
	[tilespmem:v3+s6+$0x0] =	vst.idx.msk $0xffff, v9;
	v3 =	vld [tilespmem:s29+$0x18700];
	s13 =	sadd.s32 $0x40, s13  }
0x246: {  	p1 =	slt.u32 s15, $0x7C;
	[tilespmem:v4+s6+$0x0] =	vst.idx.msk $0xffff, v7;
	v4 =	vld [tilespmem:s30+$0x18700];
	v7 =	vadd.s32 s19, v1;
	s19 =	smov.u32 s13  }
0x247: {  	[tilespmem:v5+s6+$0x0] =	vst.idx.msk $0xffff, v8;
	v5 =	vld [tilespmem:s21+$0x18700]  }
.Ltmp16:
0x248: {  	p0 =	por !p0, !p0;
	[tilespmem:v6+s6+$0x0] =	vst.idx.msk $0xffff, v7;
	v6 =	vld [tilespmem:s1+$0x18700];
	s1 =	simm.s32 $0x1;
	(pc) =	sbr.rel @p1 .LBB2_28-.Ltmp16, $4  }
0x249: {  	s1 =	simm.s32 @!p0 $0x0  }
0x24a: {  	s17 =	sadd.s32 $0x80, s17;
	s7 =	sadd.s32 $0xFFFFFFF0, s13;
	s1 =	sshll.u32 s1, $0x6  }
0x24b: {  	s23 =	sadd.s32 $0xFFFFFFE0, s13;
	v7 =	vadd.s32 s7, v1;
	s9 =	sadd.s32 s1, s17;
	s1 =	sadd.s32 $0xFFFFFFD0, s13  }
0x24c: {  	v8 =	vadd.s32 s23, v1;
	s29 =	sor.u32 $0x80, s9;
	s21 =	sor.u32 $0x90, s9;
	s30 =	sor.u32 $0xA0, s9;
	v9 =	vadd.s32 s1, v1  }
0x24d: {  	v10 =	vld [tilespmem:s29+$0x18700]  }
0x24e: {  	v11 =	vld [tilespmem:s30+$0x18700]  }
0x24f: {  	s1 =	sor.u32 $0xB0, s9;
	v12 =	vld [tilespmem:s21+$0x18700]  }
0x250: {  	v13 =	vld [tilespmem:s1+$0x18700]  }
0x251: {  	[tilespmem:v3+s6+$0x0] =	vst.idx.msk $0xffff, v9  }
0x252: {  	s17 =	sadd.s32 $0x40, s13;
	[tilespmem:v4+s6+$0x0] =	vst.idx.msk $0xffff, v7  }
0x253: {  	v3 =	vadd.s32 s19, v1;
	[tilespmem:v5+s6+$0x0] =	vst.idx.msk $0xffff, v8;
	s7 =	sadd.s32 $0xFFFFFFD0, s17  }
0x254: {  	[tilespmem:v6+s6+$0x0] =	vst.idx.msk $0xffff, v3;
	s19 =	sadd.s32 $0xFFFFFFF0, s17;
	v3 =	vadd.s32 s7, v1  }
0x255: {  	s21 =	sadd.s32 $0xFFFFFFE0, s17;
	v4 =	vadd.s32 s19, v1;
	[tilespmem:v10+s6+$0x0] =	vst.idx.msk $0xffff, v3  }
0x256: {  	v3 =	vadd.s32 s21, v1;
	[tilespmem:v11+s6+$0x0] =	vst.idx.msk $0xffff, v4  }
0x257: {  	v4 =	vadd.s32 s17, v1;
	[tilespmem:v12+s6+$0x0] =	vst.idx.msk $0xffff, v3  }
0x258: {  	s23 =	simm.s32 $0x187F0;
	[tilespmem:v13+s6+$0x0] =	vst.idx.msk $0xffff, v4  }
0x259: {  	v3 =	vld [tilespmem:s23+$0xFFFFFF90]  }
0x25a: {  	v4 =	vld [tilespmem:s23+$0xFFFFFFA0]  }
0x25b: {  	v5 =	vld [tilespmem:s23+$0xFFFFFFB0]  }
0x25c: {  	v6 =	vld [tilespmem:s23+$0xFFFFFFC0]  }
0x25d: {  	v9 =	vld [tilespmem:s23+$0xFFFFFFD0]  }
0x25e: {  	v10 =	vld [tilespmem:s23+$0xFFFFFFE0]  }
0x25f: {  	v11 =	vld [tilespmem:s23+$0xFFFFFFF0]  }
0x260: {  	v12 =	vld [tilespmem:s23+$0x0]  }
0x261: {  	v13 =	vld.idx.msk [tilespmem:v3+s6+$0x0], $0xffff  }
0x262: {  	v14 =	vld.idx.msk [tilespmem:v4+s6+$0x0], $0xffff  }
0x263: {  	p0 =	por $0x1, $0x1;
	v8 =	vld.idx.msk [tilespmem:v5+s6+$0x0], $0xffff  }
.Ltmp17:
0x264: {  	v7 =	vld.idx.msk [tilespmem:v6+s6+$0x0], $0xffff;
	(pc) =	sbr.rel @!p0 .LBB2_31-.Ltmp17, $4  }
0x265: {  	v5 =	vld.idx.msk [tilespmem:v9+s6+$0x0], $0xffff  }
0x266: {  	s13 =	simm.s32 $0x1801;
	s29 =	simm.s32 $0x1811;
	v3 =	vld.idx.msk [tilespmem:v10+s6+$0x0], $0xffff  }
0x267: {  	s30 =	simm.s32 $0x1821;
	vm2 =	vmmov vm0;
	v6 =	vadd.s32 s13, v1;
	v9 =	vadd.s32 s29, v1;
	v4 =	vld.idx.msk [tilespmem:v11+s6+$0x0], $0xffff  }
0x268: {  	s15 =	simm.s32 $0x0;
	s9 =	simm.s32 $0x1831;
	s17 =	simm.s32 $0x188F0;
	vm3 =	vlt.s32 v13, v6;
	vm4 =	vlt.s32 v14, v9;
	v9 =	vadd.s32 s30, v1;
	v6 =	vld.idx.msk [tilespmem:v12+s6+$0x0], $0xffff  }
.LBB2_30:
0x269: {  	v10 =	vld [tilespmem:s17+$0xFFFFFF90];
	vm3 =	vmor vm3, vm4;
	vm4 =	vlt.s32 v8, v9;
	v8 =	vadd.s32 s9, v1;
	s1 =	sadd.s32 $0x40, s13  }
0x26a: {  	s15 =	sadd.s32 $0x8, s15;
	v9 =	vld [tilespmem:s17+$0xFFFFFFA0];
	vm3 =	vmor vm3, vm4;
	vm4 =	vlt.s32 v7, v8;
	v7 =	vadd.s32 s1, v1;
	s1 =	sadd.s32 $0x50, s13  }
0x26b: {  	p0 =	slt.u32 s15, $0x78;
	v8 =	vld [tilespmem:s17+$0xFFFFFFB0];
	vm3 =	vmor vm3, vm4;
	vm4 =	vlt.s32 v5, v7;
	v5 =	vadd.s32 s1, v1;
	s1 =	sadd.s32 $0x60, s13  }
0x26c: {  	v7 =	vld [tilespmem:s17+$0xFFFFFFC0];
	vm3 =	vmor vm3, vm4;
	vm4 =	vlt.s32 v3, v5;
	v3 =	vadd.s32 s1, v1;
	s1 =	sadd.s32 $0x70, s13  }
0x26d: {  	v5 =	vld [tilespmem:s17+$0xFFFFFFD0];
	vm3 =	vmor vm3, vm4;
	vm4 =	vlt.s32 v4, v3;
	v3 =	vadd.s32 s1, v1  }
0x26e: {  	v4 =	vld [tilespmem:s17+$0xFFFFFFE0];
	vm3 =	vmor vm3, vm4;
	vm4 =	vlt.s32 v6, v3  }
0x26f: {  	v6 =	vld [tilespmem:s17+$0xFFFFFFF0];
	vm3 =	vmor vm3, vm4  }
0x270: {  	v11 =	vld [tilespmem:s17+$0x0];
	vm2 =	vmor vm2, vm3  }
0x271: {  	v10 =	vld.idx.msk [tilespmem:v10+s6+$0x0], $0xffff  }
0x272: {  	v9 =	vld.idx.msk [tilespmem:v9+s6+$0x0], $0xffff  }
0x273: {  	v8 =	vld.idx.msk [tilespmem:v8+s6+$0x0], $0xffff  }
.Ltmp18:
0x274: {  	v7 =	vld.idx.msk [tilespmem:v7+s6+$0x0], $0xffff;
	(pc) =	sbr.rel @p0 .LBB2_30-.Ltmp18, $4  }
0x275: {  	s13 =	sadd.s32 $0x80, s13;
	v5 =	vld.idx.msk [tilespmem:v5+s6+$0x0], $0xffff  }
0x276: {  	s1 =	sadd.s32 $0x10, s13;
	v3 =	vld.idx.msk [tilespmem:v4+s6+$0x0], $0xffff  }
0x277: {  	v12 =	vadd.s32 s13, v1;
	v13 =	vadd.s32 s1, v1;
	s1 =	sadd.s32 $0x20, s13;
	v4 =	vld.idx.msk [tilespmem:v6+s6+$0x0], $0xffff  }
0x278: {  	s9 =	sadd.s32 $0x30, s13;
	s17 =	sadd.s32 $0x100, s17;
	vm3 =	vlt.s32 v10, v12;
	vm4 =	vlt.s32 v9, v13;
	v9 =	vadd.s32 s1, v1;
	v6 =	vld.idx.msk [tilespmem:v11+s6+$0x0], $0xffff  }
.LBB2_31:
0x279: {  	vm3 =	vmor vm3, vm4;
	vm10 =	vlt.s32 v8, v9;
	v61 =	vadd.s32 s9, v1;
	s1 =	sadd.s32 $0x40, s13  }
0x27a: {  	s21 =	sadd.s32 $0x50, s13;
	vm3 =	vmor vm3, vm10;
	vm11 =	vlt.s32 v7, v61;
	v62 =	vadd.s32 s1, v1  }
0x27b: {  	s23 =	sadd.s32 $0x60, s13;
	v63 =	vadd.s32 s21, v1;
	vm3 =	vmor vm3, vm11;
	vm12 =	vlt.s32 v5, v62  }
0x27c: {  	s29 =	sadd.s32 $0x70, s13;
	vm13 =	vlt.s32 v3, v63;
	v3 =	vadd.s32 s23, v1;
	vm3 =	vmor vm3, vm12  }
0x27d: {  	vm14 =	vlt.s32 v4, v3;
	v3 =	vadd.s32 s29, v1;
	vm3 =	vmor vm3, vm13  }
0x27e: {  	vm15 =	vlt.s32 v6, v3;
	vm3 =	vmor vm3, vm14  }
0x27f: {  	vm3 =	vmor vm3, vm15  }
0x280: {  	vm2 =	vmor vm2, vm3  }
0x281: {  	v3 =	vsel vm2, $0x3F800000, v2  }
0x282: {  	(xrf0) =	vmax.scan.msk.f32 $0xffff, v3;
	_ =	sdelay $0x5  }
0x283: {  	v3, _, _ =	vpop (xrf0)  }
0x284: {  	(v2sf) =	vpush v3, $0xF;
	_ =	sdelay $0xe  }
0x285: {  	s30 =	spop (v2sf)  }
0x286: {  	p0 =	sgt.f32 s30, $0.0e+00  }
.Ltmp19:
0x287: {  	_ = 	snop;
	(pc) =	sbr.rel @!p0 .LBB2_35-.Ltmp19, $2  }
0x288: {  	_ =	sdelay $0x2  }
0x289: {  	s13 =	simm.s32 $0x0;
	s23 =	simm.s32 $0x1BE00  }
0x28a: {  	s1 =	sand.u32 $0x70, s13;
	s7 =	sand.u32 $0xF00, s13  }
0x28b: {  	s1 =	sor.u32 s1, s7  }
0x28c: {  	v3 =	vld [tilespmem:s1+$0x18780];
	_ =	sdelay $0x4  }
0x28d: {  	(xrf1) =	vunique.msk.u32 $0xffff, v3;
	_ =	sdelay $0x8  }
0x28e: {  	v5 =	vld.idx.msk [tilespmem:v3+s6+$0x0], $0xffff;
	_ =	sdelay $0x2  }
0x28f: {  	s30 =	simm.s32 $0x1801  }
0x290: {  	v4 =	vadd.s32 s30, v1  }
0x291: {  	vm2 =	vlt.s32 v5, v4;
	_, v5, vm3 =	vpop (xrf1)  }
0x292: {  	vm2 =	vmand vm3, vm2;
	_ =	sdelay $0x3  }
0x293: {  	s15 =	simm.s32 $0x10;
	s17 =	simm.s32 $0x20  }
0x294: {  	s19 =	simm.s32 $0x20;
	s9 =	sand.u32 $0x70, s15;
	s21 =	sand.u32 $0xF00, s17  }
.LBB2_33:
0x295: {  	p0 =	sne.s32 s19, $0x7F0;
	s1 =	sor.u32 s9, s21;
	[tilespmem:v3+s6+$0x0] =	vst.idx.msk vm2, v4  }
0x296: {  	v3 =	vld [tilespmem:s1+$0x18780];
	_ =	sdelay $0x4  }
0x297: {  	(xrf1) =	vunique.msk.u32 $0xffff, v3;
	_ =	sdelay $0x7  }
0x298: {  	v5 =	vld.idx.msk [tilespmem:v3+s6+$0x0], $0xffff;
	_ =	sdelay $0x3  }
0x299: {  	s1 =	sadd.s32 $0x1801, s15;
	s15 =	smov.u32 s19  }
0x29a: {  	v4 =	vadd.s32 s1, v1  }
0x29b: {  	vm2 =	vlt.s32 v5, v4;
	_, v5, vm3 =	vpop (xrf1)  }
0x29c: {  	vm2 =	vmand vm3, vm2  }
.Ltmp20:
0x29d: {  	(pc) =	sbr.rel @p0 .LBB2_33-.Ltmp20, $3  }
0x29e: {  	_ =	sdelay $0x1  }
0x29f: {  	s17 =	sadd.s32 $0x20, s17  }
0x2a0: {  	s21 =	sand.u32 $0xF00, s17;
	s19 =	sadd.s32 $0x10, s19;
	s9 =	sand.u32 $0x70, s15  }
0x2a1: {  	_ =	sdelay $0x4  }
0x2a2: {  	s1 =	sor.u32 s9, s21;
	[tilespmem:v3+s6+$0x0] =	vst.idx.msk vm2, v4  }
0x2a3: {  	v3 =	vld [tilespmem:s1+$0x18780];
	_ =	sdelay $0x4  }
0x2a4: {  	(xrf1) =	vunique.msk.u32 $0xffff, v3;
	_ =	sdelay $0x8  }
0x2a5: {  	v4 =	vld.idx.msk [tilespmem:v3+s6+$0x0], $0xffff;
	_ =	sdelay $0x2  }
0x2a6: {  	s30 =	sadd.s32 $0x1801, s15  }
0x2a7: {  	v5 =	vadd.s32 s30, v1  }
0x2a8: {  	vm2 =	vlt.s32 v4, v5;
	_, v63, vm3 =	vpop (xrf1)  }
0x2a9: {  	vm2 =	vmand vm3, vm2;
	_ =	sdelay $0x5  }
0x2aa: {  	[tilespmem:v3+s6+$0x0] =	vst.idx.msk vm2, v5  }
.LBB2_35:
0x2ab: {  	_ =	swait.ge [sflag:s2], $0x2000  }
0x2ac: {  	[sflag:s2] =	ssyncset.done $0x0  }
0x2ad: {  	[sflag:s2] =	ssyncadd.s32 $0xFFFFE000  }
0x2ae: {  	s7 =	simm.s32 $0x19840;
	s1 =	rddreg [dreg:$0x0]  }
0x2af: {  	[tilespmem:s23], [sflag:$0x2] =	stream.indirect.gather [hbm4b:s1+s25], $0x80, s7, s25, $0xb8;
	[tilespmem:$0x1DE00] =	vst v63  }
0x2b0: {  	_ =	swait.ge [sflag:s26], $0x2000  }
0x2b1: {  	[sflag:s26] =	ssyncset.done $0x0  }
0x2b2: {  	s19 =	rddreg [dreg:$0xc];
	[sflag:s26] =	ssyncadd.s32 $0xFFFFE000  }
0x2b3: {  	[hbm4b:s19+s13] =	stream.linear.scatter [tilespmem:s24], [sflag:$0x3], $0x2000, $0x38;
	[tilespmem:$0x1DE00] =	vst v63  }
0x2b4: {  	_ =	swait.ge [sflag:s28], $0x800  }
0x2b5: {  	[sflag:s28] =	ssyncset.done $0x0  }
0x2b6: {  	s21 =	simm.s32 $0x18780;
	[sflag:s28] =	ssyncadd.s32 $0xFFFFF800  }
0x2b7: {  	[tilespmem:s21], [sflag:$0x6] =	stream.linear.gather [hbm4b:s18+s13], $0x80, $0x38;
	[tilespmem:$0x1DE00] =	vst v63  }
0x2b8: {  	s29 =	sadd.s32 $0x10, s18;
	s30 =	simm.s32 $0x18880  }
0x2b9: {  	[tilespmem:s30], [sflag:$0x6] =	stream.linear.gather [hbm4b:s29+s13], $0x80, $0x38;
	[tilespmem:$0x1DE00] =	vst v63  }
0x2ba: {  	s9 =	simm.s32 $0x18980;
	s7 =	sadd.s32 $0x20, s18  }
0x2bb: {  	[tilespmem:s9], [sflag:$0x6] =	stream.linear.gather [hbm4b:s7+s13], $0x80, $0x38;
	[tilespmem:$0x1DE00] =	vst v63  }
0x2bc: {  	s15 =	sadd.s32 $0x30, s18;
	s17 =	simm.s32 $0x18A80  }
0x2bd: {  	[tilespmem:s17], [sflag:$0x6] =	stream.linear.gather [hbm4b:s15+s13], $0x80, $0x38;
	[tilespmem:$0x1DE00] =	vst v63  }
0x2be: {  	s19 =	sadd.s32 $0x40, s18;
	s21 =	simm.s32 $0x18B80  }
0x2bf: {  	[tilespmem:s21], [sflag:$0x6] =	stream.linear.gather [hbm4b:s19+s13], $0x80, $0x38;
	[tilespmem:$0x1DE00] =	vst v63  }
0x2c0: {  	s29 =	sadd.s32 $0x50, s18;
	s30 =	simm.s32 $0x18C80  }
0x2c1: {  	[tilespmem:s30], [sflag:$0x6] =	stream.linear.gather [hbm4b:s29+s13], $0x80, $0x38;
	[tilespmem:$0x1DE00] =	vst v63  }
0x2c2: {  	s7 =	sadd.s32 $0x60, s18;
	s9 =	simm.s32 $0x18D80  }
0x2c3: {  	[tilespmem:s9], [sflag:$0x6] =	stream.linear.gather [hbm4b:s7+s13], $0x80, $0x38;
	[tilespmem:$0x1DE00] =	vst v63  }
0x2c4: {  	s15 =	sadd.s32 $0x70, s18;
	s17 =	simm.s32 $0x18E80  }
0x2c5: {  	[tilespmem:s17], [sflag:$0x6] =	stream.linear.gather [hbm4b:s15+s13], $0x80, $0x38;
	[tilespmem:$0x1DE00] =	vst v63  }
0x2c6: {  	s19 =	sadd.s32 $0x80, s18;
	s21 =	simm.s32 $0x18F80  }
0x2c7: {  	[tilespmem:s21], [sflag:$0x6] =	stream.linear.gather [hbm4b:s19+s13], $0x80, $0x38;
	[tilespmem:$0x1DE00] =	vst v63  }
0x2c8: {  	s29 =	sadd.s32 $0x90, s18;
	s30 =	simm.s32 $0x19080  }
0x2c9: {  	[tilespmem:s30], [sflag:$0x6] =	stream.linear.gather [hbm4b:s29+s13], $0x80, $0x38;
	[tilespmem:$0x1DE00] =	vst v63  }
0x2ca: {  	s7 =	sadd.s32 $0xA0, s18;
	s9 =	simm.s32 $0x19180  }
0x2cb: {  	[tilespmem:s9], [sflag:$0x6] =	stream.linear.gather [hbm4b:s7+s13], $0x80, $0x38;
	[tilespmem:$0x1DE00] =	vst v63  }
0x2cc: {  	s15 =	sadd.s32 $0xB0, s18;
	s17 =	simm.s32 $0x19280  }
0x2cd: {  	[tilespmem:s17], [sflag:$0x6] =	stream.linear.gather [hbm4b:s15+s13], $0x80, $0x38;
	[tilespmem:$0x1DE00] =	vst v63  }
0x2ce: {  	s19 =	sadd.s32 $0xC0, s18;
	s21 =	simm.s32 $0x19380;
	s29 =	sadd.s32 $0xD0, s18  }
0x2cf: {  	[tilespmem:s21], [sflag:$0x6] =	stream.linear.gather [hbm4b:s19+s13], $0x80, $0x38;
	[tilespmem:$0x1DE00] =	vst v63  }
0x2d0: {  	s30 =	simm.s32 $0x19480;
	s9 =	sadd.s32 $0xE0, s18;
	s21 =	simm.s32 $0x0  }
0x2d1: {  	[tilespmem:s30], [sflag:$0x6] =	stream.linear.gather [hbm4b:s29+s13], $0x80, $0x38;
	[tilespmem:$0x1DE00] =	vst v63  }
0x2d2: {  	s15 =	simm.s32 $0x19580;
	s1 =	sand.u32 $0x40, s21;
	s29 =	sand.u32 $0xF00, s13  }
0x2d3: {  	[tilespmem:s15], [sflag:$0x6] =	stream.linear.gather [hbm4b:s9+s13], $0x80, $0x38;
	[tilespmem:$0x1DE00] =	vst v63  }
0x2d4: {  	s17 =	sadd.s32 $0xF0, s18;
	s19 =	simm.s32 $0x19680;
	s1 =	sor.u32 s1, s29  }
0x2d5: {  	[tilespmem:s19], [sflag:$0x6] =	stream.linear.gather [hbm4b:s17+s13], $0x80, $0x38;
	[tilespmem:$0x1DE00] =	vst v63  }
0x2d6: {  	s7 =	sadd.s32 $0x18700, s1;
	v6 =	vld [tilespmem:s1+$0x18700]  }
0x2d7: {  	v3 =	vld [tilespmem:s7+$0x30]  }
0x2d8: {  	v5 =	vld [tilespmem:s7+$0x10]  }
0x2d9: {  	s30 =	simm.s32 $0x2001;
	s9 =	simm.s32 $0x2011;
	s15 =	simm.s32 $0x2021;
	v9 =	vld [tilespmem:s7+$0x20]  }
0x2da: {  	v4 =	vadd.s32 s30, v1;
	v7 =	vadd.s32 s9, v1;
	v8 =	vadd.s32 s15, v1;
	s9 =	simm.s32 $0x0;
	s19 =	simm.s32 $0x2031;
	s17 =	simm.s32 $0x2071  }
.LBB2_36:
0x2db: {  	s1 =	sadd.s32 $0xFFFFDFCF, s17;
	s9 =	sadd.s32 $0x4, s9;
	s13 =	sadd.s32 $0x80, s13;
	v10 =	vmov v6  }
0x2dc: {  	s1 =	sand.u32 $0x40, s1;
	s7 =	sand.u32 $0xF00, s13;
	p0 =	slt.u32 s9, $0x7C  }
0x2dd: {  	s15 =	sadd.s32 $0xFFFFFFE0, s17;
	s1 =	sor.u32 s1, s7;
	s7 =	sadd.s32 $0xFFFFFFD0, s17  }
.Ltmp21:
0x2de: {  	v13 =	vadd.s32 s19, v1;
	v12 =	vadd.s32 s15, v1;
	s21 =	sadd.s32 $0x18700, s1;
	v6 =	vld [tilespmem:s1+$0x18700];
	v11 =	vadd.s32 s7, v1;
	s1 =	sadd.s32 $0xFFFFFFF0, s17;
	(pc) =	sbr.rel @p0 .LBB2_36-.Ltmp21, $4  }
0x2df: {  	s15 =	simm.s32 $0x2001;
	v14 =	vadd.s32 s1, v1;
	[tilespmem:v3+s6+$0x0] =	vst.idx.msk $0xffff, v13;
	v3 =	vld [tilespmem:s21+$0x30]  }
0x2e0: {  	s19 =	smov.u32 s17;
	[tilespmem:v5+s6+$0x0] =	vst.idx.msk $0xffff, v7;
	v5 =	vld [tilespmem:s21+$0x10];
	v7 =	vmov v12  }
0x2e1: {  	[tilespmem:v9+s6+$0x0] =	vst.idx.msk $0xffff, v8;
	v9 =	vld [tilespmem:s21+$0x20];
	v8 =	vmov v14  }
0x2e2: {  	s17 =	sadd.s32 $0x40, s17;
	[tilespmem:v10+s6+$0x0] =	vst.idx.msk $0xffff, v4;
	v4 =	vmov v11  }
0x2e3: {  	_ =	sdelay $0x3  }
0x2e4: {  	v10 =	vadd.s32 s19, v1;
	[tilespmem:v6+s6+$0x0] =	vst.idx.msk $0xffff, v4  }
0x2e5: {  	[tilespmem:v3+s6+$0x0] =	vst.idx.msk $0xffff, v10  }
0x2e6: {  	[tilespmem:v5+s6+$0x0] =	vst.idx.msk $0xffff, v7  }
0x2e7: {  	s1 =	simm.s32 $0x18740;
	[tilespmem:v9+s6+$0x0] =	vst.idx.msk $0xffff, v8  }
0x2e8: {  	v3 =	vld [tilespmem:s1+$0xFFFFFFC0]  }
0x2e9: {  	v4 =	vld [tilespmem:s1+$0xFFFFFFD0]  }
0x2ea: {  	v5 =	vld [tilespmem:s1+$0xFFFFFFE0]  }
0x2eb: {  	v6 =	vld [tilespmem:s1+$0xFFFFFFF0]  }
0x2ec: {  	v9 =	vld [tilespmem:s1+$0x0]  }
0x2ed: {  	v10 =	vld [tilespmem:s1+$0x10]  }
0x2ee: {  	v11 =	vld [tilespmem:s1+$0x20]  }
0x2ef: {  	v12 =	vld [tilespmem:s1+$0x30]  }
0x2f0: {  	v13 =	vld.idx.msk [tilespmem:v3+s6+$0x0], $0xffff  }
0x2f1: {  	v14 =	vld.idx.msk [tilespmem:v4+s6+$0x0], $0xffff  }
0x2f2: {  	v8 =	vld.idx.msk [tilespmem:v5+s6+$0x0], $0xffff  }
0x2f3: {  	v7 =	vld.idx.msk [tilespmem:v6+s6+$0x0], $0xffff  }
0x2f4: {  	v6 =	vld.idx.msk [tilespmem:v9+s6+$0x0], $0xffff  }
0x2f5: {  	s29 =	simm.s32 $0x2011;
	v4 =	vld.idx.msk [tilespmem:v10+s6+$0x0], $0xffff  }
0x2f6: {  	s30 =	simm.s32 $0x2021;
	vm2 =	vmmov vm0;
	v5 =	vadd.s32 s15, v1;
	v9 =	vadd.s32 s29, v1;
	v3 =	vld.idx.msk [tilespmem:v11+s6+$0x0], $0xffff  }
0x2f7: {  	s13 =	simm.s32 $0x0;
	s9 =	simm.s32 $0x2031;
	s17 =	simm.s32 $0x18840;
	vm3 =	vlt.s32 v13, v5;
	vm4 =	vlt.s32 v14, v9;
	v9 =	vadd.s32 s30, v1;
	v5 =	vld.idx.msk [tilespmem:v12+s6+$0x0], $0xffff  }
.LBB2_38:
0x2f8: {  	v10 =	vld [tilespmem:s17+$0xFFFFFFC0];
	vm3 =	vmor vm3, vm4;
	vm4 =	vlt.s32 v8, v9;
	v8 =	vadd.s32 s9, v1;
	s1 =	sadd.s32 $0x40, s15  }
0x2f9: {  	s13 =	sadd.s32 $0x8, s13;
	v9 =	vld [tilespmem:s17+$0xFFFFFFD0];
	vm3 =	vmor vm3, vm4;
	vm4 =	vlt.s32 v7, v8;
	v7 =	vadd.s32 s1, v1;
	s1 =	sadd.s32 $0x50, s15  }
0x2fa: {  	p0 =	slt.u32 s13, $0x78;
	v8 =	vld [tilespmem:s17+$0xFFFFFFE0];
	vm3 =	vmor vm3, vm4;
	vm4 =	vlt.s32 v6, v7;
	v6 =	vadd.s32 s1, v1;
	s1 =	sadd.s32 $0x60, s15  }
0x2fb: {  	v7 =	vld [tilespmem:s17+$0xFFFFFFF0];
	vm3 =	vmor vm3, vm4;
	vm4 =	vlt.s32 v4, v6;
	v4 =	vadd.s32 s1, v1;
	s1 =	sadd.s32 $0x70, s15  }
0x2fc: {  	v6 =	vld [tilespmem:s17+$0x0];
	vm3 =	vmor vm3, vm4;
	vm4 =	vlt.s32 v3, v4;
	v3 =	vadd.s32 s1, v1  }
0x2fd: {  	v4 =	vld [tilespmem:s17+$0x10];
	vm3 =	vmor vm3, vm4;
	vm4 =	vlt.s32 v5, v3  }
0x2fe: {  	v3 =	vld [tilespmem:s17+$0x20];
	vm3 =	vmor vm3, vm4  }
0x2ff: {  	v5 =	vld [tilespmem:s17+$0x30];
	vm2 =	vmor vm2, vm3  }
0x300: {  	v10 =	vld.idx.msk [tilespmem:v10+s6+$0x0], $0xffff  }
0x301: {  	v9 =	vld.idx.msk [tilespmem:v9+s6+$0x0], $0xffff  }
0x302: {  	v8 =	vld.idx.msk [tilespmem:v8+s6+$0x0], $0xffff  }
.Ltmp22:
0x303: {  	v7 =	vld.idx.msk [tilespmem:v7+s6+$0x0], $0xffff;
	(pc) =	sbr.rel @p0 .LBB2_38-.Ltmp22, $4  }
0x304: {  	s15 =	sadd.s32 $0x80, s15;
	v6 =	vld.idx.msk [tilespmem:v6+s6+$0x0], $0xffff  }
0x305: {  	s1 =	sadd.s32 $0x10, s15;
	v4 =	vld.idx.msk [tilespmem:v4+s6+$0x0], $0xffff  }
0x306: {  	v11 =	vadd.s32 s15, v1;
	v12 =	vadd.s32 s1, v1;
	s1 =	sadd.s32 $0x20, s15;
	v3 =	vld.idx.msk [tilespmem:v3+s6+$0x0], $0xffff  }
0x307: {  	s9 =	sadd.s32 $0x30, s15;
	s17 =	sadd.s32 $0x100, s17;
	vm3 =	vlt.s32 v10, v11;
	vm4 =	vlt.s32 v9, v12;
	v9 =	vadd.s32 s1, v1;
	v5 =	vld.idx.msk [tilespmem:v5+s6+$0x0], $0xffff  }
0x308: {  	vm3 =	vmor vm3, vm4;
	vm10 =	vlt.s32 v8, v9;
	v60 =	vadd.s32 s9, v1;
	s1 =	sadd.s32 $0x40, s15  }
0x309: {  	s19 =	sadd.s32 $0x50, s15;
	vm3 =	vmor vm3, vm10;
	vm11 =	vlt.s32 v7, v60;
	v61 =	vadd.s32 s1, v1  }
0x30a: {  	s21 =	sadd.s32 $0x60, s15;
	v62 =	vadd.s32 s19, v1;
	vm3 =	vmor vm3, vm11;
	vm12 =	vlt.s32 v6, v61  }
0x30b: {  	s29 =	sadd.s32 $0x70, s15;
	v63 =	vadd.s32 s21, v1;
	vm13 =	vlt.s32 v4, v62;
	vm3 =	vmor vm3, vm12  }
0x30c: {  	vm14 =	vlt.s32 v3, v63;
	v3 =	vadd.s32 s29, v1;
	vm3 =	vmor vm3, vm13  }
0x30d: {  	vm15 =	vlt.s32 v5, v3;
	vm3 =	vmor vm3, vm14  }
0x30e: {  	vm3 =	vmor vm3, vm15  }
0x30f: {  	vm2 =	vmor vm2, vm3  }
0x310: {  	v3 =	vsel vm2, $0x3F800000, v2  }
0x311: {  	(xrf0) =	vmax.scan.msk.f32 $0xffff, v3;
	_ =	sdelay $0x5  }
0x312: {  	v3, _, _ =	vpop (xrf0)  }
0x313: {  	(v2sf) =	vpush v3, $0xF;
	_ =	sdelay $0xe  }
0x314: {  	s30 =	spop (v2sf)  }
0x315: {  	p0 =	sgt.f32 s30, $0.0e+00  }
.Ltmp23:
0x316: {  	_ = 	snop;
	(pc) =	sbr.rel @!p0 .LBB2_43-.Ltmp23, $2  }
0x317: {  	_ =	sdelay $0x2  }
0x318: {  	s13 =	simm.s32 $0x0  }
0x319: {  	s1 =	sand.u32 $0x70, s13;
	s7 =	sand.u32 $0xF00, s13  }
0x31a: {  	s1 =	sor.u32 s1, s7  }
0x31b: {  	v3 =	vld [tilespmem:s1+$0x18700];
	_ =	sdelay $0x4  }
0x31c: {  	(xrf1) =	vunique.msk.u32 $0xffff, v3;
	_ =	sdelay $0x8  }
0x31d: {  	v5 =	vld.idx.msk [tilespmem:v3+s6+$0x0], $0xffff;
	_ =	sdelay $0x2  }
0x31e: {  	s30 =	simm.s32 $0x2001  }
0x31f: {  	v4 =	vadd.s32 s30, v1  }
0x320: {  	vm2 =	vlt.s32 v5, v4;
	_, v5, vm3 =	vpop (xrf1)  }
0x321: {  	vm2 =	vmand vm3, vm2;
	_ =	sdelay $0x3  }
0x322: {  	s15 =	simm.s32 $0x10;
	s17 =	simm.s32 $0x20  }
0x323: {  	s19 =	simm.s32 $0x20;
	s9 =	sand.u32 $0x70, s15;
	s21 =	sand.u32 $0xF00, s17  }
.LBB2_41:
0x324: {  	p0 =	sne.s32 s19, $0x7F0;
	s1 =	sor.u32 s9, s21;
	[tilespmem:v3+s6+$0x0] =	vst.idx.msk vm2, v4  }
0x325: {  	v3 =	vld [tilespmem:s1+$0x18700];
	_ =	sdelay $0x4  }
0x326: {  	(xrf1) =	vunique.msk.u32 $0xffff, v3;
	_ =	sdelay $0x7  }
0x327: {  	v5 =	vld.idx.msk [tilespmem:v3+s6+$0x0], $0xffff;
	_ =	sdelay $0x3  }
0x328: {  	s1 =	sadd.s32 $0x2001, s15;
	s15 =	smov.u32 s19  }
0x329: {  	v4 =	vadd.s32 s1, v1  }
0x32a: {  	vm2 =	vlt.s32 v5, v4;
	_, v5, vm3 =	vpop (xrf1)  }
0x32b: {  	vm2 =	vmand vm3, vm2  }
.Ltmp24:
0x32c: {  	(pc) =	sbr.rel @p0 .LBB2_41-.Ltmp24, $3  }
0x32d: {  	_ =	sdelay $0x1  }
0x32e: {  	s17 =	sadd.s32 $0x20, s17  }
0x32f: {  	s21 =	sand.u32 $0xF00, s17;
	s19 =	sadd.s32 $0x10, s19;
	s9 =	sand.u32 $0x70, s15  }
0x330: {  	_ =	sdelay $0x4  }
0x331: {  	s1 =	sor.u32 s9, s21;
	[tilespmem:v3+s6+$0x0] =	vst.idx.msk vm2, v4  }
0x332: {  	v3 =	vld [tilespmem:s1+$0x18700];
	_ =	sdelay $0x4  }
0x333: {  	(xrf1) =	vunique.msk.u32 $0xffff, v3;
	_ =	sdelay $0x8  }
0x334: {  	v4 =	vld.idx.msk [tilespmem:v3+s6+$0x0], $0xffff;
	_ =	sdelay $0x2  }
0x335: {  	s30 =	sadd.s32 $0x2001, s15  }
0x336: {  	v5 =	vadd.s32 s30, v1  }
0x337: {  	vm2 =	vlt.s32 v4, v5;
	_, v63, vm3 =	vpop (xrf1)  }
0x338: {  	vm2 =	vmand vm3, vm2;
	_ =	sdelay $0x5  }
0x339: {  	[tilespmem:v3+s6+$0x0] =	vst.idx.msk vm2, v5  }
.LBB2_43:
0x33a: {  	_ =	swait.ge [sflag:s31], $0x2000  }
0x33b: {  	[sflag:s31] =	ssyncset.done $0x0  }
0x33c: {  	[sflag:s31] =	ssyncadd.s32 $0xFFFFE000  }
0x33d: {  	s7 =	simm.s32 $0x19880;
	s1 =	rddreg [dreg:$0x0]  }
0x33e: {  	[tilespmem:s24], [sflag:$0x1] =	stream.indirect.gather [hbm4b:s1+s25], $0x80, s7, s25, $0xb8;
	[tilespmem:$0x1DE00] =	vst v63  }
0x33f: {  	_ =	swait.ge [sflag:s0], $0x2000  }
0x340: {  	[sflag:s0] =	ssyncset.done $0x0  }
0x341: {  	s21 =	rddreg [dreg:$0xd];
	[sflag:s0] =	ssyncadd.s32 $0xFFFFE000  }
0x342: {  	[hbm4b:s21+s13] =	stream.linear.scatter [tilespmem:s23], [sflag:$0x4], $0x2000, $0x38;
	[tilespmem:$0x1DE00] =	vst v63  }
0x343: {  	_ =	swait.ge [sflag:s5], $0x800  }
0x344: {  	[sflag:s5] =	ssyncset.done $0x0  }
0x345: {  	s7 =	simm.s32 $0x18700;
	[sflag:s5] =	ssyncadd.s32 $0xFFFFF800  }
0x346: {  	[tilespmem:s7], [sflag:$0x5] =	stream.linear.gather [hbm4b:s20+s13], $0x80, $0x38;
	[tilespmem:$0x1DE00] =	vst v63  }
0x347: {  	s9 =	sadd.s32 $0x10, s20;
	s15 =	simm.s32 $0x18800  }
0x348: {  	[tilespmem:s15], [sflag:$0x5] =	stream.linear.gather [hbm4b:s9+s13], $0x80, $0x38;
	[tilespmem:$0x1DE00] =	vst v63  }
0x349: {  	s17 =	sadd.s32 $0x20, s20;
	s19 =	simm.s32 $0x18900  }
0x34a: {  	[tilespmem:s19], [sflag:$0x5] =	stream.linear.gather [hbm4b:s17+s13], $0x80, $0x38;
	[tilespmem:$0x1DE00] =	vst v63  }
0x34b: {  	s21 =	sadd.s32 $0x30, s20;
	s23 =	simm.s32 $0x18A00  }
0x34c: {  	[tilespmem:s23], [sflag:$0x5] =	stream.linear.gather [hbm4b:s21+s13], $0x80, $0x38;
	[tilespmem:$0x1DE00] =	vst v63  }
0x34d: {  	s9 =	sadd.s32 $0x40, s20;
	s15 =	simm.s32 $0x18B00  }
0x34e: {  	[tilespmem:s15], [sflag:$0x5] =	stream.linear.gather [hbm4b:s9+s13], $0x80, $0x38;
	[tilespmem:$0x1DE00] =	vst v63  }
0x34f: {  	s17 =	sadd.s32 $0x50, s20;
	s19 =	simm.s32 $0x18C00  }
0x350: {  	[tilespmem:s19], [sflag:$0x5] =	stream.linear.gather [hbm4b:s17+s13], $0x80, $0x38;
	[tilespmem:$0x1DE00] =	vst v63  }
0x351: {  	s21 =	sadd.s32 $0x60, s20;
	s23 =	simm.s32 $0x18D00  }
0x352: {  	[tilespmem:s23], [sflag:$0x5] =	stream.linear.gather [hbm4b:s21+s13], $0x80, $0x38;
	[tilespmem:$0x1DE00] =	vst v63  }
0x353: {  	s9 =	sadd.s32 $0x70, s20;
	s15 =	simm.s32 $0x18E00  }
0x354: {  	[tilespmem:s15], [sflag:$0x5] =	stream.linear.gather [hbm4b:s9+s13], $0x80, $0x38;
	[tilespmem:$0x1DE00] =	vst v63  }
0x355: {  	s17 =	sadd.s32 $0x80, s20;
	s19 =	simm.s32 $0x18F00  }
0x356: {  	[tilespmem:s19], [sflag:$0x5] =	stream.linear.gather [hbm4b:s17+s13], $0x80, $0x38;
	[tilespmem:$0x1DE00] =	vst v63  }
0x357: {  	s21 =	sadd.s32 $0x90, s20;
	s23 =	simm.s32 $0x19000  }
0x358: {  	[tilespmem:s23], [sflag:$0x5] =	stream.linear.gather [hbm4b:s21+s13], $0x80, $0x38;
	[tilespmem:$0x1DE00] =	vst v63  }
0x359: {  	p0 =	por $0x0, $0x0;
	s9 =	sadd.s32 $0xA0, s20;
	s15 =	simm.s32 $0x19100  }
0x35a: {  	[tilespmem:s15], [sflag:$0x5] =	stream.linear.gather [hbm4b:s9+s13], $0x80, $0x38;
	[tilespmem:$0x1DE00] =	vst v63  }
0x35b: {  	s1 =	simm.s32 $0x1;
	s17 =	sadd.s32 $0xB0, s20;
	s19 =	simm.s32 $0x19200  }
0x35c: {  	[tilespmem:s19], [sflag:$0x5] =	stream.linear.gather [hbm4b:s17+s13], $0x80, $0x38;
	[tilespmem:$0x1DE00] =	vst v63  }
0x35d: {  	s1 =	simm.s32 @!p0 $0x0;
	s21 =	sadd.s32 $0xC0, s20;
	s23 =	simm.s32 $0x19300  }
0x35e: {  	[tilespmem:s23], [sflag:$0x5] =	stream.linear.gather [hbm4b:s21+s13], $0x80, $0x38;
	[tilespmem:$0x1DE00] =	vst v63  }
0x35f: {  	s1 =	sshll.u32 s1, $0x6;
	s7 =	sadd.s32 $0xD0, s20;
	s9 =	simm.s32 $0x19400  }
0x360: {  	[tilespmem:s9], [sflag:$0x5] =	stream.linear.gather [hbm4b:s7+s13], $0x80, $0x38;
	[tilespmem:$0x1DE00] =	vst v63  }
0x361: {  	s1 =	sadd.s32 $0x0, s1;
	s15 =	sadd.s32 $0xE0, s20;
	s17 =	simm.s32 $0x19500  }
0x362: {  	[tilespmem:s17], [sflag:$0x5] =	stream.linear.gather [hbm4b:s15+s13], $0x80, $0x38;
	[tilespmem:$0x1DE00] =	vst v63  }
0x363: {  	s19 =	sadd.s32 $0xF0, s20;
	s21 =	simm.s32 $0x19600;
	s23 =	sor.u32 $0x80, s1  }
0x364: {  	[tilespmem:s21], [sflag:$0x5] =	stream.linear.gather [hbm4b:s19+s13], $0x80, $0x38;
	[tilespmem:$0x1DE00] =	vst v63  }
0x365: {  	s17 =	sor.u32 $0xA0, s1;
	v3 =	vld [tilespmem:s23+$0x18700]  }
0x366: {  	p0 =	por !p0, !p0;
	s9 =	simm.s32 $0x1;
	s19 =	sor.u32 $0x90, s1;
	v4 =	vld [tilespmem:s17+$0x18700]  }
0x367: {  	s9 =	simm.s32 @!p0 $0x0;
	s1 =	sor.u32 $0xB0, s1;
	v5 =	vld [tilespmem:s19+$0x18700]  }
0x368: {  	s9 =	sshll.u32 s9, $0x6;
	v6 =	vld [tilespmem:s1+$0x18700]  }
0x369: {  	s15 =	simm.s32 $0x4;
	s9 =	sadd.s32 $0x80, s9  }
0x36a: {  	s13 =	simm.s32 $0x2831;
	s21 =	simm.s32 $0x2821;
	s29 =	sor.u32 $0x80, s9  }
0x36b: {  	s30 =	sor.u32 $0xA0, s9;
	s19 =	simm.s32 $0x2801;
	s23 =	simm.s32 $0x2811  }
0x36c: {  	s17 =	simm.s32 $0x80;
	v7 =	vadd.s32 s21, v1;
	s21 =	sor.u32 $0x90, s9;
	v9 =	vadd.s32 s19, v1;
	v8 =	vadd.s32 s23, v1;
	s19 =	simm.s32 $0x2831  }
.LBB2_44:
0x36d: {  	s15 =	sadd.s32 $0x4, s15;
	s1 =	sor.u32 $0xB0, s9;
	[tilespmem:v3+s6+$0x0] =	vst.idx.msk $0xffff, v9;
	v3 =	vld [tilespmem:s29+$0x18700];
	s13 =	sadd.s32 $0x40, s13  }
0x36e: {  	p1 =	slt.u32 s15, $0x7C;
	[tilespmem:v4+s6+$0x0] =	vst.idx.msk $0xffff, v7;
	v4 =	vld [tilespmem:s30+$0x18700];
	v7 =	vadd.s32 s19, v1;
	s19 =	smov.u32 s13  }
0x36f: {  	[tilespmem:v5+s6+$0x0] =	vst.idx.msk $0xffff, v8;
	v5 =	vld [tilespmem:s21+$0x18700]  }
.Ltmp25:
0x370: {  	p0 =	por !p0, !p0;
	[tilespmem:v6+s6+$0x0] =	vst.idx.msk $0xffff, v7;
	v6 =	vld [tilespmem:s1+$0x18700];
	s1 =	simm.s32 $0x1;
	(pc) =	sbr.rel @p1 .LBB2_44-.Ltmp25, $4  }
0x371: {  	s1 =	simm.s32 @!p0 $0x0  }
0x372: {  	s17 =	sadd.s32 $0x80, s17;
	s7 =	sadd.s32 $0xFFFFFFF0, s13;
	s1 =	sshll.u32 s1, $0x6  }
0x373: {  	s23 =	sadd.s32 $0xFFFFFFE0, s13;
	v7 =	vadd.s32 s7, v1;
	s9 =	sadd.s32 s1, s17;
	s1 =	sadd.s32 $0xFFFFFFD0, s13  }
0x374: {  	v8 =	vadd.s32 s23, v1;
	s29 =	sor.u32 $0x80, s9;
	s21 =	sor.u32 $0x90, s9;
	s30 =	sor.u32 $0xA0, s9;
	v9 =	vadd.s32 s1, v1  }
0x375: {  	v10 =	vld [tilespmem:s29+$0x18700]  }
0x376: {  	v11 =	vld [tilespmem:s30+$0x18700]  }
0x377: {  	s1 =	sor.u32 $0xB0, s9;
	v12 =	vld [tilespmem:s21+$0x18700]  }
0x378: {  	v13 =	vld [tilespmem:s1+$0x18700]  }
0x379: {  	[tilespmem:v3+s6+$0x0] =	vst.idx.msk $0xffff, v9  }
0x37a: {  	s17 =	sadd.s32 $0x40, s13;
	[tilespmem:v4+s6+$0x0] =	vst.idx.msk $0xffff, v7  }
0x37b: {  	v3 =	vadd.s32 s19, v1;
	[tilespmem:v5+s6+$0x0] =	vst.idx.msk $0xffff, v8;
	s7 =	sadd.s32 $0xFFFFFFD0, s17  }
0x37c: {  	[tilespmem:v6+s6+$0x0] =	vst.idx.msk $0xffff, v3;
	s19 =	sadd.s32 $0xFFFFFFF0, s17;
	v3 =	vadd.s32 s7, v1  }
0x37d: {  	s21 =	sadd.s32 $0xFFFFFFE0, s17;
	v4 =	vadd.s32 s19, v1;
	[tilespmem:v10+s6+$0x0] =	vst.idx.msk $0xffff, v3  }
0x37e: {  	v3 =	vadd.s32 s21, v1;
	[tilespmem:v11+s6+$0x0] =	vst.idx.msk $0xffff, v4  }
0x37f: {  	v4 =	vadd.s32 s17, v1;
	[tilespmem:v12+s6+$0x0] =	vst.idx.msk $0xffff, v3  }
0x380: {  	s23 =	simm.s32 $0x187F0;
	[tilespmem:v13+s6+$0x0] =	vst.idx.msk $0xffff, v4  }
0x381: {  	v3 =	vld [tilespmem:s23+$0xFFFFFF90]  }
0x382: {  	v4 =	vld [tilespmem:s23+$0xFFFFFFA0]  }
0x383: {  	v5 =	vld [tilespmem:s23+$0xFFFFFFB0]  }
0x384: {  	v6 =	vld [tilespmem:s23+$0xFFFFFFC0]  }
0x385: {  	v9 =	vld [tilespmem:s23+$0xFFFFFFD0]  }
0x386: {  	v10 =	vld [tilespmem:s23+$0xFFFFFFE0]  }
0x387: {  	v11 =	vld [tilespmem:s23+$0xFFFFFFF0]  }
0x388: {  	v12 =	vld [tilespmem:s23+$0x0]  }
0x389: {  	v13 =	vld.idx.msk [tilespmem:v3+s6+$0x0], $0xffff  }
0x38a: {  	v14 =	vld.idx.msk [tilespmem:v4+s6+$0x0], $0xffff  }
0x38b: {  	p0 =	por $0x1, $0x1;
	v8 =	vld.idx.msk [tilespmem:v5+s6+$0x0], $0xffff  }
.Ltmp26:
0x38c: {  	v7 =	vld.idx.msk [tilespmem:v6+s6+$0x0], $0xffff;
	(pc) =	sbr.rel @!p0 .LBB2_47-.Ltmp26, $4  }
0x38d: {  	v5 =	vld.idx.msk [tilespmem:v9+s6+$0x0], $0xffff  }
0x38e: {  	s13 =	simm.s32 $0x2801;
	s29 =	simm.s32 $0x2811;
	v3 =	vld.idx.msk [tilespmem:v10+s6+$0x0], $0xffff  }
0x38f: {  	s30 =	simm.s32 $0x2821;
	vm2 =	vmmov vm0;
	v6 =	vadd.s32 s13, v1;
	v9 =	vadd.s32 s29, v1;
	v4 =	vld.idx.msk [tilespmem:v11+s6+$0x0], $0xffff  }
0x390: {  	s15 =	simm.s32 $0x0;
	s9 =	simm.s32 $0x2831;
	s17 =	simm.s32 $0x188F0;
	vm3 =	vlt.s32 v13, v6;
	vm4 =	vlt.s32 v14, v9;
	v9 =	vadd.s32 s30, v1;
	v6 =	vld.idx.msk [tilespmem:v12+s6+$0x0], $0xffff  }
.LBB2_46:
0x391: {  	v10 =	vld [tilespmem:s17+$0xFFFFFF90];
	vm3 =	vmor vm3, vm4;
	vm4 =	vlt.s32 v8, v9;
	v8 =	vadd.s32 s9, v1;
	s1 =	sadd.s32 $0x40, s13  }
0x392: {  	s15 =	sadd.s32 $0x8, s15;
	v9 =	vld [tilespmem:s17+$0xFFFFFFA0];
	vm3 =	vmor vm3, vm4;
	vm4 =	vlt.s32 v7, v8;
	v7 =	vadd.s32 s1, v1;
	s1 =	sadd.s32 $0x50, s13  }
0x393: {  	p0 =	slt.u32 s15, $0x78;
	v8 =	vld [tilespmem:s17+$0xFFFFFFB0];
	vm3 =	vmor vm3, vm4;
	vm4 =	vlt.s32 v5, v7;
	v5 =	vadd.s32 s1, v1;
	s1 =	sadd.s32 $0x60, s13  }
0x394: {  	v7 =	vld [tilespmem:s17+$0xFFFFFFC0];
	vm3 =	vmor vm3, vm4;
	vm4 =	vlt.s32 v3, v5;
	v3 =	vadd.s32 s1, v1;
	s1 =	sadd.s32 $0x70, s13  }
0x395: {  	v5 =	vld [tilespmem:s17+$0xFFFFFFD0];
	vm3 =	vmor vm3, vm4;
	vm4 =	vlt.s32 v4, v3;
	v3 =	vadd.s32 s1, v1  }
0x396: {  	v4 =	vld [tilespmem:s17+$0xFFFFFFE0];
	vm3 =	vmor vm3, vm4;
	vm4 =	vlt.s32 v6, v3  }
0x397: {  	v6 =	vld [tilespmem:s17+$0xFFFFFFF0];
	vm3 =	vmor vm3, vm4  }
0x398: {  	v11 =	vld [tilespmem:s17+$0x0];
	vm2 =	vmor vm2, vm3  }
0x399: {  	v10 =	vld.idx.msk [tilespmem:v10+s6+$0x0], $0xffff  }
0x39a: {  	v9 =	vld.idx.msk [tilespmem:v9+s6+$0x0], $0xffff  }
0x39b: {  	v8 =	vld.idx.msk [tilespmem:v8+s6+$0x0], $0xffff  }
.Ltmp27:
0x39c: {  	v7 =	vld.idx.msk [tilespmem:v7+s6+$0x0], $0xffff;
	(pc) =	sbr.rel @p0 .LBB2_46-.Ltmp27, $4  }
0x39d: {  	s13 =	sadd.s32 $0x80, s13;
	v5 =	vld.idx.msk [tilespmem:v5+s6+$0x0], $0xffff  }
0x39e: {  	s1 =	sadd.s32 $0x10, s13;
	v3 =	vld.idx.msk [tilespmem:v4+s6+$0x0], $0xffff  }
0x39f: {  	v12 =	vadd.s32 s13, v1;
	v13 =	vadd.s32 s1, v1;
	s1 =	sadd.s32 $0x20, s13;
	v4 =	vld.idx.msk [tilespmem:v6+s6+$0x0], $0xffff  }
0x3a0: {  	s9 =	sadd.s32 $0x30, s13;
	s17 =	sadd.s32 $0x100, s17;
	vm3 =	vlt.s32 v10, v12;
	vm4 =	vlt.s32 v9, v13;
	v9 =	vadd.s32 s1, v1;
	v6 =	vld.idx.msk [tilespmem:v11+s6+$0x0], $0xffff  }
.LBB2_47:
0x3a1: {  	vm3 =	vmor vm3, vm4;
	vm10 =	vlt.s32 v8, v9;
	v61 =	vadd.s32 s9, v1;
	s1 =	sadd.s32 $0x40, s13  }
0x3a2: {  	s21 =	sadd.s32 $0x50, s13;
	vm3 =	vmor vm3, vm10;
	vm11 =	vlt.s32 v7, v61;
	v62 =	vadd.s32 s1, v1  }
0x3a3: {  	s23 =	sadd.s32 $0x60, s13;
	v63 =	vadd.s32 s21, v1;
	vm3 =	vmor vm3, vm11;
	vm12 =	vlt.s32 v5, v62  }
0x3a4: {  	s29 =	sadd.s32 $0x70, s13;
	vm13 =	vlt.s32 v3, v63;
	v3 =	vadd.s32 s23, v1;
	vm3 =	vmor vm3, vm12  }
0x3a5: {  	vm14 =	vlt.s32 v4, v3;
	v3 =	vadd.s32 s29, v1;
	vm3 =	vmor vm3, vm13  }
0x3a6: {  	vm15 =	vlt.s32 v6, v3;
	vm3 =	vmor vm3, vm14  }
0x3a7: {  	vm3 =	vmor vm3, vm15  }
0x3a8: {  	vm2 =	vmor vm2, vm3  }
0x3a9: {  	v3 =	vsel vm2, $0x3F800000, v2  }
0x3aa: {  	(xrf0) =	vmax.scan.msk.f32 $0xffff, v3;
	_ =	sdelay $0x5  }
0x3ab: {  	v3, _, _ =	vpop (xrf0)  }
0x3ac: {  	(v2sf) =	vpush v3, $0xF;
	_ =	sdelay $0xe  }
0x3ad: {  	s30 =	spop (v2sf)  }
0x3ae: {  	p0 =	sgt.f32 s30, $0.0e+00  }
.Ltmp28:
0x3af: {  	_ = 	snop;
	(pc) =	sbr.rel @!p0 .LBB2_51-.Ltmp28, $2  }
0x3b0: {  	_ =	sdelay $0x2  }
0x3b1: {  	s13 =	simm.s32 $0x0;
	s23 =	simm.s32 $0x1BE00  }
0x3b2: {  	s1 =	sand.u32 $0x70, s13;
	s7 =	sand.u32 $0xF00, s13  }
0x3b3: {  	s1 =	sor.u32 s1, s7  }
0x3b4: {  	v3 =	vld [tilespmem:s1+$0x18780];
	_ =	sdelay $0x4  }
0x3b5: {  	(xrf1) =	vunique.msk.u32 $0xffff, v3;
	_ =	sdelay $0x8  }
0x3b6: {  	v5 =	vld.idx.msk [tilespmem:v3+s6+$0x0], $0xffff;
	_ =	sdelay $0x2  }
0x3b7: {  	s30 =	simm.s32 $0x2801  }
0x3b8: {  	v4 =	vadd.s32 s30, v1  }
0x3b9: {  	vm2 =	vlt.s32 v5, v4;
	_, v5, vm3 =	vpop (xrf1)  }
0x3ba: {  	vm2 =	vmand vm3, vm2;
	_ =	sdelay $0x3  }
0x3bb: {  	s15 =	simm.s32 $0x10;
	s17 =	simm.s32 $0x20  }
0x3bc: {  	s19 =	simm.s32 $0x20;
	s9 =	sand.u32 $0x70, s15;
	s21 =	sand.u32 $0xF00, s17  }
.LBB2_49:
0x3bd: {  	p0 =	sne.s32 s19, $0x7F0;
	s1 =	sor.u32 s9, s21;
	[tilespmem:v3+s6+$0x0] =	vst.idx.msk vm2, v4  }
0x3be: {  	v3 =	vld [tilespmem:s1+$0x18780];
	_ =	sdelay $0x4  }
0x3bf: {  	(xrf1) =	vunique.msk.u32 $0xffff, v3;
	_ =	sdelay $0x7  }
0x3c0: {  	v5 =	vld.idx.msk [tilespmem:v3+s6+$0x0], $0xffff;
	_ =	sdelay $0x3  }
0x3c1: {  	s1 =	sadd.s32 $0x2801, s15;
	s15 =	smov.u32 s19  }
0x3c2: {  	v4 =	vadd.s32 s1, v1  }
0x3c3: {  	vm2 =	vlt.s32 v5, v4;
	_, v5, vm3 =	vpop (xrf1)  }
0x3c4: {  	vm2 =	vmand vm3, vm2  }
.Ltmp29:
0x3c5: {  	(pc) =	sbr.rel @p0 .LBB2_49-.Ltmp29, $3  }
0x3c6: {  	_ =	sdelay $0x1  }
0x3c7: {  	s17 =	sadd.s32 $0x20, s17  }
0x3c8: {  	s21 =	sand.u32 $0xF00, s17;
	s19 =	sadd.s32 $0x10, s19;
	s9 =	sand.u32 $0x70, s15  }
0x3c9: {  	_ =	sdelay $0x4  }
0x3ca: {  	s1 =	sor.u32 s9, s21;
	[tilespmem:v3+s6+$0x0] =	vst.idx.msk vm2, v4  }
0x3cb: {  	v3 =	vld [tilespmem:s1+$0x18780];
	_ =	sdelay $0x4  }
0x3cc: {  	(xrf1) =	vunique.msk.u32 $0xffff, v3;
	_ =	sdelay $0x8  }
0x3cd: {  	v4 =	vld.idx.msk [tilespmem:v3+s6+$0x0], $0xffff;
	_ =	sdelay $0x2  }
0x3ce: {  	s30 =	sadd.s32 $0x2801, s15  }
0x3cf: {  	v5 =	vadd.s32 s30, v1  }
0x3d0: {  	vm2 =	vlt.s32 v4, v5;
	_, v63, vm3 =	vpop (xrf1)  }
0x3d1: {  	vm2 =	vmand vm3, vm2;
	_ =	sdelay $0x5  }
0x3d2: {  	[tilespmem:v3+s6+$0x0] =	vst.idx.msk vm2, v5  }
.LBB2_51:
0x3d3: {  	_ =	swait.ge [sflag:s2], $0x2000  }
0x3d4: {  	[sflag:s2] =	ssyncset.done $0x0  }
0x3d5: {  	[sflag:s2] =	ssyncadd.s32 $0xFFFFE000  }
0x3d6: {  	s7 =	simm.s32 $0x198C0;
	s1 =	rddreg [dreg:$0x0]  }
0x3d7: {  	[tilespmem:s23], [sflag:$0x2] =	stream.indirect.gather [hbm4b:s1+s25], $0x80, s7, s25, $0xb8;
	[tilespmem:$0x1DE00] =	vst v63  }
0x3d8: {  	_ =	swait.ge [sflag:s26], $0x2000  }
0x3d9: {  	[sflag:s26] =	ssyncset.done $0x0  }
0x3da: {  	s19 =	rddreg [dreg:$0xe];
	[sflag:s26] =	ssyncadd.s32 $0xFFFFE000  }
0x3db: {  	[hbm4b:s19+s13] =	stream.linear.scatter [tilespmem:s24], [sflag:$0x3], $0x2000, $0x38;
	[tilespmem:$0x1DE00] =	vst v63  }
0x3dc: {  	_ =	swait.ge [sflag:s28], $0x800  }
0x3dd: {  	[sflag:s28] =	ssyncset.done $0x0  }
0x3de: {  	s21 =	simm.s32 $0x18780;
	[sflag:s28] =	ssyncadd.s32 $0xFFFFF800  }
0x3df: {  	[tilespmem:s21], [sflag:$0x6] =	stream.linear.gather [hbm4b:s22+s13], $0x80, $0x38;
	[tilespmem:$0x1DE00] =	vst v63  }
0x3e0: {  	s29 =	sadd.s32 $0x10, s22;
	s30 =	simm.s32 $0x18880  }
0x3e1: {  	[tilespmem:s30], [sflag:$0x6] =	stream.linear.gather [hbm4b:s29+s13], $0x80, $0x38;
	[tilespmem:$0x1DE00] =	vst v63  }
0x3e2: {  	s9 =	simm.s32 $0x18980;
	s7 =	sadd.s32 $0x20, s22  }
0x3e3: {  	[tilespmem:s9], [sflag:$0x6] =	stream.linear.gather [hbm4b:s7+s13], $0x80, $0x38;
	[tilespmem:$0x1DE00] =	vst v63  }
0x3e4: {  	s15 =	sadd.s32 $0x30, s22;
	s17 =	simm.s32 $0x18A80  }
0x3e5: {  	[tilespmem:s17], [sflag:$0x6] =	stream.linear.gather [hbm4b:s15+s13], $0x80, $0x38;
	[tilespmem:$0x1DE00] =	vst v63  }
0x3e6: {  	s19 =	sadd.s32 $0x40, s22;
	s21 =	simm.s32 $0x18B80  }
0x3e7: {  	[tilespmem:s21], [sflag:$0x6] =	stream.linear.gather [hbm4b:s19+s13], $0x80, $0x38;
	[tilespmem:$0x1DE00] =	vst v63  }
0x3e8: {  	s29 =	sadd.s32 $0x50, s22;
	s30 =	simm.s32 $0x18C80  }
0x3e9: {  	[tilespmem:s30], [sflag:$0x6] =	stream.linear.gather [hbm4b:s29+s13], $0x80, $0x38;
	[tilespmem:$0x1DE00] =	vst v63  }
0x3ea: {  	s7 =	sadd.s32 $0x60, s22;
	s9 =	simm.s32 $0x18D80  }
0x3eb: {  	[tilespmem:s9], [sflag:$0x6] =	stream.linear.gather [hbm4b:s7+s13], $0x80, $0x38;
	[tilespmem:$0x1DE00] =	vst v63  }
0x3ec: {  	s15 =	sadd.s32 $0x70, s22;
	s17 =	simm.s32 $0x18E80  }
0x3ed: {  	[tilespmem:s17], [sflag:$0x6] =	stream.linear.gather [hbm4b:s15+s13], $0x80, $0x38;
	[tilespmem:$0x1DE00] =	vst v63  }
0x3ee: {  	s19 =	sadd.s32 $0x80, s22;
	s21 =	simm.s32 $0x18F80  }
0x3ef: {  	[tilespmem:s21], [sflag:$0x6] =	stream.linear.gather [hbm4b:s19+s13], $0x80, $0x38;
	[tilespmem:$0x1DE00] =	vst v63  }
0x3f0: {  	s29 =	sadd.s32 $0x90, s22;
	s30 =	simm.s32 $0x19080  }
0x3f1: {  	[tilespmem:s30], [sflag:$0x6] =	stream.linear.gather [hbm4b:s29+s13], $0x80, $0x38;
	[tilespmem:$0x1DE00] =	vst v63  }
0x3f2: {  	s7 =	sadd.s32 $0xA0, s22;
	s9 =	simm.s32 $0x19180  }
0x3f3: {  	[tilespmem:s9], [sflag:$0x6] =	stream.linear.gather [hbm4b:s7+s13], $0x80, $0x38;
	[tilespmem:$0x1DE00] =	vst v63  }
0x3f4: {  	s15 =	sadd.s32 $0xB0, s22;
	s17 =	simm.s32 $0x19280  }
0x3f5: {  	[tilespmem:s17], [sflag:$0x6] =	stream.linear.gather [hbm4b:s15+s13], $0x80, $0x38;
	[tilespmem:$0x1DE00] =	vst v63  }
0x3f6: {  	s19 =	sadd.s32 $0xC0, s22;
	s21 =	simm.s32 $0x19380;
	s29 =	sadd.s32 $0xD0, s22  }
0x3f7: {  	[tilespmem:s21], [sflag:$0x6] =	stream.linear.gather [hbm4b:s19+s13], $0x80, $0x38;
	[tilespmem:$0x1DE00] =	vst v63  }
0x3f8: {  	s30 =	simm.s32 $0x19480;
	s9 =	sadd.s32 $0xE0, s22;
	s21 =	simm.s32 $0x0  }
0x3f9: {  	[tilespmem:s30], [sflag:$0x6] =	stream.linear.gather [hbm4b:s29+s13], $0x80, $0x38;
	[tilespmem:$0x1DE00] =	vst v63  }
0x3fa: {  	s15 =	simm.s32 $0x19580;
	s1 =	sand.u32 $0x40, s21;
	s29 =	sand.u32 $0xF00, s13  }
0x3fb: {  	[tilespmem:s15], [sflag:$0x6] =	stream.linear.gather [hbm4b:s9+s13], $0x80, $0x38;
	[tilespmem:$0x1DE00] =	vst v63  }
0x3fc: {  	s17 =	sadd.s32 $0xF0, s22;
	s19 =	simm.s32 $0x19680;
	s1 =	sor.u32 s1, s29  }
0x3fd: {  	[tilespmem:s19], [sflag:$0x6] =	stream.linear.gather [hbm4b:s17+s13], $0x80, $0x38;
	[tilespmem:$0x1DE00] =	vst v63  }
0x3fe: {  	s7 =	sadd.s32 $0x18700, s1;
	v6 =	vld [tilespmem:s1+$0x18700]  }
0x3ff: {  	v3 =	vld [tilespmem:s7+$0x30]  }
0x400: {  	v5 =	vld [tilespmem:s7+$0x10]  }
0x401: {  	s30 =	simm.s32 $0x3001;
	s9 =	simm.s32 $0x3011;
	s15 =	simm.s32 $0x3021;
	v9 =	vld [tilespmem:s7+$0x20]  }
0x402: {  	v4 =	vadd.s32 s30, v1;
	v7 =	vadd.s32 s9, v1;
	v8 =	vadd.s32 s15, v1;
	s9 =	simm.s32 $0x0;
	s19 =	simm.s32 $0x3031;
	s17 =	simm.s32 $0x3071  }
.LBB2_52:
0x403: {  	s1 =	sadd.s32 $0xFFFFCFCF, s17;
	s9 =	sadd.s32 $0x4, s9;
	s13 =	sadd.s32 $0x80, s13;
	v10 =	vmov v6  }
0x404: {  	s1 =	sand.u32 $0x40, s1;
	s7 =	sand.u32 $0xF00, s13;
	p0 =	slt.u32 s9, $0x7C  }
0x405: {  	s15 =	sadd.s32 $0xFFFFFFE0, s17;
	s1 =	sor.u32 s1, s7;
	s7 =	sadd.s32 $0xFFFFFFD0, s17  }
.Ltmp30:
0x406: {  	v13 =	vadd.s32 s19, v1;
	v12 =	vadd.s32 s15, v1;
	s21 =	sadd.s32 $0x18700, s1;
	v6 =	vld [tilespmem:s1+$0x18700];
	v11 =	vadd.s32 s7, v1;
	s1 =	sadd.s32 $0xFFFFFFF0, s17;
	(pc) =	sbr.rel @p0 .LBB2_52-.Ltmp30, $4  }
0x407: {  	s15 =	simm.s32 $0x3001;
	v14 =	vadd.s32 s1, v1;
	[tilespmem:v3+s6+$0x0] =	vst.idx.msk $0xffff, v13;
	v3 =	vld [tilespmem:s21+$0x30]  }
0x408: {  	s19 =	smov.u32 s17;
	[tilespmem:v5+s6+$0x0] =	vst.idx.msk $0xffff, v7;
	v5 =	vld [tilespmem:s21+$0x10];
	v7 =	vmov v12  }
0x409: {  	[tilespmem:v9+s6+$0x0] =	vst.idx.msk $0xffff, v8;
	v9 =	vld [tilespmem:s21+$0x20];
	v8 =	vmov v14  }
0x40a: {  	s17 =	sadd.s32 $0x40, s17;
	[tilespmem:v10+s6+$0x0] =	vst.idx.msk $0xffff, v4;
	v4 =	vmov v11  }
0x40b: {  	_ =	sdelay $0x3  }
0x40c: {  	v10 =	vadd.s32 s19, v1;
	[tilespmem:v6+s6+$0x0] =	vst.idx.msk $0xffff, v4  }
0x40d: {  	[tilespmem:v3+s6+$0x0] =	vst.idx.msk $0xffff, v10  }
0x40e: {  	[tilespmem:v5+s6+$0x0] =	vst.idx.msk $0xffff, v7  }
0x40f: {  	s1 =	simm.s32 $0x18740;
	[tilespmem:v9+s6+$0x0] =	vst.idx.msk $0xffff, v8  }
0x410: {  	v3 =	vld [tilespmem:s1+$0xFFFFFFC0]  }
0x411: {  	v4 =	vld [tilespmem:s1+$0xFFFFFFD0]  }
0x412: {  	v5 =	vld [tilespmem:s1+$0xFFFFFFE0]  }
0x413: {  	v6 =	vld [tilespmem:s1+$0xFFFFFFF0]  }
0x414: {  	v9 =	vld [tilespmem:s1+$0x0]  }
0x415: {  	v10 =	vld [tilespmem:s1+$0x10]  }
0x416: {  	v11 =	vld [tilespmem:s1+$0x20]  }
0x417: {  	v12 =	vld [tilespmem:s1+$0x30]  }
0x418: {  	v13 =	vld.idx.msk [tilespmem:v3+s6+$0x0], $0xffff  }
0x419: {  	v14 =	vld.idx.msk [tilespmem:v4+s6+$0x0], $0xffff  }
0x41a: {  	v8 =	vld.idx.msk [tilespmem:v5+s6+$0x0], $0xffff  }
0x41b: {  	v7 =	vld.idx.msk [tilespmem:v6+s6+$0x0], $0xffff  }
0x41c: {  	v6 =	vld.idx.msk [tilespmem:v9+s6+$0x0], $0xffff  }
0x41d: {  	s29 =	simm.s32 $0x3011;
	v4 =	vld.idx.msk [tilespmem:v10+s6+$0x0], $0xffff  }
0x41e: {  	s30 =	simm.s32 $0x3021;
	vm2 =	vmmov vm0;
	v5 =	vadd.s32 s15, v1;
	v9 =	vadd.s32 s29, v1;
	v3 =	vld.idx.msk [tilespmem:v11+s6+$0x0], $0xffff  }
0x41f: {  	s13 =	simm.s32 $0x0;
	s9 =	simm.s32 $0x3031;
	s17 =	simm.s32 $0x18840;
	vm3 =	vlt.s32 v13, v5;
	vm4 =	vlt.s32 v14, v9;
	v9 =	vadd.s32 s30, v1;
	v5 =	vld.idx.msk [tilespmem:v12+s6+$0x0], $0xffff  }
.LBB2_54:
0x420: {  	v10 =	vld [tilespmem:s17+$0xFFFFFFC0];
	vm3 =	vmor vm3, vm4;
	vm4 =	vlt.s32 v8, v9;
	v8 =	vadd.s32 s9, v1;
	s1 =	sadd.s32 $0x40, s15  }
0x421: {  	s13 =	sadd.s32 $0x8, s13;
	v9 =	vld [tilespmem:s17+$0xFFFFFFD0];
	vm3 =	vmor vm3, vm4;
	vm4 =	vlt.s32 v7, v8;
	v7 =	vadd.s32 s1, v1;
	s1 =	sadd.s32 $0x50, s15  }
0x422: {  	p0 =	slt.u32 s13, $0x78;
	v8 =	vld [tilespmem:s17+$0xFFFFFFE0];
	vm3 =	vmor vm3, vm4;
	vm4 =	vlt.s32 v6, v7;
	v6 =	vadd.s32 s1, v1;
	s1 =	sadd.s32 $0x60, s15  }
0x423: {  	v7 =	vld [tilespmem:s17+$0xFFFFFFF0];
	vm3 =	vmor vm3, vm4;
	vm4 =	vlt.s32 v4, v6;
	v4 =	vadd.s32 s1, v1;
	s1 =	sadd.s32 $0x70, s15  }
0x424: {  	v6 =	vld [tilespmem:s17+$0x0];
	vm3 =	vmor vm3, vm4;
	vm4 =	vlt.s32 v3, v4;
	v3 =	vadd.s32 s1, v1  }
0x425: {  	v4 =	vld [tilespmem:s17+$0x10];
	vm3 =	vmor vm3, vm4;
	vm4 =	vlt.s32 v5, v3  }
0x426: {  	v3 =	vld [tilespmem:s17+$0x20];
	vm3 =	vmor vm3, vm4  }
0x427: {  	v5 =	vld [tilespmem:s17+$0x30];
	vm2 =	vmor vm2, vm3  }
0x428: {  	v10 =	vld.idx.msk [tilespmem:v10+s6+$0x0], $0xffff  }
0x429: {  	v9 =	vld.idx.msk [tilespmem:v9+s6+$0x0], $0xffff  }
0x42a: {  	v8 =	vld.idx.msk [tilespmem:v8+s6+$0x0], $0xffff  }
.Ltmp31:
0x42b: {  	v7 =	vld.idx.msk [tilespmem:v7+s6+$0x0], $0xffff;
	(pc) =	sbr.rel @p0 .LBB2_54-.Ltmp31, $4  }
0x42c: {  	s15 =	sadd.s32 $0x80, s15;
	v6 =	vld.idx.msk [tilespmem:v6+s6+$0x0], $0xffff  }
0x42d: {  	s1 =	sadd.s32 $0x10, s15;
	v4 =	vld.idx.msk [tilespmem:v4+s6+$0x0], $0xffff  }
0x42e: {  	v11 =	vadd.s32 s15, v1;
	v12 =	vadd.s32 s1, v1;
	s1 =	sadd.s32 $0x20, s15;
	v3 =	vld.idx.msk [tilespmem:v3+s6+$0x0], $0xffff  }
0x42f: {  	s9 =	sadd.s32 $0x30, s15;
	s17 =	sadd.s32 $0x100, s17;
	vm3 =	vlt.s32 v10, v11;
	vm4 =	vlt.s32 v9, v12;
	v9 =	vadd.s32 s1, v1;
	v5 =	vld.idx.msk [tilespmem:v5+s6+$0x0], $0xffff  }
0x430: {  	vm3 =	vmor vm3, vm4;
	vm10 =	vlt.s32 v8, v9;
	v60 =	vadd.s32 s9, v1;
	s1 =	sadd.s32 $0x40, s15  }
0x431: {  	s19 =	sadd.s32 $0x50, s15;
	vm3 =	vmor vm3, vm10;
	vm11 =	vlt.s32 v7, v60;
	v61 =	vadd.s32 s1, v1  }
0x432: {  	s21 =	sadd.s32 $0x60, s15;
	v62 =	vadd.s32 s19, v1;
	vm3 =	vmor vm3, vm11;
	vm12 =	vlt.s32 v6, v61  }
0x433: {  	s29 =	sadd.s32 $0x70, s15;
	v63 =	vadd.s32 s21, v1;
	vm13 =	vlt.s32 v4, v62;
	vm3 =	vmor vm3, vm12  }
0x434: {  	vm14 =	vlt.s32 v3, v63;
	v3 =	vadd.s32 s29, v1;
	vm3 =	vmor vm3, vm13  }
0x435: {  	vm15 =	vlt.s32 v5, v3;
	vm3 =	vmor vm3, vm14  }
0x436: {  	vm3 =	vmor vm3, vm15  }
0x437: {  	vm2 =	vmor vm2, vm3  }
0x438: {  	v3 =	vsel vm2, $0x3F800000, v2  }
0x439: {  	(xrf0) =	vmax.scan.msk.f32 $0xffff, v3;
	_ =	sdelay $0x5  }
0x43a: {  	v3, _, _ =	vpop (xrf0)  }
0x43b: {  	(v2sf) =	vpush v3, $0xF;
	_ =	sdelay $0xe  }
0x43c: {  	s30 =	spop (v2sf)  }
0x43d: {  	p0 =	sgt.f32 s30, $0.0e+00  }
.Ltmp32:
0x43e: {  	_ = 	snop;
	(pc) =	sbr.rel @!p0 .LBB2_59-.Ltmp32, $2  }
0x43f: {  	_ =	sdelay $0x2  }
0x440: {  	s13 =	simm.s32 $0x0  }
0x441: {  	s1 =	sand.u32 $0x70, s13;
	s7 =	sand.u32 $0xF00, s13  }
0x442: {  	s1 =	sor.u32 s1, s7  }
0x443: {  	v3 =	vld [tilespmem:s1+$0x18700];
	_ =	sdelay $0x4  }
0x444: {  	(xrf1) =	vunique.msk.u32 $0xffff, v3;
	_ =	sdelay $0x8  }
0x445: {  	v5 =	vld.idx.msk [tilespmem:v3+s6+$0x0], $0xffff;
	_ =	sdelay $0x2  }
0x446: {  	s30 =	simm.s32 $0x3001  }
0x447: {  	v4 =	vadd.s32 s30, v1  }
0x448: {  	vm2 =	vlt.s32 v5, v4;
	_, v5, vm3 =	vpop (xrf1)  }
0x449: {  	vm2 =	vmand vm3, vm2;
	_ =	sdelay $0x3  }
0x44a: {  	s15 =	simm.s32 $0x10;
	s17 =	simm.s32 $0x20  }
0x44b: {  	s19 =	simm.s32 $0x20;
	s9 =	sand.u32 $0x70, s15;
	s21 =	sand.u32 $0xF00, s17  }
.LBB2_57:
0x44c: {  	p0 =	sne.s32 s19, $0x7F0;
	s1 =	sor.u32 s9, s21;
	[tilespmem:v3+s6+$0x0] =	vst.idx.msk vm2, v4  }
0x44d: {  	v3 =	vld [tilespmem:s1+$0x18700];
	_ =	sdelay $0x4  }
0x44e: {  	(xrf1) =	vunique.msk.u32 $0xffff, v3;
	_ =	sdelay $0x7  }
0x44f: {  	v5 =	vld.idx.msk [tilespmem:v3+s6+$0x0], $0xffff;
	_ =	sdelay $0x3  }
0x450: {  	s1 =	sadd.s32 $0x3001, s15;
	s15 =	smov.u32 s19  }
0x451: {  	v4 =	vadd.s32 s1, v1  }
0x452: {  	vm2 =	vlt.s32 v5, v4;
	_, v5, vm3 =	vpop (xrf1)  }
0x453: {  	vm2 =	vmand vm3, vm2  }
.Ltmp33:
0x454: {  	(pc) =	sbr.rel @p0 .LBB2_57-.Ltmp33, $3  }
0x455: {  	_ =	sdelay $0x1  }
0x456: {  	s17 =	sadd.s32 $0x20, s17  }
0x457: {  	s21 =	sand.u32 $0xF00, s17;
	s19 =	sadd.s32 $0x10, s19;
	s9 =	sand.u32 $0x70, s15  }
0x458: {  	_ =	sdelay $0x4  }
0x459: {  	s1 =	sor.u32 s9, s21;
	[tilespmem:v3+s6+$0x0] =	vst.idx.msk vm2, v4  }
0x45a: {  	v3 =	vld [tilespmem:s1+$0x18700];
	_ =	sdelay $0x4  }
0x45b: {  	(xrf1) =	vunique.msk.u32 $0xffff, v3;
	_ =	sdelay $0x8  }
0x45c: {  	v4 =	vld.idx.msk [tilespmem:v3+s6+$0x0], $0xffff;
	_ =	sdelay $0x2  }
0x45d: {  	s30 =	sadd.s32 $0x3001, s15  }
0x45e: {  	v5 =	vadd.s32 s30, v1  }
0x45f: {  	vm2 =	vlt.s32 v4, v5;
	_, v63, vm3 =	vpop (xrf1)  }
0x460: {  	vm2 =	vmand vm3, vm2;
	_ =	sdelay $0x5  }
0x461: {  	[tilespmem:v3+s6+$0x0] =	vst.idx.msk vm2, v5  }
.LBB2_59:
0x462: {  	_ =	swait.ge [sflag:s0], $0x2000  }
0x463: {  	[sflag:s0] =	ssyncset.done $0x0  }
0x464: {  	s1 =	rddreg [dreg:$0xf];
	[sflag:s0] =	ssyncadd.s32 $0xFFFFE000  }
0x465: {  	[hbm4b:s1+s13] =	stream.linear.scatter [tilespmem:s23], [sflag:$0x4], $0x2000, $0x38;
	[tilespmem:$0x1DE00] =	vst v63  }
0x466: {  	p0 =	por $0x0, $0x0;
	s1 =	simm.s32 $0x1  }
0x467: {  	s1 =	simm.s32 @!p0 $0x0  }
0x468: {  	_ =	swait.ge [sflag:s5], $0x800;
	s1 =	sshll.u32 s1, $0x6  }
0x469: {  	[sflag:s5] =	ssyncset.done $0x0;
	s1 =	sadd.s32 $0x0, s1  }
0x46a: {  	[sflag:s5] =	ssyncadd.s32 $0xFFFFF800;
	s7 =	sor.u32 $0x80, s1  }
0x46b: {  	s17 =	sor.u32 $0xA0, s1;
	v3 =	vld [tilespmem:s7+$0x18700]  }
0x46c: {  	s19 =	sor.u32 $0x90, s1;
	v4 =	vld [tilespmem:s17+$0x18700]  }
0x46d: {  	s9 =	simm.s32 $0x1;
	p0 =	por !p0, !p0;
	s1 =	sor.u32 $0xB0, s1;
	v5 =	vld [tilespmem:s19+$0x18700]  }
0x46e: {  	s9 =	simm.s32 @!p0 $0x0;
	v6 =	vld [tilespmem:s1+$0x18700]  }
0x46f: {  	s15 =	simm.s32 $0x4;
	s21 =	simm.s32 $0x3821;
	s9 =	sshll.u32 s9, $0x6  }
0x470: {  	s13 =	simm.s32 $0x3831;
	s23 =	simm.s32 $0x3811;
	s9 =	sadd.s32 $0x80, s9  }
0x471: {  	s17 =	simm.s32 $0x80;
	s19 =	simm.s32 $0x3801;
	s29 =	sor.u32 $0x80, s9  }
0x472: {  	v7 =	vadd.s32 s21, v1;
	v8 =	vadd.s32 s23, v1;
	s21 =	sor.u32 $0x90, s9;
	s30 =	sor.u32 $0xA0, s9;
	v9 =	vadd.s32 s19, v1;
	s19 =	simm.s32 $0x3831  }
.LBB2_60:
0x473: {  	s15 =	sadd.s32 $0x4, s15;
	s1 =	sor.u32 $0xB0, s9;
	[tilespmem:v3+s6+$0x0] =	vst.idx.msk $0xffff, v9;
	v3 =	vld [tilespmem:s29+$0x18700];
	s13 =	sadd.s32 $0x40, s13  }
0x474: {  	p1 =	slt.u32 s15, $0x7C;
	[tilespmem:v4+s6+$0x0] =	vst.idx.msk $0xffff, v7;
	v4 =	vld [tilespmem:s30+$0x18700];
	v7 =	vadd.s32 s19, v1;
	s19 =	smov.u32 s13  }
0x475: {  	[tilespmem:v5+s6+$0x0] =	vst.idx.msk $0xffff, v8;
	v5 =	vld [tilespmem:s21+$0x18700]  }
.Ltmp34:
0x476: {  	p0 =	por !p0, !p0;
	[tilespmem:v6+s6+$0x0] =	vst.idx.msk $0xffff, v7;
	v6 =	vld [tilespmem:s1+$0x18700];
	s1 =	simm.s32 $0x1;
	(pc) =	sbr.rel @p1 .LBB2_60-.Ltmp34, $4  }
0x477: {  	s1 =	simm.s32 @!p0 $0x0  }
0x478: {  	s17 =	sadd.s32 $0x80, s17;
	s7 =	sadd.s32 $0xFFFFFFF0, s13;
	s1 =	sshll.u32 s1, $0x6  }
0x479: {  	s23 =	sadd.s32 $0xFFFFFFE0, s13;
	v7 =	vadd.s32 s7, v1;
	s9 =	sadd.s32 s1, s17;
	s1 =	sadd.s32 $0xFFFFFFD0, s13  }
0x47a: {  	v8 =	vadd.s32 s23, v1;
	s29 =	sor.u32 $0x80, s9;
	s21 =	sor.u32 $0x90, s9;
	s30 =	sor.u32 $0xA0, s9;
	v9 =	vadd.s32 s1, v1  }
0x47b: {  	v10 =	vld [tilespmem:s29+$0x18700]  }
0x47c: {  	v11 =	vld [tilespmem:s30+$0x18700]  }
0x47d: {  	s1 =	sor.u32 $0xB0, s9;
	v12 =	vld [tilespmem:s21+$0x18700]  }
0x47e: {  	v13 =	vld [tilespmem:s1+$0x18700]  }
0x47f: {  	[tilespmem:v3+s6+$0x0] =	vst.idx.msk $0xffff, v9  }
0x480: {  	s17 =	sadd.s32 $0x40, s13;
	[tilespmem:v4+s6+$0x0] =	vst.idx.msk $0xffff, v7  }
0x481: {  	v3 =	vadd.s32 s19, v1;
	[tilespmem:v5+s6+$0x0] =	vst.idx.msk $0xffff, v8;
	s7 =	sadd.s32 $0xFFFFFFD0, s17  }
0x482: {  	[tilespmem:v6+s6+$0x0] =	vst.idx.msk $0xffff, v3;
	s19 =	sadd.s32 $0xFFFFFFF0, s17;
	v3 =	vadd.s32 s7, v1  }
0x483: {  	s21 =	sadd.s32 $0xFFFFFFE0, s17;
	v4 =	vadd.s32 s19, v1;
	[tilespmem:v10+s6+$0x0] =	vst.idx.msk $0xffff, v3  }
0x484: {  	v3 =	vadd.s32 s21, v1;
	[tilespmem:v11+s6+$0x0] =	vst.idx.msk $0xffff, v4  }
0x485: {  	v4 =	vadd.s32 s17, v1;
	[tilespmem:v12+s6+$0x0] =	vst.idx.msk $0xffff, v3  }
0x486: {  	s23 =	simm.s32 $0x187F0;
	[tilespmem:v13+s6+$0x0] =	vst.idx.msk $0xffff, v4  }
0x487: {  	v3 =	vld [tilespmem:s23+$0xFFFFFF90]  }
0x488: {  	v4 =	vld [tilespmem:s23+$0xFFFFFFA0]  }
0x489: {  	v5 =	vld [tilespmem:s23+$0xFFFFFFB0]  }
0x48a: {  	v6 =	vld [tilespmem:s23+$0xFFFFFFC0]  }
0x48b: {  	v9 =	vld [tilespmem:s23+$0xFFFFFFD0]  }
0x48c: {  	v10 =	vld [tilespmem:s23+$0xFFFFFFE0]  }
0x48d: {  	v11 =	vld [tilespmem:s23+$0xFFFFFFF0]  }
0x48e: {  	v12 =	vld [tilespmem:s23+$0x0]  }
0x48f: {  	v13 =	vld.idx.msk [tilespmem:v3+s6+$0x0], $0xffff  }
0x490: {  	v14 =	vld.idx.msk [tilespmem:v4+s6+$0x0], $0xffff  }
0x491: {  	p0 =	por $0x1, $0x1;
	v8 =	vld.idx.msk [tilespmem:v5+s6+$0x0], $0xffff  }
.Ltmp35:
0x492: {  	v7 =	vld.idx.msk [tilespmem:v6+s6+$0x0], $0xffff;
	(pc) =	sbr.rel @!p0 .LBB2_63-.Ltmp35, $4  }
0x493: {  	v5 =	vld.idx.msk [tilespmem:v9+s6+$0x0], $0xffff  }
0x494: {  	s13 =	simm.s32 $0x3801;
	s29 =	simm.s32 $0x3811;
	v3 =	vld.idx.msk [tilespmem:v10+s6+$0x0], $0xffff  }
0x495: {  	s30 =	simm.s32 $0x3821;
	vm2 =	vmmov vm0;
	v6 =	vadd.s32 s13, v1;
	v9 =	vadd.s32 s29, v1;
	v4 =	vld.idx.msk [tilespmem:v11+s6+$0x0], $0xffff  }
0x496: {  	s15 =	simm.s32 $0x0;
	s9 =	simm.s32 $0x3831;
	s17 =	simm.s32 $0x188F0;
	vm3 =	vlt.s32 v13, v6;
	vm4 =	vlt.s32 v14, v9;
	v9 =	vadd.s32 s30, v1;
	v6 =	vld.idx.msk [tilespmem:v12+s6+$0x0], $0xffff  }
.LBB2_62:
0x497: {  	v10 =	vld [tilespmem:s17+$0xFFFFFF90];
	vm3 =	vmor vm3, vm4;
	vm4 =	vlt.s32 v8, v9;
	v8 =	vadd.s32 s9, v1;
	s1 =	sadd.s32 $0x40, s13  }
0x498: {  	s15 =	sadd.s32 $0x8, s15;
	v9 =	vld [tilespmem:s17+$0xFFFFFFA0];
	vm3 =	vmor vm3, vm4;
	vm4 =	vlt.s32 v7, v8;
	v7 =	vadd.s32 s1, v1;
	s1 =	sadd.s32 $0x50, s13  }
0x499: {  	p0 =	slt.u32 s15, $0x78;
	v8 =	vld [tilespmem:s17+$0xFFFFFFB0];
	vm3 =	vmor vm3, vm4;
	vm4 =	vlt.s32 v5, v7;
	v5 =	vadd.s32 s1, v1;
	s1 =	sadd.s32 $0x60, s13  }
0x49a: {  	v7 =	vld [tilespmem:s17+$0xFFFFFFC0];
	vm3 =	vmor vm3, vm4;
	vm4 =	vlt.s32 v3, v5;
	v3 =	vadd.s32 s1, v1;
	s1 =	sadd.s32 $0x70, s13  }
0x49b: {  	v5 =	vld [tilespmem:s17+$0xFFFFFFD0];
	vm3 =	vmor vm3, vm4;
	vm4 =	vlt.s32 v4, v3;
	v3 =	vadd.s32 s1, v1  }
0x49c: {  	v4 =	vld [tilespmem:s17+$0xFFFFFFE0];
	vm3 =	vmor vm3, vm4;
	vm4 =	vlt.s32 v6, v3  }
0x49d: {  	v6 =	vld [tilespmem:s17+$0xFFFFFFF0];
	vm3 =	vmor vm3, vm4  }
0x49e: {  	v11 =	vld [tilespmem:s17+$0x0];
	vm2 =	vmor vm2, vm3  }
0x49f: {  	v10 =	vld.idx.msk [tilespmem:v10+s6+$0x0], $0xffff  }
0x4a0: {  	v9 =	vld.idx.msk [tilespmem:v9+s6+$0x0], $0xffff  }
0x4a1: {  	v8 =	vld.idx.msk [tilespmem:v8+s6+$0x0], $0xffff  }
.Ltmp36:
0x4a2: {  	v7 =	vld.idx.msk [tilespmem:v7+s6+$0x0], $0xffff;
	(pc) =	sbr.rel @p0 .LBB2_62-.Ltmp36, $4  }
0x4a3: {  	s13 =	sadd.s32 $0x80, s13;
	v5 =	vld.idx.msk [tilespmem:v5+s6+$0x0], $0xffff  }
0x4a4: {  	s1 =	sadd.s32 $0x10, s13;
	v3 =	vld.idx.msk [tilespmem:v4+s6+$0x0], $0xffff  }
0x4a5: {  	v12 =	vadd.s32 s13, v1;
	v13 =	vadd.s32 s1, v1;
	s1 =	sadd.s32 $0x20, s13;
	v4 =	vld.idx.msk [tilespmem:v6+s6+$0x0], $0xffff  }
0x4a6: {  	s9 =	sadd.s32 $0x30, s13;
	s17 =	sadd.s32 $0x100, s17;
	vm3 =	vlt.s32 v10, v12;
	vm4 =	vlt.s32 v9, v13;
	v9 =	vadd.s32 s1, v1;
	v6 =	vld.idx.msk [tilespmem:v11+s6+$0x0], $0xffff  }
.LBB2_63:
0x4a7: {  	vm3 =	vmor vm3, vm4;
	vm10 =	vlt.s32 v8, v9;
	v61 =	vadd.s32 s9, v1;
	s1 =	sadd.s32 $0x40, s13  }
0x4a8: {  	s21 =	sadd.s32 $0x50, s13;
	vm3 =	vmor vm3, vm10;
	vm11 =	vlt.s32 v7, v61;
	v62 =	vadd.s32 s1, v1  }
0x4a9: {  	s23 =	sadd.s32 $0x60, s13;
	v63 =	vadd.s32 s21, v1;
	vm3 =	vmor vm3, vm11;
	vm12 =	vlt.s32 v5, v62  }
0x4aa: {  	s29 =	sadd.s32 $0x70, s13;
	vm13 =	vlt.s32 v3, v63;
	v3 =	vadd.s32 s23, v1;
	vm3 =	vmor vm3, vm12  }
0x4ab: {  	vm14 =	vlt.s32 v4, v3;
	v3 =	vadd.s32 s29, v1;
	vm3 =	vmor vm3, vm13  }
0x4ac: {  	vm15 =	vlt.s32 v6, v3;
	vm3 =	vmor vm3, vm14  }
0x4ad: {  	vm3 =	vmor vm3, vm15  }
0x4ae: {  	vm2 =	vmor vm2, vm3  }
0x4af: {  	v3 =	vsel vm2, $0x3F800000, v2  }
0x4b0: {  	(xrf0) =	vmax.scan.msk.f32 $0xffff, v3;
	_ =	sdelay $0x5  }
0x4b1: {  	v3, _, _ =	vpop (xrf0)  }
0x4b2: {  	(v2sf) =	vpush v3, $0xF;
	_ =	sdelay $0xe  }
0x4b3: {  	s30 =	spop (v2sf)  }
0x4b4: {  	p0 =	sgt.f32 s30, $0.0e+00  }
.Ltmp37:
0x4b5: {  	_ = 	snop;
	(pc) =	sbr.rel @!p0 .LBB2_67-.Ltmp37, $2  }
0x4b6: {  	_ =	sdelay $0x2  }
0x4b7: {  	s13 =	simm.s32 $0x0  }
0x4b8: {  	s1 =	sand.u32 $0x70, s13;
	s7 =	sand.u32 $0xF00, s13  }
0x4b9: {  	s1 =	sor.u32 s1, s7  }
0x4ba: {  	v3 =	vld [tilespmem:s1+$0x18780];
	_ =	sdelay $0x4  }
0x4bb: {  	(xrf1) =	vunique.msk.u32 $0xffff, v3;
	_ =	sdelay $0x8  }
0x4bc: {  	v5 =	vld.idx.msk [tilespmem:v3+s6+$0x0], $0xffff;
	_ =	sdelay $0x2  }
0x4bd: {  	s30 =	simm.s32 $0x3801  }
0x4be: {  	v4 =	vadd.s32 s30, v1  }
0x4bf: {  	vm2 =	vlt.s32 v5, v4;
	_, v5, vm3 =	vpop (xrf1)  }
0x4c0: {  	vm2 =	vmand vm3, vm2;
	_ =	sdelay $0x3  }
0x4c1: {  	s15 =	simm.s32 $0x10;
	s17 =	simm.s32 $0x20  }
0x4c2: {  	s19 =	simm.s32 $0x20;
	s9 =	sand.u32 $0x70, s15;
	s21 =	sand.u32 $0xF00, s17  }
.LBB2_65:
0x4c3: {  	p0 =	sne.s32 s19, $0x7F0;
	s1 =	sor.u32 s9, s21;
	[tilespmem:v3+s6+$0x0] =	vst.idx.msk vm2, v4  }
0x4c4: {  	v3 =	vld [tilespmem:s1+$0x18780];
	_ =	sdelay $0x4  }
0x4c5: {  	(xrf1) =	vunique.msk.u32 $0xffff, v3;
	_ =	sdelay $0x7  }
0x4c6: {  	v5 =	vld.idx.msk [tilespmem:v3+s6+$0x0], $0xffff;
	_ =	sdelay $0x3  }
0x4c7: {  	s1 =	sadd.s32 $0x3801, s15;
	s15 =	smov.u32 s19  }
0x4c8: {  	v4 =	vadd.s32 s1, v1  }
0x4c9: {  	vm2 =	vlt.s32 v5, v4;
	_, v5, vm3 =	vpop (xrf1)  }
0x4ca: {  	vm2 =	vmand vm3, vm2  }
.Ltmp38:
0x4cb: {  	(pc) =	sbr.rel @p0 .LBB2_65-.Ltmp38, $3  }
0x4cc: {  	_ =	sdelay $0x1  }
0x4cd: {  	s17 =	sadd.s32 $0x20, s17  }
0x4ce: {  	s21 =	sand.u32 $0xF00, s17;
	s19 =	sadd.s32 $0x10, s19;
	s9 =	sand.u32 $0x70, s15  }
0x4cf: {  	_ =	sdelay $0x4  }
0x4d0: {  	s1 =	sor.u32 s9, s21;
	[tilespmem:v3+s6+$0x0] =	vst.idx.msk vm2, v4  }
0x4d1: {  	v3 =	vld [tilespmem:s1+$0x18780];
	_ =	sdelay $0x4  }
0x4d2: {  	(xrf1) =	vunique.msk.u32 $0xffff, v3;
	_ =	sdelay $0x8  }
0x4d3: {  	v4 =	vld.idx.msk [tilespmem:v3+s6+$0x0], $0xffff;
	_ =	sdelay $0x2  }
0x4d4: {  	s30 =	sadd.s32 $0x3801, s15  }
0x4d5: {  	v5 =	vadd.s32 s30, v1  }
0x4d6: {  	vm2 =	vlt.s32 v4, v5;
	_, v63, vm3 =	vpop (xrf1)  }
0x4d7: {  	vm2 =	vmand vm3, vm2;
	_ =	sdelay $0x5  }
0x4d8: {  	[tilespmem:v3+s6+$0x0] =	vst.idx.msk vm2, v5  }
.LBB2_67:
0x4d9: {  	s1 =	simm.s32 $0x0  }
0x4da: {  	v3 =	vld [tilespmem:s1+$0x19700];
	_ =	sdelay $0x7  }
0x4db: {  	v3 =	vld.idx.msk [tilespmem:v3+s6+$0x0], $0xffff;
	_ =	sdelay $0x4  }
0x4dc: {  	vm2 =	vgt.s32 v3, $0x0  }
0x4dd: {  	v5 =	vsel vm2, $0x1, v0  }
0x4de: {  	(xrf0) =	vadd.scan.msk.s32 $0xffff, v5  }
0x4df: {  	s15 =	rddreg [dreg:$0x6]  }
0x4e0: {  	v4 =	vor.u32 s15, v1  }
0x4e1: {  	v3 =	vadd.s32 $0xFFFFFFFF, v3;
	[tilespmem:s13+$0x19900] =	vst.msk vm2, v4  }
0x4e2: {  	s17 =	simm.s32 $0x10;
	s9 =	simm.s32 $0x80;
	[tilespmem:s13+$0x19B80] =	vst.msk vm2, v3  }
.LBB2_68:
0x4e3: {  	p0 =	sne.s32 s9, $0x7C0;
	v3 =	vld [tilespmem:s17+$0x19700]  }
0x4e4: {  	v4, _, _ =	vpop (xrf0)  }
0x4e5: {  	(v2sf) =	vpush v4, $0xF;
	_ =	sdelay $0x5  }
0x4e6: {  	v3 =	vld.idx.msk [tilespmem:v3+s6+$0x0], $0xffff;
	_ =	sdelay $0x5  }
0x4e7: {  	vm2 =	vgt.s32 v3, $0x0;
	v3 =	vadd.s32 $0xFFFFFFFF, v3  }
0x4e8: {  	v4 =	vsel vm2, $0x1, v0  }
.Ltmp39:
0x4e9: {  	(xrf0) =	vadd.scan.msk.s32 $0xffff, v4;
	(pc) =	sbr.rel @p0 .LBB2_68-.Ltmp39, $4  }
0x4ea: {  	s15 =	sadd.s32 $0x10, s15;
	s1 =	spop (v2sf)  }
0x4eb: {  	v4 =	vor.u32 s15, v1;
	s13 =	sadd.s32 s13, s1  }
0x4ec: {  	[tilespmem:s13+$0x19900] =	vst.msk vm2, v4  }
0x4ed: {  	s17 =	sshra.s32 s9, $0x2;
	s9 =	sadd.s32 $0x40, s9;
	[tilespmem:s13+$0x19B80] =	vst.msk vm2, v3  }
0x4ee: {  	v3 =	vld [tilespmem:s17+$0x19700];
	_ =	sdelay $0x7  }
0x4ef: {  	v3 =	vld.idx.msk [tilespmem:v3+s6+$0x0], $0xffff;
	_ =	sdelay $0x4  }
0x4f0: {  	vm2 =	vgt.s32 v3, $0x0  }
0x4f1: {  	v4 =	vsel vm2, $0x1, v0  }
0x4f2: {  	(xrf0) =	vadd.scan.msk.s32 $0xffff, v4;
	_ =	sdelay $0x3  }
0x4f3: {  	v60, _, _ =	vpop (xrf0)  }
0x4f4: {  	(v2sf) =	vpush v60, $0xF  }
0x4f5: {  	v61, _, _ =	vpop (xrf0)  }
0x4f6: {  	(v2sf) =	vpush v61, $0xF;
	_ =	sdelay $0xc  }
0x4f7: {  	s7 =	sadd.s32 $0x10, s15;
	s1 =	spop (v2sf)  }
0x4f8: {  	v62 =	vor.u32 s7, v1;
	s1 =	sadd.s32 s13, s1  }
0x4f9: {  	v3 =	vadd.s32 $0xFFFFFFFF, v3;
	[tilespmem:s1+$0x19900] =	vst.msk vm2, v62;
	s21 =	spop (v2sf)  }
0x4fa: {  	[tilespmem:s1+$0x19B80] =	vst.msk vm2, v3;
	s1 =	sadd.s32 s1, s21  }
0x4fb: {  	s7 =	sadd.s32 $0xF, s1  }
0x4fc: {  	_ =	swait.ge [sflag:s31], $0x2000;
	s9 =	sand.u32 $0xF, s7  }
0x4fd: {  	s23 =	sshra.s32 s7, $0x1F;
	p0 =	slt.s32 s7, $0x1;
	p1 =	sne.s32 s9, $0x0  }
0x4fe: {  	[sflag:s31] =	ssyncset.done $0x0;
	s13 =	sshrl.u32 s23, $0x1C;
	p0 =	por !p0, !p1  }
0x4ff: {  	s7 =	sadd.s32 s13, s7;
	s13 =	simm.s32 $0x1;
	p0 =	por !p0, !p0  }
0x500: {  	[sflag:s31] =	ssyncadd.s32 $0xFFFFE000;
	s7 =	sshra.s32 s7, $0x4;
	s13 =	simm.s32 @!p0 $0x0  }
0x501: {  	_ =	swait.ge [sflag:s2], $0x2000;
	s13 =	ssub.s32 s7, s13  }
0x502: {  	s9 =	sadd.s32 $0xFFFFFFFF, s1;
	[sflag:s2] =	ssyncset.done $0x0;
	s7 =	sadd.s32 $0x1, s13  }
0x503: {  	p1 =	sgt.s32 s9, $0x0;
	[sflag:s2] =	ssyncadd.s32 $0xFFFFE000;
	s29 =	sand.u32 $0x1, s7  }
0x504: {  	s9 =	simm.s32 @!p1 $0x0;
	p5 =	slt.s32 s13, $0x0;
	p6 =	seq.s32 s29, $0x1  }
0x505: {  	v3 =	vld.msk [tilespmem:s9+$0x19900 ss:$0x0], $0xffff;
	s30 =	sshrl.u32 s7, $0x1F;
	p0 =	por !p5, !p6  }
0x506: {  	v63 =	vld.msk [tilespmem:s9+$0x19B80 ss:$0x0], $0xffff;
	s9 =	simm.s32 $0x1;
	s7 =	sadd.s32 s30, s7;
	p0 =	por !p0, !p0  }
0x507: {  	s7 =	sshra.s32 s7, $0x1;
	s9 =	simm.s32 @!p0 $0x0  }
0x508: {  	s15 =	ssub.s32 s7, s9  }
0x509: {  	p0 =	slt.s32 s15, $0x1  }
.Ltmp40:
0x50a: {  	_ = 	snop;
	(pc) =	sbr.rel @p0 .LBB2_72-.Ltmp40, $4  }
0x50b: {  	[tilespmem:s1+$0x19900] =	vst v3  }
0x50c: {  	[tilespmem:s1+$0x19B80] =	vst v63  }
0x50d: {  	[tilespmem:s1+$0x19910] =	vst v3  }
0x50e: {  	s23 =	simm.s32 $0x1BE00;
	[tilespmem:s1+$0x19B90] =	vst v63  }
0x50f: {  	s17 =	simm.s32 $0x19B90;
	s19 =	simm.s32 $0x19910;
	s9 =	simm.s32 $0x1  }
.LBB2_71:
0x510: {  	v3 =	vld [tilespmem:s17+$0xFFFFFFF0];
	_ =	sdelay $0x3  }
0x511: {  	v4 =	vld [tilespmem:s19+$0xFFFFFFF0];
	_ =	sdelay $0x1  }
0x512: {  	p0 =	sge.s32 s9, s13  }
0x513: {  	s1 =	simm.s32 @p0 $0x7  }
0x514: {  	[tilespmem:s24], [sflag:$0x7] =	stream.indirect_vreg.gather [hbm4b:s3+s6], $0x80, v3, vm1, $0xb8;
	[tilespmem:$0x1DE00] =	vst v63  }
0x515: {  	_ =	swait.ge @p0 [sflag:s1], $0x800  }
0x516: {  	[sflag:s1] =	ssyncset.done @p0 $0x0  }
0x517: {  	vm2 =	vmmov @p0 $0xffff;
	s7 =	simm.s32 @p0 $0x19E00;
	[sflag:s1] =	ssyncadd.s32 @p0 $0xFFFFF800;
	s1 =	simm.s32 @p0 $0x0  }
0x518: {  	[hbm4b:s4+s1] =	stream.indirect_vreg.scatter @p0 [tilespmem:s7], [sflag:$0x9], $0x80, v4, vm2, $0xb8;
	[tilespmem:$0x1DE00] =	vst v63  }
0x519: {  	v3 =	vld @!p0 [tilespmem:s17+$0x0];
	_ =	sdelay $0x6  }
0x51a: {  	s21 =	simm.s32 @!p0 $0x7;
	vm2 =	vmmov @!p0 $0xffff;
	s1 =	simm.s32 @!p0 $0x0;
	s7 =	simm.s32 @!p0 $0x1A600  }
0x51b: {  	[tilespmem:s7], [sflag:$0x8] =	stream.indirect_vreg.gather @!p0 [hbm4b:s3+s1], $0x80, v3, vm2, $0xb8;
	[tilespmem:$0x1DE00] =	vst v63  }
0x51c: {  	_ =	swait.ge @!p0 [sflag:s21], $0x800  }
0x51d: {  	[sflag:s21] =	ssyncset.done @!p0 $0x0  }
0x51e: {  	[sflag:s21] =	ssyncadd.s32 @!p0 $0xFFFFF800;
	s21 =	simm.s32 @!p0 $0x19E00  }
0x51f: {  	[hbm4b:s4+s1] =	stream.indirect_vreg.scatter @!p0 [tilespmem:s21], [sflag:$0x9], $0x80, v4, vm2, $0xb8;
	[tilespmem:$0x1DE00] =	vst v63  }
0x520: {  	v3 =	vld @!p0 [tilespmem:s19+$0x0];
	_ =	sdelay $0x3  }
0x521: {  	s21 =	simm.s32 @!p0 $0x8  }
0x522: {  	_ =	swait.ge @!p0 [sflag:s21], $0x800  }
0x523: {  	[sflag:s21] =	ssyncset.done @!p0 $0x0  }
0x524: {  	[sflag:s21] =	ssyncadd.s32 @!p0 $0xFFFFF800  }
0x525: {  	[hbm4b:s4+s1] =	stream.indirect_vreg.scatter @!p0 [tilespmem:s7], [sflag:$0xA], $0x80, v3, vm2, $0xb8;
	[tilespmem:$0x1DE00] =	vst v63  }
0x526: {  	s1 =	simm.s32 @!p0 $0xA  }
0x527: {  	_ =	swait.ge @!p0 [sflag:s1], $0x800  }
0x528: {  	s15 =	sadd.s32 $0xFFFFFFFF, s15;
	[sflag:s1] =	ssyncset.done @!p0 $0x0  }
0x529: {  	[sflag:s1] =	ssyncadd.s32 @!p0 $0xFFFFF800;
	p0 =	sne.s32 s15, $0x0  }
.Ltmp41:
0x52a: {  	_ = 	snop;
	(pc) =	sbr.rel @p0 .LBB2_71-.Ltmp41, $4  }
0x52b: {  	_ = 	snop  }
0x52c: {  	_ =	swait.ge [sflag:s8], $0x800  }
0x52d: {  	s9 =	sadd.s32 $0x2, s9;
	[sflag:s8] =	ssyncset.done $0x0  }
0x52e: {  	s17 =	sadd.s32 $0x20, s17;
	s19 =	sadd.s32 $0x20, s19;
	[sflag:s8] =	ssyncadd.s32 $0xFFFFF800  }
.Ltmp42:
0x52f: {  	_ = 	snop;
	(pc) =	sbr.rel .LBB2_72-.Ltmp42, $1  }
0x530: {  	_ =	sdelay $0x3  }
.LBB2_73:
0x531: {  	_ =	sfence.sel $0x180000  }
0x532: {  	[bflag:$0x0] =	sbarrier.arrive $0xFFFF  }
0x533: {  	_ =	strace $0x90000047  }
0x534: {  	s0 =	stileid.u32;
	[bflag:$0x2] =	sbarrier.arrive $0xFFFF  }
0x535: {  	p0 =	sne.s32 s0, $0x0;
	s0 =	rddreg [dreg:$0x5]  }
0x536: {  	s0 =	sadd.s32 @!p0 $0x100000, s0  }
0x537: {  	[sflag:s0] =	ssyncadd.tile.s32 @!p0 $0x1;
	_ =	shalt  }
.Lfunc_end2:
_tile_overlayer_lowered:
.L_overlay_start_2:
0x538: {  	(tag) =	ssettag $0x2  }
0x539: {  	s0 =	rddreg [dreg:$0x0];
	s2 =	stileid.u32  }
0x53a: {  	s1 =	rddreg [dreg:$0x1];
	p0 =	sne.s32 s2, $0x0  }
0x53b: {  	s3 =	rddreg [dreg:$0x2];
	[bflag:$0x3] =	sbarrier.arrive $0xFFFF;
	s2 =	simm.s32 @!p0 $0x1C0B  }
0x53c: {  	[timem:s3], [sflag:s2] =	dma.local @!p0 [hbm:s0], s1  }
0x53d: {  	s0 =	simm.s32 @!p0 $0xB  }
0x53e: {  	_ =	swait.ge @!p0 [sflag:s0], s1  }
0x53f: {  	s1 =	ssub.s32 @!p0 $0x0, s1;
	[sflag:s0] =	ssyncset.done @!p0 $0x0  }
0x540: {  	[sflag:s0] =	ssyncadd.s32 @!p0 s1  }
0x541: {  	[bflag:$0x3] =	sbarrier.arrive $0xFFFF  }
0x542: {  	_ =	shalt  }

</sc_bundles>
